<compile_context>
chip_gen: v7x
topology: tpu7x:2x2x1
jax: 0.10.2.dev20260603
libtpu: 0.0.44.dev20260713+nightly
codegen_flags: <defaults>
</compile_context>

<pallas_src>
import functools

import jax
import jax.numpy as jnp
from jax import lax
from jax.experimental import pallas as pl
from jax.experimental.pallas import tpu as pltpu
from jax.experimental.pallas import tpu_sc as plsc

N = 10000
HALF = 128
NT = 16
CHUNK = 128
NCH = 80
NRND = 2
NCHR = NCH // NRND
EPT = NCH * CHUNK
EPAD = NT * EPT
ACC_ROWS = N + 16
SLAB = 632


def _slab_base(s, total):
    b = jnp.where(s < NT - 1, s * SLAB, total - SLAB)
    return pl.multiple_of(b, 8)

@functools.cache
def _mesh():
    return plsc.VectorSubcoreMesh(core_axis_name="c", subcore_axis_name="s")


def _sc_scatter_body(hpA, hpB, src4, dst4, outA, outB, sidx, didx, rows0,
                     rows1, acc, gsem0, gsem1, ssem0, ssem1):
    c = lax.axis_index("c")
    s = lax.axis_index("s")
    rows = (rows0, rows1)
    gsem = (gsem0, gsem1)
    ssem = (ssem0, ssem1)

    def run(hp, out):
        base = _slab_base(s, N)
        pltpu.sync_copy(hp.at[pl.ds(base, SLAB)], acc.at[pl.ds(base, SLAB)])

        def g_start(j, b):
            pltpu.async_copy(hp.at[sidx.at[j]], rows[b], gsem[b])

        def g_wait(j, b):
            pltpu.make_async_copy(hp.at[sidx.at[j]], rows[b], gsem[b]).wait()

        def s_start(j, b):
            pltpu.async_copy(rows[b], acc.at[didx.at[j]], ssem[b], add=True)

        def s_wait(j, b):
            pltpu.make_async_copy(rows[b], acc.at[didx.at[j]], ssem[b]).wait()

        for r in range(NRND):
            pltpu.sync_copy(src4.at[s, r], sidx)
            pltpu.sync_copy(dst4.at[s, r], didx)
            if r == 0:
                plsc.subcore_barrier()

            g_start(0, 0)

            @pl.loop(0, NCHR, step=2)
            def _(jj):
                for b in range(2):
                    j = jj + b

                    @pl.when(j > 0)
                    def _():
                        s_wait(j - 1, 1 - b)

                    @pl.when(j + 1 < NCHR)
                    def _():
                        g_start(j + 1, 1 - b)

                    g_wait(j, b)
                    s_start(j, b)

            s_wait(NCHR - 1, 1)

        plsc.subcore_barrier()
        pltpu.sync_copy(acc.at[pl.ds(base, SLAB)], out.at[pl.ds(base, SLAB)])

    @pl.when(c == 0)
    def _():
        run(hpA, outA)

    @pl.when(c == 1)
    def _():
        run(hpB, outB)


@functools.cache
def _sc_scatter():
    return pl.kernel(
        _sc_scatter_body,
        out_type=(jax.ShapeDtypeStruct((N, HALF), jnp.float32),
                  jax.ShapeDtypeStruct((N, HALF), jnp.float32)),
        mesh=_mesh(),
        scratch_types=[
            pltpu.VMEM((NCHR, CHUNK), jnp.int32),
            pltpu.VMEM((NCHR, CHUNK), jnp.int32),
            pltpu.VMEM((CHUNK, HALF), jnp.float32),
            pltpu.VMEM((CHUNK, HALF), jnp.float32),
            pltpu.VMEM_SHARED((ACC_ROWS, HALF), jnp.float32),
            pltpu.SemaphoreType.DMA,
            pltpu.SemaphoreType.DMA,
            pltpu.SemaphoreType.DMA,
            pltpu.SemaphoreType.DMA,
        ],
    )


def _sc_deg_body(dst4, ones_hbm, outA, outB, didx, ones_v, acc, ssem):
    c = lax.axis_index("c")
    s = lax.axis_index("s")
    base = _slab_base(s, N)

    pltpu.sync_copy(ones_hbm, acc.at[pl.ds(base, SLAB)])
    pltpu.sync_copy(ones_hbm.at[pl.ds(0, CHUNK)], ones_v)
    for q in range(NRND // 2):
        pltpu.sync_copy(dst4.at[s, c * (NRND // 2) + q], didx)
        if q == 0:
            plsc.subcore_barrier()

        @pl.loop(0, NCHR, step=8)
        def _(t0):
            for t in range(8):
                pltpu.async_copy(ones_v, acc.at[didx.at[t0 + t]], ssem,
                                 add=True)
            for t in range(8):
                pltpu.make_async_copy(ones_v, acc.at[didx.at[t0 + t]],
                                      ssem).wait()

    plsc.subcore_barrier()

    @pl.when(c == 0)
    def _():
        pltpu.sync_copy(acc.at[pl.ds(base, SLAB)], outA.at[pl.ds(base, SLAB)])

    @pl.when(c == 1)
    def _():
        pltpu.sync_copy(acc.at[pl.ds(base, SLAB)], outB.at[pl.ds(base, SLAB)])


@functools.cache
def _sc_deg():
    return pl.kernel(
        _sc_deg_body,
        out_type=(jax.ShapeDtypeStruct((N, HALF), jnp.float32),
                  jax.ShapeDtypeStruct((N, HALF), jnp.float32)),
        mesh=_mesh(),
        scratch_types=[
            pltpu.VMEM((NCHR, CHUNK), jnp.int32),
            pltpu.VMEM((CHUNK, HALF), jnp.float32),
            pltpu.VMEM_SHARED((ACC_ROWS, HALF), jnp.float32),
            pltpu.SemaphoreType.DMA,
        ],
    )


_PREC = lax.Precision.DEFAULT


def _mmu_body(x_ref, w_ref, oa_ref, ob_ref):
    h = jnp.dot(x_ref[...], w_ref[...], preferred_element_type=jnp.float32,
                precision=_PREC)
    oa_ref[...] = h[:, :HALF]
    ob_ref[...] = h[:, HALF:]


def _mmu(x, w):
    m, k = x.shape
    bm = 1000
    return pl.pallas_call(
        _mmu_body,
        grid=(m // bm,),
        in_specs=[
            pl.BlockSpec((bm, k), lambda i: (i, 0)),
            pl.BlockSpec((k, 2 * HALF), lambda i: (0, 0)),
        ],
        out_specs=[
            pl.BlockSpec((bm, HALF), lambda i: (i, 0)),
            pl.BlockSpec((bm, HALF), lambda i: (i, 0)),
        ],
        out_shape=[jax.ShapeDtypeStruct((m, HALF), jnp.float32)] * 2,
    )(x, w)


def _scale_body(a_ref, b_ref, da_ref, db_ref, oa_ref, ob_ref):
    dv = lax.rsqrt(da_ref[:, :1] + db_ref[:, :1] - 1.0)
    oa_ref[...] = a_ref[...] * dv
    ob_ref[...] = b_ref[...] * dv


def _scale(hu_a, hu_b, deg_a, deg_b):
    bm = 1000
    spec = pl.BlockSpec((bm, HALF), lambda i: (i, 0))
    return pl.pallas_call(
        _scale_body,
        grid=(N // bm,),
        in_specs=[spec] * 4,
        out_specs=[spec] * 2,
        out_shape=[jax.ShapeDtypeStruct((N, HALF), jnp.float32)] * 2,
    )(hu_a, hu_b, deg_a, deg_b)


def _bn_halves(a_ref, b_ref, dv, bias_ref, g_ref, bt_ref):
    out = []
    for half, ref in ((0, a_ref), (1, b_ref)):
        sl = pl.ds(half * HALF, HALF)
        z = ref[...] * dv + bias_ref[:, sl]
        mu = jnp.mean(z, axis=0, keepdims=True)
        zc = z - mu
        var = jnp.mean(zc * zc, axis=0, keepdims=True)
        y = zc * lax.rsqrt(var + 1e-5) * g_ref[:, sl] + bt_ref[:, sl]
        out.append(jnp.maximum(y, 0.0))
    return out


def _bn_body(a_ref, b_ref, da_ref, db_ref, bias_ref, g_ref, bt_ref, o_ref):
    dv = lax.rsqrt(da_ref[:, :1] + db_ref[:, :1] - 1.0)
    ya, yb = _bn_halves(a_ref, b_ref, dv, bias_ref, g_ref, bt_ref)
    o_ref[:, :HALF] = ya
    o_ref[:, HALF:] = yb


def _bnmm_body(a_ref, b_ref, da_ref, db_ref, bias_ref, g_ref, bt_ref, w_ref,
               oa_ref, ob_ref, s1, s2):
    p = pl.program_id(0)
    i = pl.program_id(1)
    dv = lax.rsqrt(da_ref[:, :1] + db_ref[:, :1] - 1.0)
    za = a_ref[...] * dv + bias_ref[:, :HALF]
    zb = b_ref[...] * dv + bias_ref[:, HALF:]

    @pl.when((p == 0) & (i == 0))
    def _():
        s1[...] = jnp.zeros_like(s1)
        s2[...] = jnp.zeros_like(s2)

    @pl.when(p == 0)
    def _():
        s1[:, :HALF] += jnp.sum(za, axis=0, keepdims=True)
        s1[:, HALF:] += jnp.sum(zb, axis=0, keepdims=True)
        s2[:, :HALF] += jnp.sum(za * za, axis=0, keepdims=True)
        s2[:, HALF:] += jnp.sum(zb * zb, axis=0, keepdims=True)

    @pl.when(p == 1)
    def _():
        mu = s1[...] * (1.0 / N)
        var = s2[...] * (1.0 / N) - mu * mu
        scale = lax.rsqrt(var + 1e-5) * g_ref[...]
        shift = bt_ref[...] - mu * scale
        ya = jnp.maximum(za * scale[:, :HALF] + shift[:, :HALF], 0.0)
        yb = jnp.maximum(zb * scale[:, HALF:] + shift[:, HALF:], 0.0)
        h = jnp.dot(ya * dv, w_ref[:HALF, :],
                    preferred_element_type=jnp.float32, precision=_PREC)
        h = h + jnp.dot(yb * dv, w_ref[HALF:, :],
                        preferred_element_type=jnp.float32, precision=_PREC)
        oa_ref[...] = h[:, :HALF]
        ob_ref[...] = h[:, HALF:]


def _bnmm(acc_a, acc_b, deg_a, deg_b, bias, gamma, beta, w):
    bm = 1000
    return pl.pallas_call(
        _bnmm_body,
        grid=(2, N // bm),
        in_specs=[
            pl.BlockSpec((bm, HALF), lambda p, i: (i, 0)),
            pl.BlockSpec((bm, HALF), lambda p, i: (i, 0)),
            pl.BlockSpec((bm, HALF), lambda p, i: (i, 0)),
            pl.BlockSpec((bm, HALF), lambda p, i: (i, 0)),
            pl.BlockSpec((1, 2 * HALF), lambda p, i: (0, 0)),
            pl.BlockSpec((1, 2 * HALF), lambda p, i: (0, 0)),
            pl.BlockSpec((1, 2 * HALF), lambda p, i: (0, 0)),
            pl.BlockSpec((2 * HALF, 2 * HALF), lambda p, i: (0, 0)),
        ],
        out_specs=[
            pl.BlockSpec((bm, HALF), lambda p, i: (i, 0)),
            pl.BlockSpec((bm, HALF), lambda p, i: (i, 0)),
        ],
        out_shape=[jax.ShapeDtypeStruct((N, HALF), jnp.float32)] * 2,
        scratch_shapes=[
            pltpu.VMEM((1, 2 * HALF), jnp.float32),
            pltpu.VMEM((1, 2 * HALF), jnp.float32),
        ],
    )(acc_a, acc_b, deg_a, deg_b, bias.reshape(1, -1), gamma.reshape(1, -1),
      beta.reshape(1, -1), w)


def _bn(acc_a, acc_b, deg_a, deg_b, bias, gamma, beta):
    return pl.pallas_call(
        _bn_body,
        in_specs=[
            pl.BlockSpec((N, HALF), lambda: (0, 0)),
            pl.BlockSpec((N, HALF), lambda: (0, 0)),
            pl.BlockSpec((N, HALF), lambda: (0, 0)),
            pl.BlockSpec((N, HALF), lambda: (0, 0)),
            pl.BlockSpec((1, 2 * HALF), lambda: (0, 0)),
            pl.BlockSpec((1, 2 * HALF), lambda: (0, 0)),
            pl.BlockSpec((1, 2 * HALF), lambda: (0, 0)),
        ],
        out_shape=jax.ShapeDtypeStruct((N, 2 * HALF), jnp.float32),
    )(acc_a, acc_b, deg_a, deg_b, bias.reshape(1, -1), gamma.reshape(1, -1),
      beta.reshape(1, -1))


def kernel(x, edge_index, W1, b1, gamma1, beta1, W2, b2, gamma2, beta2):
    src = edge_index[0]
    dst = edge_index[1]
    e = src.shape[0]
    npad = EPAD - e
    ar = jnp.arange(npad, dtype=jnp.int32)
    psrc = (ar * 613) % N
    pdst = N + (ar % 16)
    src4 = jnp.concatenate([src, psrc]).reshape(NT, NRND, NCHR, CHUNK)
    dst4 = jnp.concatenate([dst, pdst]).reshape(NT, NRND, NCHR, CHUNK)

    ones_slab = jnp.ones((SLAB, HALF), jnp.float32)
    deg_a, deg_b = _sc_deg()(dst4, ones_slab)

    hu_a, hu_b = _mmu(x, W1)
    hp_a, hp_b = _scale(hu_a, hu_b, deg_a, deg_b)
    acc_a, acc_b = _sc_scatter()(hp_a, hp_b, src4, dst4)
    hp_a, hp_b = _bnmm(acc_a, acc_b, deg_a, deg_b, b1, gamma1, beta1, W2)
    acc_a, acc_b = _sc_scatter()(hp_a, hp_b, src4, dst4)
    return _bn(acc_a, acc_b, deg_a, deg_b, b2, gamma2, beta2)

# --- scband reference (transcript-rebuilt; emitter-appended) ---
"""Pipeline reference for scband-dnsencoder-30313879175414 (READ-ONLY COPY).

The authoritative reference and input builder live on the scoring server;
editing this copy changes nothing except your own understanding.
"""

import jax, jax.numpy as jnp
import numpy as np

N = 10000
D = 256
H = 256
E = 160000


def gcn_layer(x, src, dst, W, b):
    # GCNConv with self-loops already concatenated into src/dst
    deg = jnp.zeros((N,), x.dtype).at[dst].add(1.0)
    dinv = jnp.where(deg > 0, deg ** -0.5, 0.0)
    norm = dinv[src] * dinv[dst]
    h = x @ W
    msg = h[src] * norm[:, None]
    out = jnp.zeros((N, W.shape[1]), x.dtype).at[dst].add(msg)
    return out + b


def batch_norm(x, gamma, beta, eps=1e-5):
    mu = jnp.mean(x, axis=0)
    var = jnp.var(x, axis=0)
    return (x - mu) / jnp.sqrt(var + eps) * gamma + beta


def setup_inputs(seed: int = 0):
    key = jax.random.key(seed)
    ks = jax.random.split(key, 8)
    x = jax.random.normal(ks[0], (N, D), jnp.float32)
    edge_index = jax.random.randint(ks[1], (2, E), 0, N, jnp.int32)
    s1 = float(np.sqrt(6.0 / (D + H)))
    s2 = float(np.sqrt(6.0 / (H + H)))
    W1 = jax.random.uniform(ks[2], (D, H), jnp.float32, -s1, s1)
    b1 = jnp.zeros((H,), jnp.float32)
    gamma1 = jnp.ones((H,), jnp.float32)
    beta1 = jnp.zeros((H,), jnp.float32)
    W2 = jax.random.uniform(ks[3], (H, H), jnp.float32, -s2, s2)
    b2 = jnp.zeros((H,), jnp.float32)
    gamma2 = jnp.ones((H,), jnp.float32)
    beta2 = jnp.zeros((H,), jnp.float32)
    return {"x": x, "edge_index": edge_index, "W1": W1, "b1": b1,
            "gamma1": gamma1, "beta1": beta1, "W2": W2, "b2": b2,
            "gamma2": gamma2, "beta2": beta2}


def reference(x, edge_index, W1, b1, gamma1, beta1, W2, b2, gamma2, beta2):
    loop = jnp.arange(N, dtype=edge_index.dtype)
    src = jnp.concatenate([edge_index[0], loop])
    dst = jnp.concatenate([edge_index[1], loop])
    h = gcn_layer(x, src, dst, W1, b1)
    h = jax.nn.relu(batch_norm(h, gamma1, beta1))
    # dropout omitted (eval-mode determinism)
    h = gcn_layer(h, src, dst, W2, b2)
    h = jax.nn.relu(batch_norm(h, gamma2, beta2))
    return h

if __name__ == "__main__":
    import jax
    _d = setup_inputs()
    print(jax.jit(kernel)(*tuple(_d.values())))

</pallas_src>

<mosaic_0001>
#map = affine_map<(d0, d1) -> (0, 0)>
#map1 = affine_map<(d0, d1) -> (0, 0, 0, 0)>
module attributes {stable_mosaic.version = 14 : i64} {
  func.func @_sc_scatter_body(%arg0: i32, %arg1: i32, %arg2: memref<10000x128xf32, #tpu.memory_space<hbm>>, %arg3: memref<10000x128xf32, #tpu.memory_space<hbm>>, %arg4: memref<16x2x40x128xi32, #tpu.memory_space<hbm>>, %arg5: memref<16x2x40x128xi32, #tpu.memory_space<hbm>>, %arg6: memref<10000x128xf32, #tpu.memory_space<hbm>>, %arg7: memref<10000x128xf32, #tpu.memory_space<hbm>>, %arg8: memref<40x128xi32, #tpu.memory_space<vmem>>, %arg9: memref<40x128xi32, #tpu.memory_space<vmem>>, %arg10: memref<128x128xf32, #tpu.memory_space<vmem>>, %arg11: memref<128x128xf32, #tpu.memory_space<vmem>>, %arg12: memref<10016x128xf32, #tpu.memory_space<vmem_shared>>, %arg13: memref<!tpu.dma_semaphore, #tpu.memory_space<semaphore_mem>>, %arg14: memref<!tpu.dma_semaphore, #tpu.memory_space<semaphore_mem>>, %arg15: memref<!tpu.dma_semaphore, #tpu.memory_space<semaphore_mem>>, %arg16: memref<!tpu.dma_semaphore, #tpu.memory_space<semaphore_mem>>) attributes {dimension_semantics = [#tpu.dimension_semantics<core_parallel>, #tpu.dimension_semantics<subcore_parallel>], iteration_bounds = array<i64: 2, 16>, scalar_prefetch = 0 : i64, scratch_operands = 9 : i64, tpu.core_type = #tpu.core_type<sc_vector_subcore>, window_params = [{transform_indices = #map}, {transform_indices = #map}, {transform_indices = #map1}, {transform_indices = #map1}, {transform_indices = #map}, {transform_indices = #map}]} {
    %eq3A = arith.constant 0 : i32
    %eq3A_0 = arith.cmpi eq, %arg0, %eq3A : i32
    %convert_element_type3A = arith.extui %eq3A_0 : i1 to i32
    %cond3A = arith.constant 0 : i32
    %cond3A_1 = arith.cmpi ne, %convert_element_type3A, %cond3A : i32
    scf.if %cond3A_1 {
      %lt3A = arith.constant 15 : i32
      %lt3A_7 = arith.cmpi slt, %arg1, %lt3A : i32
      %mul3A = arith.constant 632 : i32
      %mul3A_8 = arith.muli %arg1, %mul3A : i32
      %jit3A = arith.constant 9368 : i32
      %select_n3A = arith.select %lt3A_7, %mul3A_8, %jit3A : i32
      %multiple_of3A = tpu.assume_multiple %select_n3A, 8 : i32
      "tpu.region"() ({
        %run_scoped3A_48 = tpu.sem_alloc : memref<!tpu.dma_semaphore, #tpu.memory_space<semaphore_mem>>
        %dma_start3A_49 = arith.constant 0 : i32
        %dma_start3A_50 = tpu.memref_slice %arg12[%multiple_of3A, %dma_start3A_49] : memref<10016x128xf32, #tpu.memory_space<vmem_shared>> -> memref<632x128xf32, #tpu.memory_space<vmem_shared>>
        %dma_start3A_51 = arith.constant 0 : i32
        %dma_start3A_52 = tpu.memref_slice %arg2[%multiple_of3A, %dma_start3A_51] : memref<10000x128xf32, #tpu.memory_space<hbm>> -> memref<632x128xf32, #tpu.memory_space<hbm>>
        tpu.enqueue_dma source(%dma_start3A_52 : memref<632x128xf32, #tpu.memory_space<hbm>>) target(%dma_start3A_50 : memref<632x128xf32, #tpu.memory_space<vmem_shared>>) target_semaphore(%run_scoped3A_48 : memref<!tpu.dma_semaphore, #tpu.memory_space<semaphore_mem>>)
        %dma_wait3A_53 = arith.constant 0 : i32
        %dma_wait3A_54 = tpu.memref_slice %arg12[%multiple_of3A, %dma_wait3A_53] : memref<10016x128xf32, #tpu.memory_space<vmem_shared>> -> memref<632x128xf32, #tpu.memory_space<vmem_shared>>
        %dma_wait3A_55 = arith.constant 0 : i32
        %dma_wait3A_56 = tpu.memref_slice %arg2[%multiple_of3A, %dma_wait3A_55] : memref<10000x128xf32, #tpu.memory_space<hbm>> -> memref<632x128xf32, #tpu.memory_space<hbm>>
        tpu.wait_dma2 semaphore(%run_scoped3A_48 : memref<!tpu.dma_semaphore, #tpu.memory_space<semaphore_mem>>) src(%dma_wait3A_56 : memref<632x128xf32, #tpu.memory_space<hbm>>) dst(%dma_wait3A_54 : memref<632x128xf32, #tpu.memory_space<vmem_shared>>)
        tpu.yield
      }) : () -> ()
      %run_scoped3A = arith.constant 0 : i32
      "tpu.region"() ({
        %run_scoped3A_48 = tpu.sem_alloc : memref<!tpu.dma_semaphore, #tpu.memory_space<semaphore_mem>>
        %dma_start3A_49 = arith.constant 0 : i32
        %dma_start3A_50 = arith.constant 0 : i32
        %dma_start3A_51 = tpu.memref_slice %arg4[%arg1, %run_scoped3A, %dma_start3A_49, %dma_start3A_50] : memref<16x2x40x128xi32, #tpu.memory_space<hbm>> -> memref<1x1x40x128xi32, #tpu.memory_space<hbm>>
        %dma_start3A_52 = tpu.memref_squeeze %dma_start3A_51 : memref<1x1x40x128xi32, #tpu.memory_space<hbm>> -> memref<40x128xi32, #tpu.memory_space<hbm>>
        %dma_start3A_53 = arith.constant 0 : i32
        %dma_start3A_54 = arith.constant 0 : i32
        %dma_start3A_55 = tpu.memref_slice %arg4[%arg1, %run_scoped3A, %dma_start3A_53, %dma_start3A_54] : memref<16x2x40x128xi32, #tpu.memory_space<hbm>> -> memref<1x1x40x128xi32, #tpu.memory_space<hbm>>
        %dma_start3A_56 = tpu.memref_squeeze %dma_start3A_55 : memref<1x1x40x128xi32, #tpu.memory_space<hbm>> -> memref<40x128xi32, #tpu.memory_space<hbm>>
        tpu.enqueue_dma source(%dma_start3A_56 : memref<40x128xi32, #tpu.memory_space<hbm>>) target(%arg8 : memref<40x128xi32, #tpu.memory_space<vmem>>) target_semaphore(%run_scoped3A_48 : memref<!tpu.dma_semaphore, #tpu.memory_space<semaphore_mem>>)
        %dma_wait3A_57 = arith.constant 0 : i32
        %dma_wait3A_58 = arith.constant 0 : i32
        %dma_wait3A_59 = tpu.memref_slice %arg4[%arg1, %run_scoped3A, %dma_wait3A_57, %dma_wait3A_58] : memref<16x2x40x128xi32, #tpu.memory_space<hbm>> -> memref<1x1x40x128xi32, #tpu.memory_space<hbm>>
        %dma_wait3A_60 = tpu.memref_squeeze %dma_wait3A_59 : memref<1x1x40x128xi32, #tpu.memory_space<hbm>> -> memref<40x128xi32, #tpu.memory_space<hbm>>
        %dma_wait3A_61 = arith.constant 0 : i32
        %dma_wait3A_62 = arith.constant 0 : i32
        %dma_wait3A_63 = tpu.memref_slice %arg4[%arg1, %run_scoped3A, %dma_wait3A_61, %dma_wait3A_62] : memref<16x2x40x128xi32, #tpu.memory_space<hbm>> -> memref<1x1x40x128xi32, #tpu.memory_space<hbm>>
        %dma_wait3A_64 = tpu.memref_squeeze %dma_wait3A_63 : memref<1x1x40x128xi32, #tpu.memory_space<hbm>> -> memref<40x128xi32, #tpu.memory_space<hbm>>
        tpu.wait_dma2 semaphore(%run_scoped3A_48 : memref<!tpu.dma_semaphore, #tpu.memory_space<semaphore_mem>>) src(%dma_wait3A_64 : memref<40x128xi32, #tpu.memory_space<hbm>>) dst(%arg8 : memref<40x128xi32, #tpu.memory_space<vmem>>)
        tpu.yield
      }) : () -> ()
      %run_scoped3A_9 = arith.constant 0 : i32
      "tpu.region"() ({
        %run_scoped3A_48 = tpu.sem_alloc : memref<!tpu.dma_semaphore, #tpu.memory_space<semaphore_mem>>
        %dma_start3A_49 = arith.constant 0 : i32
        %dma_start3A_50 = arith.constant 0 : i32
        %dma_start3A_51 = tpu.memref_slice %arg5[%arg1, %run_scoped3A_9, %dma_start3A_49, %dma_start3A_50] : memref<16x2x40x128xi32, #tpu.memory_space<hbm>> -> memref<1x1x40x128xi32, #tpu.memory_space<hbm>>
        %dma_start3A_52 = tpu.memref_squeeze %dma_start3A_51 : memref<1x1x40x128xi32, #tpu.memory_space<hbm>> -> memref<40x128xi32, #tpu.memory_space<hbm>>
        %dma_start3A_53 = arith.constant 0 : i32
        %dma_start3A_54 = arith.constant 0 : i32
        %dma_start3A_55 = tpu.memref_slice %arg5[%arg1, %run_scoped3A_9, %dma_start3A_53, %dma_start3A_54] : memref<16x2x40x128xi32, #tpu.memory_space<hbm>> -> memref<1x1x40x128xi32, #tpu.memory_space<hbm>>
        %dma_start3A_56 = tpu.memref_squeeze %dma_start3A_55 : memref<1x1x40x128xi32, #tpu.memory_space<hbm>> -> memref<40x128xi32, #tpu.memory_space<hbm>>
        tpu.enqueue_dma source(%dma_start3A_56 : memref<40x128xi32, #tpu.memory_space<hbm>>) target(%arg9 : memref<40x128xi32, #tpu.memory_space<vmem>>) target_semaphore(%run_scoped3A_48 : memref<!tpu.dma_semaphore, #tpu.memory_space<semaphore_mem>>)
        %dma_wait3A_57 = arith.constant 0 : i32
        %dma_wait3A_58 = arith.constant 0 : i32
        %dma_wait3A_59 = tpu.memref_slice %arg5[%arg1, %run_scoped3A_9, %dma_wait3A_57, %dma_wait3A_58] : memref<16x2x40x128xi32, #tpu.memory_space<hbm>> -> memref<1x1x40x128xi32, #tpu.memory_space<hbm>>
        %dma_wait3A_60 = tpu.memref_squeeze %dma_wait3A_59 : memref<1x1x40x128xi32, #tpu.memory_space<hbm>> -> memref<40x128xi32, #tpu.memory_space<hbm>>
        %dma_wait3A_61 = arith.constant 0 : i32
        %dma_wait3A_62 = arith.constant 0 : i32
        %dma_wait3A_63 = tpu.memref_slice %arg5[%arg1, %run_scoped3A_9, %dma_wait3A_61, %dma_wait3A_62] : memref<16x2x40x128xi32, #tpu.memory_space<hbm>> -> memref<1x1x40x128xi32, #tpu.memory_space<hbm>>
        %dma_wait3A_64 = tpu.memref_squeeze %dma_wait3A_63 : memref<1x1x40x128xi32, #tpu.memory_space<hbm>> -> memref<40x128xi32, #tpu.memory_space<hbm>>
        tpu.wait_dma2 semaphore(%run_scoped3A_48 : memref<!tpu.dma_semaphore, #tpu.memory_space<semaphore_mem>>) src(%dma_wait3A_64 : memref<40x128xi32, #tpu.memory_space<hbm>>) dst(%arg9 : memref<40x128xi32, #tpu.memory_space<vmem>>)
        tpu.yield
      }) : () -> ()
      %barrier3A = arith.constant 0 : index
      tpu.barrier barrier_id(%barrier3A)
      %dma_start3A = arith.constant 0 : i32
      %dma_start3A_10 = arith.constant 0 : i32
      %dma_start3A_11 = tpu.memref_slice %arg8[%dma_start3A, %dma_start3A_10] : memref<40x128xi32, #tpu.memory_space<vmem>> -> memref<1x128xi32, #tpu.memory_space<vmem>>
      %dma_start3A_12 = tpu.memref_squeeze %dma_start3A_11 : memref<1x128xi32, #tpu.memory_space<vmem>> -> memref<128xi32, #tpu.memory_space<vmem>>
      %dma_start3A_13 = arith.constant 0 : i32
      %dma_start3A_14 = arith.constant 0 : i32
      %dma_start3A_15 = tpu.memref_slice %arg2[%dma_start3A_13, %dma_start3A_14] : memref<10000x128xf32, #tpu.memory_space<hbm>> -> memref<10000x128xf32, #tpu.memory_space<hbm>>
      tpu.enqueue_indirect_dma source(%dma_start3A_15 : memref<10000x128xf32, #tpu.memory_space<hbm>>) target(%arg10 : memref<128x128xf32, #tpu.memory_space<vmem>>) offsets(%dma_start3A_12 : memref<128xi32, #tpu.memory_space<vmem>>) semaphore(%arg13 : memref<!tpu.dma_semaphore, #tpu.memory_space<semaphore_mem>>)
      %scan3A = arith.constant 0 : i32
      %scan3A_16 = arith.constant 20 : i32
      %scan3A_17 = arith.addi %scan3A, %scan3A_16 : i32
      %scan3A_18 = arith.constant 1 : i32
      scf.for %scan3A_48 = %scan3A to %scan3A_17 step %scan3A_18  : i32 {
        %mul3A_49 = arith.constant 2 : i32
        %mul3A_50 = arith.muli %scan3A_48, %mul3A_49 : i32
        %add3A = arith.constant 0 : i32
        %add3A_51 = arith.addi %add3A, %mul3A_50 : i32
        %add3A_52 = arith.constant 0 : i32
        %add3A_53 = arith.addi %add3A_51, %add3A_52 : i32
        %gt3A = arith.constant 0 : i32
        %gt3A_54 = arith.cmpi sgt, %add3A_53, %gt3A : i32
        %convert_element_type3A_55 = arith.extui %gt3A_54 : i1 to i32
        %cond3A_56 = arith.constant 0 : i32
        %cond3A_57 = arith.cmpi ne, %convert_element_type3A_55, %cond3A_56 : i32
        scf.if %cond3A_57 {
          %sub3A = arith.constant 1 : i32
          %sub3A_103 = arith.subi %add3A_53, %sub3A : i32
          %dma_wait3A_104 = arith.constant 0 : i32
          %dma_wait3A_105 = tpu.memref_slice %arg9[%sub3A_103, %dma_wait3A_104] : memref<40x128xi32, #tpu.memory_space<vmem>> -> memref<1x128xi32, #tpu.memory_space<vmem>>
          %dma_wait3A_106 = tpu.memref_squeeze %dma_wait3A_105 : memref<1x128xi32, #tpu.memory_space<vmem>> -> memref<128xi32, #tpu.memory_space<vmem>>
          %dma_wait3A_107 = arith.constant 0 : i32
          %dma_wait3A_108 = arith.constant 0 : i32
          %dma_wait3A_109 = tpu.memref_slice %arg12[%dma_wait3A_107, %dma_wait3A_108] : memref<10016x128xf32, #tpu.memory_space<vmem_shared>> -> memref<10016x128xf32, #tpu.memory_space<vmem_shared>>
          tpu.wait_indirect_dma semaphore(%arg16 : memref<!tpu.dma_semaphore, #tpu.memory_space<semaphore_mem>>) src(%arg11 : memref<128x128xf32, #tpu.memory_space<vmem>>) dst(%dma_wait3A_109 : memref<10016x128xf32, #tpu.memory_space<vmem_shared>>)
        } else {
        }
        %add3A_58 = arith.constant 1 : i32
        %add3A_59 = arith.addi %add3A_53, %add3A_58 : i32
        %lt3A_60 = arith.constant 40 : i32
        %lt3A_61 = arith.cmpi slt, %add3A_59, %lt3A_60 : i32
        %convert_element_type3A_62 = arith.extui %lt3A_61 : i1 to i32
        %cond3A_63 = arith.constant 0 : i32
        %cond3A_64 = arith.cmpi ne, %convert_element_type3A_62, %cond3A_63 : i32
        scf.if %cond3A_64 {
          %add3A_103 = arith.constant 1 : i32
          %add3A_104 = arith.addi %add3A_53, %add3A_103 : i32
          %dma_start3A_105 = arith.constant 0 : i32
          %dma_start3A_106 = tpu.memref_slice %arg8[%add3A_104, %dma_start3A_105] : memref<40x128xi32, #tpu.memory_space<vmem>> -> memref<1x128xi32, #tpu.memory_space<vmem>>
          %dma_start3A_107 = tpu.memref_squeeze %dma_start3A_106 : memref<1x128xi32, #tpu.memory_space<vmem>> -> memref<128xi32, #tpu.memory_space<vmem>>
          %dma_start3A_108 = arith.constant 0 : i32
          %dma_start3A_109 = arith.constant 0 : i32
          %dma_start3A_110 = tpu.memref_slice %arg2[%dma_start3A_108, %dma_start3A_109] : memref<10000x128xf32, #tpu.memory_space<hbm>> -> memref<10000x128xf32, #tpu.memory_space<hbm>>
          tpu.enqueue_indirect_dma source(%dma_start3A_110 : memref<10000x128xf32, #tpu.memory_space<hbm>>) target(%arg11 : memref<128x128xf32, #tpu.memory_space<vmem>>) offsets(%dma_start3A_107 : memref<128xi32, #tpu.memory_space<vmem>>) semaphore(%arg14 : memref<!tpu.dma_semaphore, #tpu.memory_space<semaphore_mem>>)
        } else {
        }
        %dma_wait3A_65 = arith.constant 0 : i32
        %dma_wait3A_66 = tpu.memref_slice %arg8[%add3A_53, %dma_wait3A_65] : memref<40x128xi32, #tpu.memory_space<vmem>> -> memref<1x128xi32, #tpu.memory_space<vmem>>
        %dma_wait3A_67 = tpu.memref_squeeze %dma_wait3A_66 : memref<1x128xi32, #tpu.memory_space<vmem>> -> memref<128xi32, #tpu.memory_space<vmem>>
        %dma_wait3A_68 = arith.constant 0 : i32
        %dma_wait3A_69 = arith.constant 0 : i32
        %dma_wait3A_70 = tpu.memref_slice %arg2[%dma_wait3A_68, %dma_wait3A_69] : memref<10000x128xf32, #tpu.memory_space<hbm>> -> memref<10000x128xf32, #tpu.memory_space<hbm>>
        tpu.wait_indirect_dma semaphore(%arg13 : memref<!tpu.dma_semaphore, #tpu.memory_space<semaphore_mem>>) src(%dma_wait3A_70 : memref<10000x128xf32, #tpu.memory_space<hbm>>) dst(%arg10 : memref<128x128xf32, #tpu.memory_space<vmem>>)
        %dma_start3A_71 = arith.constant 0 : i32
        %dma_start3A_72 = tpu.memref_slice %arg9[%add3A_53, %dma_start3A_71] : memref<40x128xi32, #tpu.memory_space<vmem>> -> memref<1x128xi32, #tpu.memory_space<vmem>>
        %dma_start3A_73 = tpu.memref_squeeze %dma_start3A_72 : memref<1x128xi32, #tpu.memory_space<vmem>> -> memref<128xi32, #tpu.memory_space<vmem>>
        %dma_start3A_74 = arith.constant 0 : i32
        %dma_start3A_75 = arith.constant 0 : i32
        %dma_start3A_76 = tpu.memref_slice %arg12[%dma_start3A_74, %dma_start3A_75] : memref<10016x128xf32, #tpu.memory_space<vmem_shared>> -> memref<10016x128xf32, #tpu.memory_space<vmem_shared>>
        tpu.enqueue_indirect_dma source(%arg10 : memref<128x128xf32, #tpu.memory_space<vmem>>) target(%dma_start3A_76 : memref<10016x128xf32, #tpu.memory_space<vmem_shared>>) offsets(%dma_start3A_73 : memref<128xi32, #tpu.memory_space<vmem>>) semaphore(%arg15 : memref<!tpu.dma_semaphore, #tpu.memory_space<semaphore_mem>>) {add = true}
        %add3A_77 = arith.constant 1 : i32
        %add3A_78 = arith.addi %add3A_51, %add3A_77 : i32
        %gt3A_79 = arith.constant 0 : i32
        %gt3A_80 = arith.cmpi sgt, %add3A_78, %gt3A_79 : i32
        %convert_element_type3A_81 = arith.extui %gt3A_80 : i1 to i32
        %cond3A_82 = arith.constant 0 : i32
        %cond3A_83 = arith.cmpi ne, %convert_element_type3A_81, %cond3A_82 : i32
        scf.if %cond3A_83 {
          %sub3A = arith.constant 1 : i32
          %sub3A_103 = arith.subi %add3A_78, %sub3A : i32
          %dma_wait3A_104 = arith.constant 0 : i32
          %dma_wait3A_105 = tpu.memref_slice %arg9[%sub3A_103, %dma_wait3A_104] : memref<40x128xi32, #tpu.memory_space<vmem>> -> memref<1x128xi32, #tpu.memory_space<vmem>>
          %dma_wait3A_106 = tpu.memref_squeeze %dma_wait3A_105 : memref<1x128xi32, #tpu.memory_space<vmem>> -> memref<128xi32, #tpu.memory_space<vmem>>
          %dma_wait3A_107 = arith.constant 0 : i32
          %dma_wait3A_108 = arith.constant 0 : i32
          %dma_wait3A_109 = tpu.memref_slice %arg12[%dma_wait3A_107, %dma_wait3A_108] : memref<10016x128xf32, #tpu.memory_space<vmem_shared>> -> memref<10016x128xf32, #tpu.memory_space<vmem_shared>>
          tpu.wait_indirect_dma semaphore(%arg15 : memref<!tpu.dma_semaphore, #tpu.memory_space<semaphore_mem>>) src(%arg10 : memref<128x128xf32, #tpu.memory_space<vmem>>) dst(%dma_wait3A_109 : memref<10016x128xf32, #tpu.memory_space<vmem_shared>>)
        } else {
        }
        %add3A_84 = arith.constant 1 : i32
        %add3A_85 = arith.addi %add3A_78, %add3A_84 : i32
        %lt3A_86 = arith.constant 40 : i32
        %lt3A_87 = arith.cmpi slt, %add3A_85, %lt3A_86 : i32
        %convert_element_type3A_88 = arith.extui %lt3A_87 : i1 to i32
        %cond3A_89 = arith.constant 0 : i32
        %cond3A_90 = arith.cmpi ne, %convert_element_type3A_88, %cond3A_89 : i32
        scf.if %cond3A_90 {
          %add3A_103 = arith.constant 1 : i32
          %add3A_104 = arith.addi %add3A_78, %add3A_103 : i32
          %dma_start3A_105 = arith.constant 0 : i32
          %dma_start3A_106 = tpu.memref_slice %arg8[%add3A_104, %dma_start3A_105] : memref<40x128xi32, #tpu.memory_space<vmem>> -> memref<1x128xi32, #tpu.memory_space<vmem>>
          %dma_start3A_107 = tpu.memref_squeeze %dma_start3A_106 : memref<1x128xi32, #tpu.memory_space<vmem>> -> memref<128xi32, #tpu.memory_space<vmem>>
          %dma_start3A_108 = arith.constant 0 : i32
          %dma_start3A_109 = arith.constant 0 : i32
          %dma_start3A_110 = tpu.memref_slice %arg2[%dma_start3A_108, %dma_start3A_109] : memref<10000x128xf32, #tpu.memory_space<hbm>> -> memref<10000x128xf32, #tpu.memory_space<hbm>>
          tpu.enqueue_indirect_dma source(%dma_start3A_110 : memref<10000x128xf32, #tpu.memory_space<hbm>>) target(%arg10 : memref<128x128xf32, #tpu.memory_space<vmem>>) offsets(%dma_start3A_107 : memref<128xi32, #tpu.memory_space<vmem>>) semaphore(%arg13 : memref<!tpu.dma_semaphore, #tpu.memory_space<semaphore_mem>>)
        } else {
        }
        %dma_wait3A_91 = arith.constant 0 : i32
        %dma_wait3A_92 = tpu.memref_slice %arg8[%add3A_78, %dma_wait3A_91] : memref<40x128xi32, #tpu.memory_space<vmem>> -> memref<1x128xi32, #tpu.memory_space<vmem>>
        %dma_wait3A_93 = tpu.memref_squeeze %dma_wait3A_92 : memref<1x128xi32, #tpu.memory_space<vmem>> -> memref<128xi32, #tpu.memory_space<vmem>>
        %dma_wait3A_94 = arith.constant 0 : i32
        %dma_wait3A_95 = arith.constant 0 : i32
        %dma_wait3A_96 = tpu.memref_slice %arg2[%dma_wait3A_94, %dma_wait3A_95] : memref<10000x128xf32, #tpu.memory_space<hbm>> -> memref<10000x128xf32, #tpu.memory_space<hbm>>
        tpu.wait_indirect_dma semaphore(%arg14 : memref<!tpu.dma_semaphore, #tpu.memory_space<semaphore_mem>>) src(%dma_wait3A_96 : memref<10000x128xf32, #tpu.memory_space<hbm>>) dst(%arg11 : memref<128x128xf32, #tpu.memory_space<vmem>>)
        %dma_start3A_97 = arith.constant 0 : i32
        %dma_start3A_98 = tpu.memref_slice %arg9[%add3A_78, %dma_start3A_97] : memref<40x128xi32, #tpu.memory_space<vmem>> -> memref<1x128xi32, #tpu.memory_space<vmem>>
        %dma_start3A_99 = tpu.memref_squeeze %dma_start3A_98 : memref<1x128xi32, #tpu.memory_space<vmem>> -> memref<128xi32, #tpu.memory_space<vmem>>
        %dma_start3A_100 = arith.constant 0 : i32
        %dma_start3A_101 = arith.constant 0 : i32
        %dma_start3A_102 = tpu.memref_slice %arg12[%dma_start3A_100, %dma_start3A_101] : memref<10016x128xf32, #tpu.memory_space<vmem_shared>> -> memref<10016x128xf32, #tpu.memory_space<vmem_shared>>
        tpu.enqueue_indirect_dma source(%arg11 : memref<128x128xf32, #tpu.memory_space<vmem>>) target(%dma_start3A_102 : memref<10016x128xf32, #tpu.memory_space<vmem_shared>>) offsets(%dma_start3A_99 : memref<128xi32, #tpu.memory_space<vmem>>) semaphore(%arg16 : memref<!tpu.dma_semaphore, #tpu.memory_space<semaphore_mem>>) {add = true}
      }
      %scan3A_19 = arith.constant 20 : i32
      %dma_wait3A = arith.constant 39 : i32
      %dma_wait3A_20 = arith.constant 0 : i32
      %dma_wait3A_21 = tpu.memref_slice %arg9[%dma_wait3A, %dma_wait3A_20] : memref<40x128xi32, #tpu.memory_space<vmem>> -> memref<1x128xi32, #tpu.memory_space<vmem>>
      %dma_wait3A_22 = tpu.memref_squeeze %dma_wait3A_21 : memref<1x128xi32, #tpu.memory_space<vmem>> -> memref<128xi32, #tpu.memory_space<vmem>>
      %dma_wait3A_23 = arith.constant 0 : i32
      %dma_wait3A_24 = arith.constant 0 : i32
      %dma_wait3A_25 = tpu.memref_slice %arg12[%dma_wait3A_23, %dma_wait3A_24] : memref<10016x128xf32, #tpu.memory_space<vmem_shared>> -> memref<10016x128xf32, #tpu.memory_space<vmem_shared>>
      tpu.wait_indirect_dma semaphore(%arg16 : memref<!tpu.dma_semaphore, #tpu.memory_space<semaphore_mem>>) src(%arg11 : memref<128x128xf32, #tpu.memory_space<vmem>>) dst(%dma_wait3A_25 : memref<10016x128xf32, #tpu.memory_space<vmem_shared>>)
      %run_scoped3A_26 = arith.constant 1 : i32
      "tpu.region"() ({
        %run_scoped3A_48 = tpu.sem_alloc : memref<!tpu.dma_semaphore, #tpu.memory_space<semaphore_mem>>
        %dma_start3A_49 = arith.constant 0 : i32
        %dma_start3A_50 = arith.constant 0 : i32
        %dma_start3A_51 = tpu.memref_slice %arg4[%arg1, %run_scoped3A_26, %dma_start3A_49, %dma_start3A_50] : memref<16x2x40x128xi32, #tpu.memory_space<hbm>> -> memref<1x1x40x128xi32, #tpu.memory_space<hbm>>
        %dma_start3A_52 = tpu.memref_squeeze %dma_start3A_51 : memref<1x1x40x128xi32, #tpu.memory_space<hbm>> -> memref<40x128xi32, #tpu.memory_space<hbm>>
        %dma_start3A_53 = arith.constant 0 : i32
        %dma_start3A_54 = arith.constant 0 : i32
        %dma_start3A_55 = tpu.memref_slice %arg4[%arg1, %run_scoped3A_26, %dma_start3A_53, %dma_start3A_54] : memref<16x2x40x128xi32, #tpu.memory_space<hbm>> -> memref<1x1x40x128xi32, #tpu.memory_space<hbm>>
        %dma_start3A_56 = tpu.memref_squeeze %dma_start3A_55 : memref<1x1x40x128xi32, #tpu.memory_space<hbm>> -> memref<40x128xi32, #tpu.memory_space<hbm>>
        tpu.enqueue_dma source(%dma_start3A_56 : memref<40x128xi32, #tpu.memory_space<hbm>>) target(%arg8 : memref<40x128xi32, #tpu.memory_space<vmem>>) target_semaphore(%run_scoped3A_48 : memref<!tpu.dma_semaphore, #tpu.memory_space<semaphore_mem>>)
        %dma_wait3A_57 = arith.constant 0 : i32
        %dma_wait3A_58 = arith.constant 0 : i32
        %dma_wait3A_59 = tpu.memref_slice %arg4[%arg1, %run_scoped3A_26, %dma_wait3A_57, %dma_wait3A_58] : memref<16x2x40x128xi32, #tpu.memory_space<hbm>> -> memref<1x1x40x128xi32, #tpu.memory_space<hbm>>
        %dma_wait3A_60 = tpu.memref_squeeze %dma_wait3A_59 : memref<1x1x40x128xi32, #tpu.memory_space<hbm>> -> memref<40x128xi32, #tpu.memory_space<hbm>>
        %dma_wait3A_61 = arith.constant 0 : i32
        %dma_wait3A_62 = arith.constant 0 : i32
        %dma_wait3A_63 = tpu.memref_slice %arg4[%arg1, %run_scoped3A_26, %dma_wait3A_61, %dma_wait3A_62] : memref<16x2x40x128xi32, #tpu.memory_space<hbm>> -> memref<1x1x40x128xi32, #tpu.memory_space<hbm>>
        %dma_wait3A_64 = tpu.memref_squeeze %dma_wait3A_63 : memref<1x1x40x128xi32, #tpu.memory_space<hbm>> -> memref<40x128xi32, #tpu.memory_space<hbm>>
        tpu.wait_dma2 semaphore(%run_scoped3A_48 : memref<!tpu.dma_semaphore, #tpu.memory_space<semaphore_mem>>) src(%dma_wait3A_64 : memref<40x128xi32, #tpu.memory_space<hbm>>) dst(%arg8 : memref<40x128xi32, #tpu.memory_space<vmem>>)
        tpu.yield
      }) : () -> ()
      %run_scoped3A_27 = arith.constant 1 : i32
      "tpu.region"() ({
        %run_scoped3A_48 = tpu.sem_alloc : memref<!tpu.dma_semaphore, #tpu.memory_space<semaphore_mem>>
        %dma_start3A_49 = arith.constant 0 : i32
        %dma_start3A_50 = arith.constant 0 : i32
        %dma_start3A_51 = tpu.memref_slice %arg5[%arg1, %run_scoped3A_27, %dma_start3A_49, %dma_start3A_50] : memref<16x2x40x128xi32, #tpu.memory_space<hbm>> -> memref<1x1x40x128xi32, #tpu.memory_space<hbm>>
        %dma_start3A_52 = tpu.memref_squeeze %dma_start3A_51 : memref<1x1x40x128xi32, #tpu.memory_space<hbm>> -> memref<40x128xi32, #tpu.memory_space<hbm>>
        %dma_start3A_53 = arith.constant 0 : i32
        %dma_start3A_54 = arith.constant 0 : i32
        %dma_start3A_55 = tpu.memref_slice %arg5[%arg1, %run_scoped3A_27, %dma_start3A_53, %dma_start3A_54] : memref<16x2x40x128xi32, #tpu.memory_space<hbm>> -> memref<1x1x40x128xi32, #tpu.memory_space<hbm>>
        %dma_start3A_56 = tpu.memref_squeeze %dma_start3A_55 : memref<1x1x40x128xi32, #tpu.memory_space<hbm>> -> memref<40x128xi32, #tpu.memory_space<hbm>>
        tpu.enqueue_dma source(%dma_start3A_56 : memref<40x128xi32, #tpu.memory_space<hbm>>) target(%arg9 : memref<40x128xi32, #tpu.memory_space<vmem>>) target_semaphore(%run_scoped3A_48 : memref<!tpu.dma_semaphore, #tpu.memory_space<semaphore_mem>>)
        %dma_wait3A_57 = arith.constant 0 : i32
        %dma_wait3A_58 = arith.constant 0 : i32
        %dma_wait3A_59 = tpu.memref_slice %arg5[%arg1, %run_scoped3A_27, %dma_wait3A_57, %dma_wait3A_58] : memref<16x2x40x128xi32, #tpu.memory_space<hbm>> -> memref<1x1x40x128xi32, #tpu.memory_space<hbm>>
        %dma_wait3A_60 = tpu.memref_squeeze %dma_wait3A_59 : memref<1x1x40x128xi32, #tpu.memory_space<hbm>> -> memref<40x128xi32, #tpu.memory_space<hbm>>
        %dma_wait3A_61 = arith.constant 0 : i32
        %dma_wait3A_62 = arith.constant 0 : i32
        %dma_wait3A_63 = tpu.memref_slice %arg5[%arg1, %run_scoped3A_27, %dma_wait3A_61, %dma_wait3A_62] : memref<16x2x40x128xi32, #tpu.memory_space<hbm>> -> memref<1x1x40x128xi32, #tpu.memory_space<hbm>>
        %dma_wait3A_64 = tpu.memref_squeeze %dma_wait3A_63 : memref<1x1x40x128xi32, #tpu.memory_space<hbm>> -> memref<40x128xi32, #tpu.memory_space<hbm>>
        tpu.wait_dma2 semaphore(%run_scoped3A_48 : memref<!tpu.dma_semaphore, #tpu.memory_space<semaphore_mem>>) src(%dma_wait3A_64 : memref<40x128xi32, #tpu.memory_space<hbm>>) dst(%arg9 : memref<40x128xi32, #tpu.memory_space<vmem>>)
        tpu.yield
      }) : () -> ()
      %dma_start3A_28 = arith.constant 0 : i32
      %dma_start3A_29 = arith.constant 0 : i32
      %dma_start3A_30 = tpu.memref_slice %arg8[%dma_start3A_28, %dma_start3A_29] : memref<40x128xi32, #tpu.memory_space<vmem>> -> memref<1x128xi32, #tpu.memory_space<vmem>>
      %dma_start3A_31 = tpu.memref_squeeze %dma_start3A_30 : memref<1x128xi32, #tpu.memory_space<vmem>> -> memref<128xi32, #tpu.memory_space<vmem>>
      %dma_start3A_32 = arith.constant 0 : i32
      %dma_start3A_33 = arith.constant 0 : i32
      %dma_start3A_34 = tpu.memref_slice %arg2[%dma_start3A_32, %dma_start3A_33] : memref<10000x128xf32, #tpu.memory_space<hbm>> -> memref<10000x128xf32, #tpu.memory_space<hbm>>
      tpu.enqueue_indirect_dma source(%dma_start3A_34 : memref<10000x128xf32, #tpu.memory_space<hbm>>) target(%arg10 : memref<128x128xf32, #tpu.memory_space<vmem>>) offsets(%dma_start3A_31 : memref<128xi32, #tpu.memory_space<vmem>>) semaphore(%arg13 : memref<!tpu.dma_semaphore, #tpu.memory_space<semaphore_mem>>)
      %scan3A_35 = arith.constant 0 : i32
      %scan3A_36 = arith.constant 20 : i32
      %scan3A_37 = arith.addi %scan3A_35, %scan3A_36 : i32
      %scan3A_38 = arith.constant 1 : i32
      scf.for %scan3A_48 = %scan3A_35 to %scan3A_37 step %scan3A_38  : i32 {
        %mul3A_49 = arith.constant 2 : i32
        %mul3A_50 = arith.muli %scan3A_48, %mul3A_49 : i32
        %add3A = arith.constant 0 : i32
        %add3A_51 = arith.addi %add3A, %mul3A_50 : i32
        %add3A_52 = arith.constant 0 : i32
        %add3A_53 = arith.addi %add3A_51, %add3A_52 : i32
        %gt3A = arith.constant 0 : i32
        %gt3A_54 = arith.cmpi sgt, %add3A_53, %gt3A : i32
        %convert_element_type3A_55 = arith.extui %gt3A_54 : i1 to i32
        %cond3A_56 = arith.constant 0 : i32
        %cond3A_57 = arith.cmpi ne, %convert_element_type3A_55, %cond3A_56 : i32
        scf.if %cond3A_57 {
          %sub3A = arith.constant 1 : i32
          %sub3A_103 = arith.subi %add3A_53, %sub3A : i32
          %dma_wait3A_104 = arith.constant 0 : i32
          %dma_wait3A_105 = tpu.memref_slice %arg9[%sub3A_103, %dma_wait3A_104] : memref<40x128xi32, #tpu.memory_space<vmem>> -> memref<1x128xi32, #tpu.memory_space<vmem>>
          %dma_wait3A_106 = tpu.memref_squeeze %dma_wait3A_105 : memref<1x128xi32, #tpu.memory_space<vmem>> -> memref<128xi32, #tpu.memory_space<vmem>>
          %dma_wait3A_107 = arith.constant 0 : i32
          %dma_wait3A_108 = arith.constant 0 : i32
          %dma_wait3A_109 = tpu.memref_slice %arg12[%dma_wait3A_107, %dma_wait3A_108] : memref<10016x128xf32, #tpu.memory_space<vmem_shared>> -> memref<10016x128xf32, #tpu.memory_space<vmem_shared>>
          tpu.wait_indirect_dma semaphore(%arg16 : memref<!tpu.dma_semaphore, #tpu.memory_space<semaphore_mem>>) src(%arg11 : memref<128x128xf32, #tpu.memory_space<vmem>>) dst(%dma_wait3A_109 : memref<10016x128xf32, #tpu.memory_space<vmem_shared>>)
        } else {
        }
        %add3A_58 = arith.constant 1 : i32
        %add3A_59 = arith.addi %add3A_53, %add3A_58 : i32
        %lt3A_60 = arith.constant 40 : i32
        %lt3A_61 = arith.cmpi slt, %add3A_59, %lt3A_60 : i32
        %convert_element_type3A_62 = arith.extui %lt3A_61 : i1 to i32
        %cond3A_63 = arith.constant 0 : i32
        %cond3A_64 = arith.cmpi ne, %convert_element_type3A_62, %cond3A_63 : i32
        scf.if %cond3A_64 {
          %add3A_103 = arith.constant 1 : i32
          %add3A_104 = arith.addi %add3A_53, %add3A_103 : i32
          %dma_start3A_105 = arith.constant 0 : i32
          %dma_start3A_106 = tpu.memref_slice %arg8[%add3A_104, %dma_start3A_105] : memref<40x128xi32, #tpu.memory_space<vmem>> -> memref<1x128xi32, #tpu.memory_space<vmem>>
          %dma_start3A_107 = tpu.memref_squeeze %dma_start3A_106 : memref<1x128xi32, #tpu.memory_space<vmem>> -> memref<128xi32, #tpu.memory_space<vmem>>
          %dma_start3A_108 = arith.constant 0 : i32
          %dma_start3A_109 = arith.constant 0 : i32
          %dma_start3A_110 = tpu.memref_slice %arg2[%dma_start3A_108, %dma_start3A_109] : memref<10000x128xf32, #tpu.memory_space<hbm>> -> memref<10000x128xf32, #tpu.memory_space<hbm>>
          tpu.enqueue_indirect_dma source(%dma_start3A_110 : memref<10000x128xf32, #tpu.memory_space<hbm>>) target(%arg11 : memref<128x128xf32, #tpu.memory_space<vmem>>) offsets(%dma_start3A_107 : memref<128xi32, #tpu.memory_space<vmem>>) semaphore(%arg14 : memref<!tpu.dma_semaphore, #tpu.memory_space<semaphore_mem>>)
        } else {
        }
        %dma_wait3A_65 = arith.constant 0 : i32
        %dma_wait3A_66 = tpu.memref_slice %arg8[%add3A_53, %dma_wait3A_65] : memref<40x128xi32, #tpu.memory_space<vmem>> -> memref<1x128xi32, #tpu.memory_space<vmem>>
        %dma_wait3A_67 = tpu.memref_squeeze %dma_wait3A_66 : memref<1x128xi32, #tpu.memory_space<vmem>> -> memref<128xi32, #tpu.memory_space<vmem>>
        %dma_wait3A_68 = arith.constant 0 : i32
        %dma_wait3A_69 = arith.constant 0 : i32
        %dma_wait3A_70 = tpu.memref_slice %arg2[%dma_wait3A_68, %dma_wait3A_69] : memref<10000x128xf32, #tpu.memory_space<hbm>> -> memref<10000x128xf32, #tpu.memory_space<hbm>>
        tpu.wait_indirect_dma semaphore(%arg13 : memref<!tpu.dma_semaphore, #tpu.memory_space<semaphore_mem>>) src(%dma_wait3A_70 : memref<10000x128xf32, #tpu.memory_space<hbm>>) dst(%arg10 : memref<128x128xf32, #tpu.memory_space<vmem>>)
        %dma_start3A_71 = arith.constant 0 : i32
        %dma_start3A_72 = tpu.memref_slice %arg9[%add3A_53, %dma_start3A_71] : memref<40x128xi32, #tpu.memory_space<vmem>> -> memref<1x128xi32, #tpu.memory_space<vmem>>
        %dma_start3A_73 = tpu.memref_squeeze %dma_start3A_72 : memref<1x128xi32, #tpu.memory_space<vmem>> -> memref<128xi32, #tpu.memory_space<vmem>>
        %dma_start3A_74 = arith.constant 0 : i32
        %dma_start3A_75 = arith.constant 0 : i32
        %dma_start3A_76 = tpu.memref_slice %arg12[%dma_start3A_74, %dma_start3A_75] : memref<10016x128xf32, #tpu.memory_space<vmem_shared>> -> memref<10016x128xf32, #tpu.memory_space<vmem_shared>>
        tpu.enqueue_indirect_dma source(%arg10 : memref<128x128xf32, #tpu.memory_space<vmem>>) target(%dma_start3A_76 : memref<10016x128xf32, #tpu.memory_space<vmem_shared>>) offsets(%dma_start3A_73 : memref<128xi32, #tpu.memory_space<vmem>>) semaphore(%arg15 : memref<!tpu.dma_semaphore, #tpu.memory_space<semaphore_mem>>) {add = true}
        %add3A_77 = arith.constant 1 : i32
        %add3A_78 = arith.addi %add3A_51, %add3A_77 : i32
        %gt3A_79 = arith.constant 0 : i32
        %gt3A_80 = arith.cmpi sgt, %add3A_78, %gt3A_79 : i32
        %convert_element_type3A_81 = arith.extui %gt3A_80 : i1 to i32
        %cond3A_82 = arith.constant 0 : i32
        %cond3A_83 = arith.cmpi ne, %convert_element_type3A_81, %cond3A_82 : i32
        scf.if %cond3A_83 {
          %sub3A = arith.constant 1 : i32
          %sub3A_103 = arith.subi %add3A_78, %sub3A : i32
          %dma_wait3A_104 = arith.constant 0 : i32
          %dma_wait3A_105 = tpu.memref_slice %arg9[%sub3A_103, %dma_wait3A_104] : memref<40x128xi32, #tpu.memory_space<vmem>> -> memref<1x128xi32, #tpu.memory_space<vmem>>
          %dma_wait3A_106 = tpu.memref_squeeze %dma_wait3A_105 : memref<1x128xi32, #tpu.memory_space<vmem>> -> memref<128xi32, #tpu.memory_space<vmem>>
          %dma_wait3A_107 = arith.constant 0 : i32
          %dma_wait3A_108 = arith.constant 0 : i32
          %dma_wait3A_109 = tpu.memref_slice %arg12[%dma_wait3A_107, %dma_wait3A_108] : memref<10016x128xf32, #tpu.memory_space<vmem_shared>> -> memref<10016x128xf32, #tpu.memory_space<vmem_shared>>
          tpu.wait_indirect_dma semaphore(%arg15 : memref<!tpu.dma_semaphore, #tpu.memory_space<semaphore_mem>>) src(%arg10 : memref<128x128xf32, #tpu.memory_space<vmem>>) dst(%dma_wait3A_109 : memref<10016x128xf32, #tpu.memory_space<vmem_shared>>)
        } else {
        }
        %add3A_84 = arith.constant 1 : i32
        %add3A_85 = arith.addi %add3A_78, %add3A_84 : i32
        %lt3A_86 = arith.constant 40 : i32
        %lt3A_87 = arith.cmpi slt, %add3A_85, %lt3A_86 : i32
        %convert_element_type3A_88 = arith.extui %lt3A_87 : i1 to i32
        %cond3A_89 = arith.constant 0 : i32
        %cond3A_90 = arith.cmpi ne, %convert_element_type3A_88, %cond3A_89 : i32
        scf.if %cond3A_90 {
          %add3A_103 = arith.constant 1 : i32
          %add3A_104 = arith.addi %add3A_78, %add3A_103 : i32
          %dma_start3A_105 = arith.constant 0 : i32
          %dma_start3A_106 = tpu.memref_slice %arg8[%add3A_104, %dma_start3A_105] : memref<40x128xi32, #tpu.memory_space<vmem>> -> memref<1x128xi32, #tpu.memory_space<vmem>>
          %dma_start3A_107 = tpu.memref_squeeze %dma_start3A_106 : memref<1x128xi32, #tpu.memory_space<vmem>> -> memref<128xi32, #tpu.memory_space<vmem>>
          %dma_start3A_108 = arith.constant 0 : i32
          %dma_start3A_109 = arith.constant 0 : i32
          %dma_start3A_110 = tpu.memref_slice %arg2[%dma_start3A_108, %dma_start3A_109] : memref<10000x128xf32, #tpu.memory_space<hbm>> -> memref<10000x128xf32, #tpu.memory_space<hbm>>
          tpu.enqueue_indirect_dma source(%dma_start3A_110 : memref<10000x128xf32, #tpu.memory_space<hbm>>) target(%arg10 : memref<128x128xf32, #tpu.memory_space<vmem>>) offsets(%dma_start3A_107 : memref<128xi32, #tpu.memory_space<vmem>>) semaphore(%arg13 : memref<!tpu.dma_semaphore, #tpu.memory_space<semaphore_mem>>)
        } else {
        }
        %dma_wait3A_91 = arith.constant 0 : i32
        %dma_wait3A_92 = tpu.memref_slice %arg8[%add3A_78, %dma_wait3A_91] : memref<40x128xi32, #tpu.memory_space<vmem>> -> memref<1x128xi32, #tpu.memory_space<vmem>>
        %dma_wait3A_93 = tpu.memref_squeeze %dma_wait3A_92 : memref<1x128xi32, #tpu.memory_space<vmem>> -> memref<128xi32, #tpu.memory_space<vmem>>
        %dma_wait3A_94 = arith.constant 0 : i32
        %dma_wait3A_95 = arith.constant 0 : i32
        %dma_wait3A_96 = tpu.memref_slice %arg2[%dma_wait3A_94, %dma_wait3A_95] : memref<10000x128xf32, #tpu.memory_space<hbm>> -> memref<10000x128xf32, #tpu.memory_space<hbm>>
        tpu.wait_indirect_dma semaphore(%arg14 : memref<!tpu.dma_semaphore, #tpu.memory_space<semaphore_mem>>) src(%dma_wait3A_96 : memref<10000x128xf32, #tpu.memory_space<hbm>>) dst(%arg11 : memref<128x128xf32, #tpu.memory_space<vmem>>)
        %dma_start3A_97 = arith.constant 0 : i32
        %dma_start3A_98 = tpu.memref_slice %arg9[%add3A_78, %dma_start3A_97] : memref<40x128xi32, #tpu.memory_space<vmem>> -> memref<1x128xi32, #tpu.memory_space<vmem>>
        %dma_start3A_99 = tpu.memref_squeeze %dma_start3A_98 : memref<1x128xi32, #tpu.memory_space<vmem>> -> memref<128xi32, #tpu.memory_space<vmem>>
        %dma_start3A_100 = arith.constant 0 : i32
        %dma_start3A_101 = arith.constant 0 : i32
        %dma_start3A_102 = tpu.memref_slice %arg12[%dma_start3A_100, %dma_start3A_101] : memref<10016x128xf32, #tpu.memory_space<vmem_shared>> -> memref<10016x128xf32, #tpu.memory_space<vmem_shared>>
        tpu.enqueue_indirect_dma source(%arg11 : memref<128x128xf32, #tpu.memory_space<vmem>>) target(%dma_start3A_102 : memref<10016x128xf32, #tpu.memory_space<vmem_shared>>) offsets(%dma_start3A_99 : memref<128xi32, #tpu.memory_space<vmem>>) semaphore(%arg16 : memref<!tpu.dma_semaphore, #tpu.memory_space<semaphore_mem>>) {add = true}
      }
      %scan3A_39 = arith.constant 20 : i32
      %dma_wait3A_40 = arith.constant 39 : i32
      %dma_wait3A_41 = arith.constant 0 : i32
      %dma_wait3A_42 = tpu.memref_slice %arg9[%dma_wait3A_40, %dma_wait3A_41] : memref<40x128xi32, #tpu.memory_space<vmem>> -> memref<1x128xi32, #tpu.memory_space<vmem>>
      %dma_wait3A_43 = tpu.memref_squeeze %dma_wait3A_42 : memref<1x128xi32, #tpu.memory_space<vmem>> -> memref<128xi32, #tpu.memory_space<vmem>>
      %dma_wait3A_44 = arith.constant 0 : i32
      %dma_wait3A_45 = arith.constant 0 : i32
      %dma_wait3A_46 = tpu.memref_slice %arg12[%dma_wait3A_44, %dma_wait3A_45] : memref<10016x128xf32, #tpu.memory_space<vmem_shared>> -> memref<10016x128xf32, #tpu.memory_space<vmem_shared>>
      tpu.wait_indirect_dma semaphore(%arg16 : memref<!tpu.dma_semaphore, #tpu.memory_space<semaphore_mem>>) src(%arg11 : memref<128x128xf32, #tpu.memory_space<vmem>>) dst(%dma_wait3A_46 : memref<10016x128xf32, #tpu.memory_space<vmem_shared>>)
      %barrier3A_47 = arith.constant 0 : index
      tpu.barrier barrier_id(%barrier3A_47)
      "tpu.region"() ({
        %run_scoped3A_48 = tpu.sem_alloc : memref<!tpu.dma_semaphore, #tpu.memory_space<semaphore_mem>>
        %dma_start3A_49 = arith.constant 0 : i32
        %dma_start3A_50 = tpu.memref_slice %arg6[%multiple_of3A, %dma_start3A_49] : memref<10000x128xf32, #tpu.memory_space<hbm>> -> memref<632x128xf32, #tpu.memory_space<hbm>>
        %dma_start3A_51 = arith.constant 0 : i32
        %dma_start3A_52 = tpu.memref_slice %arg12[%multiple_of3A, %dma_start3A_51] : memref<10016x128xf32, #tpu.memory_space<vmem_shared>> -> memref<632x128xf32, #tpu.memory_space<vmem_shared>>
        tpu.enqueue_dma source(%dma_start3A_52 : memref<632x128xf32, #tpu.memory_space<vmem_shared>>) target(%dma_start3A_50 : memref<632x128xf32, #tpu.memory_space<hbm>>) target_semaphore(%run_scoped3A_48 : memref<!tpu.dma_semaphore, #tpu.memory_space<semaphore_mem>>)
        %dma_wait3A_53 = arith.constant 0 : i32
        %dma_wait3A_54 = tpu.memref_slice %arg6[%multiple_of3A, %dma_wait3A_53] : memref<10000x128xf32, #tpu.memory_space<hbm>> -> memref<632x128xf32, #tpu.memory_space<hbm>>
        %dma_wait3A_55 = arith.constant 0 : i32
        %dma_wait3A_56 = tpu.memref_slice %arg12[%multiple_of3A, %dma_wait3A_55] : memref<10016x128xf32, #tpu.memory_space<vmem_shared>> -> memref<632x128xf32, #tpu.memory_space<vmem_shared>>
        tpu.wait_dma2 semaphore(%run_scoped3A_48 : memref<!tpu.dma_semaphore, #tpu.memory_space<semaphore_mem>>) src(%dma_wait3A_56 : memref<632x128xf32, #tpu.memory_space<vmem_shared>>) dst(%dma_wait3A_54 : memref<632x128xf32, #tpu.memory_space<hbm>>)
        tpu.yield
      }) : () -> ()
    } else {
    }
    %eq3A_2 = arith.constant 1 : i32
    %eq3A_3 = arith.cmpi eq, %arg0, %eq3A_2 : i32
    %convert_element_type3A_4 = arith.extui %eq3A_3 : i1 to i32
    %cond3A_5 = arith.constant 0 : i32
    %cond3A_6 = arith.cmpi ne, %convert_element_type3A_4, %cond3A_5 : i32
    scf.if %cond3A_6 {
      %lt3A = arith.constant 15 : i32
      %lt3A_7 = arith.cmpi slt, %arg1, %lt3A : i32
      %mul3A = arith.constant 632 : i32
      %mul3A_8 = arith.muli %arg1, %mul3A : i32
      %jit3A = arith.constant 9368 : i32
      %select_n3A = arith.select %lt3A_7, %mul3A_8, %jit3A : i32
      %multiple_of3A = tpu.assume_multiple %select_n3A, 8 : i32
      "tpu.region"() ({
        %run_scoped3A_48 = tpu.sem_alloc : memref<!tpu.dma_semaphore, #tpu.memory_space<semaphore_mem>>
        %dma_start3A_49 = arith.constant 0 : i32
        %dma_start3A_50 = tpu.memref_slice %arg12[%multiple_of3A, %dma_start3A_49] : memref<10016x128xf32, #tpu.memory_space<vmem_shared>> -> memref<632x128xf32, #tpu.memory_space<vmem_shared>>
        %dma_start3A_51 = arith.constant 0 : i32
        %dma_start3A_52 = tpu.memref_slice %arg3[%multiple_of3A, %dma_start3A_51] : memref<10000x128xf32, #tpu.memory_space<hbm>> -> memref<632x128xf32, #tpu.memory_space<hbm>>
        tpu.enqueue_dma source(%dma_start3A_52 : memref<632x128xf32, #tpu.memory_space<hbm>>) target(%dma_start3A_50 : memref<632x128xf32, #tpu.memory_space<vmem_shared>>) target_semaphore(%run_scoped3A_48 : memref<!tpu.dma_semaphore, #tpu.memory_space<semaphore_mem>>)
        %dma_wait3A_53 = arith.constant 0 : i32
        %dma_wait3A_54 = tpu.memref_slice %arg12[%multiple_of3A, %dma_wait3A_53] : memref<10016x128xf32, #tpu.memory_space<vmem_shared>> -> memref<632x128xf32, #tpu.memory_space<vmem_shared>>
        %dma_wait3A_55 = arith.constant 0 : i32
        %dma_wait3A_56 = tpu.memref_slice %arg3[%multiple_of3A, %dma_wait3A_55] : memref<10000x128xf32, #tpu.memory_space<hbm>> -> memref<632x128xf32, #tpu.memory_space<hbm>>
        tpu.wait_dma2 semaphore(%run_scoped3A_48 : memref<!tpu.dma_semaphore, #tpu.memory_space<semaphore_mem>>) src(%dma_wait3A_56 : memref<632x128xf32, #tpu.memory_space<hbm>>) dst(%dma_wait3A_54 : memref<632x128xf32, #tpu.memory_space<vmem_shared>>)
        tpu.yield
      }) : () -> ()
      %run_scoped3A = arith.constant 0 : i32
      "tpu.region"() ({
        %run_scoped3A_48 = tpu.sem_alloc : memref<!tpu.dma_semaphore, #tpu.memory_space<semaphore_mem>>
        %dma_start3A_49 = arith.constant 0 : i32
        %dma_start3A_50 = arith.constant 0 : i32
        %dma_start3A_51 = tpu.memref_slice %arg4[%arg1, %run_scoped3A, %dma_start3A_49, %dma_start3A_50] : memref<16x2x40x128xi32, #tpu.memory_space<hbm>> -> memref<1x1x40x128xi32, #tpu.memory_space<hbm>>
        %dma_start3A_52 = tpu.memref_squeeze %dma_start3A_51 : memref<1x1x40x128xi32, #tpu.memory_space<hbm>> -> memref<40x128xi32, #tpu.memory_space<hbm>>
        %dma_start3A_53 = arith.constant 0 : i32
        %dma_start3A_54 = arith.constant 0 : i32
        %dma_start3A_55 = tpu.memref_slice %arg4[%arg1, %run_scoped3A, %dma_start3A_53, %dma_start3A_54] : memref<16x2x40x128xi32, #tpu.memory_space<hbm>> -> memref<1x1x40x128xi32, #tpu.memory_space<hbm>>
        %dma_start3A_56 = tpu.memref_squeeze %dma_start3A_55 : memref<1x1x40x128xi32, #tpu.memory_space<hbm>> -> memref<40x128xi32, #tpu.memory_space<hbm>>
        tpu.enqueue_dma source(%dma_start3A_56 : memref<40x128xi32, #tpu.memory_space<hbm>>) target(%arg8 : memref<40x128xi32, #tpu.memory_space<vmem>>) target_semaphore(%run_scoped3A_48 : memref<!tpu.dma_semaphore, #tpu.memory_space<semaphore_mem>>)
        %dma_wait3A_57 = arith.constant 0 : i32
        %dma_wait3A_58 = arith.constant 0 : i32
        %dma_wait3A_59 = tpu.memref_slice %arg4[%arg1, %run_scoped3A, %dma_wait3A_57, %dma_wait3A_58] : memref<16x2x40x128xi32, #tpu.memory_space<hbm>> -> memref<1x1x40x128xi32, #tpu.memory_space<hbm>>
        %dma_wait3A_60 = tpu.memref_squeeze %dma_wait3A_59 : memref<1x1x40x128xi32, #tpu.memory_space<hbm>> -> memref<40x128xi32, #tpu.memory_space<hbm>>
        %dma_wait3A_61 = arith.constant 0 : i32
        %dma_wait3A_62 = arith.constant 0 : i32
        %dma_wait3A_63 = tpu.memref_slice %arg4[%arg1, %run_scoped3A, %dma_wait3A_61, %dma_wait3A_62] : memref<16x2x40x128xi32, #tpu.memory_space<hbm>> -> memref<1x1x40x128xi32, #tpu.memory_space<hbm>>
        %dma_wait3A_64 = tpu.memref_squeeze %dma_wait3A_63 : memref<1x1x40x128xi32, #tpu.memory_space<hbm>> -> memref<40x128xi32, #tpu.memory_space<hbm>>
        tpu.wait_dma2 semaphore(%run_scoped3A_48 : memref<!tpu.dma_semaphore, #tpu.memory_space<semaphore_mem>>) src(%dma_wait3A_64 : memref<40x128xi32, #tpu.memory_space<hbm>>) dst(%arg8 : memref<40x128xi32, #tpu.memory_space<vmem>>)
        tpu.yield
      }) : () -> ()
      %run_scoped3A_9 = arith.constant 0 : i32
      "tpu.region"() ({
        %run_scoped3A_48 = tpu.sem_alloc : memref<!tpu.dma_semaphore, #tpu.memory_space<semaphore_mem>>
        %dma_start3A_49 = arith.constant 0 : i32
        %dma_start3A_50 = arith.constant 0 : i32
        %dma_start3A_51 = tpu.memref_slice %arg5[%arg1, %run_scoped3A_9, %dma_start3A_49, %dma_start3A_50] : memref<16x2x40x128xi32, #tpu.memory_space<hbm>> -> memref<1x1x40x128xi32, #tpu.memory_space<hbm>>
        %dma_start3A_52 = tpu.memref_squeeze %dma_start3A_51 : memref<1x1x40x128xi32, #tpu.memory_space<hbm>> -> memref<40x128xi32, #tpu.memory_space<hbm>>
        %dma_start3A_53 = arith.constant 0 : i32
        %dma_start3A_54 = arith.constant 0 : i32
        %dma_start3A_55 = tpu.memref_slice %arg5[%arg1, %run_scoped3A_9, %dma_start3A_53, %dma_start3A_54] : memref<16x2x40x128xi32, #tpu.memory_space<hbm>> -> memref<1x1x40x128xi32, #tpu.memory_space<hbm>>
        %dma_start3A_56 = tpu.memref_squeeze %dma_start3A_55 : memref<1x1x40x128xi32, #tpu.memory_space<hbm>> -> memref<40x128xi32, #tpu.memory_space<hbm>>
        tpu.enqueue_dma source(%dma_start3A_56 : memref<40x128xi32, #tpu.memory_space<hbm>>) target(%arg9 : memref<40x128xi32, #tpu.memory_space<vmem>>) target_semaphore(%run_scoped3A_48 : memref<!tpu.dma_semaphore, #tpu.memory_space<semaphore_mem>>)
        %dma_wait3A_57 = arith.constant 0 : i32
        %dma_wait3A_58 = arith.constant 0 : i32
        %dma_wait3A_59 = tpu.memref_slice %arg5[%arg1, %run_scoped3A_9, %dma_wait3A_57, %dma_wait3A_58] : memref<16x2x40x128xi32, #tpu.memory_space<hbm>> -> memref<1x1x40x128xi32, #tpu.memory_space<hbm>>
        %dma_wait3A_60 = tpu.memref_squeeze %dma_wait3A_59 : memref<1x1x40x128xi32, #tpu.memory_space<hbm>> -> memref<40x128xi32, #tpu.memory_space<hbm>>
        %dma_wait3A_61 = arith.constant 0 : i32
        %dma_wait3A_62 = arith.constant 0 : i32
        %dma_wait3A_63 = tpu.memref_slice %arg5[%arg1, %run_scoped3A_9, %dma_wait3A_61, %dma_wait3A_62] : memref<16x2x40x128xi32, #tpu.memory_space<hbm>> -> memref<1x1x40x128xi32, #tpu.memory_space<hbm>>
        %dma_wait3A_64 = tpu.memref_squeeze %dma_wait3A_63 : memref<1x1x40x128xi32, #tpu.memory_space<hbm>> -> memref<40x128xi32, #tpu.memory_space<hbm>>
        tpu.wait_dma2 semaphore(%run_scoped3A_48 : memref<!tpu.dma_semaphore, #tpu.memory_space<semaphore_mem>>) src(%dma_wait3A_64 : memref<40x128xi32, #tpu.memory_space<hbm>>) dst(%arg9 : memref<40x128xi32, #tpu.memory_space<vmem>>)
        tpu.yield
      }) : () -> ()
      %barrier3A = arith.constant 0 : index
      tpu.barrier barrier_id(%barrier3A)
      %dma_start3A = arith.constant 0 : i32
      %dma_start3A_10 = arith.constant 0 : i32
      %dma_start3A_11 = tpu.memref_slice %arg8[%dma_start3A, %dma_start3A_10] : memref<40x128xi32, #tpu.memory_space<vmem>> -> memref<1x128xi32, #tpu.memory_space<vmem>>
      %dma_start3A_12 = tpu.memref_squeeze %dma_start3A_11 : memref<1x128xi32, #tpu.memory_space<vmem>> -> memref<128xi32, #tpu.memory_space<vmem>>
      %dma_start3A_13 = arith.constant 0 : i32
      %dma_start3A_14 = arith.constant 0 : i32
      %dma_start3A_15 = tpu.memref_slice %arg3[%dma_start3A_13, %dma_start3A_14] : memref<10000x128xf32, #tpu.memory_space<hbm>> -> memref<10000x128xf32, #tpu.memory_space<hbm>>
      tpu.enqueue_indirect_dma source(%dma_start3A_15 : memref<10000x128xf32, #tpu.memory_space<hbm>>) target(%arg10 : memref<128x128xf32, #tpu.memory_space<vmem>>) offsets(%dma_start3A_12 : memref<128xi32, #tpu.memory_space<vmem>>) semaphore(%arg13 : memref<!tpu.dma_semaphore, #tpu.memory_space<semaphore_mem>>)
      %scan3A = arith.constant 0 : i32
      %scan3A_16 = arith.constant 20 : i32
      %scan3A_17 = arith.addi %scan3A, %scan3A_16 : i32
      %scan3A_18 = arith.constant 1 : i32
      scf.for %scan3A_48 = %scan3A to %scan3A_17 step %scan3A_18  : i32 {
        %mul3A_49 = arith.constant 2 : i32
        %mul3A_50 = arith.muli %scan3A_48, %mul3A_49 : i32
        %add3A = arith.constant 0 : i32
        %add3A_51 = arith.addi %add3A, %mul3A_50 : i32
        %add3A_52 = arith.constant 0 : i32
        %add3A_53 = arith.addi %add3A_51, %add3A_52 : i32
        %gt3A = arith.constant 0 : i32
        %gt3A_54 = arith.cmpi sgt, %add3A_53, %gt3A : i32
        %convert_element_type3A_55 = arith.extui %gt3A_54 : i1 to i32
        %cond3A_56 = arith.constant 0 : i32
        %cond3A_57 = arith.cmpi ne, %convert_element_type3A_55, %cond3A_56 : i32
        scf.if %cond3A_57 {
          %sub3A = arith.constant 1 : i32
          %sub3A_103 = arith.subi %add3A_53, %sub3A : i32
          %dma_wait3A_104 = arith.constant 0 : i32
          %dma_wait3A_105 = tpu.memref_slice %arg9[%sub3A_103, %dma_wait3A_104] : memref<40x128xi32, #tpu.memory_space<vmem>> -> memref<1x128xi32, #tpu.memory_space<vmem>>
          %dma_wait3A_106 = tpu.memref_squeeze %dma_wait3A_105 : memref<1x128xi32, #tpu.memory_space<vmem>> -> memref<128xi32, #tpu.memory_space<vmem>>
          %dma_wait3A_107 = arith.constant 0 : i32
          %dma_wait3A_108 = arith.constant 0 : i32
          %dma_wait3A_109 = tpu.memref_slice %arg12[%dma_wait3A_107, %dma_wait3A_108] : memref<10016x128xf32, #tpu.memory_space<vmem_shared>> -> memref<10016x128xf32, #tpu.memory_space<vmem_shared>>
          tpu.wait_indirect_dma semaphore(%arg16 : memref<!tpu.dma_semaphore, #tpu.memory_space<semaphore_mem>>) src(%arg11 : memref<128x128xf32, #tpu.memory_space<vmem>>) dst(%dma_wait3A_109 : memref<10016x128xf32, #tpu.memory_space<vmem_shared>>)
        } else {
        }
        %add3A_58 = arith.constant 1 : i32
        %add3A_59 = arith.addi %add3A_53, %add3A_58 : i32
        %lt3A_60 = arith.constant 40 : i32
        %lt3A_61 = arith.cmpi slt, %add3A_59, %lt3A_60 : i32
        %convert_element_type3A_62 = arith.extui %lt3A_61 : i1 to i32
        %cond3A_63 = arith.constant 0 : i32
        %cond3A_64 = arith.cmpi ne, %convert_element_type3A_62, %cond3A_63 : i32
        scf.if %cond3A_64 {
          %add3A_103 = arith.constant 1 : i32
          %add3A_104 = arith.addi %add3A_53, %add3A_103 : i32
          %dma_start3A_105 = arith.constant 0 : i32
          %dma_start3A_106 = tpu.memref_slice %arg8[%add3A_104, %dma_start3A_105] : memref<40x128xi32, #tpu.memory_space<vmem>> -> memref<1x128xi32, #tpu.memory_space<vmem>>
          %dma_start3A_107 = tpu.memref_squeeze %dma_start3A_106 : memref<1x128xi32, #tpu.memory_space<vmem>> -> memref<128xi32, #tpu.memory_space<vmem>>
          %dma_start3A_108 = arith.constant 0 : i32
          %dma_start3A_109 = arith.constant 0 : i32
          %dma_start3A_110 = tpu.memref_slice %arg3[%dma_start3A_108, %dma_start3A_109] : memref<10000x128xf32, #tpu.memory_space<hbm>> -> memref<10000x128xf32, #tpu.memory_space<hbm>>
          tpu.enqueue_indirect_dma source(%dma_start3A_110 : memref<10000x128xf32, #tpu.memory_space<hbm>>) target(%arg11 : memref<128x128xf32, #tpu.memory_space<vmem>>) offsets(%dma_start3A_107 : memref<128xi32, #tpu.memory_space<vmem>>) semaphore(%arg14 : memref<!tpu.dma_semaphore, #tpu.memory_space<semaphore_mem>>)
        } else {
        }
        %dma_wait3A_65 = arith.constant 0 : i32
        %dma_wait3A_66 = tpu.memref_slice %arg8[%add3A_53, %dma_wait3A_65] : memref<40x128xi32, #tpu.memory_space<vmem>> -> memref<1x128xi32, #tpu.memory_space<vmem>>
        %dma_wait3A_67 = tpu.memref_squeeze %dma_wait3A_66 : memref<1x128xi32, #tpu.memory_space<vmem>> -> memref<128xi32, #tpu.memory_space<vmem>>
        %dma_wait3A_68 = arith.constant 0 : i32
        %dma_wait3A_69 = arith.constant 0 : i32
        %dma_wait3A_70 = tpu.memref_slice %arg3[%dma_wait3A_68, %dma_wait3A_69] : memref<10000x128xf32, #tpu.memory_space<hbm>> -> memref<10000x128xf32, #tpu.memory_space<hbm>>
        tpu.wait_indirect_dma semaphore(%arg13 : memref<!tpu.dma_semaphore, #tpu.memory_space<semaphore_mem>>) src(%dma_wait3A_70 : memref<10000x128xf32, #tpu.memory_space<hbm>>) dst(%arg10 : memref<128x128xf32, #tpu.memory_space<vmem>>)
        %dma_start3A_71 = arith.constant 0 : i32
        %dma_start3A_72 = tpu.memref_slice %arg9[%add3A_53, %dma_start3A_71] : memref<40x128xi32, #tpu.memory_space<vmem>> -> memref<1x128xi32, #tpu.memory_space<vmem>>
        %dma_start3A_73 = tpu.memref_squeeze %dma_start3A_72 : memref<1x128xi32, #tpu.memory_space<vmem>> -> memref<128xi32, #tpu.memory_space<vmem>>
        %dma_start3A_74 = arith.constant 0 : i32
        %dma_start3A_75 = arith.constant 0 : i32
        %dma_start3A_76 = tpu.memref_slice %arg12[%dma_start3A_74, %dma_start3A_75] : memref<10016x128xf32, #tpu.memory_space<vmem_shared>> -> memref<10016x128xf32, #tpu.memory_space<vmem_shared>>
        tpu.enqueue_indirect_dma source(%arg10 : memref<128x128xf32, #tpu.memory_space<vmem>>) target(%dma_start3A_76 : memref<10016x128xf32, #tpu.memory_space<vmem_shared>>) offsets(%dma_start3A_73 : memref<128xi32, #tpu.memory_space<vmem>>) semaphore(%arg15 : memref<!tpu.dma_semaphore, #tpu.memory_space<semaphore_mem>>) {add = true}
        %add3A_77 = arith.constant 1 : i32
        %add3A_78 = arith.addi %add3A_51, %add3A_77 : i32
        %gt3A_79 = arith.constant 0 : i32
        %gt3A_80 = arith.cmpi sgt, %add3A_78, %gt3A_79 : i32
        %convert_element_type3A_81 = arith.extui %gt3A_80 : i1 to i32
        %cond3A_82 = arith.constant 0 : i32
        %cond3A_83 = arith.cmpi ne, %convert_element_type3A_81, %cond3A_82 : i32
        scf.if %cond3A_83 {
          %sub3A = arith.constant 1 : i32
          %sub3A_103 = arith.subi %add3A_78, %sub3A : i32
          %dma_wait3A_104 = arith.constant 0 : i32
          %dma_wait3A_105 = tpu.memref_slice %arg9[%sub3A_103, %dma_wait3A_104] : memref<40x128xi32, #tpu.memory_space<vmem>> -> memref<1x128xi32, #tpu.memory_space<vmem>>
          %dma_wait3A_106 = tpu.memref_squeeze %dma_wait3A_105 : memref<1x128xi32, #tpu.memory_space<vmem>> -> memref<128xi32, #tpu.memory_space<vmem>>
          %dma_wait3A_107 = arith.constant 0 : i32
          %dma_wait3A_108 = arith.constant 0 : i32
          %dma_wait3A_109 = tpu.memref_slice %arg12[%dma_wait3A_107, %dma_wait3A_108] : memref<10016x128xf32, #tpu.memory_space<vmem_shared>> -> memref<10016x128xf32, #tpu.memory_space<vmem_shared>>
          tpu.wait_indirect_dma semaphore(%arg15 : memref<!tpu.dma_semaphore, #tpu.memory_space<semaphore_mem>>) src(%arg10 : memref<128x128xf32, #tpu.memory_space<vmem>>) dst(%dma_wait3A_109 : memref<10016x128xf32, #tpu.memory_space<vmem_shared>>)
        } else {
        }
        %add3A_84 = arith.constant 1 : i32
        %add3A_85 = arith.addi %add3A_78, %add3A_84 : i32
        %lt3A_86 = arith.constant 40 : i32
        %lt3A_87 = arith.cmpi slt, %add3A_85, %lt3A_86 : i32
        %convert_element_type3A_88 = arith.extui %lt3A_87 : i1 to i32
        %cond3A_89 = arith.constant 0 : i32
        %cond3A_90 = arith.cmpi ne, %convert_element_type3A_88, %cond3A_89 : i32
        scf.if %cond3A_90 {
          %add3A_103 = arith.constant 1 : i32
          %add3A_104 = arith.addi %add3A_78, %add3A_103 : i32
          %dma_start3A_105 = arith.constant 0 : i32
          %dma_start3A_106 = tpu.memref_slice %arg8[%add3A_104, %dma_start3A_105] : memref<40x128xi32, #tpu.memory_space<vmem>> -> memref<1x128xi32, #tpu.memory_space<vmem>>
          %dma_start3A_107 = tpu.memref_squeeze %dma_start3A_106 : memref<1x128xi32, #tpu.memory_space<vmem>> -> memref<128xi32, #tpu.memory_space<vmem>>
          %dma_start3A_108 = arith.constant 0 : i32
          %dma_start3A_109 = arith.constant 0 : i32
          %dma_start3A_110 = tpu.memref_slice %arg3[%dma_start3A_108, %dma_start3A_109] : memref<10000x128xf32, #tpu.memory_space<hbm>> -> memref<10000x128xf32, #tpu.memory_space<hbm>>
          tpu.enqueue_indirect_dma source(%dma_start3A_110 : memref<10000x128xf32, #tpu.memory_space<hbm>>) target(%arg10 : memref<128x128xf32, #tpu.memory_space<vmem>>) offsets(%dma_start3A_107 : memref<128xi32, #tpu.memory_space<vmem>>) semaphore(%arg13 : memref<!tpu.dma_semaphore, #tpu.memory_space<semaphore_mem>>)
        } else {
        }
        %dma_wait3A_91 = arith.constant 0 : i32
        %dma_wait3A_92 = tpu.memref_slice %arg8[%add3A_78, %dma_wait3A_91] : memref<40x128xi32, #tpu.memory_space<vmem>> -> memref<1x128xi32, #tpu.memory_space<vmem>>
        %dma_wait3A_93 = tpu.memref_squeeze %dma_wait3A_92 : memref<1x128xi32, #tpu.memory_space<vmem>> -> memref<128xi32, #tpu.memory_space<vmem>>
        %dma_wait3A_94 = arith.constant 0 : i32
        %dma_wait3A_95 = arith.constant 0 : i32
        %dma_wait3A_96 = tpu.memref_slice %arg3[%dma_wait3A_94, %dma_wait3A_95] : memref<10000x128xf32, #tpu.memory_space<hbm>> -> memref<10000x128xf32, #tpu.memory_space<hbm>>
        tpu.wait_indirect_dma semaphore(%arg14 : memref<!tpu.dma_semaphore, #tpu.memory_space<semaphore_mem>>) src(%dma_wait3A_96 : memref<10000x128xf32, #tpu.memory_space<hbm>>) dst(%arg11 : memref<128x128xf32, #tpu.memory_space<vmem>>)
        %dma_start3A_97 = arith.constant 0 : i32
        %dma_start3A_98 = tpu.memref_slice %arg9[%add3A_78, %dma_start3A_97] : memref<40x128xi32, #tpu.memory_space<vmem>> -> memref<1x128xi32, #tpu.memory_space<vmem>>
        %dma_start3A_99 = tpu.memref_squeeze %dma_start3A_98 : memref<1x128xi32, #tpu.memory_space<vmem>> -> memref<128xi32, #tpu.memory_space<vmem>>
        %dma_start3A_100 = arith.constant 0 : i32
        %dma_start3A_101 = arith.constant 0 : i32
        %dma_start3A_102 = tpu.memref_slice %arg12[%dma_start3A_100, %dma_start3A_101] : memref<10016x128xf32, #tpu.memory_space<vmem_shared>> -> memref<10016x128xf32, #tpu.memory_space<vmem_shared>>
        tpu.enqueue_indirect_dma source(%arg11 : memref<128x128xf32, #tpu.memory_space<vmem>>) target(%dma_start3A_102 : memref<10016x128xf32, #tpu.memory_space<vmem_shared>>) offsets(%dma_start3A_99 : memref<128xi32, #tpu.memory_space<vmem>>) semaphore(%arg16 : memref<!tpu.dma_semaphore, #tpu.memory_space<semaphore_mem>>) {add = true}
      }
      %scan3A_19 = arith.constant 20 : i32
      %dma_wait3A = arith.constant 39 : i32
      %dma_wait3A_20 = arith.constant 0 : i32
      %dma_wait3A_21 = tpu.memref_slice %arg9[%dma_wait3A, %dma_wait3A_20] : memref<40x128xi32, #tpu.memory_space<vmem>> -> memref<1x128xi32, #tpu.memory_space<vmem>>
      %dma_wait3A_22 = tpu.memref_squeeze %dma_wait3A_21 : memref<1x128xi32, #tpu.memory_space<vmem>> -> memref<128xi32, #tpu.memory_space<vmem>>
      %dma_wait3A_23 = arith.constant 0 : i32
      %dma_wait3A_24 = arith.constant 0 : i32
      %dma_wait3A_25 = tpu.memref_slice %arg12[%dma_wait3A_23, %dma_wait3A_24] : memref<10016x128xf32, #tpu.memory_space<vmem_shared>> -> memref<10016x128xf32, #tpu.memory_space<vmem_shared>>
      tpu.wait_indirect_dma semaphore(%arg16 : memref<!tpu.dma_semaphore, #tpu.memory_space<semaphore_mem>>) src(%arg11 : memref<128x128xf32, #tpu.memory_space<vmem>>) dst(%dma_wait3A_25 : memref<10016x128xf32, #tpu.memory_space<vmem_shared>>)
      %run_scoped3A_26 = arith.constant 1 : i32
      "tpu.region"() ({
        %run_scoped3A_48 = tpu.sem_alloc : memref<!tpu.dma_semaphore, #tpu.memory_space<semaphore_mem>>
        %dma_start3A_49 = arith.constant 0 : i32
        %dma_start3A_50 = arith.constant 0 : i32
        %dma_start3A_51 = tpu.memref_slice %arg4[%arg1, %run_scoped3A_26, %dma_start3A_49, %dma_start3A_50] : memref<16x2x40x128xi32, #tpu.memory_space<hbm>> -> memref<1x1x40x128xi32, #tpu.memory_space<hbm>>
        %dma_start3A_52 = tpu.memref_squeeze %dma_start3A_51 : memref<1x1x40x128xi32, #tpu.memory_space<hbm>> -> memref<40x128xi32, #tpu.memory_space<hbm>>
        %dma_start3A_53 = arith.constant 0 : i32
        %dma_start3A_54 = arith.constant 0 : i32
        %dma_start3A_55 = tpu.memref_slice %arg4[%arg1, %run_scoped3A_26, %dma_start3A_53, %dma_start3A_54] : memref<16x2x40x128xi32, #tpu.memory_space<hbm>> -> memref<1x1x40x128xi32, #tpu.memory_space<hbm>>
        %dma_start3A_56 = tpu.memref_squeeze %dma_start3A_55 : memref<1x1x40x128xi32, #tpu.memory_space<hbm>> -> memref<40x128xi32, #tpu.memory_space<hbm>>
        tpu.enqueue_dma source(%dma_start3A_56 : memref<40x128xi32, #tpu.memory_space<hbm>>) target(%arg8 : memref<40x128xi32, #tpu.memory_space<vmem>>) target_semaphore(%run_scoped3A_48 : memref<!tpu.dma_semaphore, #tpu.memory_space<semaphore_mem>>)
        %dma_wait3A_57 = arith.constant 0 : i32
        %dma_wait3A_58 = arith.constant 0 : i32
        %dma_wait3A_59 = tpu.memref_slice %arg4[%arg1, %run_scoped3A_26, %dma_wait3A_57, %dma_wait3A_58] : memref<16x2x40x128xi32, #tpu.memory_space<hbm>> -> memref<1x1x40x128xi32, #tpu.memory_space<hbm>>
        %dma_wait3A_60 = tpu.memref_squeeze %dma_wait3A_59 : memref<1x1x40x128xi32, #tpu.memory_space<hbm>> -> memref<40x128xi32, #tpu.memory_space<hbm>>
        %dma_wait3A_61 = arith.constant 0 : i32
        %dma_wait3A_62 = arith.constant 0 : i32
        %dma_wait3A_63 = tpu.memref_slice %arg4[%arg1, %run_scoped3A_26, %dma_wait3A_61, %dma_wait3A_62] : memref<16x2x40x128xi32, #tpu.memory_space<hbm>> -> memref<1x1x40x128xi32, #tpu.memory_space<hbm>>
        %dma_wait3A_64 = tpu.memref_squeeze %dma_wait3A_63 : memref<1x1x40x128xi32, #tpu.memory_space<hbm>> -> memref<40x128xi32, #tpu.memory_space<hbm>>
        tpu.wait_dma2 semaphore(%run_scoped3A_48 : memref<!tpu.dma_semaphore, #tpu.memory_space<semaphore_mem>>) src(%dma_wait3A_64 : memref<40x128xi32, #tpu.memory_space<hbm>>) dst(%arg8 : memref<40x128xi32, #tpu.memory_space<vmem>>)
        tpu.yield
      }) : () -> ()
      %run_scoped3A_27 = arith.constant 1 : i32
      "tpu.region"() ({
        %run_scoped3A_48 = tpu.sem_alloc : memref<!tpu.dma_semaphore, #tpu.memory_space<semaphore_mem>>
        %dma_start3A_49 = arith.constant 0 : i32
        %dma_start3A_50 = arith.constant 0 : i32
        %dma_start3A_51 = tpu.memref_slice %arg5[%arg1, %run_scoped3A_27, %dma_start3A_49, %dma_start3A_50] : memref<16x2x40x128xi32, #tpu.memory_space<hbm>> -> memref<1x1x40x128xi32, #tpu.memory_space<hbm>>
        %dma_start3A_52 = tpu.memref_squeeze %dma_start3A_51 : memref<1x1x40x128xi32, #tpu.memory_space<hbm>> -> memref<40x128xi32, #tpu.memory_space<hbm>>
        %dma_start3A_53 = arith.constant 0 : i32
        %dma_start3A_54 = arith.constant 0 : i32
        %dma_start3A_55 = tpu.memref_slice %arg5[%arg1, %run_scoped3A_27, %dma_start3A_53, %dma_start3A_54] : memref<16x2x40x128xi32, #tpu.memory_space<hbm>> -> memref<1x1x40x128xi32, #tpu.memory_space<hbm>>
        %dma_start3A_56 = tpu.memref_squeeze %dma_start3A_55 : memref<1x1x40x128xi32, #tpu.memory_space<hbm>> -> memref<40x128xi32, #tpu.memory_space<hbm>>
        tpu.enqueue_dma source(%dma_start3A_56 : memref<40x128xi32, #tpu.memory_space<hbm>>) target(%arg9 : memref<40x128xi32, #tpu.memory_space<vmem>>) target_semaphore(%run_scoped3A_48 : memref<!tpu.dma_semaphore, #tpu.memory_space<semaphore_mem>>)
        %dma_wait3A_57 = arith.constant 0 : i32
        %dma_wait3A_58 = arith.constant 0 : i32
        %dma_wait3A_59 = tpu.memref_slice %arg5[%arg1, %run_scoped3A_27, %dma_wait3A_57, %dma_wait3A_58] : memref<16x2x40x128xi32, #tpu.memory_space<hbm>> -> memref<1x1x40x128xi32, #tpu.memory_space<hbm>>
        %dma_wait3A_60 = tpu.memref_squeeze %dma_wait3A_59 : memref<1x1x40x128xi32, #tpu.memory_space<hbm>> -> memref<40x128xi32, #tpu.memory_space<hbm>>
        %dma_wait3A_61 = arith.constant 0 : i32
        %dma_wait3A_62 = arith.constant 0 : i32
        %dma_wait3A_63 = tpu.memref_slice %arg5[%arg1, %run_scoped3A_27, %dma_wait3A_61, %dma_wait3A_62] : memref<16x2x40x128xi32, #tpu.memory_space<hbm>> -> memref<1x1x40x128xi32, #tpu.memory_space<hbm>>
        %dma_wait3A_64 = tpu.memref_squeeze %dma_wait3A_63 : memref<1x1x40x128xi32, #tpu.memory_space<hbm>> -> memref<40x128xi32, #tpu.memory_space<hbm>>
        tpu.wait_dma2 semaphore(%run_scoped3A_48 : memref<!tpu.dma_semaphore, #tpu.memory_space<semaphore_mem>>) src(%dma_wait3A_64 : memref<40x128xi32, #tpu.memory_space<hbm>>) dst(%arg9 : memref<40x128xi32, #tpu.memory_space<vmem>>)
        tpu.yield
      }) : () -> ()
      %dma_start3A_28 = arith.constant 0 : i32
      %dma_start3A_29 = arith.constant 0 : i32
      %dma_start3A_30 = tpu.memref_slice %arg8[%dma_start3A_28, %dma_start3A_29] : memref<40x128xi32, #tpu.memory_space<vmem>> -> memref<1x128xi32, #tpu.memory_space<vmem>>
      %dma_start3A_31 = tpu.memref_squeeze %dma_start3A_30 : memref<1x128xi32, #tpu.memory_space<vmem>> -> memref<128xi32, #tpu.memory_space<vmem>>
      %dma_start3A_32 = arith.constant 0 : i32
      %dma_start3A_33 = arith.constant 0 : i32
      %dma_start3A_34 = tpu.memref_slice %arg3[%dma_start3A_32, %dma_start3A_33] : memref<10000x128xf32, #tpu.memory_space<hbm>> -> memref<10000x128xf32, #tpu.memory_space<hbm>>
      tpu.enqueue_indirect_dma source(%dma_start3A_34 : memref<10000x128xf32, #tpu.memory_space<hbm>>) target(%arg10 : memref<128x128xf32, #tpu.memory_space<vmem>>) offsets(%dma_start3A_31 : memref<128xi32, #tpu.memory_space<vmem>>) semaphore(%arg13 : memref<!tpu.dma_semaphore, #tpu.memory_space<semaphore_mem>>)
      %scan3A_35 = arith.constant 0 : i32
      %scan3A_36 = arith.constant 20 : i32
      %scan3A_37 = arith.addi %scan3A_35, %scan3A_36 : i32
      %scan3A_38 = arith.constant 1 : i32
      scf.for %scan3A_48 = %scan3A_35 to %scan3A_37 step %scan3A_38  : i32 {
        %mul3A_49 = arith.constant 2 : i32
        %mul3A_50 = arith.muli %scan3A_48, %mul3A_49 : i32
        %add3A = arith.constant 0 : i32
        %add3A_51 = arith.addi %add3A, %mul3A_50 : i32
        %add3A_52 = arith.constant 0 : i32
        %add3A_53 = arith.addi %add3A_51, %add3A_52 : i32
        %gt3A = arith.constant 0 : i32
        %gt3A_54 = arith.cmpi sgt, %add3A_53, %gt3A : i32
        %convert_element_type3A_55 = arith.extui %gt3A_54 : i1 to i32
        %cond3A_56 = arith.constant 0 : i32
        %cond3A_57 = arith.cmpi ne, %convert_element_type3A_55, %cond3A_56 : i32
        scf.if %cond3A_57 {
          %sub3A = arith.constant 1 : i32
          %sub3A_103 = arith.subi %add3A_53, %sub3A : i32
          %dma_wait3A_104 = arith.constant 0 : i32
          %dma_wait3A_105 = tpu.memref_slice %arg9[%sub3A_103, %dma_wait3A_104] : memref<40x128xi32, #tpu.memory_space<vmem>> -> memref<1x128xi32, #tpu.memory_space<vmem>>
          %dma_wait3A_106 = tpu.memref_squeeze %dma_wait3A_105 : memref<1x128xi32, #tpu.memory_space<vmem>> -> memref<128xi32, #tpu.memory_space<vmem>>
          %dma_wait3A_107 = arith.constant 0 : i32
          %dma_wait3A_108 = arith.constant 0 : i32
          %dma_wait3A_109 = tpu.memref_slice %arg12[%dma_wait3A_107, %dma_wait3A_108] : memref<10016x128xf32, #tpu.memory_space<vmem_shared>> -> memref<10016x128xf32, #tpu.memory_space<vmem_shared>>
          tpu.wait_indirect_dma semaphore(%arg16 : memref<!tpu.dma_semaphore, #tpu.memory_space<semaphore_mem>>) src(%arg11 : memref<128x128xf32, #tpu.memory_space<vmem>>) dst(%dma_wait3A_109 : memref<10016x128xf32, #tpu.memory_space<vmem_shared>>)
        } else {
        }
        %add3A_58 = arith.constant 1 : i32
        %add3A_59 = arith.addi %add3A_53, %add3A_58 : i32
        %lt3A_60 = arith.constant 40 : i32
        %lt3A_61 = arith.cmpi slt, %add3A_59, %lt3A_60 : i32
        %convert_element_type3A_62 = arith.extui %lt3A_61 : i1 to i32
        %cond3A_63 = arith.constant 0 : i32
        %cond3A_64 = arith.cmpi ne, %convert_element_type3A_62, %cond3A_63 : i32
        scf.if %cond3A_64 {
          %add3A_103 = arith.constant 1 : i32
          %add3A_104 = arith.addi %add3A_53, %add3A_103 : i32
          %dma_start3A_105 = arith.constant 0 : i32
          %dma_start3A_106 = tpu.memref_slice %arg8[%add3A_104, %dma_start3A_105] : memref<40x128xi32, #tpu.memory_space<vmem>> -> memref<1x128xi32, #tpu.memory_space<vmem>>
          %dma_start3A_107 = tpu.memref_squeeze %dma_start3A_106 : memref<1x128xi32, #tpu.memory_space<vmem>> -> memref<128xi32, #tpu.memory_space<vmem>>
          %dma_start3A_108 = arith.constant 0 : i32
          %dma_start3A_109 = arith.constant 0 : i32
          %dma_start3A_110 = tpu.memref_slice %arg3[%dma_start3A_108, %dma_start3A_109] : memref<10000x128xf32, #tpu.memory_space<hbm>> -> memref<10000x128xf32, #tpu.memory_space<hbm>>
          tpu.enqueue_indirect_dma source(%dma_start3A_110 : memref<10000x128xf32, #tpu.memory_space<hbm>>) target(%arg11 : memref<128x128xf32, #tpu.memory_space<vmem>>) offsets(%dma_start3A_107 : memref<128xi32, #tpu.memory_space<vmem>>) semaphore(%arg14 : memref<!tpu.dma_semaphore, #tpu.memory_space<semaphore_mem>>)
        } else {
        }
        %dma_wait3A_65 = arith.constant 0 : i32
        %dma_wait3A_66 = tpu.memref_slice %arg8[%add3A_53, %dma_wait3A_65] : memref<40x128xi32, #tpu.memory_space<vmem>> -> memref<1x128xi32, #tpu.memory_space<vmem>>
        %dma_wait3A_67 = tpu.memref_squeeze %dma_wait3A_66 : memref<1x128xi32, #tpu.memory_space<vmem>> -> memref<128xi32, #tpu.memory_space<vmem>>
        %dma_wait3A_68 = arith.constant 0 : i32
        %dma_wait3A_69 = arith.constant 0 : i32
        %dma_wait3A_70 = tpu.memref_slice %arg3[%dma_wait3A_68, %dma_wait3A_69] : memref<10000x128xf32, #tpu.memory_space<hbm>> -> memref<10000x128xf32, #tpu.memory_space<hbm>>
        tpu.wait_indirect_dma semaphore(%arg13 : memref<!tpu.dma_semaphore, #tpu.memory_space<semaphore_mem>>) src(%dma_wait3A_70 : memref<10000x128xf32, #tpu.memory_space<hbm>>) dst(%arg10 : memref<128x128xf32, #tpu.memory_space<vmem>>)
        %dma_start3A_71 = arith.constant 0 : i32
        %dma_start3A_72 = tpu.memref_slice %arg9[%add3A_53, %dma_start3A_71] : memref<40x128xi32, #tpu.memory_space<vmem>> -> memref<1x128xi32, #tpu.memory_space<vmem>>
        %dma_start3A_73 = tpu.memref_squeeze %dma_start3A_72 : memref<1x128xi32, #tpu.memory_space<vmem>> -> memref<128xi32, #tpu.memory_space<vmem>>
        %dma_start3A_74 = arith.constant 0 : i32
        %dma_start3A_75 = arith.constant 0 : i32
        %dma_start3A_76 = tpu.memref_slice %arg12[%dma_start3A_74, %dma_start3A_75] : memref<10016x128xf32, #tpu.memory_space<vmem_shared>> -> memref<10016x128xf32, #tpu.memory_space<vmem_shared>>
        tpu.enqueue_indirect_dma source(%arg10 : memref<128x128xf32, #tpu.memory_space<vmem>>) target(%dma_start3A_76 : memref<10016x128xf32, #tpu.memory_space<vmem_shared>>) offsets(%dma_start3A_73 : memref<128xi32, #tpu.memory_space<vmem>>) semaphore(%arg15 : memref<!tpu.dma_semaphore, #tpu.memory_space<semaphore_mem>>) {add = true}
        %add3A_77 = arith.constant 1 : i32
        %add3A_78 = arith.addi %add3A_51, %add3A_77 : i32
        %gt3A_79 = arith.constant 0 : i32
        %gt3A_80 = arith.cmpi sgt, %add3A_78, %gt3A_79 : i32
        %convert_element_type3A_81 = arith.extui %gt3A_80 : i1 to i32
        %cond3A_82 = arith.constant 0 : i32
        %cond3A_83 = arith.cmpi ne, %convert_element_type3A_81, %cond3A_82 : i32
        scf.if %cond3A_83 {
          %sub3A = arith.constant 1 : i32
          %sub3A_103 = arith.subi %add3A_78, %sub3A : i32
          %dma_wait3A_104 = arith.constant 0 : i32
          %dma_wait3A_105 = tpu.memref_slice %arg9[%sub3A_103, %dma_wait3A_104] : memref<40x128xi32, #tpu.memory_space<vmem>> -> memref<1x128xi32, #tpu.memory_space<vmem>>
          %dma_wait3A_106 = tpu.memref_squeeze %dma_wait3A_105 : memref<1x128xi32, #tpu.memory_space<vmem>> -> memref<128xi32, #tpu.memory_space<vmem>>
          %dma_wait3A_107 = arith.constant 0 : i32
          %dma_wait3A_108 = arith.constant 0 : i32
          %dma_wait3A_109 = tpu.memref_slice %arg12[%dma_wait3A_107, %dma_wait3A_108] : memref<10016x128xf32, #tpu.memory_space<vmem_shared>> -> memref<10016x128xf32, #tpu.memory_space<vmem_shared>>
          tpu.wait_indirect_dma semaphore(%arg15 : memref<!tpu.dma_semaphore, #tpu.memory_space<semaphore_mem>>) src(%arg10 : memref<128x128xf32, #tpu.memory_space<vmem>>) dst(%dma_wait3A_109 : memref<10016x128xf32, #tpu.memory_space<vmem_shared>>)
        } else {
        }
        %add3A_84 = arith.constant 1 : i32
        %add3A_85 = arith.addi %add3A_78, %add3A_84 : i32
        %lt3A_86 = arith.constant 40 : i32
        %lt3A_87 = arith.cmpi slt, %add3A_85, %lt3A_86 : i32
        %convert_element_type3A_88 = arith.extui %lt3A_87 : i1 to i32
        %cond3A_89 = arith.constant 0 : i32
        %cond3A_90 = arith.cmpi ne, %convert_element_type3A_88, %cond3A_89 : i32
        scf.if %cond3A_90 {
          %add3A_103 = arith.constant 1 : i32
          %add3A_104 = arith.addi %add3A_78, %add3A_103 : i32
          %dma_start3A_105 = arith.constant 0 : i32
          %dma_start3A_106 = tpu.memref_slice %arg8[%add3A_104, %dma_start3A_105] : memref<40x128xi32, #tpu.memory_space<vmem>> -> memref<1x128xi32, #tpu.memory_space<vmem>>
          %dma_start3A_107 = tpu.memref_squeeze %dma_start3A_106 : memref<1x128xi32, #tpu.memory_space<vmem>> -> memref<128xi32, #tpu.memory_space<vmem>>
          %dma_start3A_108 = arith.constant 0 : i32
          %dma_start3A_109 = arith.constant 0 : i32
          %dma_start3A_110 = tpu.memref_slice %arg3[%dma_start3A_108, %dma_start3A_109] : memref<10000x128xf32, #tpu.memory_space<hbm>> -> memref<10000x128xf32, #tpu.memory_space<hbm>>
          tpu.enqueue_indirect_dma source(%dma_start3A_110 : memref<10000x128xf32, #tpu.memory_space<hbm>>) target(%arg10 : memref<128x128xf32, #tpu.memory_space<vmem>>) offsets(%dma_start3A_107 : memref<128xi32, #tpu.memory_space<vmem>>) semaphore(%arg13 : memref<!tpu.dma_semaphore, #tpu.memory_space<semaphore_mem>>)
        } else {
        }
        %dma_wait3A_91 = arith.constant 0 : i32
        %dma_wait3A_92 = tpu.memref_slice %arg8[%add3A_78, %dma_wait3A_91] : memref<40x128xi32, #tpu.memory_space<vmem>> -> memref<1x128xi32, #tpu.memory_space<vmem>>
        %dma_wait3A_93 = tpu.memref_squeeze %dma_wait3A_92 : memref<1x128xi32, #tpu.memory_space<vmem>> -> memref<128xi32, #tpu.memory_space<vmem>>
        %dma_wait3A_94 = arith.constant 0 : i32
        %dma_wait3A_95 = arith.constant 0 : i32
        %dma_wait3A_96 = tpu.memref_slice %arg3[%dma_wait3A_94, %dma_wait3A_95] : memref<10000x128xf32, #tpu.memory_space<hbm>> -> memref<10000x128xf32, #tpu.memory_space<hbm>>
        tpu.wait_indirect_dma semaphore(%arg14 : memref<!tpu.dma_semaphore, #tpu.memory_space<semaphore_mem>>) src(%dma_wait3A_96 : memref<10000x128xf32, #tpu.memory_space<hbm>>) dst(%arg11 : memref<128x128xf32, #tpu.memory_space<vmem>>)
        %dma_start3A_97 = arith.constant 0 : i32
        %dma_start3A_98 = tpu.memref_slice %arg9[%add3A_78, %dma_start3A_97] : memref<40x128xi32, #tpu.memory_space<vmem>> -> memref<1x128xi32, #tpu.memory_space<vmem>>
        %dma_start3A_99 = tpu.memref_squeeze %dma_start3A_98 : memref<1x128xi32, #tpu.memory_space<vmem>> -> memref<128xi32, #tpu.memory_space<vmem>>
        %dma_start3A_100 = arith.constant 0 : i32
        %dma_start3A_101 = arith.constant 0 : i32
        %dma_start3A_102 = tpu.memref_slice %arg12[%dma_start3A_100, %dma_start3A_101] : memref<10016x128xf32, #tpu.memory_space<vmem_shared>> -> memref<10016x128xf32, #tpu.memory_space<vmem_shared>>
        tpu.enqueue_indirect_dma source(%arg11 : memref<128x128xf32, #tpu.memory_space<vmem>>) target(%dma_start3A_102 : memref<10016x128xf32, #tpu.memory_space<vmem_shared>>) offsets(%dma_start3A_99 : memref<128xi32, #tpu.memory_space<vmem>>) semaphore(%arg16 : memref<!tpu.dma_semaphore, #tpu.memory_space<semaphore_mem>>) {add = true}
      }
      %scan3A_39 = arith.constant 20 : i32
      %dma_wait3A_40 = arith.constant 39 : i32
      %dma_wait3A_41 = arith.constant 0 : i32
      %dma_wait3A_42 = tpu.memref_slice %arg9[%dma_wait3A_40, %dma_wait3A_41] : memref<40x128xi32, #tpu.memory_space<vmem>> -> memref<1x128xi32, #tpu.memory_space<vmem>>
      %dma_wait3A_43 = tpu.memref_squeeze %dma_wait3A_42 : memref<1x128xi32, #tpu.memory_space<vmem>> -> memref<128xi32, #tpu.memory_space<vmem>>
      %dma_wait3A_44 = arith.constant 0 : i32
      %dma_wait3A_45 = arith.constant 0 : i32
      %dma_wait3A_46 = tpu.memref_slice %arg12[%dma_wait3A_44, %dma_wait3A_45] : memref<10016x128xf32, #tpu.memory_space<vmem_shared>> -> memref<10016x128xf32, #tpu.memory_space<vmem_shared>>
      tpu.wait_indirect_dma semaphore(%arg16 : memref<!tpu.dma_semaphore, #tpu.memory_space<semaphore_mem>>) src(%arg11 : memref<128x128xf32, #tpu.memory_space<vmem>>) dst(%dma_wait3A_46 : memref<10016x128xf32, #tpu.memory_space<vmem_shared>>)
      %barrier3A_47 = arith.constant 0 : index
      tpu.barrier barrier_id(%barrier3A_47)
      "tpu.region"() ({
        %run_scoped3A_48 = tpu.sem_alloc : memref<!tpu.dma_semaphore, #tpu.memory_space<semaphore_mem>>
        %dma_start3A_49 = arith.constant 0 : i32
        %dma_start3A_50 = tpu.memref_slice %arg7[%multiple_of3A, %dma_start3A_49] : memref<10000x128xf32, #tpu.memory_space<hbm>> -> memref<632x128xf32, #tpu.memory_space<hbm>>
        %dma_start3A_51 = arith.constant 0 : i32
        %dma_start3A_52 = tpu.memref_slice %arg12[%multiple_of3A, %dma_start3A_51] : memref<10016x128xf32, #tpu.memory_space<vmem_shared>> -> memref<632x128xf32, #tpu.memory_space<vmem_shared>>
        tpu.enqueue_dma source(%dma_start3A_52 : memref<632x128xf32, #tpu.memory_space<vmem_shared>>) target(%dma_start3A_50 : memref<632x128xf32, #tpu.memory_space<hbm>>) target_semaphore(%run_scoped3A_48 : memref<!tpu.dma_semaphore, #tpu.memory_space<semaphore_mem>>)
        %dma_wait3A_53 = arith.constant 0 : i32
        %dma_wait3A_54 = tpu.memref_slice %arg7[%multiple_of3A, %dma_wait3A_53] : memref<10000x128xf32, #tpu.memory_space<hbm>> -> memref<632x128xf32, #tpu.memory_space<hbm>>
        %dma_wait3A_55 = arith.constant 0 : i32
        %dma_wait3A_56 = tpu.memref_slice %arg12[%multiple_of3A, %dma_wait3A_55] : memref<10016x128xf32, #tpu.memory_space<vmem_shared>> -> memref<632x128xf32, #tpu.memory_space<vmem_shared>>
        tpu.wait_dma2 semaphore(%run_scoped3A_48 : memref<!tpu.dma_semaphore, #tpu.memory_space<semaphore_mem>>) src(%dma_wait3A_56 : memref<632x128xf32, #tpu.memory_space<vmem_shared>>) dst(%dma_wait3A_54 : memref<632x128xf32, #tpu.memory_space<hbm>>)
        tpu.yield
      }) : () -> ()
    } else {
    }
    return
  }
}

#map = affine_map<(d0, d1) -> (0, 0, 0, 0)>
#map1 = affine_map<(d0, d1) -> (0, 0)>
module attributes {stable_mosaic.version = 14 : i64} {
  func.func @_sc_deg_body(%arg0: i32, %arg1: i32, %arg2: memref<16x2x40x128xi32, #tpu.memory_space<hbm>>, %arg3: memref<632x128xf32, #tpu.memory_space<hbm>>, %arg4: memref<10000x128xf32, #tpu.memory_space<hbm>>, %arg5: memref<10000x128xf32, #tpu.memory_space<hbm>>, %arg6: memref<40x128xi32, #tpu.memory_space<vmem>>, %arg7: memref<128x128xf32, #tpu.memory_space<vmem>>, %arg8: memref<10016x128xf32, #tpu.memory_space<vmem_shared>>, %arg9: memref<!tpu.dma_semaphore, #tpu.memory_space<semaphore_mem>>) attributes {dimension_semantics = [#tpu.dimension_semantics<core_parallel>, #tpu.dimension_semantics<subcore_parallel>], iteration_bounds = array<i64: 2, 16>, scalar_prefetch = 0 : i64, scratch_operands = 4 : i64, tpu.core_type = #tpu.core_type<sc_vector_subcore>, window_params = [{transform_indices = #map}, {transform_indices = #map1}, {transform_indices = #map1}, {transform_indices = #map1}]} {
    %lt3A = arith.constant 15 : i32
    %lt3A_0 = arith.cmpi slt, %arg1, %lt3A : i32
    %mul3A = arith.constant 632 : i32
    %mul3A_1 = arith.muli %arg1, %mul3A : i32
    %jit3A = arith.constant 9368 : i32
    %select_n3A = arith.select %lt3A_0, %mul3A_1, %jit3A : i32
    %multiple_of3A = tpu.assume_multiple %select_n3A, 8 : i32
    "tpu.region"() ({
      %run_scoped3A = tpu.sem_alloc : memref<!tpu.dma_semaphore, #tpu.memory_space<semaphore_mem>>
      %dma_start3A = arith.constant 0 : i32
      %dma_start3A_17 = tpu.memref_slice %arg8[%multiple_of3A, %dma_start3A] : memref<10016x128xf32, #tpu.memory_space<vmem_shared>> -> memref<632x128xf32, #tpu.memory_space<vmem_shared>>
      tpu.enqueue_dma source(%arg3 : memref<632x128xf32, #tpu.memory_space<hbm>>) target(%dma_start3A_17 : memref<632x128xf32, #tpu.memory_space<vmem_shared>>) target_semaphore(%run_scoped3A : memref<!tpu.dma_semaphore, #tpu.memory_space<semaphore_mem>>)
      %dma_wait3A = arith.constant 0 : i32
      %dma_wait3A_18 = tpu.memref_slice %arg8[%multiple_of3A, %dma_wait3A] : memref<10016x128xf32, #tpu.memory_space<vmem_shared>> -> memref<632x128xf32, #tpu.memory_space<vmem_shared>>
      tpu.wait_dma2 semaphore(%run_scoped3A : memref<!tpu.dma_semaphore, #tpu.memory_space<semaphore_mem>>) src(%arg3 : memref<632x128xf32, #tpu.memory_space<hbm>>) dst(%dma_wait3A_18 : memref<632x128xf32, #tpu.memory_space<vmem_shared>>)
      tpu.yield
    }) : () -> ()
    "tpu.region"() ({
      %run_scoped3A = tpu.sem_alloc : memref<!tpu.dma_semaphore, #tpu.memory_space<semaphore_mem>>
      %dma_start3A = arith.constant 0 : i32
      %dma_start3A_17 = arith.constant 0 : i32
      %dma_start3A_18 = tpu.memref_slice %arg3[%dma_start3A, %dma_start3A_17] : memref<632x128xf32, #tpu.memory_space<hbm>> -> memref<128x128xf32, #tpu.memory_space<hbm>>
      %dma_start3A_19 = arith.constant 0 : i32
      %dma_start3A_20 = arith.constant 0 : i32
      %dma_start3A_21 = tpu.memref_slice %arg3[%dma_start3A_19, %dma_start3A_20] : memref<632x128xf32, #tpu.memory_space<hbm>> -> memref<128x128xf32, #tpu.memory_space<hbm>>
      tpu.enqueue_dma source(%dma_start3A_21 : memref<128x128xf32, #tpu.memory_space<hbm>>) target(%arg7 : memref<128x128xf32, #tpu.memory_space<vmem>>) target_semaphore(%run_scoped3A : memref<!tpu.dma_semaphore, #tpu.memory_space<semaphore_mem>>)
      %dma_wait3A = arith.constant 0 : i32
      %dma_wait3A_22 = arith.constant 0 : i32
      %dma_wait3A_23 = tpu.memref_slice %arg3[%dma_wait3A, %dma_wait3A_22] : memref<632x128xf32, #tpu.memory_space<hbm>> -> memref<128x128xf32, #tpu.memory_space<hbm>>
      %dma_wait3A_24 = arith.constant 0 : i32
      %dma_wait3A_25 = arith.constant 0 : i32
      %dma_wait3A_26 = tpu.memref_slice %arg3[%dma_wait3A_24, %dma_wait3A_25] : memref<632x128xf32, #tpu.memory_space<hbm>> -> memref<128x128xf32, #tpu.memory_space<hbm>>
      tpu.wait_dma2 semaphore(%run_scoped3A : memref<!tpu.dma_semaphore, #tpu.memory_space<semaphore_mem>>) src(%dma_wait3A_26 : memref<128x128xf32, #tpu.memory_space<hbm>>) dst(%arg7 : memref<128x128xf32, #tpu.memory_space<vmem>>)
      tpu.yield
    }) : () -> ()
    %mul3A_2 = arith.constant 1 : i32
    %mul3A_3 = arith.muli %arg0, %mul3A_2 : i32
    %add3A = arith.constant 0 : i32
    %add3A_4 = arith.addi %mul3A_3, %add3A : i32
    "tpu.region"() ({
      %run_scoped3A = tpu.sem_alloc : memref<!tpu.dma_semaphore, #tpu.memory_space<semaphore_mem>>
      %dma_start3A = arith.constant 0 : i32
      %dma_start3A_17 = arith.constant 0 : i32
      %dma_start3A_18 = tpu.memref_slice %arg2[%arg1, %add3A_4, %dma_start3A, %dma_start3A_17] : memref<16x2x40x128xi32, #tpu.memory_space<hbm>> -> memref<1x1x40x128xi32, #tpu.memory_space<hbm>>
      %dma_start3A_19 = tpu.memref_squeeze %dma_start3A_18 : memref<1x1x40x128xi32, #tpu.memory_space<hbm>> -> memref<40x128xi32, #tpu.memory_space<hbm>>
      %dma_start3A_20 = arith.constant 0 : i32
      %dma_start3A_21 = arith.constant 0 : i32
      %dma_start3A_22 = tpu.memref_slice %arg2[%arg1, %add3A_4, %dma_start3A_20, %dma_start3A_21] : memref<16x2x40x128xi32, #tpu.memory_space<hbm>> -> memref<1x1x40x128xi32, #tpu.memory_space<hbm>>
      %dma_start3A_23 = tpu.memref_squeeze %dma_start3A_22 : memref<1x1x40x128xi32, #tpu.memory_space<hbm>> -> memref<40x128xi32, #tpu.memory_space<hbm>>
      tpu.enqueue_dma source(%dma_start3A_23 : memref<40x128xi32, #tpu.memory_space<hbm>>) target(%arg6 : memref<40x128xi32, #tpu.memory_space<vmem>>) target_semaphore(%run_scoped3A : memref<!tpu.dma_semaphore, #tpu.memory_space<semaphore_mem>>)
      %dma_wait3A = arith.constant 0 : i32
      %dma_wait3A_24 = arith.constant 0 : i32
      %dma_wait3A_25 = tpu.memref_slice %arg2[%arg1, %add3A_4, %dma_wait3A, %dma_wait3A_24] : memref<16x2x40x128xi32, #tpu.memory_space<hbm>> -> memref<1x1x40x128xi32, #tpu.memory_space<hbm>>
      %dma_wait3A_26 = tpu.memref_squeeze %dma_wait3A_25 : memref<1x1x40x128xi32, #tpu.memory_space<hbm>> -> memref<40x128xi32, #tpu.memory_space<hbm>>
      %dma_wait3A_27 = arith.constant 0 : i32
      %dma_wait3A_28 = arith.constant 0 : i32
      %dma_wait3A_29 = tpu.memref_slice %arg2[%arg1, %add3A_4, %dma_wait3A_27, %dma_wait3A_28] : memref<16x2x40x128xi32, #tpu.memory_space<hbm>> -> memref<1x1x40x128xi32, #tpu.memory_space<hbm>>
      %dma_wait3A_30 = tpu.memref_squeeze %dma_wait3A_29 : memref<1x1x40x128xi32, #tpu.memory_space<hbm>> -> memref<40x128xi32, #tpu.memory_space<hbm>>
      tpu.wait_dma2 semaphore(%run_scoped3A : memref<!tpu.dma_semaphore, #tpu.memory_space<semaphore_mem>>) src(%dma_wait3A_30 : memref<40x128xi32, #tpu.memory_space<hbm>>) dst(%arg6 : memref<40x128xi32, #tpu.memory_space<vmem>>)
      tpu.yield
    }) : () -> ()
    %barrier3A = arith.constant 0 : index
    tpu.barrier barrier_id(%barrier3A)
    %scan3A = arith.constant 0 : i32
    %scan3A_5 = arith.constant 5 : i32
    %scan3A_6 = arith.addi %scan3A, %scan3A_5 : i32
    %scan3A_7 = arith.constant 1 : i32
    scf.for %scan3A_17 = %scan3A to %scan3A_6 step %scan3A_7  : i32 {
      %mul3A_18 = arith.constant 8 : i32
      %mul3A_19 = arith.muli %scan3A_17, %mul3A_18 : i32
      %add3A_20 = arith.constant 0 : i32
      %add3A_21 = arith.addi %add3A_20, %mul3A_19 : i32
      %add3A_22 = arith.constant 0 : i32
      %add3A_23 = arith.addi %add3A_21, %add3A_22 : i32
      %dma_start3A = arith.constant 0 : i32
      %dma_start3A_24 = tpu.memref_slice %arg6[%add3A_23, %dma_start3A] : memref<40x128xi32, #tpu.memory_space<vmem>> -> memref<1x128xi32, #tpu.memory_space<vmem>>
      %dma_start3A_25 = tpu.memref_squeeze %dma_start3A_24 : memref<1x128xi32, #tpu.memory_space<vmem>> -> memref<128xi32, #tpu.memory_space<vmem>>
      %dma_start3A_26 = arith.constant 0 : i32
      %dma_start3A_27 = arith.constant 0 : i32
      %dma_start3A_28 = tpu.memref_slice %arg8[%dma_start3A_26, %dma_start3A_27] : memref<10016x128xf32, #tpu.memory_space<vmem_shared>> -> memref<10016x128xf32, #tpu.memory_space<vmem_shared>>
      tpu.enqueue_indirect_dma source(%arg7 : memref<128x128xf32, #tpu.memory_space<vmem>>) target(%dma_start3A_28 : memref<10016x128xf32, #tpu.memory_space<vmem_shared>>) offsets(%dma_start3A_25 : memref<128xi32, #tpu.memory_space<vmem>>) semaphore(%arg9 : memref<!tpu.dma_semaphore, #tpu.memory_space<semaphore_mem>>) {add = true}
      %add3A_29 = arith.constant 1 : i32
      %add3A_30 = arith.addi %add3A_21, %add3A_29 : i32
      %dma_start3A_31 = arith.constant 0 : i32
      %dma_start3A_32 = tpu.memref_slice %arg6[%add3A_30, %dma_start3A_31] : memref<40x128xi32, #tpu.memory_space<vmem>> -> memref<1x128xi32, #tpu.memory_space<vmem>>
      %dma_start3A_33 = tpu.memref_squeeze %dma_start3A_32 : memref<1x128xi32, #tpu.memory_space<vmem>> -> memref<128xi32, #tpu.memory_space<vmem>>
      %dma_start3A_34 = arith.constant 0 : i32
      %dma_start3A_35 = arith.constant 0 : i32
      %dma_start3A_36 = tpu.memref_slice %arg8[%dma_start3A_34, %dma_start3A_35] : memref<10016x128xf32, #tpu.memory_space<vmem_shared>> -> memref<10016x128xf32, #tpu.memory_space<vmem_shared>>
      tpu.enqueue_indirect_dma source(%arg7 : memref<128x128xf32, #tpu.memory_space<vmem>>) target(%dma_start3A_36 : memref<10016x128xf32, #tpu.memory_space<vmem_shared>>) offsets(%dma_start3A_33 : memref<128xi32, #tpu.memory_space<vmem>>) semaphore(%arg9 : memref<!tpu.dma_semaphore, #tpu.memory_space<semaphore_mem>>) {add = true}
      %add3A_37 = arith.constant 2 : i32
      %add3A_38 = arith.addi %add3A_21, %add3A_37 : i32
      %dma_start3A_39 = arith.constant 0 : i32
      %dma_start3A_40 = tpu.memref_slice %arg6[%add3A_38, %dma_start3A_39] : memref<40x128xi32, #tpu.memory_space<vmem>> -> memref<1x128xi32, #tpu.memory_space<vmem>>
      %dma_start3A_41 = tpu.memref_squeeze %dma_start3A_40 : memref<1x128xi32, #tpu.memory_space<vmem>> -> memref<128xi32, #tpu.memory_space<vmem>>
      %dma_start3A_42 = arith.constant 0 : i32
      %dma_start3A_43 = arith.constant 0 : i32
      %dma_start3A_44 = tpu.memref_slice %arg8[%dma_start3A_42, %dma_start3A_43] : memref<10016x128xf32, #tpu.memory_space<vmem_shared>> -> memref<10016x128xf32, #tpu.memory_space<vmem_shared>>
      tpu.enqueue_indirect_dma source(%arg7 : memref<128x128xf32, #tpu.memory_space<vmem>>) target(%dma_start3A_44 : memref<10016x128xf32, #tpu.memory_space<vmem_shared>>) offsets(%dma_start3A_41 : memref<128xi32, #tpu.memory_space<vmem>>) semaphore(%arg9 : memref<!tpu.dma_semaphore, #tpu.memory_space<semaphore_mem>>) {add = true}
      %add3A_45 = arith.constant 3 : i32
      %add3A_46 = arith.addi %add3A_21, %add3A_45 : i32
      %dma_start3A_47 = arith.constant 0 : i32
      %dma_start3A_48 = tpu.memref_slice %arg6[%add3A_46, %dma_start3A_47] : memref<40x128xi32, #tpu.memory_space<vmem>> -> memref<1x128xi32, #tpu.memory_space<vmem>>
      %dma_start3A_49 = tpu.memref_squeeze %dma_start3A_48 : memref<1x128xi32, #tpu.memory_space<vmem>> -> memref<128xi32, #tpu.memory_space<vmem>>
      %dma_start3A_50 = arith.constant 0 : i32
      %dma_start3A_51 = arith.constant 0 : i32
      %dma_start3A_52 = tpu.memref_slice %arg8[%dma_start3A_50, %dma_start3A_51] : memref<10016x128xf32, #tpu.memory_space<vmem_shared>> -> memref<10016x128xf32, #tpu.memory_space<vmem_shared>>
      tpu.enqueue_indirect_dma source(%arg7 : memref<128x128xf32, #tpu.memory_space<vmem>>) target(%dma_start3A_52 : memref<10016x128xf32, #tpu.memory_space<vmem_shared>>) offsets(%dma_start3A_49 : memref<128xi32, #tpu.memory_space<vmem>>) semaphore(%arg9 : memref<!tpu.dma_semaphore, #tpu.memory_space<semaphore_mem>>) {add = true}
      %add3A_53 = arith.constant 4 : i32
      %add3A_54 = arith.addi %add3A_21, %add3A_53 : i32
      %dma_start3A_55 = arith.constant 0 : i32
      %dma_start3A_56 = tpu.memref_slice %arg6[%add3A_54, %dma_start3A_55] : memref<40x128xi32, #tpu.memory_space<vmem>> -> memref<1x128xi32, #tpu.memory_space<vmem>>
      %dma_start3A_57 = tpu.memref_squeeze %dma_start3A_56 : memref<1x128xi32, #tpu.memory_space<vmem>> -> memref<128xi32, #tpu.memory_space<vmem>>
      %dma_start3A_58 = arith.constant 0 : i32
      %dma_start3A_59 = arith.constant 0 : i32
      %dma_start3A_60 = tpu.memref_slice %arg8[%dma_start3A_58, %dma_start3A_59] : memref<10016x128xf32, #tpu.memory_space<vmem_shared>> -> memref<10016x128xf32, #tpu.memory_space<vmem_shared>>
      tpu.enqueue_indirect_dma source(%arg7 : memref<128x128xf32, #tpu.memory_space<vmem>>) target(%dma_start3A_60 : memref<10016x128xf32, #tpu.memory_space<vmem_shared>>) offsets(%dma_start3A_57 : memref<128xi32, #tpu.memory_space<vmem>>) semaphore(%arg9 : memref<!tpu.dma_semaphore, #tpu.memory_space<semaphore_mem>>) {add = true}
      %add3A_61 = arith.constant 5 : i32
      %add3A_62 = arith.addi %add3A_21, %add3A_61 : i32
      %dma_start3A_63 = arith.constant 0 : i32
      %dma_start3A_64 = tpu.memref_slice %arg6[%add3A_62, %dma_start3A_63] : memref<40x128xi32, #tpu.memory_space<vmem>> -> memref<1x128xi32, #tpu.memory_space<vmem>>
      %dma_start3A_65 = tpu.memref_squeeze %dma_start3A_64 : memref<1x128xi32, #tpu.memory_space<vmem>> -> memref<128xi32, #tpu.memory_space<vmem>>
      %dma_start3A_66 = arith.constant 0 : i32
      %dma_start3A_67 = arith.constant 0 : i32
      %dma_start3A_68 = tpu.memref_slice %arg8[%dma_start3A_66, %dma_start3A_67] : memref<10016x128xf32, #tpu.memory_space<vmem_shared>> -> memref<10016x128xf32, #tpu.memory_space<vmem_shared>>
      tpu.enqueue_indirect_dma source(%arg7 : memref<128x128xf32, #tpu.memory_space<vmem>>) target(%dma_start3A_68 : memref<10016x128xf32, #tpu.memory_space<vmem_shared>>) offsets(%dma_start3A_65 : memref<128xi32, #tpu.memory_space<vmem>>) semaphore(%arg9 : memref<!tpu.dma_semaphore, #tpu.memory_space<semaphore_mem>>) {add = true}
      %add3A_69 = arith.constant 6 : i32
      %add3A_70 = arith.addi %add3A_21, %add3A_69 : i32
      %dma_start3A_71 = arith.constant 0 : i32
      %dma_start3A_72 = tpu.memref_slice %arg6[%add3A_70, %dma_start3A_71] : memref<40x128xi32, #tpu.memory_space<vmem>> -> memref<1x128xi32, #tpu.memory_space<vmem>>
      %dma_start3A_73 = tpu.memref_squeeze %dma_start3A_72 : memref<1x128xi32, #tpu.memory_space<vmem>> -> memref<128xi32, #tpu.memory_space<vmem>>
      %dma_start3A_74 = arith.constant 0 : i32
      %dma_start3A_75 = arith.constant 0 : i32
      %dma_start3A_76 = tpu.memref_slice %arg8[%dma_start3A_74, %dma_start3A_75] : memref<10016x128xf32, #tpu.memory_space<vmem_shared>> -> memref<10016x128xf32, #tpu.memory_space<vmem_shared>>
      tpu.enqueue_indirect_dma source(%arg7 : memref<128x128xf32, #tpu.memory_space<vmem>>) target(%dma_start3A_76 : memref<10016x128xf32, #tpu.memory_space<vmem_shared>>) offsets(%dma_start3A_73 : memref<128xi32, #tpu.memory_space<vmem>>) semaphore(%arg9 : memref<!tpu.dma_semaphore, #tpu.memory_space<semaphore_mem>>) {add = true}
      %add3A_77 = arith.constant 7 : i32
      %add3A_78 = arith.addi %add3A_21, %add3A_77 : i32
      %dma_start3A_79 = arith.constant 0 : i32
      %dma_start3A_80 = tpu.memref_slice %arg6[%add3A_78, %dma_start3A_79] : memref<40x128xi32, #tpu.memory_space<vmem>> -> memref<1x128xi32, #tpu.memory_space<vmem>>
      %dma_start3A_81 = tpu.memref_squeeze %dma_start3A_80 : memref<1x128xi32, #tpu.memory_space<vmem>> -> memref<128xi32, #tpu.memory_space<vmem>>
      %dma_start3A_82 = arith.constant 0 : i32
      %dma_start3A_83 = arith.constant 0 : i32
      %dma_start3A_84 = tpu.memref_slice %arg8[%dma_start3A_82, %dma_start3A_83] : memref<10016x128xf32, #tpu.memory_space<vmem_shared>> -> memref<10016x128xf32, #tpu.memory_space<vmem_shared>>
      tpu.enqueue_indirect_dma source(%arg7 : memref<128x128xf32, #tpu.memory_space<vmem>>) target(%dma_start3A_84 : memref<10016x128xf32, #tpu.memory_space<vmem_shared>>) offsets(%dma_start3A_81 : memref<128xi32, #tpu.memory_space<vmem>>) semaphore(%arg9 : memref<!tpu.dma_semaphore, #tpu.memory_space<semaphore_mem>>) {add = true}
      %add3A_85 = arith.constant 0 : i32
      %add3A_86 = arith.addi %add3A_21, %add3A_85 : i32
      %dma_wait3A = arith.constant 0 : i32
      %dma_wait3A_87 = tpu.memref_slice %arg6[%add3A_86, %dma_wait3A] : memref<40x128xi32, #tpu.memory_space<vmem>> -> memref<1x128xi32, #tpu.memory_space<vmem>>
      %dma_wait3A_88 = tpu.memref_squeeze %dma_wait3A_87 : memref<1x128xi32, #tpu.memory_space<vmem>> -> memref<128xi32, #tpu.memory_space<vmem>>
      %dma_wait3A_89 = arith.constant 0 : i32
      %dma_wait3A_90 = arith.constant 0 : i32
      %dma_wait3A_91 = tpu.memref_slice %arg8[%dma_wait3A_89, %dma_wait3A_90] : memref<10016x128xf32, #tpu.memory_space<vmem_shared>> -> memref<10016x128xf32, #tpu.memory_space<vmem_shared>>
      tpu.wait_indirect_dma semaphore(%arg9 : memref<!tpu.dma_semaphore, #tpu.memory_space<semaphore_mem>>) src(%arg7 : memref<128x128xf32, #tpu.memory_space<vmem>>) dst(%dma_wait3A_91 : memref<10016x128xf32, #tpu.memory_space<vmem_shared>>)
      %add3A_92 = arith.constant 1 : i32
      %add3A_93 = arith.addi %add3A_21, %add3A_92 : i32
      %dma_wait3A_94 = arith.constant 0 : i32
      %dma_wait3A_95 = tpu.memref_slice %arg6[%add3A_93, %dma_wait3A_94] : memref<40x128xi32, #tpu.memory_space<vmem>> -> memref<1x128xi32, #tpu.memory_space<vmem>>
      %dma_wait3A_96 = tpu.memref_squeeze %dma_wait3A_95 : memref<1x128xi32, #tpu.memory_space<vmem>> -> memref<128xi32, #tpu.memory_space<vmem>>
      %dma_wait3A_97 = arith.constant 0 : i32
      %dma_wait3A_98 = arith.constant 0 : i32
      %dma_wait3A_99 = tpu.memref_slice %arg8[%dma_wait3A_97, %dma_wait3A_98] : memref<10016x128xf32, #tpu.memory_space<vmem_shared>> -> memref<10016x128xf32, #tpu.memory_space<vmem_shared>>
      tpu.wait_indirect_dma semaphore(%arg9 : memref<!tpu.dma_semaphore, #tpu.memory_space<semaphore_mem>>) src(%arg7 : memref<128x128xf32, #tpu.memory_space<vmem>>) dst(%dma_wait3A_99 : memref<10016x128xf32, #tpu.memory_space<vmem_shared>>)
      %add3A_100 = arith.constant 2 : i32
      %add3A_101 = arith.addi %add3A_21, %add3A_100 : i32
      %dma_wait3A_102 = arith.constant 0 : i32
      %dma_wait3A_103 = tpu.memref_slice %arg6[%add3A_101, %dma_wait3A_102] : memref<40x128xi32, #tpu.memory_space<vmem>> -> memref<1x128xi32, #tpu.memory_space<vmem>>
      %dma_wait3A_104 = tpu.memref_squeeze %dma_wait3A_103 : memref<1x128xi32, #tpu.memory_space<vmem>> -> memref<128xi32, #tpu.memory_space<vmem>>
      %dma_wait3A_105 = arith.constant 0 : i32
      %dma_wait3A_106 = arith.constant 0 : i32
      %dma_wait3A_107 = tpu.memref_slice %arg8[%dma_wait3A_105, %dma_wait3A_106] : memref<10016x128xf32, #tpu.memory_space<vmem_shared>> -> memref<10016x128xf32, #tpu.memory_space<vmem_shared>>
      tpu.wait_indirect_dma semaphore(%arg9 : memref<!tpu.dma_semaphore, #tpu.memory_space<semaphore_mem>>) src(%arg7 : memref<128x128xf32, #tpu.memory_space<vmem>>) dst(%dma_wait3A_107 : memref<10016x128xf32, #tpu.memory_space<vmem_shared>>)
      %add3A_108 = arith.constant 3 : i32
      %add3A_109 = arith.addi %add3A_21, %add3A_108 : i32
      %dma_wait3A_110 = arith.constant 0 : i32
      %dma_wait3A_111 = tpu.memref_slice %arg6[%add3A_109, %dma_wait3A_110] : memref<40x128xi32, #tpu.memory_space<vmem>> -> memref<1x128xi32, #tpu.memory_space<vmem>>
      %dma_wait3A_112 = tpu.memref_squeeze %dma_wait3A_111 : memref<1x128xi32, #tpu.memory_space<vmem>> -> memref<128xi32, #tpu.memory_space<vmem>>
      %dma_wait3A_113 = arith.constant 0 : i32
      %dma_wait3A_114 = arith.constant 0 : i32
      %dma_wait3A_115 = tpu.memref_slice %arg8[%dma_wait3A_113, %dma_wait3A_114] : memref<10016x128xf32, #tpu.memory_space<vmem_shared>> -> memref<10016x128xf32, #tpu.memory_space<vmem_shared>>
      tpu.wait_indirect_dma semaphore(%arg9 : memref<!tpu.dma_semaphore, #tpu.memory_space<semaphore_mem>>) src(%arg7 : memref<128x128xf32, #tpu.memory_space<vmem>>) dst(%dma_wait3A_115 : memref<10016x128xf32, #tpu.memory_space<vmem_shared>>)
      %add3A_116 = arith.constant 4 : i32
      %add3A_117 = arith.addi %add3A_21, %add3A_116 : i32
      %dma_wait3A_118 = arith.constant 0 : i32
      %dma_wait3A_119 = tpu.memref_slice %arg6[%add3A_117, %dma_wait3A_118] : memref<40x128xi32, #tpu.memory_space<vmem>> -> memref<1x128xi32, #tpu.memory_space<vmem>>
      %dma_wait3A_120 = tpu.memref_squeeze %dma_wait3A_119 : memref<1x128xi32, #tpu.memory_space<vmem>> -> memref<128xi32, #tpu.memory_space<vmem>>
      %dma_wait3A_121 = arith.constant 0 : i32
      %dma_wait3A_122 = arith.constant 0 : i32
      %dma_wait3A_123 = tpu.memref_slice %arg8[%dma_wait3A_121, %dma_wait3A_122] : memref<10016x128xf32, #tpu.memory_space<vmem_shared>> -> memref<10016x128xf32, #tpu.memory_space<vmem_shared>>
      tpu.wait_indirect_dma semaphore(%arg9 : memref<!tpu.dma_semaphore, #tpu.memory_space<semaphore_mem>>) src(%arg7 : memref<128x128xf32, #tpu.memory_space<vmem>>) dst(%dma_wait3A_123 : memref<10016x128xf32, #tpu.memory_space<vmem_shared>>)
      %add3A_124 = arith.constant 5 : i32
      %add3A_125 = arith.addi %add3A_21, %add3A_124 : i32
      %dma_wait3A_126 = arith.constant 0 : i32
      %dma_wait3A_127 = tpu.memref_slice %arg6[%add3A_125, %dma_wait3A_126] : memref<40x128xi32, #tpu.memory_space<vmem>> -> memref<1x128xi32, #tpu.memory_space<vmem>>
      %dma_wait3A_128 = tpu.memref_squeeze %dma_wait3A_127 : memref<1x128xi32, #tpu.memory_space<vmem>> -> memref<128xi32, #tpu.memory_space<vmem>>
      %dma_wait3A_129 = arith.constant 0 : i32
      %dma_wait3A_130 = arith.constant 0 : i32
      %dma_wait3A_131 = tpu.memref_slice %arg8[%dma_wait3A_129, %dma_wait3A_130] : memref<10016x128xf32, #tpu.memory_space<vmem_shared>> -> memref<10016x128xf32, #tpu.memory_space<vmem_shared>>
      tpu.wait_indirect_dma semaphore(%arg9 : memref<!tpu.dma_semaphore, #tpu.memory_space<semaphore_mem>>) src(%arg7 : memref<128x128xf32, #tpu.memory_space<vmem>>) dst(%dma_wait3A_131 : memref<10016x128xf32, #tpu.memory_space<vmem_shared>>)
      %add3A_132 = arith.constant 6 : i32
      %add3A_133 = arith.addi %add3A_21, %add3A_132 : i32
      %dma_wait3A_134 = arith.constant 0 : i32
      %dma_wait3A_135 = tpu.memref_slice %arg6[%add3A_133, %dma_wait3A_134] : memref<40x128xi32, #tpu.memory_space<vmem>> -> memref<1x128xi32, #tpu.memory_space<vmem>>
      %dma_wait3A_136 = tpu.memref_squeeze %dma_wait3A_135 : memref<1x128xi32, #tpu.memory_space<vmem>> -> memref<128xi32, #tpu.memory_space<vmem>>
      %dma_wait3A_137 = arith.constant 0 : i32
      %dma_wait3A_138 = arith.constant 0 : i32
      %dma_wait3A_139 = tpu.memref_slice %arg8[%dma_wait3A_137, %dma_wait3A_138] : memref<10016x128xf32, #tpu.memory_space<vmem_shared>> -> memref<10016x128xf32, #tpu.memory_space<vmem_shared>>
      tpu.wait_indirect_dma semaphore(%arg9 : memref<!tpu.dma_semaphore, #tpu.memory_space<semaphore_mem>>) src(%arg7 : memref<128x128xf32, #tpu.memory_space<vmem>>) dst(%dma_wait3A_139 : memref<10016x128xf32, #tpu.memory_space<vmem_shared>>)
      %add3A_140 = arith.constant 7 : i32
      %add3A_141 = arith.addi %add3A_21, %add3A_140 : i32
      %dma_wait3A_142 = arith.constant 0 : i32
      %dma_wait3A_143 = tpu.memref_slice %arg6[%add3A_141, %dma_wait3A_142] : memref<40x128xi32, #tpu.memory_space<vmem>> -> memref<1x128xi32, #tpu.memory_space<vmem>>
      %dma_wait3A_144 = tpu.memref_squeeze %dma_wait3A_143 : memref<1x128xi32, #tpu.memory_space<vmem>> -> memref<128xi32, #tpu.memory_space<vmem>>
      %dma_wait3A_145 = arith.constant 0 : i32
      %dma_wait3A_146 = arith.constant 0 : i32
      %dma_wait3A_147 = tpu.memref_slice %arg8[%dma_wait3A_145, %dma_wait3A_146] : memref<10016x128xf32, #tpu.memory_space<vmem_shared>> -> memref<10016x128xf32, #tpu.memory_space<vmem_shared>>
      tpu.wait_indirect_dma semaphore(%arg9 : memref<!tpu.dma_semaphore, #tpu.memory_space<semaphore_mem>>) src(%arg7 : memref<128x128xf32, #tpu.memory_space<vmem>>) dst(%dma_wait3A_147 : memref<10016x128xf32, #tpu.memory_space<vmem_shared>>)
    }
    %scan3A_8 = arith.constant 5 : i32
    %barrier3A_9 = arith.constant 0 : index
    tpu.barrier barrier_id(%barrier3A_9)
    %eq3A = arith.constant 0 : i32
    %eq3A_10 = arith.cmpi eq, %arg0, %eq3A : i32
    %convert_element_type3A = arith.extui %eq3A_10 : i1 to i32
    %cond3A = arith.constant 0 : i32
    %cond3A_11 = arith.cmpi ne, %convert_element_type3A, %cond3A : i32
    scf.if %cond3A_11 {
      "tpu.region"() ({
        %run_scoped3A = tpu.sem_alloc : memref<!tpu.dma_semaphore, #tpu.memory_space<semaphore_mem>>
        %dma_start3A = arith.constant 0 : i32
        %dma_start3A_17 = tpu.memref_slice %arg4[%multiple_of3A, %dma_start3A] : memref<10000x128xf32, #tpu.memory_space<hbm>> -> memref<632x128xf32, #tpu.memory_space<hbm>>
        %dma_start3A_18 = arith.constant 0 : i32
        %dma_start3A_19 = tpu.memref_slice %arg8[%multiple_of3A, %dma_start3A_18] : memref<10016x128xf32, #tpu.memory_space<vmem_shared>> -> memref<632x128xf32, #tpu.memory_space<vmem_shared>>
        tpu.enqueue_dma source(%dma_start3A_19 : memref<632x128xf32, #tpu.memory_space<vmem_shared>>) target(%dma_start3A_17 : memref<632x128xf32, #tpu.memory_space<hbm>>) target_semaphore(%run_scoped3A : memref<!tpu.dma_semaphore, #tpu.memory_space<semaphore_mem>>)
        %dma_wait3A = arith.constant 0 : i32
        %dma_wait3A_20 = tpu.memref_slice %arg4[%multiple_of3A, %dma_wait3A] : memref<10000x128xf32, #tpu.memory_space<hbm>> -> memref<632x128xf32, #tpu.memory_space<hbm>>
        %dma_wait3A_21 = arith.constant 0 : i32
        %dma_wait3A_22 = tpu.memref_slice %arg8[%multiple_of3A, %dma_wait3A_21] : memref<10016x128xf32, #tpu.memory_space<vmem_shared>> -> memref<632x128xf32, #tpu.memory_space<vmem_shared>>
        tpu.wait_dma2 semaphore(%run_scoped3A : memref<!tpu.dma_semaphore, #tpu.memory_space<semaphore_mem>>) src(%dma_wait3A_22 : memref<632x128xf32, #tpu.memory_space<vmem_shared>>) dst(%dma_wait3A_20 : memref<632x128xf32, #tpu.memory_space<hbm>>)
        tpu.yield
      }) : () -> ()
    } else {
    }
    %eq3A_12 = arith.constant 1 : i32
    %eq3A_13 = arith.cmpi eq, %arg0, %eq3A_12 : i32
    %convert_element_type3A_14 = arith.extui %eq3A_13 : i1 to i32
    %cond3A_15 = arith.constant 0 : i32
    %cond3A_16 = arith.cmpi ne, %convert_element_type3A_14, %cond3A_15 : i32
    scf.if %cond3A_16 {
      "tpu.region"() ({
        %run_scoped3A = tpu.sem_alloc : memref<!tpu.dma_semaphore, #tpu.memory_space<semaphore_mem>>
        %dma_start3A = arith.constant 0 : i32
        %dma_start3A_17 = tpu.memref_slice %arg5[%multiple_of3A, %dma_start3A] : memref<10000x128xf32, #tpu.memory_space<hbm>> -> memref<632x128xf32, #tpu.memory_space<hbm>>
        %dma_start3A_18 = arith.constant 0 : i32
        %dma_start3A_19 = tpu.memref_slice %arg8[%multiple_of3A, %dma_start3A_18] : memref<10016x128xf32, #tpu.memory_space<vmem_shared>> -> memref<632x128xf32, #tpu.memory_space<vmem_shared>>
        tpu.enqueue_dma source(%dma_start3A_19 : memref<632x128xf32, #tpu.memory_space<vmem_shared>>) target(%dma_start3A_17 : memref<632x128xf32, #tpu.memory_space<hbm>>) target_semaphore(%run_scoped3A : memref<!tpu.dma_semaphore, #tpu.memory_space<semaphore_mem>>)
        %dma_wait3A = arith.constant 0 : i32
        %dma_wait3A_20 = tpu.memref_slice %arg5[%multiple_of3A, %dma_wait3A] : memref<10000x128xf32, #tpu.memory_space<hbm>> -> memref<632x128xf32, #tpu.memory_space<hbm>>
        %dma_wait3A_21 = arith.constant 0 : i32
        %dma_wait3A_22 = tpu.memref_slice %arg8[%multiple_of3A, %dma_wait3A_21] : memref<10016x128xf32, #tpu.memory_space<vmem_shared>> -> memref<632x128xf32, #tpu.memory_space<vmem_shared>>
        tpu.wait_dma2 semaphore(%run_scoped3A : memref<!tpu.dma_semaphore, #tpu.memory_space<semaphore_mem>>) src(%dma_wait3A_22 : memref<632x128xf32, #tpu.memory_space<vmem_shared>>) dst(%dma_wait3A_20 : memref<632x128xf32, #tpu.memory_space<hbm>>)
        tpu.yield
      }) : () -> ()
    } else {
    }
    return
  }
}

#map = affine_map<(d0, d1) -> (0, 0)>
#map1 = affine_map<(d0, d1) -> (0, 0, 0, 0)>
module attributes {stable_mosaic.version = 14 : i64} {
  func.func @_sc_scatter_body(%arg0: i32, %arg1: i32, %arg2: memref<10000x128xf32, #tpu.memory_space<hbm>>, %arg3: memref<10000x128xf32, #tpu.memory_space<hbm>>, %arg4: memref<16x2x40x128xi32, #tpu.memory_space<hbm>>, %arg5: memref<16x2x40x128xi32, #tpu.memory_space<hbm>>, %arg6: memref<10000x128xf32, #tpu.memory_space<hbm>>, %arg7: memref<10000x128xf32, #tpu.memory_space<hbm>>, %arg8: memref<40x128xi32, #tpu.memory_space<vmem>>, %arg9: memref<40x128xi32, #tpu.memory_space<vmem>>, %arg10: memref<128x128xf32, #tpu.memory_space<vmem>>, %arg11: memref<128x128xf32, #tpu.memory_space<vmem>>, %arg12: memref<10016x128xf32, #tpu.memory_space<vmem_shared>>, %arg13: memref<!tpu.dma_semaphore, #tpu.memory_space<semaphore_mem>>, %arg14: memref<!tpu.dma_semaphore, #tpu.memory_space<semaphore_mem>>, %arg15: memref<!tpu.dma_semaphore, #tpu.memory_space<semaphore_mem>>, %arg16: memref<!tpu.dma_semaphore, #tpu.memory_space<semaphore_mem>>) attributes {dimension_semantics = [#tpu.dimension_semantics<core_parallel>, #tpu.dimension_semantics<subcore_parallel>], iteration_bounds = array<i64: 2, 16>, scalar_prefetch = 0 : i64, scratch_operands = 9 : i64, tpu.core_type = #tpu.core_type<sc_vector_subcore>, window_params = [{transform_indices = #map}, {transform_indices = #map}, {transform_indices = #map1}, {transform_indices = #map1}, {transform_indices = #map}, {transform_indices = #map}]} {
    %eq3A = arith.constant 0 : i32
    %eq3A_0 = arith.cmpi eq, %arg0, %eq3A : i32
    %convert_element_type3A = arith.extui %eq3A_0 : i1 to i32
    %cond3A = arith.constant 0 : i32
    %cond3A_1 = arith.cmpi ne, %convert_element_type3A, %cond3A : i32
    scf.if %cond3A_1 {
      %lt3A = arith.constant 15 : i32
      %lt3A_7 = arith.cmpi slt, %arg1, %lt3A : i32
      %mul3A = arith.constant 632 : i32
      %mul3A_8 = arith.muli %arg1, %mul3A : i32
      %jit3A = arith.constant 9368 : i32
      %select_n3A = arith.select %lt3A_7, %mul3A_8, %jit3A : i32
      %multiple_of3A = tpu.assume_multiple %select_n3A, 8 : i32
      "tpu.region"() ({
        %run_scoped3A_48 = tpu.sem_alloc : memref<!tpu.dma_semaphore, #tpu.memory_space<semaphore_mem>>
        %dma_start3A_49 = arith.constant 0 : i32
        %dma_start3A_50 = tpu.memref_slice %arg12[%multiple_of3A, %dma_start3A_49] : memref<10016x128xf32, #tpu.memory_space<vmem_shared>> -> memref<632x128xf32, #tpu.memory_space<vmem_shared>>
        %dma_start3A_51 = arith.constant 0 : i32
        %dma_start3A_52 = tpu.memref_slice %arg2[%multiple_of3A, %dma_start3A_51] : memref<10000x128xf32, #tpu.memory_space<hbm>> -> memref<632x128xf32, #tpu.memory_space<hbm>>
        tpu.enqueue_dma source(%dma_start3A_52 : memref<632x128xf32, #tpu.memory_space<hbm>>) target(%dma_start3A_50 : memref<632x128xf32, #tpu.memory_space<vmem_shared>>) target_semaphore(%run_scoped3A_48 : memref<!tpu.dma_semaphore, #tpu.memory_space<semaphore_mem>>)
        %dma_wait3A_53 = arith.constant 0 : i32
        %dma_wait3A_54 = tpu.memref_slice %arg12[%multiple_of3A, %dma_wait3A_53] : memref<10016x128xf32, #tpu.memory_space<vmem_shared>> -> memref<632x128xf32, #tpu.memory_space<vmem_shared>>
        %dma_wait3A_55 = arith.constant 0 : i32
        %dma_wait3A_56 = tpu.memref_slice %arg2[%multiple_of3A, %dma_wait3A_55] : memref<10000x128xf32, #tpu.memory_space<hbm>> -> memref<632x128xf32, #tpu.memory_space<hbm>>
        tpu.wait_dma2 semaphore(%run_scoped3A_48 : memref<!tpu.dma_semaphore, #tpu.memory_space<semaphore_mem>>) src(%dma_wait3A_56 : memref<632x128xf32, #tpu.memory_space<hbm>>) dst(%dma_wait3A_54 : memref<632x128xf32, #tpu.memory_space<vmem_shared>>)
        tpu.yield
      }) : () -> ()
      %run_scoped3A = arith.constant 0 : i32
      "tpu.region"() ({
        %run_scoped3A_48 = tpu.sem_alloc : memref<!tpu.dma_semaphore, #tpu.memory_space<semaphore_mem>>
        %dma_start3A_49 = arith.constant 0 : i32
        %dma_start3A_50 = arith.constant 0 : i32
        %dma_start3A_51 = tpu.memref_slice %arg4[%arg1, %run_scoped3A, %dma_start3A_49, %dma_start3A_50] : memref<16x2x40x128xi32, #tpu.memory_space<hbm>> -> memref<1x1x40x128xi32, #tpu.memory_space<hbm>>
        %dma_start3A_52 = tpu.memref_squeeze %dma_start3A_51 : memref<1x1x40x128xi32, #tpu.memory_space<hbm>> -> memref<40x128xi32, #tpu.memory_space<hbm>>
        %dma_start3A_53 = arith.constant 0 : i32
        %dma_start3A_54 = arith.constant 0 : i32
        %dma_start3A_55 = tpu.memref_slice %arg4[%arg1, %run_scoped3A, %dma_start3A_53, %dma_start3A_54] : memref<16x2x40x128xi32, #tpu.memory_space<hbm>> -> memref<1x1x40x128xi32, #tpu.memory_space<hbm>>
        %dma_start3A_56 = tpu.memref_squeeze %dma_start3A_55 : memref<1x1x40x128xi32, #tpu.memory_space<hbm>> -> memref<40x128xi32, #tpu.memory_space<hbm>>
        tpu.enqueue_dma source(%dma_start3A_56 : memref<40x128xi32, #tpu.memory_space<hbm>>) target(%arg8 : memref<40x128xi32, #tpu.memory_space<vmem>>) target_semaphore(%run_scoped3A_48 : memref<!tpu.dma_semaphore, #tpu.memory_space<semaphore_mem>>)
        %dma_wait3A_57 = arith.constant 0 : i32
        %dma_wait3A_58 = arith.constant 0 : i32
        %dma_wait3A_59 = tpu.memref_slice %arg4[%arg1, %run_scoped3A, %dma_wait3A_57, %dma_wait3A_58] : memref<16x2x40x128xi32, #tpu.memory_space<hbm>> -> memref<1x1x40x128xi32, #tpu.memory_space<hbm>>
        %dma_wait3A_60 = tpu.memref_squeeze %dma_wait3A_59 : memref<1x1x40x128xi32, #tpu.memory_space<hbm>> -> memref<40x128xi32, #tpu.memory_space<hbm>>
        %dma_wait3A_61 = arith.constant 0 : i32
        %dma_wait3A_62 = arith.constant 0 : i32
        %dma_wait3A_63 = tpu.memref_slice %arg4[%arg1, %run_scoped3A, %dma_wait3A_61, %dma_wait3A_62] : memref<16x2x40x128xi32, #tpu.memory_space<hbm>> -> memref<1x1x40x128xi32, #tpu.memory_space<hbm>>
        %dma_wait3A_64 = tpu.memref_squeeze %dma_wait3A_63 : memref<1x1x40x128xi32, #tpu.memory_space<hbm>> -> memref<40x128xi32, #tpu.memory_space<hbm>>
        tpu.wait_dma2 semaphore(%run_scoped3A_48 : memref<!tpu.dma_semaphore, #tpu.memory_space<semaphore_mem>>) src(%dma_wait3A_64 : memref<40x128xi32, #tpu.memory_space<hbm>>) dst(%arg8 : memref<40x128xi32, #tpu.memory_space<vmem>>)
        tpu.yield
      }) : () -> ()
      %run_scoped3A_9 = arith.constant 0 : i32
      "tpu.region"() ({
        %run_scoped3A_48 = tpu.sem_alloc : memref<!tpu.dma_semaphore, #tpu.memory_space<semaphore_mem>>
        %dma_start3A_49 = arith.constant 0 : i32
        %dma_start3A_50 = arith.constant 0 : i32
        %dma_start3A_51 = tpu.memref_slice %arg5[%arg1, %run_scoped3A_9, %dma_start3A_49, %dma_start3A_50] : memref<16x2x40x128xi32, #tpu.memory_space<hbm>> -> memref<1x1x40x128xi32, #tpu.memory_space<hbm>>
        %dma_start3A_52 = tpu.memref_squeeze %dma_start3A_51 : memref<1x1x40x128xi32, #tpu.memory_space<hbm>> -> memref<40x128xi32, #tpu.memory_space<hbm>>
        %dma_start3A_53 = arith.constant 0 : i32
        %dma_start3A_54 = arith.constant 0 : i32
        %dma_start3A_55 = tpu.memref_slice %arg5[%arg1, %run_scoped3A_9, %dma_start3A_53, %dma_start3A_54] : memref<16x2x40x128xi32, #tpu.memory_space<hbm>> -> memref<1x1x40x128xi32, #tpu.memory_space<hbm>>
        %dma_start3A_56 = tpu.memref_squeeze %dma_start3A_55 : memref<1x1x40x128xi32, #tpu.memory_space<hbm>> -> memref<40x128xi32, #tpu.memory_space<hbm>>
        tpu.enqueue_dma source(%dma_start3A_56 : memref<40x128xi32, #tpu.memory_space<hbm>>) target(%arg9 : memref<40x128xi32, #tpu.memory_space<vmem>>) target_semaphore(%run_scoped3A_48 : memref<!tpu.dma_semaphore, #tpu.memory_space<semaphore_mem>>)
        %dma_wait3A_57 = arith.constant 0 : i32
        %dma_wait3A_58 = arith.constant 0 : i32
        %dma_wait3A_59 = tpu.memref_slice %arg5[%arg1, %run_scoped3A_9, %dma_wait3A_57, %dma_wait3A_58] : memref<16x2x40x128xi32, #tpu.memory_space<hbm>> -> memref<1x1x40x128xi32, #tpu.memory_space<hbm>>
        %dma_wait3A_60 = tpu.memref_squeeze %dma_wait3A_59 : memref<1x1x40x128xi32, #tpu.memory_space<hbm>> -> memref<40x128xi32, #tpu.memory_space<hbm>>
        %dma_wait3A_61 = arith.constant 0 : i32
        %dma_wait3A_62 = arith.constant 0 : i32
        %dma_wait3A_63 = tpu.memref_slice %arg5[%arg1, %run_scoped3A_9, %dma_wait3A_61, %dma_wait3A_62] : memref<16x2x40x128xi32, #tpu.memory_space<hbm>> -> memref<1x1x40x128xi32, #tpu.memory_space<hbm>>
        %dma_wait3A_64 = tpu.memref_squeeze %dma_wait3A_63 : memref<1x1x40x128xi32, #tpu.memory_space<hbm>> -> memref<40x128xi32, #tpu.memory_space<hbm>>
        tpu.wait_dma2 semaphore(%run_scoped3A_48 : memref<!tpu.dma_semaphore, #tpu.memory_space<semaphore_mem>>) src(%dma_wait3A_64 : memref<40x128xi32, #tpu.memory_space<hbm>>) dst(%arg9 : memref<40x128xi32, #tpu.memory_space<vmem>>)
        tpu.yield
      }) : () -> ()
      %barrier3A = arith.constant 0 : index
      tpu.barrier barrier_id(%barrier3A)
      %dma_start3A = arith.constant 0 : i32
      %dma_start3A_10 = arith.constant 0 : i32
      %dma_start3A_11 = tpu.memref_slice %arg8[%dma_start3A, %dma_start3A_10] : memref<40x128xi32, #tpu.memory_space<vmem>> -> memref<1x128xi32, #tpu.memory_space<vmem>>
      %dma_start3A_12 = tpu.memref_squeeze %dma_start3A_11 : memref<1x128xi32, #tpu.memory_space<vmem>> -> memref<128xi32, #tpu.memory_space<vmem>>
      %dma_start3A_13 = arith.constant 0 : i32
      %dma_start3A_14 = arith.constant 0 : i32
      %dma_start3A_15 = tpu.memref_slice %arg2[%dma_start3A_13, %dma_start3A_14] : memref<10000x128xf32, #tpu.memory_space<hbm>> -> memref<10000x128xf32, #tpu.memory_space<hbm>>
      tpu.enqueue_indirect_dma source(%dma_start3A_15 : memref<10000x128xf32, #tpu.memory_space<hbm>>) target(%arg10 : memref<128x128xf32, #tpu.memory_space<vmem>>) offsets(%dma_start3A_12 : memref<128xi32, #tpu.memory_space<vmem>>) semaphore(%arg13 : memref<!tpu.dma_semaphore, #tpu.memory_space<semaphore_mem>>)
      %scan3A = arith.constant 0 : i32
      %scan3A_16 = arith.constant 20 : i32
      %scan3A_17 = arith.addi %scan3A, %scan3A_16 : i32
      %scan3A_18 = arith.constant 1 : i32
      scf.for %scan3A_48 = %scan3A to %scan3A_17 step %scan3A_18  : i32 {
        %mul3A_49 = arith.constant 2 : i32
        %mul3A_50 = arith.muli %scan3A_48, %mul3A_49 : i32
        %add3A = arith.constant 0 : i32
        %add3A_51 = arith.addi %add3A, %mul3A_50 : i32
        %add3A_52 = arith.constant 0 : i32
        %add3A_53 = arith.addi %add3A_51, %add3A_52 : i32
        %gt3A = arith.constant 0 : i32
        %gt3A_54 = arith.cmpi sgt, %add3A_53, %gt3A : i32
        %convert_element_type3A_55 = arith.extui %gt3A_54 : i1 to i32
        %cond3A_56 = arith.constant 0 : i32
        %cond3A_57 = arith.cmpi ne, %convert_element_type3A_55, %cond3A_56 : i32
        scf.if %cond3A_57 {
          %sub3A = arith.constant 1 : i32
          %sub3A_103 = arith.subi %add3A_53, %sub3A : i32
          %dma_wait3A_104 = arith.constant 0 : i32
          %dma_wait3A_105 = tpu.memref_slice %arg9[%sub3A_103, %dma_wait3A_104] : memref<40x128xi32, #tpu.memory_space<vmem>> -> memref<1x128xi32, #tpu.memory_space<vmem>>
          %dma_wait3A_106 = tpu.memref_squeeze %dma_wait3A_105 : memref<1x128xi32, #tpu.memory_space<vmem>> -> memref<128xi32, #tpu.memory_space<vmem>>
          %dma_wait3A_107 = arith.constant 0 : i32
          %dma_wait3A_108 = arith.constant 0 : i32
          %dma_wait3A_109 = tpu.memref_slice %arg12[%dma_wait3A_107, %dma_wait3A_108] : memref<10016x128xf32, #tpu.memory_space<vmem_shared>> -> memref<10016x128xf32, #tpu.memory_space<vmem_shared>>
          tpu.wait_indirect_dma semaphore(%arg16 : memref<!tpu.dma_semaphore, #tpu.memory_space<semaphore_mem>>) src(%arg11 : memref<128x128xf32, #tpu.memory_space<vmem>>) dst(%dma_wait3A_109 : memref<10016x128xf32, #tpu.memory_space<vmem_shared>>)
        } else {
        }
        %add3A_58 = arith.constant 1 : i32
        %add3A_59 = arith.addi %add3A_53, %add3A_58 : i32
        %lt3A_60 = arith.constant 40 : i32
        %lt3A_61 = arith.cmpi slt, %add3A_59, %lt3A_60 : i32
        %convert_element_type3A_62 = arith.extui %lt3A_61 : i1 to i32
        %cond3A_63 = arith.constant 0 : i32
        %cond3A_64 = arith.cmpi ne, %convert_element_type3A_62, %cond3A_63 : i32
        scf.if %cond3A_64 {
          %add3A_103 = arith.constant 1 : i32
          %add3A_104 = arith.addi %add3A_53, %add3A_103 : i32
          %dma_start3A_105 = arith.constant 0 : i32
          %dma_start3A_106 = tpu.memref_slice %arg8[%add3A_104, %dma_start3A_105] : memref<40x128xi32, #tpu.memory_space<vmem>> -> memref<1x128xi32, #tpu.memory_space<vmem>>
          %dma_start3A_107 = tpu.memref_squeeze %dma_start3A_106 : memref<1x128xi32, #tpu.memory_space<vmem>> -> memref<128xi32, #tpu.memory_space<vmem>>
          %dma_start3A_108 = arith.constant 0 : i32
          %dma_start3A_109 = arith.constant 0 : i32
          %dma_start3A_110 = tpu.memref_slice %arg2[%dma_start3A_108, %dma_start3A_109] : memref<10000x128xf32, #tpu.memory_space<hbm>> -> memref<10000x128xf32, #tpu.memory_space<hbm>>
          tpu.enqueue_indirect_dma source(%dma_start3A_110 : memref<10000x128xf32, #tpu.memory_space<hbm>>) target(%arg11 : memref<128x128xf32, #tpu.memory_space<vmem>>) offsets(%dma_start3A_107 : memref<128xi32, #tpu.memory_space<vmem>>) semaphore(%arg14 : memref<!tpu.dma_semaphore, #tpu.memory_space<semaphore_mem>>)
        } else {
        }
        %dma_wait3A_65 = arith.constant 0 : i32
        %dma_wait3A_66 = tpu.memref_slice %arg8[%add3A_53, %dma_wait3A_65] : memref<40x128xi32, #tpu.memory_space<vmem>> -> memref<1x128xi32, #tpu.memory_space<vmem>>
        %dma_wait3A_67 = tpu.memref_squeeze %dma_wait3A_66 : memref<1x128xi32, #tpu.memory_space<vmem>> -> memref<128xi32, #tpu.memory_space<vmem>>
        %dma_wait3A_68 = arith.constant 0 : i32
        %dma_wait3A_69 = arith.constant 0 : i32
        %dma_wait3A_70 = tpu.memref_slice %arg2[%dma_wait3A_68, %dma_wait3A_69] : memref<10000x128xf32, #tpu.memory_space<hbm>> -> memref<10000x128xf32, #tpu.memory_space<hbm>>
        tpu.wait_indirect_dma semaphore(%arg13 : memref<!tpu.dma_semaphore, #tpu.memory_space<semaphore_mem>>) src(%dma_wait3A_70 : memref<10000x128xf32, #tpu.memory_space<hbm>>) dst(%arg10 : memref<128x128xf32, #tpu.memory_space<vmem>>)
        %dma_start3A_71 = arith.constant 0 : i32
        %dma_start3A_72 = tpu.memref_slice %arg9[%add3A_53, %dma_start3A_71] : memref<40x128xi32, #tpu.memory_space<vmem>> -> memref<1x128xi32, #tpu.memory_space<vmem>>
        %dma_start3A_73 = tpu.memref_squeeze %dma_start3A_72 : memref<1x128xi32, #tpu.memory_space<vmem>> -> memref<128xi32, #tpu.memory_space<vmem>>
        %dma_start3A_74 = arith.constant 0 : i32
        %dma_start3A_75 = arith.constant 0 : i32
        %dma_start3A_76 = tpu.memref_slice %arg12[%dma_start3A_74, %dma_start3A_75] : memref<10016x128xf32, #tpu.memory_space<vmem_shared>> -> memref<10016x128xf32, #tpu.memory_space<vmem_shared>>
        tpu.enqueue_indirect_dma source(%arg10 : memref<128x128xf32, #tpu.memory_space<vmem>>) target(%dma_start3A_76 : memref<10016x128xf32, #tpu.memory_space<vmem_shared>>) offsets(%dma_start3A_73 : memref<128xi32, #tpu.memory_space<vmem>>) semaphore(%arg15 : memref<!tpu.dma_semaphore, #tpu.memory_space<semaphore_mem>>) {add = true}
        %add3A_77 = arith.constant 1 : i32
        %add3A_78 = arith.addi %add3A_51, %add3A_77 : i32
        %gt3A_79 = arith.constant 0 : i32
        %gt3A_80 = arith.cmpi sgt, %add3A_78, %gt3A_79 : i32
        %convert_element_type3A_81 = arith.extui %gt3A_80 : i1 to i32
        %cond3A_82 = arith.constant 0 : i32
        %cond3A_83 = arith.cmpi ne, %convert_element_type3A_81, %cond3A_82 : i32
        scf.if %cond3A_83 {
          %sub3A = arith.constant 1 : i32
          %sub3A_103 = arith.subi %add3A_78, %sub3A : i32
          %dma_wait3A_104 = arith.constant 0 : i32
          %dma_wait3A_105 = tpu.memref_slice %arg9[%sub3A_103, %dma_wait3A_104] : memref<40x128xi32, #tpu.memory_space<vmem>> -> memref<1x128xi32, #tpu.memory_space<vmem>>
          %dma_wait3A_106 = tpu.memref_squeeze %dma_wait3A_105 : memref<1x128xi32, #tpu.memory_space<vmem>> -> memref<128xi32, #tpu.memory_space<vmem>>
          %dma_wait3A_107 = arith.constant 0 : i32
          %dma_wait3A_108 = arith.constant 0 : i32
          %dma_wait3A_109 = tpu.memref_slice %arg12[%dma_wait3A_107, %dma_wait3A_108] : memref<10016x128xf32, #tpu.memory_space<vmem_shared>> -> memref<10016x128xf32, #tpu.memory_space<vmem_shared>>
          tpu.wait_indirect_dma semaphore(%arg15 : memref<!tpu.dma_semaphore, #tpu.memory_space<semaphore_mem>>) src(%arg10 : memref<128x128xf32, #tpu.memory_space<vmem>>) dst(%dma_wait3A_109 : memref<10016x128xf32, #tpu.memory_space<vmem_shared>>)
        } else {
        }
        %add3A_84 = arith.constant 1 : i32
        %add3A_85 = arith.addi %add3A_78, %add3A_84 : i32
        %lt3A_86 = arith.constant 40 : i32
        %lt3A_87 = arith.cmpi slt, %add3A_85, %lt3A_86 : i32
        %convert_element_type3A_88 = arith.extui %lt3A_87 : i1 to i32
        %cond3A_89 = arith.constant 0 : i32
        %cond3A_90 = arith.cmpi ne, %convert_element_type3A_88, %cond3A_89 : i32
        scf.if %cond3A_90 {
          %add3A_103 = arith.constant 1 : i32
          %add3A_104 = arith.addi %add3A_78, %add3A_103 : i32
          %dma_start3A_105 = arith.constant 0 : i32
          %dma_start3A_106 = tpu.memref_slice %arg8[%add3A_104, %dma_start3A_105] : memref<40x128xi32, #tpu.memory_space<vmem>> -> memref<1x128xi32, #tpu.memory_space<vmem>>
          %dma_start3A_107 = tpu.memref_squeeze %dma_start3A_106 : memref<1x128xi32, #tpu.memory_space<vmem>> -> memref<128xi32, #tpu.memory_space<vmem>>
          %dma_start3A_108 = arith.constant 0 : i32
          %dma_start3A_109 = arith.constant 0 : i32
          %dma_start3A_110 = tpu.memref_slice %arg2[%dma_start3A_108, %dma_start3A_109] : memref<10000x128xf32, #tpu.memory_space<hbm>> -> memref<10000x128xf32, #tpu.memory_space<hbm>>
          tpu.enqueue_indirect_dma source(%dma_start3A_110 : memref<10000x128xf32, #tpu.memory_space<hbm>>) target(%arg10 : memref<128x128xf32, #tpu.memory_space<vmem>>) offsets(%dma_start3A_107 : memref<128xi32, #tpu.memory_space<vmem>>) semaphore(%arg13 : memref<!tpu.dma_semaphore, #tpu.memory_space<semaphore_mem>>)
        } else {
        }
        %dma_wait3A_91 = arith.constant 0 : i32
        %dma_wait3A_92 = tpu.memref_slice %arg8[%add3A_78, %dma_wait3A_91] : memref<40x128xi32, #tpu.memory_space<vmem>> -> memref<1x128xi32, #tpu.memory_space<vmem>>
        %dma_wait3A_93 = tpu.memref_squeeze %dma_wait3A_92 : memref<1x128xi32, #tpu.memory_space<vmem>> -> memref<128xi32, #tpu.memory_space<vmem>>
        %dma_wait3A_94 = arith.constant 0 : i32
        %dma_wait3A_95 = arith.constant 0 : i32
        %dma_wait3A_96 = tpu.memref_slice %arg2[%dma_wait3A_94, %dma_wait3A_95] : memref<10000x128xf32, #tpu.memory_space<hbm>> -> memref<10000x128xf32, #tpu.memory_space<hbm>>
        tpu.wait_indirect_dma semaphore(%arg14 : memref<!tpu.dma_semaphore, #tpu.memory_space<semaphore_mem>>) src(%dma_wait3A_96 : memref<10000x128xf32, #tpu.memory_space<hbm>>) dst(%arg11 : memref<128x128xf32, #tpu.memory_space<vmem>>)
        %dma_start3A_97 = arith.constant 0 : i32
        %dma_start3A_98 = tpu.memref_slice %arg9[%add3A_78, %dma_start3A_97] : memref<40x128xi32, #tpu.memory_space<vmem>> -> memref<1x128xi32, #tpu.memory_space<vmem>>
        %dma_start3A_99 = tpu.memref_squeeze %dma_start3A_98 : memref<1x128xi32, #tpu.memory_space<vmem>> -> memref<128xi32, #tpu.memory_space<vmem>>
        %dma_start3A_100 = arith.constant 0 : i32
        %dma_start3A_101 = arith.constant 0 : i32
        %dma_start3A_102 = tpu.memref_slice %arg12[%dma_start3A_100, %dma_start3A_101] : memref<10016x128xf32, #tpu.memory_space<vmem_shared>> -> memref<10016x128xf32, #tpu.memory_space<vmem_shared>>
        tpu.enqueue_indirect_dma source(%arg11 : memref<128x128xf32, #tpu.memory_space<vmem>>) target(%dma_start3A_102 : memref<10016x128xf32, #tpu.memory_space<vmem_shared>>) offsets(%dma_start3A_99 : memref<128xi32, #tpu.memory_space<vmem>>) semaphore(%arg16 : memref<!tpu.dma_semaphore, #tpu.memory_space<semaphore_mem>>) {add = true}
      }
      %scan3A_19 = arith.constant 20 : i32
      %dma_wait3A = arith.constant 39 : i32
      %dma_wait3A_20 = arith.constant 0 : i32
      %dma_wait3A_21 = tpu.memref_slice %arg9[%dma_wait3A, %dma_wait3A_20] : memref<40x128xi32, #tpu.memory_space<vmem>> -> memref<1x128xi32, #tpu.memory_space<vmem>>
      %dma_wait3A_22 = tpu.memref_squeeze %dma_wait3A_21 : memref<1x128xi32, #tpu.memory_space<vmem>> -> memref<128xi32, #tpu.memory_space<vmem>>
      %dma_wait3A_23 = arith.constant 0 : i32
      %dma_wait3A_24 = arith.constant 0 : i32
      %dma_wait3A_25 = tpu.memref_slice %arg12[%dma_wait3A_23, %dma_wait3A_24] : memref<10016x128xf32, #tpu.memory_space<vmem_shared>> -> memref<10016x128xf32, #tpu.memory_space<vmem_shared>>
      tpu.wait_indirect_dma semaphore(%arg16 : memref<!tpu.dma_semaphore, #tpu.memory_space<semaphore_mem>>) src(%arg11 : memref<128x128xf32, #tpu.memory_space<vmem>>) dst(%dma_wait3A_25 : memref<10016x128xf32, #tpu.memory_space<vmem_shared>>)
      %run_scoped3A_26 = arith.constant 1 : i32
      "tpu.region"() ({
        %run_scoped3A_48 = tpu.sem_alloc : memref<!tpu.dma_semaphore, #tpu.memory_space<semaphore_mem>>
        %dma_start3A_49 = arith.constant 0 : i32
        %dma_start3A_50 = arith.constant 0 : i32
        %dma_start3A_51 = tpu.memref_slice %arg4[%arg1, %run_scoped3A_26, %dma_start3A_49, %dma_start3A_50] : memref<16x2x40x128xi32, #tpu.memory_space<hbm>> -> memref<1x1x40x128xi32, #tpu.memory_space<hbm>>
        %dma_start3A_52 = tpu.memref_squeeze %dma_start3A_51 : memref<1x1x40x128xi32, #tpu.memory_space<hbm>> -> memref<40x128xi32, #tpu.memory_space<hbm>>
        %dma_start3A_53 = arith.constant 0 : i32
        %dma_start3A_54 = arith.constant 0 : i32
        %dma_start3A_55 = tpu.memref_slice %arg4[%arg1, %run_scoped3A_26, %dma_start3A_53, %dma_start3A_54] : memref<16x2x40x128xi32, #tpu.memory_space<hbm>> -> memref<1x1x40x128xi32, #tpu.memory_space<hbm>>
        %dma_start3A_56 = tpu.memref_squeeze %dma_start3A_55 : memref<1x1x40x128xi32, #tpu.memory_space<hbm>> -> memref<40x128xi32, #tpu.memory_space<hbm>>
        tpu.enqueue_dma source(%dma_start3A_56 : memref<40x128xi32, #tpu.memory_space<hbm>>) target(%arg8 : memref<40x128xi32, #tpu.memory_space<vmem>>) target_semaphore(%run_scoped3A_48 : memref<!tpu.dma_semaphore, #tpu.memory_space<semaphore_mem>>)
        %dma_wait3A_57 = arith.constant 0 : i32
        %dma_wait3A_58 = arith.constant 0 : i32
        %dma_wait3A_59 = tpu.memref_slice %arg4[%arg1, %run_scoped3A_26, %dma_wait3A_57, %dma_wait3A_58] : memref<16x2x40x128xi32, #tpu.memory_space<hbm>> -> memref<1x1x40x128xi32, #tpu.memory_space<hbm>>
        %dma_wait3A_60 = tpu.memref_squeeze %dma_wait3A_59 : memref<1x1x40x128xi32, #tpu.memory_space<hbm>> -> memref<40x128xi32, #tpu.memory_space<hbm>>
        %dma_wait3A_61 = arith.constant 0 : i32
        %dma_wait3A_62 = arith.constant 0 : i32
        %dma_wait3A_63 = tpu.memref_slice %arg4[%arg1, %run_scoped3A_26, %dma_wait3A_61, %dma_wait3A_62] : memref<16x2x40x128xi32, #tpu.memory_space<hbm>> -> memref<1x1x40x128xi32, #tpu.memory_space<hbm>>
        %dma_wait3A_64 = tpu.memref_squeeze %dma_wait3A_63 : memref<1x1x40x128xi32, #tpu.memory_space<hbm>> -> memref<40x128xi32, #tpu.memory_space<hbm>>
        tpu.wait_dma2 semaphore(%run_scoped3A_48 : memref<!tpu.dma_semaphore, #tpu.memory_space<semaphore_mem>>) src(%dma_wait3A_64 : memref<40x128xi32, #tpu.memory_space<hbm>>) dst(%arg8 : memref<40x128xi32, #tpu.memory_space<vmem>>)
        tpu.yield
      }) : () -> ()
      %run_scoped3A_27 = arith.constant 1 : i32
      "tpu.region"() ({
        %run_scoped3A_48 = tpu.sem_alloc : memref<!tpu.dma_semaphore, #tpu.memory_space<semaphore_mem>>
        %dma_start3A_49 = arith.constant 0 : i32
        %dma_start3A_50 = arith.constant 0 : i32
        %dma_start3A_51 = tpu.memref_slice %arg5[%arg1, %run_scoped3A_27, %dma_start3A_49, %dma_start3A_50] : memref<16x2x40x128xi32, #tpu.memory_space<hbm>> -> memref<1x1x40x128xi32, #tpu.memory_space<hbm>>
        %dma_start3A_52 = tpu.memref_squeeze %dma_start3A_51 : memref<1x1x40x128xi32, #tpu.memory_space<hbm>> -> memref<40x128xi32, #tpu.memory_space<hbm>>
        %dma_start3A_53 = arith.constant 0 : i32
        %dma_start3A_54 = arith.constant 0 : i32
        %dma_start3A_55 = tpu.memref_slice %arg5[%arg1, %run_scoped3A_27, %dma_start3A_53, %dma_start3A_54] : memref<16x2x40x128xi32, #tpu.memory_space<hbm>> -> memref<1x1x40x128xi32, #tpu.memory_space<hbm>>
        %dma_start3A_56 = tpu.memref_squeeze %dma_start3A_55 : memref<1x1x40x128xi32, #tpu.memory_space<hbm>> -> memref<40x128xi32, #tpu.memory_space<hbm>>
        tpu.enqueue_dma source(%dma_start3A_56 : memref<40x128xi32, #tpu.memory_space<hbm>>) target(%arg9 : memref<40x128xi32, #tpu.memory_space<vmem>>) target_semaphore(%run_scoped3A_48 : memref<!tpu.dma_semaphore, #tpu.memory_space<semaphore_mem>>)
        %dma_wait3A_57 = arith.constant 0 : i32
        %dma_wait3A_58 = arith.constant 0 : i32
        %dma_wait3A_59 = tpu.memref_slice %arg5[%arg1, %run_scoped3A_27, %dma_wait3A_57, %dma_wait3A_58] : memref<16x2x40x128xi32, #tpu.memory_space<hbm>> -> memref<1x1x40x128xi32, #tpu.memory_space<hbm>>
        %dma_wait3A_60 = tpu.memref_squeeze %dma_wait3A_59 : memref<1x1x40x128xi32, #tpu.memory_space<hbm>> -> memref<40x128xi32, #tpu.memory_space<hbm>>
        %dma_wait3A_61 = arith.constant 0 : i32
        %dma_wait3A_62 = arith.constant 0 : i32
        %dma_wait3A_63 = tpu.memref_slice %arg5[%arg1, %run_scoped3A_27, %dma_wait3A_61, %dma_wait3A_62] : memref<16x2x40x128xi32, #tpu.memory_space<hbm>> -> memref<1x1x40x128xi32, #tpu.memory_space<hbm>>
        %dma_wait3A_64 = tpu.memref_squeeze %dma_wait3A_63 : memref<1x1x40x128xi32, #tpu.memory_space<hbm>> -> memref<40x128xi32, #tpu.memory_space<hbm>>
        tpu.wait_dma2 semaphore(%run_scoped3A_48 : memref<!tpu.dma_semaphore, #tpu.memory_space<semaphore_mem>>) src(%dma_wait3A_64 : memref<40x128xi32, #tpu.memory_space<hbm>>) dst(%arg9 : memref<40x128xi32, #tpu.memory_space<vmem>>)
        tpu.yield
      }) : () -> ()
      %dma_start3A_28 = arith.constant 0 : i32
      %dma_start3A_29 = arith.constant 0 : i32
      %dma_start3A_30 = tpu.memref_slice %arg8[%dma_start3A_28, %dma_start3A_29] : memref<40x128xi32, #tpu.memory_space<vmem>> -> memref<1x128xi32, #tpu.memory_space<vmem>>
      %dma_start3A_31 = tpu.memref_squeeze %dma_start3A_30 : memref<1x128xi32, #tpu.memory_space<vmem>> -> memref<128xi32, #tpu.memory_space<vmem>>
      %dma_start3A_32 = arith.constant 0 : i32
      %dma_start3A_33 = arith.constant 0 : i32
      %dma_start3A_34 = tpu.memref_slice %arg2[%dma_start3A_32, %dma_start3A_33] : memref<10000x128xf32, #tpu.memory_space<hbm>> -> memref<10000x128xf32, #tpu.memory_space<hbm>>
      tpu.enqueue_indirect_dma source(%dma_start3A_34 : memref<10000x128xf32, #tpu.memory_space<hbm>>) target(%arg10 : memref<128x128xf32, #tpu.memory_space<vmem>>) offsets(%dma_start3A_31 : memref<128xi32, #tpu.memory_space<vmem>>) semaphore(%arg13 : memref<!tpu.dma_semaphore, #tpu.memory_space<semaphore_mem>>)
      %scan3A_35 = arith.constant 0 : i32
      %scan3A_36 = arith.constant 20 : i32
      %scan3A_37 = arith.addi %scan3A_35, %scan3A_36 : i32
      %scan3A_38 = arith.constant 1 : i32
      scf.for %scan3A_48 = %scan3A_35 to %scan3A_37 step %scan3A_38  : i32 {
        %mul3A_49 = arith.constant 2 : i32
        %mul3A_50 = arith.muli %scan3A_48, %mul3A_49 : i32
        %add3A = arith.constant 0 : i32
        %add3A_51 = arith.addi %add3A, %mul3A_50 : i32
        %add3A_52 = arith.constant 0 : i32
        %add3A_53 = arith.addi %add3A_51, %add3A_52 : i32
        %gt3A = arith.constant 0 : i32
        %gt3A_54 = arith.cmpi sgt, %add3A_53, %gt3A : i32
        %convert_element_type3A_55 = arith.extui %gt3A_54 : i1 to i32
        %cond3A_56 = arith.constant 0 : i32
        %cond3A_57 = arith.cmpi ne, %convert_element_type3A_55, %cond3A_56 : i32
        scf.if %cond3A_57 {
          %sub3A = arith.constant 1 : i32
          %sub3A_103 = arith.subi %add3A_53, %sub3A : i32
          %dma_wait3A_104 = arith.constant 0 : i32
          %dma_wait3A_105 = tpu.memref_slice %arg9[%sub3A_103, %dma_wait3A_104] : memref<40x128xi32, #tpu.memory_space<vmem>> -> memref<1x128xi32, #tpu.memory_space<vmem>>
          %dma_wait3A_106 = tpu.memref_squeeze %dma_wait3A_105 : memref<1x128xi32, #tpu.memory_space<vmem>> -> memref<128xi32, #tpu.memory_space<vmem>>
          %dma_wait3A_107 = arith.constant 0 : i32
          %dma_wait3A_108 = arith.constant 0 : i32
          %dma_wait3A_109 = tpu.memref_slice %arg12[%dma_wait3A_107, %dma_wait3A_108] : memref<10016x128xf32, #tpu.memory_space<vmem_shared>> -> memref<10016x128xf32, #tpu.memory_space<vmem_shared>>
          tpu.wait_indirect_dma semaphore(%arg16 : memref<!tpu.dma_semaphore, #tpu.memory_space<semaphore_mem>>) src(%arg11 : memref<128x128xf32, #tpu.memory_space<vmem>>) dst(%dma_wait3A_109 : memref<10016x128xf32, #tpu.memory_space<vmem_shared>>)
        } else {
        }
        %add3A_58 = arith.constant 1 : i32
        %add3A_59 = arith.addi %add3A_53, %add3A_58 : i32
        %lt3A_60 = arith.constant 40 : i32
        %lt3A_61 = arith.cmpi slt, %add3A_59, %lt3A_60 : i32
        %convert_element_type3A_62 = arith.extui %lt3A_61 : i1 to i32
        %cond3A_63 = arith.constant 0 : i32
        %cond3A_64 = arith.cmpi ne, %convert_element_type3A_62, %cond3A_63 : i32
        scf.if %cond3A_64 {
          %add3A_103 = arith.constant 1 : i32
          %add3A_104 = arith.addi %add3A_53, %add3A_103 : i32
          %dma_start3A_105 = arith.constant 0 : i32
          %dma_start3A_106 = tpu.memref_slice %arg8[%add3A_104, %dma_start3A_105] : memref<40x128xi32, #tpu.memory_space<vmem>> -> memref<1x128xi32, #tpu.memory_space<vmem>>
          %dma_start3A_107 = tpu.memref_squeeze %dma_start3A_106 : memref<1x128xi32, #tpu.memory_space<vmem>> -> memref<128xi32, #tpu.memory_space<vmem>>
          %dma_start3A_108 = arith.constant 0 : i32
          %dma_start3A_109 = arith.constant 0 : i32
          %dma_start3A_110 = tpu.memref_slice %arg2[%dma_start3A_108, %dma_start3A_109] : memref<10000x128xf32, #tpu.memory_space<hbm>> -> memref<10000x128xf32, #tpu.memory_space<hbm>>
          tpu.enqueue_indirect_dma source(%dma_start3A_110 : memref<10000x128xf32, #tpu.memory_space<hbm>>) target(%arg11 : memref<128x128xf32, #tpu.memory_space<vmem>>) offsets(%dma_start3A_107 : memref<128xi32, #tpu.memory_space<vmem>>) semaphore(%arg14 : memref<!tpu.dma_semaphore, #tpu.memory_space<semaphore_mem>>)
        } else {
        }
        %dma_wait3A_65 = arith.constant 0 : i32
        %dma_wait3A_66 = tpu.memref_slice %arg8[%add3A_53, %dma_wait3A_65] : memref<40x128xi32, #tpu.memory_space<vmem>> -> memref<1x128xi32, #tpu.memory_space<vmem>>
        %dma_wait3A_67 = tpu.memref_squeeze %dma_wait3A_66 : memref<1x128xi32, #tpu.memory_space<vmem>> -> memref<128xi32, #tpu.memory_space<vmem>>
        %dma_wait3A_68 = arith.constant 0 : i32
        %dma_wait3A_69 = arith.constant 0 : i32
        %dma_wait3A_70 = tpu.memref_slice %arg2[%dma_wait3A_68, %dma_wait3A_69] : memref<10000x128xf32, #tpu.memory_space<hbm>> -> memref<10000x128xf32, #tpu.memory_space<hbm>>
        tpu.wait_indirect_dma semaphore(%arg13 : memref<!tpu.dma_semaphore, #tpu.memory_space<semaphore_mem>>) src(%dma_wait3A_70 : memref<10000x128xf32, #tpu.memory_space<hbm>>) dst(%arg10 : memref<128x128xf32, #tpu.memory_space<vmem>>)
        %dma_start3A_71 = arith.constant 0 : i32
        %dma_start3A_72 = tpu.memref_slice %arg9[%add3A_53, %dma_start3A_71] : memref<40x128xi32, #tpu.memory_space<vmem>> -> memref<1x128xi32, #tpu.memory_space<vmem>>
        %dma_start3A_73 = tpu.memref_squeeze %dma_start3A_72 : memref<1x128xi32, #tpu.memory_space<vmem>> -> memref<128xi32, #tpu.memory_space<vmem>>
        %dma_start3A_74 = arith.constant 0 : i32
        %dma_start3A_75 = arith.constant 0 : i32
        %dma_start3A_76 = tpu.memref_slice %arg12[%dma_start3A_74, %dma_start3A_75] : memref<10016x128xf32, #tpu.memory_space<vmem_shared>> -> memref<10016x128xf32, #tpu.memory_space<vmem_shared>>
        tpu.enqueue_indirect_dma source(%arg10 : memref<128x128xf32, #tpu.memory_space<vmem>>) target(%dma_start3A_76 : memref<10016x128xf32, #tpu.memory_space<vmem_shared>>) offsets(%dma_start3A_73 : memref<128xi32, #tpu.memory_space<vmem>>) semaphore(%arg15 : memref<!tpu.dma_semaphore, #tpu.memory_space<semaphore_mem>>) {add = true}
        %add3A_77 = arith.constant 1 : i32
        %add3A_78 = arith.addi %add3A_51, %add3A_77 : i32
        %gt3A_79 = arith.constant 0 : i32
        %gt3A_80 = arith.cmpi sgt, %add3A_78, %gt3A_79 : i32
        %convert_element_type3A_81 = arith.extui %gt3A_80 : i1 to i32
        %cond3A_82 = arith.constant 0 : i32
        %cond3A_83 = arith.cmpi ne, %convert_element_type3A_81, %cond3A_82 : i32
        scf.if %cond3A_83 {
          %sub3A = arith.constant 1 : i32
          %sub3A_103 = arith.subi %add3A_78, %sub3A : i32
          %dma_wait3A_104 = arith.constant 0 : i32
          %dma_wait3A_105 = tpu.memref_slice %arg9[%sub3A_103, %dma_wait3A_104] : memref<40x128xi32, #tpu.memory_space<vmem>> -> memref<1x128xi32, #tpu.memory_space<vmem>>
          %dma_wait3A_106 = tpu.memref_squeeze %dma_wait3A_105 : memref<1x128xi32, #tpu.memory_space<vmem>> -> memref<128xi32, #tpu.memory_space<vmem>>
          %dma_wait3A_107 = arith.constant 0 : i32
          %dma_wait3A_108 = arith.constant 0 : i32
          %dma_wait3A_109 = tpu.memref_slice %arg12[%dma_wait3A_107, %dma_wait3A_108] : memref<10016x128xf32, #tpu.memory_space<vmem_shared>> -> memref<10016x128xf32, #tpu.memory_space<vmem_shared>>
          tpu.wait_indirect_dma semaphore(%arg15 : memref<!tpu.dma_semaphore, #tpu.memory_space<semaphore_mem>>) src(%arg10 : memref<128x128xf32, #tpu.memory_space<vmem>>) dst(%dma_wait3A_109 : memref<10016x128xf32, #tpu.memory_space<vmem_shared>>)
        } else {
        }
        %add3A_84 = arith.constant 1 : i32
        %add3A_85 = arith.addi %add3A_78, %add3A_84 : i32
        %lt3A_86 = arith.constant 40 : i32
        %lt3A_87 = arith.cmpi slt, %add3A_85, %lt3A_86 : i32
        %convert_element_type3A_88 = arith.extui %lt3A_87 : i1 to i32
        %cond3A_89 = arith.constant 0 : i32
        %cond3A_90 = arith.cmpi ne, %convert_element_type3A_88, %cond3A_89 : i32
        scf.if %cond3A_90 {
          %add3A_103 = arith.constant 1 : i32
          %add3A_104 = arith.addi %add3A_78, %add3A_103 : i32
          %dma_start3A_105 = arith.constant 0 : i32
          %dma_start3A_106 = tpu.memref_slice %arg8[%add3A_104, %dma_start3A_105] : memref<40x128xi32, #tpu.memory_space<vmem>> -> memref<1x128xi32, #tpu.memory_space<vmem>>
          %dma_start3A_107 = tpu.memref_squeeze %dma_start3A_106 : memref<1x128xi32, #tpu.memory_space<vmem>> -> memref<128xi32, #tpu.memory_space<vmem>>
          %dma_start3A_108 = arith.constant 0 : i32
          %dma_start3A_109 = arith.constant 0 : i32
          %dma_start3A_110 = tpu.memref_slice %arg2[%dma_start3A_108, %dma_start3A_109] : memref<10000x128xf32, #tpu.memory_space<hbm>> -> memref<10000x128xf32, #tpu.memory_space<hbm>>
          tpu.enqueue_indirect_dma source(%dma_start3A_110 : memref<10000x128xf32, #tpu.memory_space<hbm>>) target(%arg10 : memref<128x128xf32, #tpu.memory_space<vmem>>) offsets(%dma_start3A_107 : memref<128xi32, #tpu.memory_space<vmem>>) semaphore(%arg13 : memref<!tpu.dma_semaphore, #tpu.memory_space<semaphore_mem>>)
        } else {
        }
        %dma_wait3A_91 = arith.constant 0 : i32
        %dma_wait3A_92 = tpu.memref_slice %arg8[%add3A_78, %dma_wait3A_91] : memref<40x128xi32, #tpu.memory_space<vmem>> -> memref<1x128xi32, #tpu.memory_space<vmem>>
        %dma_wait3A_93 = tpu.memref_squeeze %dma_wait3A_92 : memref<1x128xi32, #tpu.memory_space<vmem>> -> memref<128xi32, #tpu.memory_space<vmem>>
        %dma_wait3A_94 = arith.constant 0 : i32
        %dma_wait3A_95 = arith.constant 0 : i32
        %dma_wait3A_96 = tpu.memref_slice %arg2[%dma_wait3A_94, %dma_wait3A_95] : memref<10000x128xf32, #tpu.memory_space<hbm>> -> memref<10000x128xf32, #tpu.memory_space<hbm>>
        tpu.wait_indirect_dma semaphore(%arg14 : memref<!tpu.dma_semaphore, #tpu.memory_space<semaphore_mem>>) src(%dma_wait3A_96 : memref<10000x128xf32, #tpu.memory_space<hbm>>) dst(%arg11 : memref<128x128xf32, #tpu.memory_space<vmem>>)
        %dma_start3A_97 = arith.constant 0 : i32
        %dma_start3A_98 = tpu.memref_slice %arg9[%add3A_78, %dma_start3A_97] : memref<40x128xi32, #tpu.memory_space<vmem>> -> memref<1x128xi32, #tpu.memory_space<vmem>>
        %dma_start3A_99 = tpu.memref_squeeze %dma_start3A_98 : memref<1x128xi32, #tpu.memory_space<vmem>> -> memref<128xi32, #tpu.memory_space<vmem>>
        %dma_start3A_100 = arith.constant 0 : i32
        %dma_start3A_101 = arith.constant 0 : i32
        %dma_start3A_102 = tpu.memref_slice %arg12[%dma_start3A_100, %dma_start3A_101] : memref<10016x128xf32, #tpu.memory_space<vmem_shared>> -> memref<10016x128xf32, #tpu.memory_space<vmem_shared>>
        tpu.enqueue_indirect_dma source(%arg11 : memref<128x128xf32, #tpu.memory_space<vmem>>) target(%dma_start3A_102 : memref<10016x128xf32, #tpu.memory_space<vmem_shared>>) offsets(%dma_start3A_99 : memref<128xi32, #tpu.memory_space<vmem>>) semaphore(%arg16 : memref<!tpu.dma_semaphore, #tpu.memory_space<semaphore_mem>>) {add = true}
      }
      %scan3A_39 = arith.constant 20 : i32
      %dma_wait3A_40 = arith.constant 39 : i32
      %dma_wait3A_41 = arith.constant 0 : i32
      %dma_wait3A_42 = tpu.memref_slice %arg9[%dma_wait3A_40, %dma_wait3A_41] : memref<40x128xi32, #tpu.memory_space<vmem>> -> memref<1x128xi32, #tpu.memory_space<vmem>>
      %dma_wait3A_43 = tpu.memref_squeeze %dma_wait3A_42 : memref<1x128xi32, #tpu.memory_space<vmem>> -> memref<128xi32, #tpu.memory_space<vmem>>
      %dma_wait3A_44 = arith.constant 0 : i32
      %dma_wait3A_45 = arith.constant 0 : i32
      %dma_wait3A_46 = tpu.memref_slice %arg12[%dma_wait3A_44, %dma_wait3A_45] : memref<10016x128xf32, #tpu.memory_space<vmem_shared>> -> memref<10016x128xf32, #tpu.memory_space<vmem_shared>>
      tpu.wait_indirect_dma semaphore(%arg16 : memref<!tpu.dma_semaphore, #tpu.memory_space<semaphore_mem>>) src(%arg11 : memref<128x128xf32, #tpu.memory_space<vmem>>) dst(%dma_wait3A_46 : memref<10016x128xf32, #tpu.memory_space<vmem_shared>>)
      %barrier3A_47 = arith.constant 0 : index
      tpu.barrier barrier_id(%barrier3A_47)
      "tpu.region"() ({
        %run_scoped3A_48 = tpu.sem_alloc : memref<!tpu.dma_semaphore, #tpu.memory_space<semaphore_mem>>
        %dma_start3A_49 = arith.constant 0 : i32
        %dma_start3A_50 = tpu.memref_slice %arg6[%multiple_of3A, %dma_start3A_49] : memref<10000x128xf32, #tpu.memory_space<hbm>> -> memref<632x128xf32, #tpu.memory_space<hbm>>
        %dma_start3A_51 = arith.constant 0 : i32
        %dma_start3A_52 = tpu.memref_slice %arg12[%multiple_of3A, %dma_start3A_51] : memref<10016x128xf32, #tpu.memory_space<vmem_shared>> -> memref<632x128xf32, #tpu.memory_space<vmem_shared>>
        tpu.enqueue_dma source(%dma_start3A_52 : memref<632x128xf32, #tpu.memory_space<vmem_shared>>) target(%dma_start3A_50 : memref<632x128xf32, #tpu.memory_space<hbm>>) target_semaphore(%run_scoped3A_48 : memref<!tpu.dma_semaphore, #tpu.memory_space<semaphore_mem>>)
        %dma_wait3A_53 = arith.constant 0 : i32
        %dma_wait3A_54 = tpu.memref_slice %arg6[%multiple_of3A, %dma_wait3A_53] : memref<10000x128xf32, #tpu.memory_space<hbm>> -> memref<632x128xf32, #tpu.memory_space<hbm>>
        %dma_wait3A_55 = arith.constant 0 : i32
        %dma_wait3A_56 = tpu.memref_slice %arg12[%multiple_of3A, %dma_wait3A_55] : memref<10016x128xf32, #tpu.memory_space<vmem_shared>> -> memref<632x128xf32, #tpu.memory_space<vmem_shared>>
        tpu.wait_dma2 semaphore(%run_scoped3A_48 : memref<!tpu.dma_semaphore, #tpu.memory_space<semaphore_mem>>) src(%dma_wait3A_56 : memref<632x128xf32, #tpu.memory_space<vmem_shared>>) dst(%dma_wait3A_54 : memref<632x128xf32, #tpu.memory_space<hbm>>)
        tpu.yield
      }) : () -> ()
    } else {
    }
    %eq3A_2 = arith.constant 1 : i32
    %eq3A_3 = arith.cmpi eq, %arg0, %eq3A_2 : i32
    %convert_element_type3A_4 = arith.extui %eq3A_3 : i1 to i32
    %cond3A_5 = arith.constant 0 : i32
    %cond3A_6 = arith.cmpi ne, %convert_element_type3A_4, %cond3A_5 : i32
    scf.if %cond3A_6 {
      %lt3A = arith.constant 15 : i32
      %lt3A_7 = arith.cmpi slt, %arg1, %lt3A : i32
      %mul3A = arith.constant 632 : i32
      %mul3A_8 = arith.muli %arg1, %mul3A : i32
      %jit3A = arith.constant 9368 : i32
      %select_n3A = arith.select %lt3A_7, %mul3A_8, %jit3A : i32
      %multiple_of3A = tpu.assume_multiple %select_n3A, 8 : i32
      "tpu.region"() ({
        %run_scoped3A_48 = tpu.sem_alloc : memref<!tpu.dma_semaphore, #tpu.memory_space<semaphore_mem>>
        %dma_start3A_49 = arith.constant 0 : i32
        %dma_start3A_50 = tpu.memref_slice %arg12[%multiple_of3A, %dma_start3A_49] : memref<10016x128xf32, #tpu.memory_space<vmem_shared>> -> memref<632x128xf32, #tpu.memory_space<vmem_shared>>
        %dma_start3A_51 = arith.constant 0 : i32
        %dma_start3A_52 = tpu.memref_slice %arg3[%multiple_of3A, %dma_start3A_51] : memref<10000x128xf32, #tpu.memory_space<hbm>> -> memref<632x128xf32, #tpu.memory_space<hbm>>
        tpu.enqueue_dma source(%dma_start3A_52 : memref<632x128xf32, #tpu.memory_space<hbm>>) target(%dma_start3A_50 : memref<632x128xf32, #tpu.memory_space<vmem_shared>>) target_semaphore(%run_scoped3A_48 : memref<!tpu.dma_semaphore, #tpu.memory_space<semaphore_mem>>)
        %dma_wait3A_53 = arith.constant 0 : i32
        %dma_wait3A_54 = tpu.memref_slice %arg12[%multiple_of3A, %dma_wait3A_53] : memref<10016x128xf32, #tpu.memory_space<vmem_shared>> -> memref<632x128xf32, #tpu.memory_space<vmem_shared>>
        %dma_wait3A_55 = arith.constant 0 : i32
        %dma_wait3A_56 = tpu.memref_slice %arg3[%multiple_of3A, %dma_wait3A_55] : memref<10000x128xf32, #tpu.memory_space<hbm>> -> memref<632x128xf32, #tpu.memory_space<hbm>>
        tpu.wait_dma2 semaphore(%run_scoped3A_48 : memref<!tpu.dma_semaphore, #tpu.memory_space<semaphore_mem>>) src(%dma_wait3A_56 : memref<632x128xf32, #tpu.memory_space<hbm>>) dst(%dma_wait3A_54 : memref<632x128xf32, #tpu.memory_space<vmem_shared>>)
        tpu.yield
      }) : () -> ()
      %run_scoped3A = arith.constant 0 : i32
      "tpu.region"() ({
        %run_scoped3A_48 = tpu.sem_alloc : memref<!tpu.dma_semaphore, #tpu.memory_space<semaphore_mem>>
        %dma_start3A_49 = arith.constant 0 : i32
        %dma_start3A_50 = arith.constant 0 : i32
        %dma_start3A_51 = tpu.memref_slice %arg4[%arg1, %run_scoped3A, %dma_start3A_49, %dma_start3A_50] : memref<16x2x40x128xi32, #tpu.memory_space<hbm>> -> memref<1x1x40x128xi32, #tpu.memory_space<hbm>>
        %dma_start3A_52 = tpu.memref_squeeze %dma_start3A_51 : memref<1x1x40x128xi32, #tpu.memory_space<hbm>> -> memref<40x128xi32, #tpu.memory_space<hbm>>
        %dma_start3A_53 = arith.constant 0 : i32
        %dma_start3A_54 = arith.constant 0 : i32
        %dma_start3A_55 = tpu.memref_slice %arg4[%arg1, %run_scoped3A, %dma_start3A_53, %dma_start3A_54] : memref<16x2x40x128xi32, #tpu.memory_space<hbm>> -> memref<1x1x40x128xi32, #tpu.memory_space<hbm>>
        %dma_start3A_56 = tpu.memref_squeeze %dma_start3A_55 : memref<1x1x40x128xi32, #tpu.memory_space<hbm>> -> memref<40x128xi32, #tpu.memory_space<hbm>>
        tpu.enqueue_dma source(%dma_start3A_56 : memref<40x128xi32, #tpu.memory_space<hbm>>) target(%arg8 : memref<40x128xi32, #tpu.memory_space<vmem>>) target_semaphore(%run_scoped3A_48 : memref<!tpu.dma_semaphore, #tpu.memory_space<semaphore_mem>>)
        %dma_wait3A_57 = arith.constant 0 : i32
        %dma_wait3A_58 = arith.constant 0 : i32
        %dma_wait3A_59 = tpu.memref_slice %arg4[%arg1, %run_scoped3A, %dma_wait3A_57, %dma_wait3A_58] : memref<16x2x40x128xi32, #tpu.memory_space<hbm>> -> memref<1x1x40x128xi32, #tpu.memory_space<hbm>>
        %dma_wait3A_60 = tpu.memref_squeeze %dma_wait3A_59 : memref<1x1x40x128xi32, #tpu.memory_space<hbm>> -> memref<40x128xi32, #tpu.memory_space<hbm>>
        %dma_wait3A_61 = arith.constant 0 : i32
        %dma_wait3A_62 = arith.constant 0 : i32
        %dma_wait3A_63 = tpu.memref_slice %arg4[%arg1, %run_scoped3A, %dma_wait3A_61, %dma_wait3A_62] : memref<16x2x40x128xi32, #tpu.memory_space<hbm>> -> memref<1x1x40x128xi32, #tpu.memory_space<hbm>>
        %dma_wait3A_64 = tpu.memref_squeeze %dma_wait3A_63 : memref<1x1x40x128xi32, #tpu.memory_space<hbm>> -> memref<40x128xi32, #tpu.memory_space<hbm>>
        tpu.wait_dma2 semaphore(%run_scoped3A_48 : memref<!tpu.dma_semaphore, #tpu.memory_space<semaphore_mem>>) src(%dma_wait3A_64 : memref<40x128xi32, #tpu.memory_space<hbm>>) dst(%arg8 : memref<40x128xi32, #tpu.memory_space<vmem>>)
        tpu.yield
      }) : () -> ()
      %run_scoped3A_9 = arith.constant 0 : i32
      "tpu.region"() ({
        %run_scoped3A_48 = tpu.sem_alloc : memref<!tpu.dma_semaphore, #tpu.memory_space<semaphore_mem>>
        %dma_start3A_49 = arith.constant 0 : i32
        %dma_start3A_50 = arith.constant 0 : i32
        %dma_start3A_51 = tpu.memref_slice %arg5[%arg1, %run_scoped3A_9, %dma_start3A_49, %dma_start3A_50] : memref<16x2x40x128xi32, #tpu.memory_space<hbm>> -> memref<1x1x40x128xi32, #tpu.memory_space<hbm>>
        %dma_start3A_52 = tpu.memref_squeeze %dma_start3A_51 : memref<1x1x40x128xi32, #tpu.memory_space<hbm>> -> memref<40x128xi32, #tpu.memory_space<hbm>>
        %dma_start3A_53 = arith.constant 0 : i32
        %dma_start3A_54 = arith.constant 0 : i32
        %dma_start3A_55 = tpu.memref_slice %arg5[%arg1, %run_scoped3A_9, %dma_start3A_53, %dma_start3A_54] : memref<16x2x40x128xi32, #tpu.memory_space<hbm>> -> memref<1x1x40x128xi32, #tpu.memory_space<hbm>>
        %dma_start3A_56 = tpu.memref_squeeze %dma_start3A_55 : memref<1x1x40x128xi32, #tpu.memory_space<hbm>> -> memref<40x128xi32, #tpu.memory_space<hbm>>
        tpu.enqueue_dma source(%dma_start3A_56 : memref<40x128xi32, #tpu.memory_space<hbm>>) target(%arg9 : memref<40x128xi32, #tpu.memory_space<vmem>>) target_semaphore(%run_scoped3A_48 : memref<!tpu.dma_semaphore, #tpu.memory_space<semaphore_mem>>)
        %dma_wait3A_57 = arith.constant 0 : i32
        %dma_wait3A_58 = arith.constant 0 : i32
        %dma_wait3A_59 = tpu.memref_slice %arg5[%arg1, %run_scoped3A_9, %dma_wait3A_57, %dma_wait3A_58] : memref<16x2x40x128xi32, #tpu.memory_space<hbm>> -> memref<1x1x40x128xi32, #tpu.memory_space<hbm>>
        %dma_wait3A_60 = tpu.memref_squeeze %dma_wait3A_59 : memref<1x1x40x128xi32, #tpu.memory_space<hbm>> -> memref<40x128xi32, #tpu.memory_space<hbm>>
        %dma_wait3A_61 = arith.constant 0 : i32
        %dma_wait3A_62 = arith.constant 0 : i32
        %dma_wait3A_63 = tpu.memref_slice %arg5[%arg1, %run_scoped3A_9, %dma_wait3A_61, %dma_wait3A_62] : memref<16x2x40x128xi32, #tpu.memory_space<hbm>> -> memref<1x1x40x128xi32, #tpu.memory_space<hbm>>
        %dma_wait3A_64 = tpu.memref_squeeze %dma_wait3A_63 : memref<1x1x40x128xi32, #tpu.memory_space<hbm>> -> memref<40x128xi32, #tpu.memory_space<hbm>>
        tpu.wait_dma2 semaphore(%run_scoped3A_48 : memref<!tpu.dma_semaphore, #tpu.memory_space<semaphore_mem>>) src(%dma_wait3A_64 : memref<40x128xi32, #tpu.memory_space<hbm>>) dst(%arg9 : memref<40x128xi32, #tpu.memory_space<vmem>>)
        tpu.yield
      }) : () -> ()
      %barrier3A = arith.constant 0 : index
      tpu.barrier barrier_id(%barrier3A)
      %dma_start3A = arith.constant 0 : i32
      %dma_start3A_10 = arith.constant 0 : i32
      %dma_start3A_11 = tpu.memref_slice %arg8[%dma_start3A, %dma_start3A_10] : memref<40x128xi32, #tpu.memory_space<vmem>> -> memref<1x128xi32, #tpu.memory_space<vmem>>
      %dma_start3A_12 = tpu.memref_squeeze %dma_start3A_11 : memref<1x128xi32, #tpu.memory_space<vmem>> -> memref<128xi32, #tpu.memory_space<vmem>>
      %dma_start3A_13 = arith.constant 0 : i32
      %dma_start3A_14 = arith.constant 0 : i32
      %dma_start3A_15 = tpu.memref_slice %arg3[%dma_start3A_13, %dma_start3A_14] : memref<10000x128xf32, #tpu.memory_space<hbm>> -> memref<10000x128xf32, #tpu.memory_space<hbm>>
      tpu.enqueue_indirect_dma source(%dma_start3A_15 : memref<10000x128xf32, #tpu.memory_space<hbm>>) target(%arg10 : memref<128x128xf32, #tpu.memory_space<vmem>>) offsets(%dma_start3A_12 : memref<128xi32, #tpu.memory_space<vmem>>) semaphore(%arg13 : memref<!tpu.dma_semaphore, #tpu.memory_space<semaphore_mem>>)
      %scan3A = arith.constant 0 : i32
      %scan3A_16 = arith.constant 20 : i32
      %scan3A_17 = arith.addi %scan3A, %scan3A_16 : i32
      %scan3A_18 = arith.constant 1 : i32
      scf.for %scan3A_48 = %scan3A to %scan3A_17 step %scan3A_18  : i32 {
        %mul3A_49 = arith.constant 2 : i32
        %mul3A_50 = arith.muli %scan3A_48, %mul3A_49 : i32
        %add3A = arith.constant 0 : i32
        %add3A_51 = arith.addi %add3A, %mul3A_50 : i32
        %add3A_52 = arith.constant 0 : i32
        %add3A_53 = arith.addi %add3A_51, %add3A_52 : i32
        %gt3A = arith.constant 0 : i32
        %gt3A_54 = arith.cmpi sgt, %add3A_53, %gt3A : i32
        %convert_element_type3A_55 = arith.extui %gt3A_54 : i1 to i32
        %cond3A_56 = arith.constant 0 : i32
        %cond3A_57 = arith.cmpi ne, %convert_element_type3A_55, %cond3A_56 : i32
        scf.if %cond3A_57 {
          %sub3A = arith.constant 1 : i32
          %sub3A_103 = arith.subi %add3A_53, %sub3A : i32
          %dma_wait3A_104 = arith.constant 0 : i32
          %dma_wait3A_105 = tpu.memref_slice %arg9[%sub3A_103, %dma_wait3A_104] : memref<40x128xi32, #tpu.memory_space<vmem>> -> memref<1x128xi32, #tpu.memory_space<vmem>>
          %dma_wait3A_106 = tpu.memref_squeeze %dma_wait3A_105 : memref<1x128xi32, #tpu.memory_space<vmem>> -> memref<128xi32, #tpu.memory_space<vmem>>
          %dma_wait3A_107 = arith.constant 0 : i32
          %dma_wait3A_108 = arith.constant 0 : i32
          %dma_wait3A_109 = tpu.memref_slice %arg12[%dma_wait3A_107, %dma_wait3A_108] : memref<10016x128xf32, #tpu.memory_space<vmem_shared>> -> memref<10016x128xf32, #tpu.memory_space<vmem_shared>>
          tpu.wait_indirect_dma semaphore(%arg16 : memref<!tpu.dma_semaphore, #tpu.memory_space<semaphore_mem>>) src(%arg11 : memref<128x128xf32, #tpu.memory_space<vmem>>) dst(%dma_wait3A_109 : memref<10016x128xf32, #tpu.memory_space<vmem_shared>>)
        } else {
        }
        %add3A_58 = arith.constant 1 : i32
        %add3A_59 = arith.addi %add3A_53, %add3A_58 : i32
        %lt3A_60 = arith.constant 40 : i32
        %lt3A_61 = arith.cmpi slt, %add3A_59, %lt3A_60 : i32
        %convert_element_type3A_62 = arith.extui %lt3A_61 : i1 to i32
        %cond3A_63 = arith.constant 0 : i32
        %cond3A_64 = arith.cmpi ne, %convert_element_type3A_62, %cond3A_63 : i32
        scf.if %cond3A_64 {
          %add3A_103 = arith.constant 1 : i32
          %add3A_104 = arith.addi %add3A_53, %add3A_103 : i32
          %dma_start3A_105 = arith.constant 0 : i32
          %dma_start3A_106 = tpu.memref_slice %arg8[%add3A_104, %dma_start3A_105] : memref<40x128xi32, #tpu.memory_space<vmem>> -> memref<1x128xi32, #tpu.memory_space<vmem>>
          %dma_start3A_107 = tpu.memref_squeeze %dma_start3A_106 : memref<1x128xi32, #tpu.memory_space<vmem>> -> memref<128xi32, #tpu.memory_space<vmem>>
          %dma_start3A_108 = arith.constant 0 : i32
          %dma_start3A_109 = arith.constant 0 : i32
          %dma_start3A_110 = tpu.memref_slice %arg3[%dma_start3A_108, %dma_start3A_109] : memref<10000x128xf32, #tpu.memory_space<hbm>> -> memref<10000x128xf32, #tpu.memory_space<hbm>>
          tpu.enqueue_indirect_dma source(%dma_start3A_110 : memref<10000x128xf32, #tpu.memory_space<hbm>>) target(%arg11 : memref<128x128xf32, #tpu.memory_space<vmem>>) offsets(%dma_start3A_107 : memref<128xi32, #tpu.memory_space<vmem>>) semaphore(%arg14 : memref<!tpu.dma_semaphore, #tpu.memory_space<semaphore_mem>>)
        } else {
        }
        %dma_wait3A_65 = arith.constant 0 : i32
        %dma_wait3A_66 = tpu.memref_slice %arg8[%add3A_53, %dma_wait3A_65] : memref<40x128xi32, #tpu.memory_space<vmem>> -> memref<1x128xi32, #tpu.memory_space<vmem>>
        %dma_wait3A_67 = tpu.memref_squeeze %dma_wait3A_66 : memref<1x128xi32, #tpu.memory_space<vmem>> -> memref<128xi32, #tpu.memory_space<vmem>>
        %dma_wait3A_68 = arith.constant 0 : i32
        %dma_wait3A_69 = arith.constant 0 : i32
        %dma_wait3A_70 = tpu.memref_slice %arg3[%dma_wait3A_68, %dma_wait3A_69] : memref<10000x128xf32, #tpu.memory_space<hbm>> -> memref<10000x128xf32, #tpu.memory_space<hbm>>
        tpu.wait_indirect_dma semaphore(%arg13 : memref<!tpu.dma_semaphore, #tpu.memory_space<semaphore_mem>>) src(%dma_wait3A_70 : memref<10000x128xf32, #tpu.memory_space<hbm>>) dst(%arg10 : memref<128x128xf32, #tpu.memory_space<vmem>>)
        %dma_start3A_71 = arith.constant 0 : i32
        %dma_start3A_72 = tpu.memref_slice %arg9[%add3A_53, %dma_start3A_71] : memref<40x128xi32, #tpu.memory_space<vmem>> -> memref<1x128xi32, #tpu.memory_space<vmem>>
        %dma_start3A_73 = tpu.memref_squeeze %dma_start3A_72 : memref<1x128xi32, #tpu.memory_space<vmem>> -> memref<128xi32, #tpu.memory_space<vmem>>
        %dma_start3A_74 = arith.constant 0 : i32
        %dma_start3A_75 = arith.constant 0 : i32
        %dma_start3A_76 = tpu.memref_slice %arg12[%dma_start3A_74, %dma_start3A_75] : memref<10016x128xf32, #tpu.memory_space<vmem_shared>> -> memref<10016x128xf32, #tpu.memory_space<vmem_shared>>
        tpu.enqueue_indirect_dma source(%arg10 : memref<128x128xf32, #tpu.memory_space<vmem>>) target(%dma_start3A_76 : memref<10016x128xf32, #tpu.memory_space<vmem_shared>>) offsets(%dma_start3A_73 : memref<128xi32, #tpu.memory_space<vmem>>) semaphore(%arg15 : memref<!tpu.dma_semaphore, #tpu.memory_space<semaphore_mem>>) {add = true}
        %add3A_77 = arith.constant 1 : i32
        %add3A_78 = arith.addi %add3A_51, %add3A_77 : i32
        %gt3A_79 = arith.constant 0 : i32
        %gt3A_80 = arith.cmpi sgt, %add3A_78, %gt3A_79 : i32
        %convert_element_type3A_81 = arith.extui %gt3A_80 : i1 to i32
        %cond3A_82 = arith.constant 0 : i32
        %cond3A_83 = arith.cmpi ne, %convert_element_type3A_81, %cond3A_82 : i32
        scf.if %cond3A_83 {
          %sub3A = arith.constant 1 : i32
          %sub3A_103 = arith.subi %add3A_78, %sub3A : i32
          %dma_wait3A_104 = arith.constant 0 : i32
          %dma_wait3A_105 = tpu.memref_slice %arg9[%sub3A_103, %dma_wait3A_104] : memref<40x128xi32, #tpu.memory_space<vmem>> -> memref<1x128xi32, #tpu.memory_space<vmem>>
          %dma_wait3A_106 = tpu.memref_squeeze %dma_wait3A_105 : memref<1x128xi32, #tpu.memory_space<vmem>> -> memref<128xi32, #tpu.memory_space<vmem>>
          %dma_wait3A_107 = arith.constant 0 : i32
          %dma_wait3A_108 = arith.constant 0 : i32
          %dma_wait3A_109 = tpu.memref_slice %arg12[%dma_wait3A_107, %dma_wait3A_108] : memref<10016x128xf32, #tpu.memory_space<vmem_shared>> -> memref<10016x128xf32, #tpu.memory_space<vmem_shared>>
          tpu.wait_indirect_dma semaphore(%arg15 : memref<!tpu.dma_semaphore, #tpu.memory_space<semaphore_mem>>) src(%arg10 : memref<128x128xf32, #tpu.memory_space<vmem>>) dst(%dma_wait3A_109 : memref<10016x128xf32, #tpu.memory_space<vmem_shared>>)
        } else {
        }
        %add3A_84 = arith.constant 1 : i32
        %add3A_85 = arith.addi %add3A_78, %add3A_84 : i32
        %lt3A_86 = arith.constant 40 : i32
        %lt3A_87 = arith.cmpi slt, %add3A_85, %lt3A_86 : i32
        %convert_element_type3A_88 = arith.extui %lt3A_87 : i1 to i32
        %cond3A_89 = arith.constant 0 : i32
        %cond3A_90 = arith.cmpi ne, %convert_element_type3A_88, %cond3A_89 : i32
        scf.if %cond3A_90 {
          %add3A_103 = arith.constant 1 : i32
          %add3A_104 = arith.addi %add3A_78, %add3A_103 : i32
          %dma_start3A_105 = arith.constant 0 : i32
          %dma_start3A_106 = tpu.memref_slice %arg8[%add3A_104, %dma_start3A_105] : memref<40x128xi32, #tpu.memory_space<vmem>> -> memref<1x128xi32, #tpu.memory_space<vmem>>
          %dma_start3A_107 = tpu.memref_squeeze %dma_start3A_106 : memref<1x128xi32, #tpu.memory_space<vmem>> -> memref<128xi32, #tpu.memory_space<vmem>>
          %dma_start3A_108 = arith.constant 0 : i32
          %dma_start3A_109 = arith.constant 0 : i32
          %dma_start3A_110 = tpu.memref_slice %arg3[%dma_start3A_108, %dma_start3A_109] : memref<10000x128xf32, #tpu.memory_space<hbm>> -> memref<10000x128xf32, #tpu.memory_space<hbm>>
          tpu.enqueue_indirect_dma source(%dma_start3A_110 : memref<10000x128xf32, #tpu.memory_space<hbm>>) target(%arg10 : memref<128x128xf32, #tpu.memory_space<vmem>>) offsets(%dma_start3A_107 : memref<128xi32, #tpu.memory_space<vmem>>) semaphore(%arg13 : memref<!tpu.dma_semaphore, #tpu.memory_space<semaphore_mem>>)
        } else {
        }
        %dma_wait3A_91 = arith.constant 0 : i32
        %dma_wait3A_92 = tpu.memref_slice %arg8[%add3A_78, %dma_wait3A_91] : memref<40x128xi32, #tpu.memory_space<vmem>> -> memref<1x128xi32, #tpu.memory_space<vmem>>
        %dma_wait3A_93 = tpu.memref_squeeze %dma_wait3A_92 : memref<1x128xi32, #tpu.memory_space<vmem>> -> memref<128xi32, #tpu.memory_space<vmem>>
        %dma_wait3A_94 = arith.constant 0 : i32
        %dma_wait3A_95 = arith.constant 0 : i32
        %dma_wait3A_96 = tpu.memref_slice %arg3[%dma_wait3A_94, %dma_wait3A_95] : memref<10000x128xf32, #tpu.memory_space<hbm>> -> memref<10000x128xf32, #tpu.memory_space<hbm>>
        tpu.wait_indirect_dma semaphore(%arg14 : memref<!tpu.dma_semaphore, #tpu.memory_space<semaphore_mem>>) src(%dma_wait3A_96 : memref<10000x128xf32, #tpu.memory_space<hbm>>) dst(%arg11 : memref<128x128xf32, #tpu.memory_space<vmem>>)
        %dma_start3A_97 = arith.constant 0 : i32
        %dma_start3A_98 = tpu.memref_slice %arg9[%add3A_78, %dma_start3A_97] : memref<40x128xi32, #tpu.memory_space<vmem>> -> memref<1x128xi32, #tpu.memory_space<vmem>>
        %dma_start3A_99 = tpu.memref_squeeze %dma_start3A_98 : memref<1x128xi32, #tpu.memory_space<vmem>> -> memref<128xi32, #tpu.memory_space<vmem>>
        %dma_start3A_100 = arith.constant 0 : i32
        %dma_start3A_101 = arith.constant 0 : i32
        %dma_start3A_102 = tpu.memref_slice %arg12[%dma_start3A_100, %dma_start3A_101] : memref<10016x128xf32, #tpu.memory_space<vmem_shared>> -> memref<10016x128xf32, #tpu.memory_space<vmem_shared>>
        tpu.enqueue_indirect_dma source(%arg11 : memref<128x128xf32, #tpu.memory_space<vmem>>) target(%dma_start3A_102 : memref<10016x128xf32, #tpu.memory_space<vmem_shared>>) offsets(%dma_start3A_99 : memref<128xi32, #tpu.memory_space<vmem>>) semaphore(%arg16 : memref<!tpu.dma_semaphore, #tpu.memory_space<semaphore_mem>>) {add = true}
      }
      %scan3A_19 = arith.constant 20 : i32
      %dma_wait3A = arith.constant 39 : i32
      %dma_wait3A_20 = arith.constant 0 : i32
      %dma_wait3A_21 = tpu.memref_slice %arg9[%dma_wait3A, %dma_wait3A_20] : memref<40x128xi32, #tpu.memory_space<vmem>> -> memref<1x128xi32, #tpu.memory_space<vmem>>
      %dma_wait3A_22 = tpu.memref_squeeze %dma_wait3A_21 : memref<1x128xi32, #tpu.memory_space<vmem>> -> memref<128xi32, #tpu.memory_space<vmem>>
      %dma_wait3A_23 = arith.constant 0 : i32
      %dma_wait3A_24 = arith.constant 0 : i32
      %dma_wait3A_25 = tpu.memref_slice %arg12[%dma_wait3A_23, %dma_wait3A_24] : memref<10016x128xf32, #tpu.memory_space<vmem_shared>> -> memref<10016x128xf32, #tpu.memory_space<vmem_shared>>
      tpu.wait_indirect_dma semaphore(%arg16 : memref<!tpu.dma_semaphore, #tpu.memory_space<semaphore_mem>>) src(%arg11 : memref<128x128xf32, #tpu.memory_space<vmem>>) dst(%dma_wait3A_25 : memref<10016x128xf32, #tpu.memory_space<vmem_shared>>)
      %run_scoped3A_26 = arith.constant 1 : i32
      "tpu.region"() ({
        %run_scoped3A_48 = tpu.sem_alloc : memref<!tpu.dma_semaphore, #tpu.memory_space<semaphore_mem>>
        %dma_start3A_49 = arith.constant 0 : i32
        %dma_start3A_50 = arith.constant 0 : i32
        %dma_start3A_51 = tpu.memref_slice %arg4[%arg1, %run_scoped3A_26, %dma_start3A_49, %dma_start3A_50] : memref<16x2x40x128xi32, #tpu.memory_space<hbm>> -> memref<1x1x40x128xi32, #tpu.memory_space<hbm>>
        %dma_start3A_52 = tpu.memref_squeeze %dma_start3A_51 : memref<1x1x40x128xi32, #tpu.memory_space<hbm>> -> memref<40x128xi32, #tpu.memory_space<hbm>>
        %dma_start3A_53 = arith.constant 0 : i32
        %dma_start3A_54 = arith.constant 0 : i32
        %dma_start3A_55 = tpu.memref_slice %arg4[%arg1, %run_scoped3A_26, %dma_start3A_53, %dma_start3A_54] : memref<16x2x40x128xi32, #tpu.memory_space<hbm>> -> memref<1x1x40x128xi32, #tpu.memory_space<hbm>>
        %dma_start3A_56 = tpu.memref_squeeze %dma_start3A_55 : memref<1x1x40x128xi32, #tpu.memory_space<hbm>> -> memref<40x128xi32, #tpu.memory_space<hbm>>
        tpu.enqueue_dma source(%dma_start3A_56 : memref<40x128xi32, #tpu.memory_space<hbm>>) target(%arg8 : memref<40x128xi32, #tpu.memory_space<vmem>>) target_semaphore(%run_scoped3A_48 : memref<!tpu.dma_semaphore, #tpu.memory_space<semaphore_mem>>)
        %dma_wait3A_57 = arith.constant 0 : i32
        %dma_wait3A_58 = arith.constant 0 : i32
        %dma_wait3A_59 = tpu.memref_slice %arg4[%arg1, %run_scoped3A_26, %dma_wait3A_57, %dma_wait3A_58] : memref<16x2x40x128xi32, #tpu.memory_space<hbm>> -> memref<1x1x40x128xi32, #tpu.memory_space<hbm>>
        %dma_wait3A_60 = tpu.memref_squeeze %dma_wait3A_59 : memref<1x1x40x128xi32, #tpu.memory_space<hbm>> -> memref<40x128xi32, #tpu.memory_space<hbm>>
        %dma_wait3A_61 = arith.constant 0 : i32
        %dma_wait3A_62 = arith.constant 0 : i32
        %dma_wait3A_63 = tpu.memref_slice %arg4[%arg1, %run_scoped3A_26, %dma_wait3A_61, %dma_wait3A_62] : memref<16x2x40x128xi32, #tpu.memory_space<hbm>> -> memref<1x1x40x128xi32, #tpu.memory_space<hbm>>
        %dma_wait3A_64 = tpu.memref_squeeze %dma_wait3A_63 : memref<1x1x40x128xi32, #tpu.memory_space<hbm>> -> memref<40x128xi32, #tpu.memory_space<hbm>>
        tpu.wait_dma2 semaphore(%run_scoped3A_48 : memref<!tpu.dma_semaphore, #tpu.memory_space<semaphore_mem>>) src(%dma_wait3A_64 : memref<40x128xi32, #tpu.memory_space<hbm>>) dst(%arg8 : memref<40x128xi32, #tpu.memory_space<vmem>>)
        tpu.yield
      }) : () -> ()
      %run_scoped3A_27 = arith.constant 1 : i32
      "tpu.region"() ({
        %run_scoped3A_48 = tpu.sem_alloc : memref<!tpu.dma_semaphore, #tpu.memory_space<semaphore_mem>>
        %dma_start3A_49 = arith.constant 0 : i32
        %dma_start3A_50 = arith.constant 0 : i32
        %dma_start3A_51 = tpu.memref_slice %arg5[%arg1, %run_scoped3A_27, %dma_start3A_49, %dma_start3A_50] : memref<16x2x40x128xi32, #tpu.memory_space<hbm>> -> memref<1x1x40x128xi32, #tpu.memory_space<hbm>>
        %dma_start3A_52 = tpu.memref_squeeze %dma_start3A_51 : memref<1x1x40x128xi32, #tpu.memory_space<hbm>> -> memref<40x128xi32, #tpu.memory_space<hbm>>
        %dma_start3A_53 = arith.constant 0 : i32
        %dma_start3A_54 = arith.constant 0 : i32
        %dma_start3A_55 = tpu.memref_slice %arg5[%arg1, %run_scoped3A_27, %dma_start3A_53, %dma_start3A_54] : memref<16x2x40x128xi32, #tpu.memory_space<hbm>> -> memref<1x1x40x128xi32, #tpu.memory_space<hbm>>
        %dma_start3A_56 = tpu.memref_squeeze %dma_start3A_55 : memref<1x1x40x128xi32, #tpu.memory_space<hbm>> -> memref<40x128xi32, #tpu.memory_space<hbm>>
        tpu.enqueue_dma source(%dma_start3A_56 : memref<40x128xi32, #tpu.memory_space<hbm>>) target(%arg9 : memref<40x128xi32, #tpu.memory_space<vmem>>) target_semaphore(%run_scoped3A_48 : memref<!tpu.dma_semaphore, #tpu.memory_space<semaphore_mem>>)
        %dma_wait3A_57 = arith.constant 0 : i32
        %dma_wait3A_58 = arith.constant 0 : i32
        %dma_wait3A_59 = tpu.memref_slice %arg5[%arg1, %run_scoped3A_27, %dma_wait3A_57, %dma_wait3A_58] : memref<16x2x40x128xi32, #tpu.memory_space<hbm>> -> memref<1x1x40x128xi32, #tpu.memory_space<hbm>>
        %dma_wait3A_60 = tpu.memref_squeeze %dma_wait3A_59 : memref<1x1x40x128xi32, #tpu.memory_space<hbm>> -> memref<40x128xi32, #tpu.memory_space<hbm>>
        %dma_wait3A_61 = arith.constant 0 : i32
        %dma_wait3A_62 = arith.constant 0 : i32
        %dma_wait3A_63 = tpu.memref_slice %arg5[%arg1, %run_scoped3A_27, %dma_wait3A_61, %dma_wait3A_62] : memref<16x2x40x128xi32, #tpu.memory_space<hbm>> -> memref<1x1x40x128xi32, #tpu.memory_space<hbm>>
        %dma_wait3A_64 = tpu.memref_squeeze %dma_wait3A_63 : memref<1x1x40x128xi32, #tpu.memory_space<hbm>> -> memref<40x128xi32, #tpu.memory_space<hbm>>
        tpu.wait_dma2 semaphore(%run_scoped3A_48 : memref<!tpu.dma_semaphore, #tpu.memory_space<semaphore_mem>>) src(%dma_wait3A_64 : memref<40x128xi32, #tpu.memory_space<hbm>>) dst(%arg9 : memref<40x128xi32, #tpu.memory_space<vmem>>)
        tpu.yield
      }) : () -> ()
      %dma_start3A_28 = arith.constant 0 : i32
      %dma_start3A_29 = arith.constant 0 : i32
      %dma_start3A_30 = tpu.memref_slice %arg8[%dma_start3A_28, %dma_start3A_29] : memref<40x128xi32, #tpu.memory_space<vmem>> -> memref<1x128xi32, #tpu.memory_space<vmem>>
      %dma_start3A_31 = tpu.memref_squeeze %dma_start3A_30 : memref<1x128xi32, #tpu.memory_space<vmem>> -> memref<128xi32, #tpu.memory_space<vmem>>
      %dma_start3A_32 = arith.constant 0 : i32
      %dma_start3A_33 = arith.constant 0 : i32
      %dma_start3A_34 = tpu.memref_slice %arg3[%dma_start3A_32, %dma_start3A_33] : memref<10000x128xf32, #tpu.memory_space<hbm>> -> memref<10000x128xf32, #tpu.memory_space<hbm>>
      tpu.enqueue_indirect_dma source(%dma_start3A_34 : memref<10000x128xf32, #tpu.memory_space<hbm>>) target(%arg10 : memref<128x128xf32, #tpu.memory_space<vmem>>) offsets(%dma_start3A_31 : memref<128xi32, #tpu.memory_space<vmem>>) semaphore(%arg13 : memref<!tpu.dma_semaphore, #tpu.memory_space<semaphore_mem>>)
      %scan3A_35 = arith.constant 0 : i32
      %scan3A_36 = arith.constant 20 : i32
      %scan3A_37 = arith.addi %scan3A_35, %scan3A_36 : i32
      %scan3A_38 = arith.constant 1 : i32
      scf.for %scan3A_48 = %scan3A_35 to %scan3A_37 step %scan3A_38  : i32 {
        %mul3A_49 = arith.constant 2 : i32
        %mul3A_50 = arith.muli %scan3A_48, %mul3A_49 : i32
        %add3A = arith.constant 0 : i32
        %add3A_51 = arith.addi %add3A, %mul3A_50 : i32
        %add3A_52 = arith.constant 0 : i32
        %add3A_53 = arith.addi %add3A_51, %add3A_52 : i32
        %gt3A = arith.constant 0 : i32
        %gt3A_54 = arith.cmpi sgt, %add3A_53, %gt3A : i32
        %convert_element_type3A_55 = arith.extui %gt3A_54 : i1 to i32
        %cond3A_56 = arith.constant 0 : i32
        %cond3A_57 = arith.cmpi ne, %convert_element_type3A_55, %cond3A_56 : i32
        scf.if %cond3A_57 {
          %sub3A = arith.constant 1 : i32
          %sub3A_103 = arith.subi %add3A_53, %sub3A : i32
          %dma_wait3A_104 = arith.constant 0 : i32
          %dma_wait3A_105 = tpu.memref_slice %arg9[%sub3A_103, %dma_wait3A_104] : memref<40x128xi32, #tpu.memory_space<vmem>> -> memref<1x128xi32, #tpu.memory_space<vmem>>
          %dma_wait3A_106 = tpu.memref_squeeze %dma_wait3A_105 : memref<1x128xi32, #tpu.memory_space<vmem>> -> memref<128xi32, #tpu.memory_space<vmem>>
          %dma_wait3A_107 = arith.constant 0 : i32
          %dma_wait3A_108 = arith.constant 0 : i32
          %dma_wait3A_109 = tpu.memref_slice %arg12[%dma_wait3A_107, %dma_wait3A_108] : memref<10016x128xf32, #tpu.memory_space<vmem_shared>> -> memref<10016x128xf32, #tpu.memory_space<vmem_shared>>
          tpu.wait_indirect_dma semaphore(%arg16 : memref<!tpu.dma_semaphore, #tpu.memory_space<semaphore_mem>>) src(%arg11 : memref<128x128xf32, #tpu.memory_space<vmem>>) dst(%dma_wait3A_109 : memref<10016x128xf32, #tpu.memory_space<vmem_shared>>)
        } else {
        }
        %add3A_58 = arith.constant 1 : i32
        %add3A_59 = arith.addi %add3A_53, %add3A_58 : i32
        %lt3A_60 = arith.constant 40 : i32
        %lt3A_61 = arith.cmpi slt, %add3A_59, %lt3A_60 : i32
        %convert_element_type3A_62 = arith.extui %lt3A_61 : i1 to i32
        %cond3A_63 = arith.constant 0 : i32
        %cond3A_64 = arith.cmpi ne, %convert_element_type3A_62, %cond3A_63 : i32
        scf.if %cond3A_64 {
          %add3A_103 = arith.constant 1 : i32
          %add3A_104 = arith.addi %add3A_53, %add3A_103 : i32
          %dma_start3A_105 = arith.constant 0 : i32
          %dma_start3A_106 = tpu.memref_slice %arg8[%add3A_104, %dma_start3A_105] : memref<40x128xi32, #tpu.memory_space<vmem>> -> memref<1x128xi32, #tpu.memory_space<vmem>>
          %dma_start3A_107 = tpu.memref_squeeze %dma_start3A_106 : memref<1x128xi32, #tpu.memory_space<vmem>> -> memref<128xi32, #tpu.memory_space<vmem>>
          %dma_start3A_108 = arith.constant 0 : i32
          %dma_start3A_109 = arith.constant 0 : i32
          %dma_start3A_110 = tpu.memref_slice %arg3[%dma_start3A_108, %dma_start3A_109] : memref<10000x128xf32, #tpu.memory_space<hbm>> -> memref<10000x128xf32, #tpu.memory_space<hbm>>
          tpu.enqueue_indirect_dma source(%dma_start3A_110 : memref<10000x128xf32, #tpu.memory_space<hbm>>) target(%arg11 : memref<128x128xf32, #tpu.memory_space<vmem>>) offsets(%dma_start3A_107 : memref<128xi32, #tpu.memory_space<vmem>>) semaphore(%arg14 : memref<!tpu.dma_semaphore, #tpu.memory_space<semaphore_mem>>)
        } else {
        }
        %dma_wait3A_65 = arith.constant 0 : i32
        %dma_wait3A_66 = tpu.memref_slice %arg8[%add3A_53, %dma_wait3A_65] : memref<40x128xi32, #tpu.memory_space<vmem>> -> memref<1x128xi32, #tpu.memory_space<vmem>>
        %dma_wait3A_67 = tpu.memref_squeeze %dma_wait3A_66 : memref<1x128xi32, #tpu.memory_space<vmem>> -> memref<128xi32, #tpu.memory_space<vmem>>
        %dma_wait3A_68 = arith.constant 0 : i32
        %dma_wait3A_69 = arith.constant 0 : i32
        %dma_wait3A_70 = tpu.memref_slice %arg3[%dma_wait3A_68, %dma_wait3A_69] : memref<10000x128xf32, #tpu.memory_space<hbm>> -> memref<10000x128xf32, #tpu.memory_space<hbm>>
        tpu.wait_indirect_dma semaphore(%arg13 : memref<!tpu.dma_semaphore, #tpu.memory_space<semaphore_mem>>) src(%dma_wait3A_70 : memref<10000x128xf32, #tpu.memory_space<hbm>>) dst(%arg10 : memref<128x128xf32, #tpu.memory_space<vmem>>)
        %dma_start3A_71 = arith.constant 0 : i32
        %dma_start3A_72 = tpu.memref_slice %arg9[%add3A_53, %dma_start3A_71] : memref<40x128xi32, #tpu.memory_space<vmem>> -> memref<1x128xi32, #tpu.memory_space<vmem>>
        %dma_start3A_73 = tpu.memref_squeeze %dma_start3A_72 : memref<1x128xi32, #tpu.memory_space<vmem>> -> memref<128xi32, #tpu.memory_space<vmem>>
        %dma_start3A_74 = arith.constant 0 : i32
        %dma_start3A_75 = arith.constant 0 : i32
        %dma_start3A_76 = tpu.memref_slice %arg12[%dma_start3A_74, %dma_start3A_75] : memref<10016x128xf32, #tpu.memory_space<vmem_shared>> -> memref<10016x128xf32, #tpu.memory_space<vmem_shared>>
        tpu.enqueue_indirect_dma source(%arg10 : memref<128x128xf32, #tpu.memory_space<vmem>>) target(%dma_start3A_76 : memref<10016x128xf32, #tpu.memory_space<vmem_shared>>) offsets(%dma_start3A_73 : memref<128xi32, #tpu.memory_space<vmem>>) semaphore(%arg15 : memref<!tpu.dma_semaphore, #tpu.memory_space<semaphore_mem>>) {add = true}
        %add3A_77 = arith.constant 1 : i32
        %add3A_78 = arith.addi %add3A_51, %add3A_77 : i32
        %gt3A_79 = arith.constant 0 : i32
        %gt3A_80 = arith.cmpi sgt, %add3A_78, %gt3A_79 : i32
        %convert_element_type3A_81 = arith.extui %gt3A_80 : i1 to i32
        %cond3A_82 = arith.constant 0 : i32
        %cond3A_83 = arith.cmpi ne, %convert_element_type3A_81, %cond3A_82 : i32
        scf.if %cond3A_83 {
          %sub3A = arith.constant 1 : i32
          %sub3A_103 = arith.subi %add3A_78, %sub3A : i32
          %dma_wait3A_104 = arith.constant 0 : i32
          %dma_wait3A_105 = tpu.memref_slice %arg9[%sub3A_103, %dma_wait3A_104] : memref<40x128xi32, #tpu.memory_space<vmem>> -> memref<1x128xi32, #tpu.memory_space<vmem>>
          %dma_wait3A_106 = tpu.memref_squeeze %dma_wait3A_105 : memref<1x128xi32, #tpu.memory_space<vmem>> -> memref<128xi32, #tpu.memory_space<vmem>>
          %dma_wait3A_107 = arith.constant 0 : i32
          %dma_wait3A_108 = arith.constant 0 : i32
          %dma_wait3A_109 = tpu.memref_slice %arg12[%dma_wait3A_107, %dma_wait3A_108] : memref<10016x128xf32, #tpu.memory_space<vmem_shared>> -> memref<10016x128xf32, #tpu.memory_space<vmem_shared>>
          tpu.wait_indirect_dma semaphore(%arg15 : memref<!tpu.dma_semaphore, #tpu.memory_space<semaphore_mem>>) src(%arg10 : memref<128x128xf32, #tpu.memory_space<vmem>>) dst(%dma_wait3A_109 : memref<10016x128xf32, #tpu.memory_space<vmem_shared>>)
        } else {
        }
        %add3A_84 = arith.constant 1 : i32
        %add3A_85 = arith.addi %add3A_78, %add3A_84 : i32
        %lt3A_86 = arith.constant 40 : i32
        %lt3A_87 = arith.cmpi slt, %add3A_85, %lt3A_86 : i32
        %convert_element_type3A_88 = arith.extui %lt3A_87 : i1 to i32
        %cond3A_89 = arith.constant 0 : i32
        %cond3A_90 = arith.cmpi ne, %convert_element_type3A_88, %cond3A_89 : i32
        scf.if %cond3A_90 {
          %add3A_103 = arith.constant 1 : i32
          %add3A_104 = arith.addi %add3A_78, %add3A_103 : i32
          %dma_start3A_105 = arith.constant 0 : i32
          %dma_start3A_106 = tpu.memref_slice %arg8[%add3A_104, %dma_start3A_105] : memref<40x128xi32, #tpu.memory_space<vmem>> -> memref<1x128xi32, #tpu.memory_space<vmem>>
          %dma_start3A_107 = tpu.memref_squeeze %dma_start3A_106 : memref<1x128xi32, #tpu.memory_space<vmem>> -> memref<128xi32, #tpu.memory_space<vmem>>
          %dma_start3A_108 = arith.constant 0 : i32
          %dma_start3A_109 = arith.constant 0 : i32
          %dma_start3A_110 = tpu.memref_slice %arg3[%dma_start3A_108, %dma_start3A_109] : memref<10000x128xf32, #tpu.memory_space<hbm>> -> memref<10000x128xf32, #tpu.memory_space<hbm>>
          tpu.enqueue_indirect_dma source(%dma_start3A_110 : memref<10000x128xf32, #tpu.memory_space<hbm>>) target(%arg10 : memref<128x128xf32, #tpu.memory_space<vmem>>) offsets(%dma_start3A_107 : memref<128xi32, #tpu.memory_space<vmem>>) semaphore(%arg13 : memref<!tpu.dma_semaphore, #tpu.memory_space<semaphore_mem>>)
        } else {
        }
        %dma_wait3A_91 = arith.constant 0 : i32
        %dma_wait3A_92 = tpu.memref_slice %arg8[%add3A_78, %dma_wait3A_91] : memref<40x128xi32, #tpu.memory_space<vmem>> -> memref<1x128xi32, #tpu.memory_space<vmem>>
        %dma_wait3A_93 = tpu.memref_squeeze %dma_wait3A_92 : memref<1x128xi32, #tpu.memory_space<vmem>> -> memref<128xi32, #tpu.memory_space<vmem>>
        %dma_wait3A_94 = arith.constant 0 : i32
        %dma_wait3A_95 = arith.constant 0 : i32
        %dma_wait3A_96 = tpu.memref_slice %arg3[%dma_wait3A_94, %dma_wait3A_95] : memref<10000x128xf32, #tpu.memory_space<hbm>> -> memref<10000x128xf32, #tpu.memory_space<hbm>>
        tpu.wait_indirect_dma semaphore(%arg14 : memref<!tpu.dma_semaphore, #tpu.memory_space<semaphore_mem>>) src(%dma_wait3A_96 : memref<10000x128xf32, #tpu.memory_space<hbm>>) dst(%arg11 : memref<128x128xf32, #tpu.memory_space<vmem>>)
        %dma_start3A_97 = arith.constant 0 : i32
        %dma_start3A_98 = tpu.memref_slice %arg9[%add3A_78, %dma_start3A_97] : memref<40x128xi32, #tpu.memory_space<vmem>> -> memref<1x128xi32, #tpu.memory_space<vmem>>
        %dma_start3A_99 = tpu.memref_squeeze %dma_start3A_98 : memref<1x128xi32, #tpu.memory_space<vmem>> -> memref<128xi32, #tpu.memory_space<vmem>>
        %dma_start3A_100 = arith.constant 0 : i32
        %dma_start3A_101 = arith.constant 0 : i32
        %dma_start3A_102 = tpu.memref_slice %arg12[%dma_start3A_100, %dma_start3A_101] : memref<10016x128xf32, #tpu.memory_space<vmem_shared>> -> memref<10016x128xf32, #tpu.memory_space<vmem_shared>>
        tpu.enqueue_indirect_dma source(%arg11 : memref<128x128xf32, #tpu.memory_space<vmem>>) target(%dma_start3A_102 : memref<10016x128xf32, #tpu.memory_space<vmem_shared>>) offsets(%dma_start3A_99 : memref<128xi32, #tpu.memory_space<vmem>>) semaphore(%arg16 : memref<!tpu.dma_semaphore, #tpu.memory_space<semaphore_mem>>) {add = true}
      }
      %scan3A_39 = arith.constant 20 : i32
      %dma_wait3A_40 = arith.constant 39 : i32
      %dma_wait3A_41 = arith.constant 0 : i32
      %dma_wait3A_42 = tpu.memref_slice %arg9[%dma_wait3A_40, %dma_wait3A_41] : memref<40x128xi32, #tpu.memory_space<vmem>> -> memref<1x128xi32, #tpu.memory_space<vmem>>
      %dma_wait3A_43 = tpu.memref_squeeze %dma_wait3A_42 : memref<1x128xi32, #tpu.memory_space<vmem>> -> memref<128xi32, #tpu.memory_space<vmem>>
      %dma_wait3A_44 = arith.constant 0 : i32
      %dma_wait3A_45 = arith.constant 0 : i32
      %dma_wait3A_46 = tpu.memref_slice %arg12[%dma_wait3A_44, %dma_wait3A_45] : memref<10016x128xf32, #tpu.memory_space<vmem_shared>> -> memref<10016x128xf32, #tpu.memory_space<vmem_shared>>
      tpu.wait_indirect_dma semaphore(%arg16 : memref<!tpu.dma_semaphore, #tpu.memory_space<semaphore_mem>>) src(%arg11 : memref<128x128xf32, #tpu.memory_space<vmem>>) dst(%dma_wait3A_46 : memref<10016x128xf32, #tpu.memory_space<vmem_shared>>)
      %barrier3A_47 = arith.constant 0 : index
      tpu.barrier barrier_id(%barrier3A_47)
      "tpu.region"() ({
        %run_scoped3A_48 = tpu.sem_alloc : memref<!tpu.dma_semaphore, #tpu.memory_space<semaphore_mem>>
        %dma_start3A_49 = arith.constant 0 : i32
        %dma_start3A_50 = tpu.memref_slice %arg7[%multiple_of3A, %dma_start3A_49] : memref<10000x128xf32, #tpu.memory_space<hbm>> -> memref<632x128xf32, #tpu.memory_space<hbm>>
        %dma_start3A_51 = arith.constant 0 : i32
        %dma_start3A_52 = tpu.memref_slice %arg12[%multiple_of3A, %dma_start3A_51] : memref<10016x128xf32, #tpu.memory_space<vmem_shared>> -> memref<632x128xf32, #tpu.memory_space<vmem_shared>>
        tpu.enqueue_dma source(%dma_start3A_52 : memref<632x128xf32, #tpu.memory_space<vmem_shared>>) target(%dma_start3A_50 : memref<632x128xf32, #tpu.memory_space<hbm>>) target_semaphore(%run_scoped3A_48 : memref<!tpu.dma_semaphore, #tpu.memory_space<semaphore_mem>>)
        %dma_wait3A_53 = arith.constant 0 : i32
        %dma_wait3A_54 = tpu.memref_slice %arg7[%multiple_of3A, %dma_wait3A_53] : memref<10000x128xf32, #tpu.memory_space<hbm>> -> memref<632x128xf32, #tpu.memory_space<hbm>>
        %dma_wait3A_55 = arith.constant 0 : i32
        %dma_wait3A_56 = tpu.memref_slice %arg12[%multiple_of3A, %dma_wait3A_55] : memref<10016x128xf32, #tpu.memory_space<vmem_shared>> -> memref<632x128xf32, #tpu.memory_space<vmem_shared>>
        tpu.wait_dma2 semaphore(%run_scoped3A_48 : memref<!tpu.dma_semaphore, #tpu.memory_space<semaphore_mem>>) src(%dma_wait3A_56 : memref<632x128xf32, #tpu.memory_space<vmem_shared>>) dst(%dma_wait3A_54 : memref<632x128xf32, #tpu.memory_space<hbm>>)
        tpu.yield
      }) : () -> ()
    } else {
    }
    return
  }
}

module attributes {stable_mosaic.version = 14 : i64} {
  func.func @_mmu_body(%arg0: i32, %arg1: memref<1000x256xf32, #tpu.memory_space<vmem>>, %arg2: memref<256x256xf32, #tpu.memory_space<vmem>>, %arg3: memref<1000x128xf32, #tpu.memory_space<vmem>>, %arg4: memref<1000x128xf32, #tpu.memory_space<vmem>>) attributes {dimension_semantics = [#tpu.dimension_semantics<arbitrary>], iteration_bounds = array<i64: 10>, scalar_prefetch = 0 : i64, scratch_operands = 0 : i64, tpu.core_type = #tpu.core_type<tc>, window_params = [{transform_indices = @transform_0, window_bounds = array<i64: 1000, 256>}, {pipeline_mode = #tpu.pipeline_mode<synchronous>, transform_indices = @transform_1, window_bounds = array<i64: 256, 256>}, {transform_indices = @transform_2, window_bounds = array<i64: 1000, 128>}, {transform_indices = @transform_3, window_bounds = array<i64: 1000, 128>}]} {
    %get3A = arith.constant 0 : index
    %get3A_0 = arith.constant 0 : index
    %get3A_1 = vector.load %arg1[%get3A, %get3A_0] : memref<1000x256xf32, #tpu.memory_space<vmem>>, vector<1000x256xf32>
    %get3A_2 = arith.constant 0 : index
    %get3A_3 = arith.constant 0 : index
    %get3A_4 = vector.load %arg2[%get3A_2, %get3A_3] : memref<256x256xf32, #tpu.memory_space<vmem>>, vector<256x256xf32>
    %dot_general3A = arith.constant dense<0.000000e+00> : vector<1000x256xf32>
    %dot_general3A_5 = tpu.matmul %get3A_1, %get3A_4, %dot_general3A {dimension_numbers = #tpu.dot_dimension_numbers<[1], [0], [0], [1], [0, 0, 1, 1], [], []>, transpose_lhs_hint = false} : vector<1000x256xf32>, vector<256x256xf32>, vector<1000x256xf32> -> vector<1000x256xf32>
    %slice3A = vector.extract_strided_slice %dot_general3A_5 {offsets = [0, 0], sizes = [1000, 128], strides = [1, 1]} : vector<1000x256xf32> to vector<1000x128xf32>
    %swap3A = arith.constant 0 : index
    %swap3A_6 = arith.constant 0 : index
    %swap3A_7 = vector.load %arg3[%swap3A, %swap3A_6] : memref<1000x128xf32, #tpu.memory_space<vmem>>, vector<1000x128xf32>
    tpu.vector_store %arg3[%swap3A, %swap3A_6], %slice3A {strides = array<i32>} : memref<1000x128xf32, #tpu.memory_space<vmem>>, vector<1000x128xf32>,
    %slice3A_8 = vector.extract_strided_slice %dot_general3A_5 {offsets = [0, 128], sizes = [1000, 128], strides = [1, 1]} : vector<1000x256xf32> to vector<1000x128xf32>
    %swap3A_9 = arith.constant 0 : index
    %swap3A_10 = arith.constant 0 : index
    %swap3A_11 = vector.load %arg4[%swap3A_9, %swap3A_10] : memref<1000x128xf32, #tpu.memory_space<vmem>>, vector<1000x128xf32>
    tpu.vector_store %arg4[%swap3A_9, %swap3A_10], %slice3A_8 {strides = array<i32>} : memref<1000x128xf32, #tpu.memory_space<vmem>>, vector<1000x128xf32>,
    return
  }
  func.func @transform_0(%arg0: i32) -> (i32, i32) {
    %c0_i32 = arith.constant 0 : i32
    %c0_i32_0 = arith.constant 0 : i32
    return %arg0, %c0_i32 : i32, i32
  }
  func.func @transform_1(%arg0: i32) -> (i32, i32) {
    %c0_i32 = arith.constant 0 : i32
    %c0_i32_0 = arith.constant 0 : i32
    %c0_i32_1 = arith.constant 0 : i32
    return %c0_i32, %c0_i32_0 : i32, i32
  }
  func.func @transform_2(%arg0: i32) -> (i32, i32) {
    %c0_i32 = arith.constant 0 : i32
    %c0_i32_0 = arith.constant 0 : i32
    return %arg0, %c0_i32 : i32, i32
  }
  func.func @transform_3(%arg0: i32) -> (i32, i32) {
    %c0_i32 = arith.constant 0 : i32
    %c0_i32_0 = arith.constant 0 : i32
    return %arg0, %c0_i32 : i32, i32
  }
}

module attributes {stable_mosaic.version = 14 : i64} {
  func.func @_scale_body(%arg0: i32, %arg1: memref<1000x128xf32, #tpu.memory_space<vmem>>, %arg2: memref<1000x128xf32, #tpu.memory_space<vmem>>, %arg3: memref<1000x128xf32, #tpu.memory_space<vmem>>, %arg4: memref<1000x128xf32, #tpu.memory_space<vmem>>, %arg5: memref<1000x128xf32, #tpu.memory_space<vmem>>, %arg6: memref<1000x128xf32, #tpu.memory_space<vmem>>) attributes {dimension_semantics = [#tpu.dimension_semantics<arbitrary>], iteration_bounds = array<i64: 10>, scalar_prefetch = 0 : i64, scratch_operands = 0 : i64, tpu.core_type = #tpu.core_type<tc>, window_params = [{transform_indices = @transform_0, window_bounds = array<i64: 1000, 128>}, {transform_indices = @transform_1, window_bounds = array<i64: 1000, 128>}, {transform_indices = @transform_2, window_bounds = array<i64: 1000, 128>}, {transform_indices = @transform_3, window_bounds = array<i64: 1000, 128>}, {transform_indices = @transform_4, window_bounds = array<i64: 1000, 128>}, {transform_indices = @transform_5, window_bounds = array<i64: 1000, 128>}]} {
    %get3A = arith.constant 0 : index
    %get3A_0 = arith.constant 0 : index
    %get3A_1 = vector.load %arg3[%get3A, %get3A_0] : memref<1000x128xf32, #tpu.memory_space<vmem>>, vector<1000x1xf32>
    %get3A_2 = arith.constant 0 : index
    %get3A_3 = arith.constant 0 : index
    %get3A_4 = vector.load %arg4[%get3A_2, %get3A_3] : memref<1000x128xf32, #tpu.memory_space<vmem>>, vector<1000x1xf32>
    %add3A = arith.addf %get3A_1, %get3A_4 : vector<1000x1xf32>
    %sub3A = arith.constant 1.000000e+00 : f32
    %sub3A_5 = vector.broadcast %sub3A : f32 to vector<1000x1xf32>
    %sub3A_6 = arith.subf %add3A, %sub3A_5 : vector<1000x1xf32>
    %rsqrt3A = math.rsqrt %sub3A_6 : vector<1000x1xf32>
    %get3A_7 = arith.constant 0 : index
    %get3A_8 = arith.constant 0 : index
    %get3A_9 = vector.load %arg1[%get3A_7, %get3A_8] : memref<1000x128xf32, #tpu.memory_space<vmem>>, vector<1000x128xf32>
    %mul3A = vector.broadcast %rsqrt3A : vector<1000x1xf32> to vector<1000x128xf32>
    %mul3A_10 = arith.mulf %get3A_9, %mul3A : vector<1000x128xf32>
    %swap3A = arith.constant 0 : index
    %swap3A_11 = arith.constant 0 : index
    %swap3A_12 = vector.load %arg5[%swap3A, %swap3A_11] : memref<1000x128xf32, #tpu.memory_space<vmem>>, vector<1000x128xf32>
    tpu.vector_store %arg5[%swap3A, %swap3A_11], %mul3A_10 {strides = array<i32>} : memref<1000x128xf32, #tpu.memory_space<vmem>>, vector<1000x128xf32>,
    %get3A_13 = arith.constant 0 : index
    %get3A_14 = arith.constant 0 : index
    %get3A_15 = vector.load %arg2[%get3A_13, %get3A_14] : memref<1000x128xf32, #tpu.memory_space<vmem>>, vector<1000x128xf32>
    %mul3A_16 = vector.broadcast %rsqrt3A : vector<1000x1xf32> to vector<1000x128xf32>
    %mul3A_17 = arith.mulf %get3A_15, %mul3A_16 : vector<1000x128xf32>
    %swap3A_18 = arith.constant 0 : index
    %swap3A_19 = arith.constant 0 : index
    %swap3A_20 = vector.load %arg6[%swap3A_18, %swap3A_19] : memref<1000x128xf32, #tpu.memory_space<vmem>>, vector<1000x128xf32>
    tpu.vector_store %arg6[%swap3A_18, %swap3A_19], %mul3A_17 {strides = array<i32>} : memref<1000x128xf32, #tpu.memory_space<vmem>>, vector<1000x128xf32>,
    return
  }
  func.func @transform_0(%arg0: i32) -> (i32, i32) {
    %c0_i32 = arith.constant 0 : i32
    %c0_i32_0 = arith.constant 0 : i32
    return %arg0, %c0_i32 : i32, i32
  }
  func.func @transform_1(%arg0: i32) -> (i32, i32) {
    %c0_i32 = arith.constant 0 : i32
    %c0_i32_0 = arith.constant 0 : i32
    return %arg0, %c0_i32 : i32, i32
  }
  func.func @transform_2(%arg0: i32) -> (i32, i32) {
    %c0_i32 = arith.constant 0 : i32
    %c0_i32_0 = arith.constant 0 : i32
    return %arg0, %c0_i32 : i32, i32
  }
  func.func @transform_3(%arg0: i32) -> (i32, i32) {
    %c0_i32 = arith.constant 0 : i32
    %c0_i32_0 = arith.constant 0 : i32
    return %arg0, %c0_i32 : i32, i32
  }
  func.func @transform_4(%arg0: i32) -> (i32, i32) {
    %c0_i32 = arith.constant 0 : i32
    %c0_i32_0 = arith.constant 0 : i32
    return %arg0, %c0_i32 : i32, i32
  }
  func.func @transform_5(%arg0: i32) -> (i32, i32) {
    %c0_i32 = arith.constant 0 : i32
    %c0_i32_0 = arith.constant 0 : i32
    return %arg0, %c0_i32 : i32, i32
  }
}

module attributes {stable_mosaic.version = 14 : i64} {
  func.func @_bnmm_body(%arg0: i32, %arg1: i32, %arg2: memref<1000x128xf32, #tpu.memory_space<vmem>>, %arg3: memref<1000x128xf32, #tpu.memory_space<vmem>>, %arg4: memref<1000x128xf32, #tpu.memory_space<vmem>>, %arg5: memref<1000x128xf32, #tpu.memory_space<vmem>>, %arg6: memref<1x256xf32, #tpu.memory_space<vmem>>, %arg7: memref<1x256xf32, #tpu.memory_space<vmem>>, %arg8: memref<1x256xf32, #tpu.memory_space<vmem>>, %arg9: memref<256x256xf32, #tpu.memory_space<vmem>>, %arg10: memref<1000x128xf32, #tpu.memory_space<vmem>>, %arg11: memref<1000x128xf32, #tpu.memory_space<vmem>>, %arg12: memref<1x256xf32, #tpu.memory_space<vmem>>, %arg13: memref<1x256xf32, #tpu.memory_space<vmem>>) attributes {dimension_semantics = [#tpu.dimension_semantics<arbitrary>, #tpu.dimension_semantics<arbitrary>], iteration_bounds = array<i64: 2, 10>, scalar_prefetch = 0 : i64, scratch_operands = 2 : i64, tpu.core_type = #tpu.core_type<tc>, window_params = [{transform_indices = @transform_0, window_bounds = array<i64: 1000, 128>}, {transform_indices = @transform_1, window_bounds = array<i64: 1000, 128>}, {transform_indices = @transform_2, window_bounds = array<i64: 1000, 128>}, {transform_indices = @transform_3, window_bounds = array<i64: 1000, 128>}, {pipeline_mode = #tpu.pipeline_mode<synchronous>, transform_indices = @transform_4, window_bounds = array<i64: 1, 256>}, {pipeline_mode = #tpu.pipeline_mode<synchronous>, transform_indices = @transform_5, window_bounds = array<i64: 1, 256>}, {pipeline_mode = #tpu.pipeline_mode<synchronous>, transform_indices = @transform_6, window_bounds = array<i64: 1, 256>}, {pipeline_mode = #tpu.pipeline_mode<synchronous>, transform_indices = @transform_7, window_bounds = array<i64: 256, 256>}, {transform_indices = @transform_8, window_bounds = array<i64: 1000, 128>}, {transform_indices = @transform_9, window_bounds = array<i64: 1000, 128>}]} {
    %get3A = arith.constant 0 : index
    %get3A_0 = arith.constant 0 : index
    %get3A_1 = vector.load %arg4[%get3A, %get3A_0] : memref<1000x128xf32, #tpu.memory_space<vmem>>, vector<1000x1xf32>
    %get3A_2 = arith.constant 0 : index
    %get3A_3 = arith.constant 0 : index
    %get3A_4 = vector.load %arg5[%get3A_2, %get3A_3] : memref<1000x128xf32, #tpu.memory_space<vmem>>, vector<1000x1xf32>
    %add3A = arith.addf %get3A_1, %get3A_4 : vector<1000x1xf32>
    %sub3A = arith.constant 1.000000e+00 : f32
    %sub3A_5 = vector.broadcast %sub3A : f32 to vector<1000x1xf32>
    %sub3A_6 = arith.subf %add3A, %sub3A_5 : vector<1000x1xf32>
    %rsqrt3A = math.rsqrt %sub3A_6 : vector<1000x1xf32>
    %get3A_7 = arith.constant 0 : index
    %get3A_8 = arith.constant 0 : index
    %get3A_9 = vector.load %arg2[%get3A_7, %get3A_8] : memref<1000x128xf32, #tpu.memory_space<vmem>>, vector<1000x128xf32>
    %mul3A = vector.broadcast %rsqrt3A : vector<1000x1xf32> to vector<1000x128xf32>
    %mul3A_10 = arith.mulf %get3A_9, %mul3A : vector<1000x128xf32>
    %get3A_11 = arith.constant 0 : index
    %get3A_12 = arith.constant 0 : index
    %get3A_13 = vector.load %arg6[%get3A_11, %get3A_12] : memref<1x256xf32, #tpu.memory_space<vmem>>, vector<1x128xf32>
    %add3A_14 = vector.broadcast %get3A_13 : vector<1x128xf32> to vector<1000x128xf32>
    %add3A_15 = arith.addf %mul3A_10, %add3A_14 : vector<1000x128xf32>
    %get3A_16 = arith.constant 0 : index
    %get3A_17 = arith.constant 0 : index
    %get3A_18 = vector.load %arg3[%get3A_16, %get3A_17] : memref<1000x128xf32, #tpu.memory_space<vmem>>, vector<1000x128xf32>
    %mul3A_19 = vector.broadcast %rsqrt3A : vector<1000x1xf32> to vector<1000x128xf32>
    %mul3A_20 = arith.mulf %get3A_18, %mul3A_19 : vector<1000x128xf32>
    %get3A_21 = arith.constant 0 : index
    %get3A_22 = arith.constant 128 : index
    %get3A_23 = vector.load %arg6[%get3A_21, %get3A_22] : memref<1x256xf32, #tpu.memory_space<vmem>>, vector<1x128xf32>
    %add3A_24 = vector.broadcast %get3A_23 : vector<1x128xf32> to vector<1000x128xf32>
    %add3A_25 = arith.addf %mul3A_20, %add3A_24 : vector<1000x128xf32>
    %eq3A = arith.constant 0 : i32
    %eq3A_26 = arith.cmpi eq, %arg0, %eq3A : i32
    %eq3A_27 = arith.constant 0 : i32
    %eq3A_28 = arith.cmpi eq, %arg1, %eq3A_27 : i32
    %and3A = arith.andi %eq3A_26, %eq3A_28 : i1
    %convert_element_type3A = arith.extui %and3A : i1 to i32
    %cond3A = arith.constant 0 : i32
    %cond3A_29 = arith.cmpi ne, %convert_element_type3A, %cond3A : i32
    scf.if %cond3A_29 {
      %broadcast_in_dim3A = arith.constant 0.000000e+00 : f32
      %broadcast_in_dim3A_40 = vector.broadcast %broadcast_in_dim3A : f32 to vector<1x256xf32>
      %swap3A = arith.constant 0 : index
      %swap3A_41 = arith.constant 0 : index
      %swap3A_42 = vector.load %arg12[%swap3A, %swap3A_41] : memref<1x256xf32, #tpu.memory_space<vmem>>, vector<1x256xf32>
      tpu.vector_store %arg12[%swap3A, %swap3A_41], %broadcast_in_dim3A_40 {strides = array<i32>} : memref<1x256xf32, #tpu.memory_space<vmem>>, vector<1x256xf32>,
      %broadcast_in_dim3A_43 = arith.constant 0.000000e+00 : f32
      %broadcast_in_dim3A_44 = vector.broadcast %broadcast_in_dim3A_43 : f32 to vector<1x256xf32>
      %swap3A_45 = arith.constant 0 : index
      %swap3A_46 = arith.constant 0 : index
      %swap3A_47 = vector.load %arg13[%swap3A_45, %swap3A_46] : memref<1x256xf32, #tpu.memory_space<vmem>>, vector<1x256xf32>
      tpu.vector_store %arg13[%swap3A_45, %swap3A_46], %broadcast_in_dim3A_44 {strides = array<i32>} : memref<1x256xf32, #tpu.memory_space<vmem>>, vector<1x256xf32>,
    } else {
    }
    %eq3A_30 = arith.constant 0 : i32
    %eq3A_31 = arith.cmpi eq, %arg0, %eq3A_30 : i32
    %convert_element_type3A_32 = arith.extui %eq3A_31 : i1 to i32
    %cond3A_33 = arith.constant 0 : i32
    %cond3A_34 = arith.cmpi ne, %convert_element_type3A_32, %cond3A_33 : i32
    scf.if %cond3A_34 {
      %get3A_40 = arith.constant 0 : index
      %get3A_41 = arith.constant 0 : index
      %get3A_42 = vector.load %arg12[%get3A_40, %get3A_41] : memref<1x256xf32, #tpu.memory_space<vmem>>, vector<1x128xf32>
      %reduce_sum3A = arith.constant dense<0.000000e+00> : vector<128xf32>
      %reduce_sum3A_43 = vector.multi_reduction <add>, %add3A_15, %reduce_sum3A [0] : vector<1000x128xf32> to vector<128xf32>
      %broadcast_in_dim3A = vector.shape_cast %reduce_sum3A_43 : vector<128xf32> to vector<1x128xf32>
      %add3A_44 = arith.addf %get3A_42, %broadcast_in_dim3A : vector<1x128xf32>
      %swap3A = arith.constant 0 : index
      %swap3A_45 = arith.constant 0 : index
      %swap3A_46 = vector.load %arg12[%swap3A, %swap3A_45] : memref<1x256xf32, #tpu.memory_space<vmem>>, vector<1x128xf32>
      tpu.vector_store %arg12[%swap3A, %swap3A_45], %add3A_44 {strides = array<i32>} : memref<1x256xf32, #tpu.memory_space<vmem>>, vector<1x128xf32>,
      %get3A_47 = arith.constant 0 : index
      %get3A_48 = arith.constant 128 : index
      %get3A_49 = vector.load %arg12[%get3A_47, %get3A_48] : memref<1x256xf32, #tpu.memory_space<vmem>>, vector<1x128xf32>
      %reduce_sum3A_50 = arith.constant dense<0.000000e+00> : vector<128xf32>
      %reduce_sum3A_51 = vector.multi_reduction <add>, %add3A_25, %reduce_sum3A_50 [0] : vector<1000x128xf32> to vector<128xf32>
      %broadcast_in_dim3A_52 = vector.shape_cast %reduce_sum3A_51 : vector<128xf32> to vector<1x128xf32>
      %add3A_53 = arith.addf %get3A_49, %broadcast_in_dim3A_52 : vector<1x128xf32>
      %swap3A_54 = arith.constant 0 : index
      %swap3A_55 = arith.constant 128 : index
      %swap3A_56 = vector.load %arg12[%swap3A_54, %swap3A_55] : memref<1x256xf32, #tpu.memory_space<vmem>>, vector<1x128xf32>
      tpu.vector_store %arg12[%swap3A_54, %swap3A_55], %add3A_53 {strides = array<i32>} : memref<1x256xf32, #tpu.memory_space<vmem>>, vector<1x128xf32>,
      %get3A_57 = arith.constant 0 : index
      %get3A_58 = arith.constant 0 : index
      %get3A_59 = vector.load %arg13[%get3A_57, %get3A_58] : memref<1x256xf32, #tpu.memory_space<vmem>>, vector<1x128xf32>
      %mul3A_60 = arith.mulf %add3A_15, %add3A_15 : vector<1000x128xf32>
      %reduce_sum3A_61 = arith.constant dense<0.000000e+00> : vector<128xf32>
      %reduce_sum3A_62 = vector.multi_reduction <add>, %mul3A_60, %reduce_sum3A_61 [0] : vector<1000x128xf32> to vector<128xf32>
      %broadcast_in_dim3A_63 = vector.shape_cast %reduce_sum3A_62 : vector<128xf32> to vector<1x128xf32>
      %add3A_64 = arith.addf %get3A_59, %broadcast_in_dim3A_63 : vector<1x128xf32>
      %swap3A_65 = arith.constant 0 : index
      %swap3A_66 = arith.constant 0 : index
      %swap3A_67 = vector.load %arg13[%swap3A_65, %swap3A_66] : memref<1x256xf32, #tpu.memory_space<vmem>>, vector<1x128xf32>
      tpu.vector_store %arg13[%swap3A_65, %swap3A_66], %add3A_64 {strides = array<i32>} : memref<1x256xf32, #tpu.memory_space<vmem>>, vector<1x128xf32>,
      %get3A_68 = arith.constant 0 : index
      %get3A_69 = arith.constant 128 : index
      %get3A_70 = vector.load %arg13[%get3A_68, %get3A_69] : memref<1x256xf32, #tpu.memory_space<vmem>>, vector<1x128xf32>
      %mul3A_71 = arith.mulf %add3A_25, %add3A_25 : vector<1000x128xf32>
      %reduce_sum3A_72 = arith.constant dense<0.000000e+00> : vector<128xf32>
      %reduce_sum3A_73 = vector.multi_reduction <add>, %mul3A_71, %reduce_sum3A_72 [0] : vector<1000x128xf32> to vector<128xf32>
      %broadcast_in_dim3A_74 = vector.shape_cast %reduce_sum3A_73 : vector<128xf32> to vector<1x128xf32>
      %add3A_75 = arith.addf %get3A_70, %broadcast_in_dim3A_74 : vector<1x128xf32>
      %swap3A_76 = arith.constant 0 : index
      %swap3A_77 = arith.constant 128 : index
      %swap3A_78 = vector.load %arg13[%swap3A_76, %swap3A_77] : memref<1x256xf32, #tpu.memory_space<vmem>>, vector<1x128xf32>
      tpu.vector_store %arg13[%swap3A_76, %swap3A_77], %add3A_75 {strides = array<i32>} : memref<1x256xf32, #tpu.memory_space<vmem>>, vector<1x128xf32>,
    } else {
    }
    %eq3A_35 = arith.constant 1 : i32
    %eq3A_36 = arith.cmpi eq, %arg0, %eq3A_35 : i32
    %convert_element_type3A_37 = arith.extui %eq3A_36 : i1 to i32
    %cond3A_38 = arith.constant 0 : i32
    %cond3A_39 = arith.cmpi ne, %convert_element_type3A_37, %cond3A_38 : i32
    scf.if %cond3A_39 {
      %get3A_40 = arith.constant 0 : index
      %get3A_41 = arith.constant 0 : index
      %get3A_42 = vector.load %arg12[%get3A_40, %get3A_41] : memref<1x256xf32, #tpu.memory_space<vmem>>, vector<1x256xf32>
      %mul3A_43 = arith.constant 9.99999974E-5 : f32
      %mul3A_44 = vector.broadcast %mul3A_43 : f32 to vector<1x256xf32>
      %mul3A_45 = arith.mulf %get3A_42, %mul3A_44 : vector<1x256xf32>
      %get3A_46 = arith.constant 0 : index
      %get3A_47 = arith.constant 0 : index
      %get3A_48 = vector.load %arg13[%get3A_46, %get3A_47] : memref<1x256xf32, #tpu.memory_space<vmem>>, vector<1x256xf32>
      %mul3A_49 = arith.constant 9.99999974E-5 : f32
      %mul3A_50 = vector.broadcast %mul3A_49 : f32 to vector<1x256xf32>
      %mul3A_51 = arith.mulf %get3A_48, %mul3A_50 : vector<1x256xf32>
      %mul3A_52 = arith.mulf %mul3A_45, %mul3A_45 : vector<1x256xf32>
      %sub3A_53 = arith.subf %mul3A_51, %mul3A_52 : vector<1x256xf32>
      %add3A_54 = arith.constant 9.99999974E-6 : f32
      %add3A_55 = vector.broadcast %add3A_54 : f32 to vector<1x256xf32>
      %add3A_56 = arith.addf %sub3A_53, %add3A_55 : vector<1x256xf32>
      %rsqrt3A_57 = math.rsqrt %add3A_56 : vector<1x256xf32>
      %get3A_58 = arith.constant 0 : index
      %get3A_59 = arith.constant 0 : index
      %get3A_60 = vector.load %arg7[%get3A_58, %get3A_59] : memref<1x256xf32, #tpu.memory_space<vmem>>, vector<1x256xf32>
      %mul3A_61 = arith.mulf %rsqrt3A_57, %get3A_60 : vector<1x256xf32>
      %get3A_62 = arith.constant 0 : index
      %get3A_63 = arith.constant 0 : index
      %get3A_64 = vector.load %arg8[%get3A_62, %get3A_63] : memref<1x256xf32, #tpu.memory_space<vmem>>, vector<1x256xf32>
      %mul3A_65 = arith.mulf %mul3A_45, %mul3A_61 : vector<1x256xf32>
      %sub3A_66 = arith.subf %get3A_64, %mul3A_65 : vector<1x256xf32>
      %slice3A = vector.extract_strided_slice %mul3A_61 {offsets = [0, 0], sizes = [1, 128], strides = [1, 1]} : vector<1x256xf32> to vector<1x128xf32>
      %mul3A_67 = vector.broadcast %slice3A : vector<1x128xf32> to vector<1000x128xf32>
      %mul3A_68 = arith.mulf %add3A_15, %mul3A_67 : vector<1000x128xf32>
      %slice3A_69 = vector.extract_strided_slice %sub3A_66 {offsets = [0, 0], sizes = [1, 128], strides = [1, 1]} : vector<1x256xf32> to vector<1x128xf32>
      %add3A_70 = vector.broadcast %slice3A_69 : vector<1x128xf32> to vector<1000x128xf32>
      %add3A_71 = arith.addf %mul3A_68, %add3A_70 : vector<1000x128xf32>
      %max3A = arith.constant 0.000000e+00 : f32
      %max3A_72 = vector.broadcast %max3A : f32 to vector<1000x128xf32>
      %max3A_73 = arith.maximumf %add3A_71, %max3A_72 : vector<1000x128xf32>
      %slice3A_74 = vector.extract_strided_slice %mul3A_61 {offsets = [0, 128], sizes = [1, 128], strides = [1, 1]} : vector<1x256xf32> to vector<1x128xf32>
      %mul3A_75 = vector.broadcast %slice3A_74 : vector<1x128xf32> to vector<1000x128xf32>
      %mul3A_76 = arith.mulf %add3A_25, %mul3A_75 : vector<1000x128xf32>
      %slice3A_77 = vector.extract_strided_slice %sub3A_66 {offsets = [0, 128], sizes = [1, 128], strides = [1, 1]} : vector<1x256xf32> to vector<1x128xf32>
      %add3A_78 = vector.broadcast %slice3A_77 : vector<1x128xf32> to vector<1000x128xf32>
      %add3A_79 = arith.addf %mul3A_76, %add3A_78 : vector<1000x128xf32>
      %max3A_80 = arith.constant 0.000000e+00 : f32
      %max3A_81 = vector.broadcast %max3A_80 : f32 to vector<1000x128xf32>
      %max3A_82 = arith.maximumf %add3A_79, %max3A_81 : vector<1000x128xf32>
      %mul3A_83 = vector.broadcast %rsqrt3A : vector<1000x1xf32> to vector<1000x128xf32>
      %mul3A_84 = arith.mulf %max3A_73, %mul3A_83 : vector<1000x128xf32>
      %get3A_85 = arith.constant 0 : index
      %get3A_86 = arith.constant 0 : index
      %get3A_87 = vector.load %arg9[%get3A_85, %get3A_86] : memref<256x256xf32, #tpu.memory_space<vmem>>, vector<128x256xf32>
      %dot_general3A = arith.constant dense<0.000000e+00> : vector<1000x256xf32>
      %dot_general3A_88 = tpu.matmul %mul3A_84, %get3A_87, %dot_general3A {dimension_numbers = #tpu.dot_dimension_numbers<[1], [0], [0], [1], [0, 0, 1, 1], [], []>, transpose_lhs_hint = false} : vector<1000x128xf32>, vector<128x256xf32>, vector<1000x256xf32> -> vector<1000x256xf32>
      %mul3A_89 = vector.broadcast %rsqrt3A : vector<1000x1xf32> to vector<1000x128xf32>
      %mul3A_90 = arith.mulf %max3A_82, %mul3A_89 : vector<1000x128xf32>
      %get3A_91 = arith.constant 128 : index
      %get3A_92 = arith.constant 0 : index
      %get3A_93 = vector.load %arg9[%get3A_91, %get3A_92] : memref<256x256xf32, #tpu.memory_space<vmem>>, vector<128x256xf32>
      %dot_general3A_94 = arith.constant dense<0.000000e+00> : vector<1000x256xf32>
      %dot_general3A_95 = tpu.matmul %mul3A_90, %get3A_93, %dot_general3A_94 {dimension_numbers = #tpu.dot_dimension_numbers<[1], [0], [0], [1], [0, 0, 1, 1], [], []>, transpose_lhs_hint = false} : vector<1000x128xf32>, vector<128x256xf32>, vector<1000x256xf32> -> vector<1000x256xf32>
      %add3A_96 = arith.addf %dot_general3A_88, %dot_general3A_95 : vector<1000x256xf32>
      %slice3A_97 = vector.extract_strided_slice %add3A_96 {offsets = [0, 0], sizes = [1000, 128], strides = [1, 1]} : vector<1000x256xf32> to vector<1000x128xf32>
      %swap3A = arith.constant 0 : index
      %swap3A_98 = arith.constant 0 : index
      %swap3A_99 = vector.load %arg10[%swap3A, %swap3A_98] : memref<1000x128xf32, #tpu.memory_space<vmem>>, vector<1000x128xf32>
      tpu.vector_store %arg10[%swap3A, %swap3A_98], %slice3A_97 {strides = array<i32>} : memref<1000x128xf32, #tpu.memory_space<vmem>>, vector<1000x128xf32>,
      %slice3A_100 = vector.extract_strided_slice %add3A_96 {offsets = [0, 128], sizes = [1000, 128], strides = [1, 1]} : vector<1000x256xf32> to vector<1000x128xf32>
      %swap3A_101 = arith.constant 0 : index
      %swap3A_102 = arith.constant 0 : index
      %swap3A_103 = vector.load %arg11[%swap3A_101, %swap3A_102] : memref<1000x128xf32, #tpu.memory_space<vmem>>, vector<1000x128xf32>
      tpu.vector_store %arg11[%swap3A_101, %swap3A_102], %slice3A_100 {strides = array<i32>} : memref<1000x128xf32, #tpu.memory_space<vmem>>, vector<1000x128xf32>,
    } else {
    }
    return
  }
  func.func @transform_0(%arg0: i32, %arg1: i32) -> (i32, i32) {
    %c0_i32 = arith.constant 0 : i32
    %c0_i32_0 = arith.constant 0 : i32
    return %arg1, %c0_i32 : i32, i32
  }
  func.func @transform_1(%arg0: i32, %arg1: i32) -> (i32, i32) {
    %c0_i32 = arith.constant 0 : i32
    %c0_i32_0 = arith.constant 0 : i32
    return %arg1, %c0_i32 : i32, i32
  }
  func.func @transform_2(%arg0: i32, %arg1: i32) -> (i32, i32) {
    %c0_i32 = arith.constant 0 : i32
    %c0_i32_0 = arith.constant 0 : i32
    return %arg1, %c0_i32 : i32, i32
  }
  func.func @transform_3(%arg0: i32, %arg1: i32) -> (i32, i32) {
    %c0_i32 = arith.constant 0 : i32
    %c0_i32_0 = arith.constant 0 : i32
    return %arg1, %c0_i32 : i32, i32
  }
  func.func @transform_4(%arg0: i32, %arg1: i32) -> (i32, i32) {
    %c0_i32 = arith.constant 0 : i32
    %c0_i32_0 = arith.constant 0 : i32
    %c0_i32_1 = arith.constant 0 : i32
    return %c0_i32, %c0_i32_0 : i32, i32
  }
  func.func @transform_5(%arg0: i32, %arg1: i32) -> (i32, i32) {
    %c0_i32 = arith.constant 0 : i32
    %c0_i32_0 = arith.constant 0 : i32
    %c0_i32_1 = arith.constant 0 : i32
    return %c0_i32, %c0_i32_0 : i32, i32
  }
  func.func @transform_6(%arg0: i32, %arg1: i32) -> (i32, i32) {
    %c0_i32 = arith.constant 0 : i32
    %c0_i32_0 = arith.constant 0 : i32
    %c0_i32_1 = arith.constant 0 : i32
    return %c0_i32, %c0_i32_0 : i32, i32
  }
  func.func @transform_7(%arg0: i32, %arg1: i32) -> (i32, i32) {
    %c0_i32 = arith.constant 0 : i32
    %c0_i32_0 = arith.constant 0 : i32
    %c0_i32_1 = arith.constant 0 : i32
    return %c0_i32, %c0_i32_0 : i32, i32
  }
  func.func @transform_8(%arg0: i32, %arg1: i32) -> (i32, i32) {
    %c0_i32 = arith.constant 0 : i32
    %c0_i32_0 = arith.constant 0 : i32
    return %arg1, %c0_i32 : i32, i32
  }
  func.func @transform_9(%arg0: i32, %arg1: i32) -> (i32, i32) {
    %c0_i32 = arith.constant 0 : i32
    %c0_i32_0 = arith.constant 0 : i32
    return %arg1, %c0_i32 : i32, i32
  }
}

module attributes {stable_mosaic.version = 14 : i64} {
  func.func @_bn_body(%arg0: memref<10000x128xf32, #tpu.memory_space<vmem>>, %arg1: memref<10000x128xf32, #tpu.memory_space<vmem>>, %arg2: memref<10000x128xf32, #tpu.memory_space<vmem>>, %arg3: memref<10000x128xf32, #tpu.memory_space<vmem>>, %arg4: memref<1x256xf32, #tpu.memory_space<vmem>>, %arg5: memref<1x256xf32, #tpu.memory_space<vmem>>, %arg6: memref<1x256xf32, #tpu.memory_space<vmem>>, %arg7: memref<10000x256xf32, #tpu.memory_space<vmem>>) attributes {dimension_semantics = [], scalar_prefetch = 0 : i64, scratch_operands = 0 : i64, tpu.core_type = #tpu.core_type<tc>} {
    %get3A = arith.constant 0 : index
    %get3A_0 = arith.constant 0 : index
    %get3A_1 = vector.load %arg2[%get3A, %get3A_0] : memref<10000x128xf32, #tpu.memory_space<vmem>>, vector<10000x1xf32>
    %get3A_2 = arith.constant 0 : index
    %get3A_3 = arith.constant 0 : index
    %get3A_4 = vector.load %arg3[%get3A_2, %get3A_3] : memref<10000x128xf32, #tpu.memory_space<vmem>>, vector<10000x1xf32>
    %add3A = arith.addf %get3A_1, %get3A_4 : vector<10000x1xf32>
    %sub3A = arith.constant 1.000000e+00 : f32
    %sub3A_5 = vector.broadcast %sub3A : f32 to vector<10000x1xf32>
    %sub3A_6 = arith.subf %add3A, %sub3A_5 : vector<10000x1xf32>
    %rsqrt3A = math.rsqrt %sub3A_6 : vector<10000x1xf32>
    %get3A_7 = arith.constant 0 : index
    %get3A_8 = arith.constant 0 : index
    %get3A_9 = vector.load %arg0[%get3A_7, %get3A_8] : memref<10000x128xf32, #tpu.memory_space<vmem>>, vector<10000x128xf32>
    %mul3A = vector.broadcast %rsqrt3A : vector<10000x1xf32> to vector<10000x128xf32>
    %mul3A_10 = arith.mulf %get3A_9, %mul3A : vector<10000x128xf32>
    %get3A_11 = arith.constant 0 : index
    %get3A_12 = arith.constant 0 : index
    %get3A_13 = vector.load %arg4[%get3A_11, %get3A_12] : memref<1x256xf32, #tpu.memory_space<vmem>>, vector<1x128xf32>
    %add3A_14 = vector.broadcast %get3A_13 : vector<1x128xf32> to vector<10000x128xf32>
    %add3A_15 = arith.addf %mul3A_10, %add3A_14 : vector<10000x128xf32>
    %reduce_sum3A = arith.constant dense<0.000000e+00> : vector<128xf32>
    %reduce_sum3A_16 = vector.multi_reduction <add>, %add3A_15, %reduce_sum3A [0] : vector<10000x128xf32> to vector<128xf32>
    %broadcast_in_dim3A = vector.shape_cast %reduce_sum3A_16 : vector<128xf32> to vector<1x128xf32>
    %div3A = arith.constant 1.000000e+04 : f32
    %div3A_17 = vector.broadcast %div3A : f32 to vector<1x128xf32>
    %div3A_18 = arith.divf %broadcast_in_dim3A, %div3A_17 : vector<1x128xf32>
    %sub3A_19 = vector.broadcast %div3A_18 : vector<1x128xf32> to vector<10000x128xf32>
    %sub3A_20 = arith.subf %add3A_15, %sub3A_19 : vector<10000x128xf32>
    %mul3A_21 = arith.mulf %sub3A_20, %sub3A_20 : vector<10000x128xf32>
    %reduce_sum3A_22 = arith.constant dense<0.000000e+00> : vector<128xf32>
    %reduce_sum3A_23 = vector.multi_reduction <add>, %mul3A_21, %reduce_sum3A_22 [0] : vector<10000x128xf32> to vector<128xf32>
    %broadcast_in_dim3A_24 = vector.shape_cast %reduce_sum3A_23 : vector<128xf32> to vector<1x128xf32>
    %div3A_25 = arith.constant 1.000000e+04 : f32
    %div3A_26 = vector.broadcast %div3A_25 : f32 to vector<1x128xf32>
    %div3A_27 = arith.divf %broadcast_in_dim3A_24, %div3A_26 : vector<1x128xf32>
    %add3A_28 = arith.constant 9.99999974E-6 : f32
    %add3A_29 = vector.broadcast %add3A_28 : f32 to vector<1x128xf32>
    %add3A_30 = arith.addf %div3A_27, %add3A_29 : vector<1x128xf32>
    %rsqrt3A_31 = math.rsqrt %add3A_30 : vector<1x128xf32>
    %mul3A_32 = vector.broadcast %rsqrt3A_31 : vector<1x128xf32> to vector<10000x128xf32>
    %mul3A_33 = arith.mulf %sub3A_20, %mul3A_32 : vector<10000x128xf32>
    %get3A_34 = arith.constant 0 : index
    %get3A_35 = arith.constant 0 : index
    %get3A_36 = vector.load %arg5[%get3A_34, %get3A_35] : memref<1x256xf32, #tpu.memory_space<vmem>>, vector<1x128xf32>
    %mul3A_37 = vector.broadcast %get3A_36 : vector<1x128xf32> to vector<10000x128xf32>
    %mul3A_38 = arith.mulf %mul3A_33, %mul3A_37 : vector<10000x128xf32>
    %get3A_39 = arith.constant 0 : index
    %get3A_40 = arith.constant 0 : index
    %get3A_41 = vector.load %arg6[%get3A_39, %get3A_40] : memref<1x256xf32, #tpu.memory_space<vmem>>, vector<1x128xf32>
    %add3A_42 = vector.broadcast %get3A_41 : vector<1x128xf32> to vector<10000x128xf32>
    %add3A_43 = arith.addf %mul3A_38, %add3A_42 : vector<10000x128xf32>
    %max3A = arith.constant 0.000000e+00 : f32
    %max3A_44 = vector.broadcast %max3A : f32 to vector<10000x128xf32>
    %max3A_45 = arith.maximumf %add3A_43, %max3A_44 : vector<10000x128xf32>
    %get3A_46 = arith.constant 0 : index
    %get3A_47 = arith.constant 0 : index
    %get3A_48 = vector.load %arg1[%get3A_46, %get3A_47] : memref<10000x128xf32, #tpu.memory_space<vmem>>, vector<10000x128xf32>
    %mul3A_49 = vector.broadcast %rsqrt3A : vector<10000x1xf32> to vector<10000x128xf32>
    %mul3A_50 = arith.mulf %get3A_48, %mul3A_49 : vector<10000x128xf32>
    %get3A_51 = arith.constant 0 : index
    %get3A_52 = arith.constant 128 : index
    %get3A_53 = vector.load %arg4[%get3A_51, %get3A_52] : memref<1x256xf32, #tpu.memory_space<vmem>>, vector<1x128xf32>
    %add3A_54 = vector.broadcast %get3A_53 : vector<1x128xf32> to vector<10000x128xf32>
    %add3A_55 = arith.addf %mul3A_50, %add3A_54 : vector<10000x128xf32>
    %reduce_sum3A_56 = arith.constant dense<0.000000e+00> : vector<128xf32>
    %reduce_sum3A_57 = vector.multi_reduction <add>, %add3A_55, %reduce_sum3A_56 [0] : vector<10000x128xf32> to vector<128xf32>
    %broadcast_in_dim3A_58 = vector.shape_cast %reduce_sum3A_57 : vector<128xf32> to vector<1x128xf32>
    %div3A_59 = arith.constant 1.000000e+04 : f32
    %div3A_60 = vector.broadcast %div3A_59 : f32 to vector<1x128xf32>
    %div3A_61 = arith.divf %broadcast_in_dim3A_58, %div3A_60 : vector<1x128xf32>
    %sub3A_62 = vector.broadcast %div3A_61 : vector<1x128xf32> to vector<10000x128xf32>
    %sub3A_63 = arith.subf %add3A_55, %sub3A_62 : vector<10000x128xf32>
    %mul3A_64 = arith.mulf %sub3A_63, %sub3A_63 : vector<10000x128xf32>
    %reduce_sum3A_65 = arith.constant dense<0.000000e+00> : vector<128xf32>
    %reduce_sum3A_66 = vector.multi_reduction <add>, %mul3A_64, %reduce_sum3A_65 [0] : vector<10000x128xf32> to vector<128xf32>
    %broadcast_in_dim3A_67 = vector.shape_cast %reduce_sum3A_66 : vector<128xf32> to vector<1x128xf32>
    %div3A_68 = arith.constant 1.000000e+04 : f32
    %div3A_69 = vector.broadcast %div3A_68 : f32 to vector<1x128xf32>
    %div3A_70 = arith.divf %broadcast_in_dim3A_67, %div3A_69 : vector<1x128xf32>
    %add3A_71 = arith.constant 9.99999974E-6 : f32
    %add3A_72 = vector.broadcast %add3A_71 : f32 to vector<1x128xf32>
    %add3A_73 = arith.addf %div3A_70, %add3A_72 : vector<1x128xf32>
    %rsqrt3A_74 = math.rsqrt %add3A_73 : vector<1x128xf32>
    %mul3A_75 = vector.broadcast %rsqrt3A_74 : vector<1x128xf32> to vector<10000x128xf32>
    %mul3A_76 = arith.mulf %sub3A_63, %mul3A_75 : vector<10000x128xf32>
    %get3A_77 = arith.constant 0 : index
    %get3A_78 = arith.constant 128 : index
    %get3A_79 = vector.load %arg5[%get3A_77, %get3A_78] : memref<1x256xf32, #tpu.memory_space<vmem>>, vector<1x128xf32>
    %mul3A_80 = vector.broadcast %get3A_79 : vector<1x128xf32> to vector<10000x128xf32>
    %mul3A_81 = arith.mulf %mul3A_76, %mul3A_80 : vector<10000x128xf32>
    %get3A_82 = arith.constant 0 : index
    %get3A_83 = arith.constant 128 : index
    %get3A_84 = vector.load %arg6[%get3A_82, %get3A_83] : memref<1x256xf32, #tpu.memory_space<vmem>>, vector<1x128xf32>
    %add3A_85 = vector.broadcast %get3A_84 : vector<1x128xf32> to vector<10000x128xf32>
    %add3A_86 = arith.addf %mul3A_81, %add3A_85 : vector<10000x128xf32>
    %max3A_87 = arith.constant 0.000000e+00 : f32
    %max3A_88 = vector.broadcast %max3A_87 : f32 to vector<10000x128xf32>
    %max3A_89 = arith.maximumf %add3A_86, %max3A_88 : vector<10000x128xf32>
    %swap3A = arith.constant 0 : index
    %swap3A_90 = arith.constant 0 : index
    %swap3A_91 = vector.load %arg7[%swap3A, %swap3A_90] : memref<10000x256xf32, #tpu.memory_space<vmem>>, vector<10000x128xf32>
    tpu.vector_store %arg7[%swap3A, %swap3A_90], %max3A_45 {strides = array<i32>} : memref<10000x256xf32, #tpu.memory_space<vmem>>, vector<10000x128xf32>,
    %swap3A_92 = arith.constant 0 : index
    %swap3A_93 = arith.constant 128 : index
    %swap3A_94 = vector.load %arg7[%swap3A_92, %swap3A_93] : memref<10000x256xf32, #tpu.memory_space<vmem>>, vector<10000x128xf32>
    tpu.vector_store %arg7[%swap3A_92, %swap3A_93], %max3A_89 {strides = array<i32>} : memref<10000x256xf32, #tpu.memory_space<vmem>>, vector<10000x128xf32>,
    return
  }
}

</mosaic_0001>

<sc_bundles>
// kernel: kernel.12.cloned.1.call-start
scs
__scs_entry_jumppad:
0x0: {  	(pc) =	sbr.rel $0x88, $3  }
0x1: {  	(tag) =	ssettag $0x0;
	lr =	simm.s32 $0x1  }
0x2: {  	[smem:$0x3F97] =	sst lr;
	_ =	strace $0xD0000000  }
0x3: {  	_ = 	snop  }
0x4: {  	_ = 	snop  }
0x5: {  	_ = 	snop  }
0x6: {  	_ = 	snop  }
0x7: {  	_ = 	snop  }
__scs_overlays_trampoline_lowered:
0x8: {  	[smem:$0x3FA6] =	sst s0  }
0x9: {  	[smem:$0x3FA7] =	sst s1  }
0xa: {  	[smem:$0x3FA8] =	sst s2  }
0xb: {  	[smem:$0x3FA9] =	sst s3  }
0xc: {  	[smem:$0x3FAA] =	sst s4  }
0xd: {  	[smem:$0x3FAB] =	sst s5  }
0xe: {  	[smem:$0x3FAC] =	sst s6  }
0xf: {  	[smem:$0x3FAD] =	sst s7  }
0x10: {  	[smem:$0x3FAE] =	sst s8  }
0x11: {  	[smem:$0x3FAF] =	sst s9;
	s0 =	simm.s32 @!p0 $0x0  }
0x12: {  	s1 =	sld [smem:$0x3F95];
	s0 =	simm.s32 @p0 $0x1  }
0x13: {  	[smem:$0x3FB0] =	sst s0;
	s0 =	simm.s32 @!p1 $0x0  }
0x14: {  	s2 =	sld [smem:$0x3F94];
	s0 =	simm.s32 @p1 $0x1  }
0x15: {  	[smem:$0x3FB1] =	sst s0;
	s0 =	simm.s32 @!p2 $0x0  }
0x16: {  	s3 =	sld [smem:$0x3FDB];
	s0 =	simm.s32 @p2 $0x1  }
0x17: {  	s4 =	simm.s32 $0x1BF5;
	[smem:$0x3FB3] =	sst s0  }
0x18: {  	s0 =	sld [smem:$0x3F96];
	_ =	swait.ge [sflag:s4], $0x0  }
0x19: {  	s7 =	sld [smem:$0x3F97]  }
0x1a: {  	s8 =	sadd.s32 $0xFFFFE003, lr  }
0x1b: {  	s9 =	sadd.s32 $0xFFFFFEF7, lr;
	s5 =	simm.s32 $0xFFFFFFFF;
	p2 =	slt.u32 s8, $0xFFFFF086  }
0x1c: {  	p1 =	slt.u32 s9, $0xF7A;
	s5 =	simm.s32 @!p2 $0x0  }
0x1d: {  	s5 =	simm.s32 @p1 $0x1;
	p0 =	seq.s32 s7, s2  }
0x1e: {  	s7 =	smul.u32 @!p0 $0xF7A, s2;
	p2 =	seq.s32 @!p0 s5, $0x0  }
0x1f: {  	s9 =	smul.u32 $0xF7A, s1;
	s8 =	simm.s32 @!p0 $0x1BF5;
	p2 =	por !p2, p0  }
0x20: {  	[sflag:s8] =	ssyncset.s32 @!p0 $0xFFFFF086;
	s6 =	sadd.s32 @!p0 s3, s7;
	s7 =	simm.s32 @!p0 $0x108  }
0x21: {  	s3 =	sadd.s32 s3, s9;
	s6 =	sadd.s32 @!p0 $0x88, s6;
	s7 =	simm.s32 @p2 $0x1082  }
0x22: {  	[simem:s7], [sflag:s8] =	dma.local @!p0 [hbm:s6], $0xF7A  }
0x23: {  	s9 =	sor.u32 $0xD0000000, s2;
	s6 =	simm.s32 $0x108;
	_ =	swait.ge @!p0 [sflag:s8], $0x0  }
0x24: {  	s3 =	sadd.s32 $0x88, s3;
	s6 =	simm.s32 @!p1 $0x1082;
	[sflag:s4] =	ssyncset.s32 $0xFFFFF086  }
0x25: {  	[simem:s6], [sflag:s4] =	dma.local [hbm:s3], $0xF7A  }
0x26: {  	[smem:$0x3F97] =	sst s1;
	(tag) =	ssettag s2;
	_ =	strace s9  }
0x27: {  	s1 =	sld [smem:$0x3FA7]  }
0x28: {  	s2 =	sld [smem:$0x3FA8]  }
0x29: {  	s4 =	sld [smem:$0x3FAA]  }
0x2a: {  	p0 =	seq.s32 s5, $0x0;
	s5 =	sld [smem:$0x3FAB]  }
0x2b: {  	s6 =	sld [smem:$0x3FAC]  }
0x2c: {  	s7 =	sld [smem:$0x3FAD]  }
0x2d: {  	s3 =	simm.s32 $0x108;
	s8 =	sld [smem:$0x3FAE]  }
0x2e: {  	s3 =	simm.s32 @!p0 $0x1082;
	s9 =	sld [smem:$0x3FAF]  }
0x2f: {  	lr =	sadd.s32 s0, s3;
	s0 =	sld [smem:$0x3FA6]  }
0x30: {  	s3 =	sld [smem:$0x3FA9]  }
0x31: {  	[smem:$0x3FB2] =	sst s10  }
0x32: {  	s10 =	sld [smem:$0x3FB0];
	_ =	sdelay $0x3  }
0x33: {  	p0 =	seq.s32 s10, $0x1;
	s10 =	sld [smem:$0x3FB2];
	_ =	sdelay $0x3  }
0x34: {  	[smem:$0x3FB2] =	sst s10  }
0x35: {  	s10 =	sld [smem:$0x3FB1];
	_ =	sdelay $0x3  }
0x36: {  	p1 =	seq.s32 s10, $0x1;
	s10 =	sld [smem:$0x3FB2];
	_ =	sdelay $0x3  }
0x37: {  	[smem:$0x3FB2] =	sst s10  }
0x38: {  	s10 =	sld [smem:$0x3FB3]  }
0x39: {  	_ = 	snop;
	(pc) =	sbr.ind lr, $3  }
0x3a: {  	_ = 	snop  }
0x3b: {  	_ = 	snop  }
0x3c: {  	p2 =	seq.s32 s10, $0x1;
	s10 =	sld [smem:$0x3FB2]  }
0x3d: {  	_ =	shalt  }
0x3e: {  	_ =	shalt  }
0x3f: {  	_ =	shalt  }
0x40: {  	_ =	shalt  }
0x41: {  	_ =	shalt  }
0x42: {  	_ =	shalt  }
0x43: {  	_ =	shalt  }
0x44: {  	_ =	shalt  }
0x45: {  	_ =	shalt  }
0x46: {  	_ =	shalt  }
0x47: {  	_ =	shalt  }
0x48: {  	_ =	shalt  }
0x49: {  	_ =	shalt  }
0x4a: {  	_ =	shalt  }
0x4b: {  	_ =	shalt  }
0x4c: {  	_ =	shalt  }
0x4d: {  	_ =	shalt  }
0x4e: {  	_ =	shalt  }
0x4f: {  	_ =	shalt  }
0x50: {  	_ =	shalt  }
0x51: {  	_ =	shalt  }
0x52: {  	_ =	shalt  }
0x53: {  	_ =	shalt  }
0x54: {  	_ =	shalt  }
0x55: {  	_ =	shalt  }
0x56: {  	_ =	shalt  }
0x57: {  	_ =	shalt  }
0x58: {  	_ =	shalt  }
0x59: {  	_ =	shalt  }
0x5a: {  	_ =	shalt  }
0x5b: {  	_ =	shalt  }
0x5c: {  	_ =	shalt  }
0x5d: {  	_ =	shalt  }
0x5e: {  	_ =	shalt  }
0x5f: {  	_ =	shalt  }
0x60: {  	_ =	shalt  }
0x61: {  	_ =	shalt  }
0x62: {  	_ =	shalt  }
0x63: {  	_ =	shalt  }
0x64: {  	_ =	shalt  }
0x65: {  	_ =	shalt  }
0x66: {  	_ =	shalt  }
0x67: {  	_ =	shalt  }
0x68: {  	_ =	shalt  }
0x69: {  	_ =	shalt  }
0x6a: {  	_ =	shalt  }
0x6b: {  	_ =	shalt  }
0x6c: {  	_ =	shalt  }
0x6d: {  	_ =	shalt  }
0x6e: {  	_ =	shalt  }
0x6f: {  	_ =	shalt  }
0x70: {  	_ =	shalt  }
0x71: {  	_ =	shalt  }
0x72: {  	_ =	shalt  }
0x73: {  	_ =	shalt  }
0x74: {  	_ =	shalt  }
0x75: {  	_ =	shalt  }
0x76: {  	_ =	shalt  }
0x77: {  	_ =	shalt  }
0x78: {  	_ =	shalt  }
0x79: {  	_ =	shalt  }
0x7a: {  	_ =	shalt  }
0x7b: {  	_ =	shalt  }
0x7c: {  	_ =	shalt  }
0x7d: {  	_ =	shalt  }
0x7e: {  	_ =	shalt  }
0x7f: {  	_ =	shalt  }
0x80: {  	_ =	shalt  }
0x81: {  	_ =	shalt  }
0x82: {  	_ =	shalt  }
0x83: {  	_ =	shalt  }
0x84: {  	_ =	shalt  }
0x85: {  	_ =	shalt  }
0x86: {  	_ =	shalt  }
0x87: {  	_ =	shalt  }
.Lfunc_end0:
.L_simem_size_0:
called_computation.1_lowered:
.L_overlay_start_0:
0x88: {  	s2 =	sld [smem:$0x3FD9]  }
0x89: {  	s3 =	sld [smem:$0x3FFE];
	_ =	sdelay $0x1  }
0x8a: {  	s1 =	srdreg.scid  }
0x8b: {  	s0 =	sand.u32 $0x1, s1  }
0x8c: {  	s17 =	sshll.u32 s0, $0xA;
	s2 =	sadd.s32 s3, s2  }
0x8d: {  	s2 =	sadd.s32 s2, s17  }
0x8e: {  	[smem:$0x3FBE] =	sst s2  }
0x8f: {  	_ = 	snop  }
0x90: {  	s2 =	sld [smem:$0x3FD0];
	(tm) =	ssettm $0x1  }
0x91: {  	s18 =	sld [smem:$0x3FFB];
	_ =	sdelay $0x3  }
0x92: {  	_ =	strace s18  }
0x93: {  	s3 =	sld [smem:$0x3FFC];
	_ =	sdelay $0x3  }
0x94: {  	_ =	strace s3  }
0x95: {  	s3 =	sld [smem:$0x3FFD];
	_ =	sdelay $0x3  }
0x96: {  	_ =	strace s3  }
0x97: {  	_ =	strace $0x8FFFFFFF  }
0x98: {  	s19 =	sld [smem:$0x3FDB];
	_ =	sdelay $0x1  }
0x99: {  	s4 =	simm.s32 $_scs_section_size  }
0x9a: {  	s5 =	simm.s32 $_size__tile_overlayer_lowered;
	s6 =	simm.s32 $_tile_overlayer_lowered  }
0x9b: {  	s22 =	simm.s32 $0x1BFF;
	s21 =	sshll.u32 s6, $0x1;
	s3 =	sadd.s32 s4, s19  }
0x9c: {  	s7 =	simm.s32 $0x0;
	s20 =	sshll.u32 s5, $0x1;
	s5 =	sadd.s32 s21, s3  }
0x9d: {  	[timem:s7], [sflag:s22] =	dma.local [hbm:s5], s20  }
0x9e: {  	_ =	swait.ge [sflag:s22], s20  }
0x9f: {  	s4 =	ssub.s32 $0x0, s20;
	[sflag:s22] =	ssyncset.done $0x0  }
0xa0: {  	[sflag:s22] =	ssyncadd.s32 s4;
	_ =	sdelay $0x1  }
0xa1: {  	s23 =	simm.s32 $0x1B8B  }
0xa2: {  	_ =	swait.ge [sflag:s23], $0x1  }
0xa3: {  	[sflag:s23] =	ssyncset.done $0x0  }
0xa4: {  	s25 =	simm.s32 $0x1B8E;
	s24 =	sld [smem:$0x3FFE];
	[sflag:s23] =	ssyncadd.s32 $0xFFFFFFFF  }
0xa5: {  	s26 =	simm.s32 $execute0_lowered;
	[smem:$0x3FD2] =	sst s25  }
0xa6: {  	s5 =	sshll.u32 s26, $0x1;
	_ =	strace $0x80000049;
	[dreg:$0x1] =	wrdreg $0xFFFFFFFF  }
0xa7: {  	s28 =	simm.s32 $_size_execute0_lowered;
	s3 =	sadd.s32 s3, s5;
	[dreg:$0x0] =	wrdreg $0x0  }
0xa8: {  	s5 =	sshll.u32 s28, $0x1;
	[dreg:$0x2] =	wrdreg s3  }
0xa9: {  	[dreg:$0x3] =	wrdreg s5  }
0xaa: {  	[dreg:$0x4] =	wrdreg $0xC0  }
0xab: {  	_ =	task [dreg:s7], $0x5FFFF  }
0xac: {  	[dreg:$0x1] =	wrdreg $0xFFFFFFFF  }
0xad: {  	[dreg:$0x0] =	wrdreg $0x60  }
0xae: {  	[dreg:$0x2] =	wrdreg s2  }
0xaf: {  	[dreg:$0x3] =	wrdreg s24  }
0xb0: {  	[dreg:$0x4] =	wrdreg $0xA8000  }
0xb1: {  	[dreg:$0x5] =	wrdreg $0x9  }
0xb2: {  	_ =	task.clear_ibuf [dreg:s7], $0x6FFFF;
	_ =	strace $0x90000049  }
0xb3: {  	s29 =	simm.s32 $0x9;
	_ =	strace $0x8000004B  }
0xb4: {  	_ =	swait.ge [sflag:s29], $0x1  }
0xb5: {  	[sflag:s29] =	ssyncadd.s32 $0xFFFFFFFF  }
0xb6: {  	_ =	strace $0x9000004B  }
0xb7: {  	_ =	sfence  }
0xb8: {  	s30 =	sld [smem:$0x0];
	_ =	sdelay $0x2  }
0xb9: {  	s31 =	sshll.u32 s1, $0xD;
	s1 =	sshrl.u32 s1, $0x2  }
0xba: {  	s3 =	sand.u32 $0x4000, s31;
	s1 =	sadd.s32 s1, s30  }
0xbb: {  	s0 =	sor.u32 s3, s0;
	s1 =	sshll.u32 s1, $0x11  }
0xbc: {  	s0 =	sor.u32 s1, s0  }
0xbd: {  	s0 =	sadd.s32 $0x8F2B, s0  }
0xbe: {  	[sflag:s0] =	ssyncadd.remote.s32 $0x1  }
0xbf: {  	_ =	sfence.sel $0xFFFF  }
0xc0: {  	[dreg:$0x0] =	wrdreg $0xFFFFFFFF;
	(pc) =	sbr.abs _section_cstart, $3  }
0xc1: {  	[dreg:$0x1] =	wrdreg $0xFFFFFFFF  }
0xc2: {  	_ =	task.clear_ibuf [dreg:s7], $0x2FFFF;
	_ =	strace $0x9FFFFFFF  }
0xc3: {  	(tm) =	ssettm $0x7FFFFFFF  }
tec
execute0_lowered:
.L_overlay_start_1:
0x0: {  	(tag) =	ssettag $0x1  }
0x1: {  	s1 =	rddreg [dreg:$0x0]  }
0x2: {  	s0 =	rddreg [dreg:$0x1]  }
0x3: {  	s2 =	rddreg [dreg:$0x2];
	s3 =	simm.s32 $0x0  }
0x4: {  	s7 =	srdreg.scid;
	s15 =	stileid.u32;
	s19 =	simm.s32 $0x5  }
0x5: {  	s28 =	simm.s32 $0x2;
	s29 =	simm.s32 $0x1480;
	s30 =	simm.s32 $0x4  }
0x6: {  	s31 =	simm.s32 $0x1380;
	[smem:$0x7FF] =	sst s3;
	s4 =	sadd.s32 $0x5CE00, s0  }
0x7: {  	s5 =	sadd.s32 $0x9A00, s0;
	s6 =	sadd.s32 $0x4A00, s0;
	s8 =	sadd.s32 $0x84000, s0  }
0x8: {  	s7 =	sand.u32 $0x1, s7;
	s0 =	sadd.s32 $0xAB200, s0;
	p1 =	seq.s32 s15, $0xF  }
0x9: {  	s10 =	smul.u32 $0x2800, s15;
	_ =	strace $0x8000004A;
	[dreg:$0x4] =	wrdreg s8  }
0xa: {  	s26 =	sshll.u32 s15, $0x6;
	[dreg:$0x5] =	wrdreg s0;
	s20 =	ssub.s32 $0x2, s7  }
0xb: {  	s8 =	smul.u32 $0x278, s15;
	p0 =	seq.s32 s7, $0x1;
	[dreg:$0x8] =	wrdreg s26  }
0xc: {  	s7 =	sor.u32 $0x1C05, s26;
	s26 =	simm.s32 $0x100;
	s9 =	sshrl.u32 s20, $0x1  }
0xd: {  	s22 =	sshrl.u32 s10, $0x3;
	s0 =	ssub.s32 s20, s9;
	s8 =	simm.s32 @p1 $0x2498  }
0xe: {  	s24 =	sadd.s32 $0x280, s22;
	s10 =	sadd.s32 s5, s22;
	s11 =	sadd.s32 s6, s22  }
0xf: {  	s20 =	simm.s32 $0x1400;
	s22 =	simm.s32 $0x2800;
	s21 =	sshll.u32 s8, $0x7  }
0x10: {  	s8 =	sshll.u32 s8, $0x4;
	s12 =	sadd.s32 s5, s24;
	s13 =	sadd.s32 s6, s24  }
.Ltmp0:
0x11: {  	s16 =	smax.u32 s0, $0x1;
	s24 =	simm.s32 $0x1;
	(pc) =	sbr.rel .LBB2_1-.Ltmp0, $4  }
0x12: {  	s0 =	simm.s32 $0x2700;
	s5 =	simm.s32 $0x2780;
	s23 =	sadd.s32 s1, s8  }
0x13: {  	s6 =	simm.s32 $0x0;
	s25 =	sadd.s32 s4, s8;
	[dreg:$0x6] =	wrdreg s23  }
0x14: {  	s14 =	sadd.s32 s21, s2;
	s21 =	simm.s32 $0x80;
	[dreg:$0x7] =	wrdreg s25  }
0x15: {  	s18 =	sshrl.u32 s14, $0x3;
	s23 =	simm.s32 $0x6800;
	s25 =	simm.s32 $0x3  }
.LBB2_11:
0x16: {  	[spmem:s2] =	stream.indirect.scatter.add.f32 [tilespmem:s23], [sflag:$0x4], $0x80, s14, s21, $0xb8;
	[tilespmem:$0x1E100] =	vst v63  }
0x17: {  	_ =	swait.ge [sflag:s30], $0x4000  }
0x18: {  	[sflag:s30] =	ssyncset.done $0x0  }
0x19: {  	[sflag:s30] =	ssyncadd.s32 $0xFFFFC000  }
0x1a: {  	[tilespmem:s23], [sflag:$0x2] =	stream.indirect.gather [hbm4b:s4+s21], $0x80, s31, s21, $0xb8;
	[tilespmem:$0x1E100] =	vst v63  }
0x1b: {  	_ =	swait.ge [sflag:s24], $0x4000  }
0x1c: {  	[sflag:s24] =	ssyncset.done $0x0  }
0x1d: {  	[sflag:s24] =	ssyncadd.s32 $0xFFFFC000  }
0x1e: {  	[spmem:s2] =	stream.indirect.scatter.add.f32 [tilespmem:s22], [sflag:$0x3], $0x80, s0, s21, $0xb8;
	[tilespmem:$0x1E100] =	vst v63  }
0x1f: {  	_ =	swait.ge [sflag:s25], $0x4000  }
0x20: {  	[sflag:s25] =	ssyncset.done $0x0  }
0x21: {  	[sflag:s25] =	ssyncadd.s32 $0xFFFFC000  }
0x22: {  	_ =	swait.ge [sflag:s28], $0x4000  }
0x23: {  	[sflag:s28] =	ssyncset.done $0x0  }
0x24: {  	s17 =	smov.u32 s7;
	s9 =	rddreg [dreg:$0x5];
	[sflag:s28] =	ssyncadd.s32 $0xFFFFC000  }
0x25: {  	[spmem:s2] =	stream.indirect.scatter.add.f32 [tilespmem:s23], [sflag:$0x4], $0x80, s5, s21, $0xb8;
	[tilespmem:$0x1E100] =	vst v63  }
.LBB2_12:
0x26: {  	_ =	swait.ge [sflag:s30], $0x4000  }
0x27: {  	s6 =	sadd.s32 $0x1, s6;
	[sflag:s30] =	ssyncset.done $0x0  }
0x28: {  	p1 =	sne.s32 s6, s16;
	[sflag:s30] =	ssyncadd.s32 $0xFFFFC000  }
.Ltmp1:
0x29: {  	s9 =	sadd.s32 s9, s8;
	[bflag:$0x0] =	sbarrier.arrive $0xFFFF;
	(pc) =	sbr.rel @!p1 .LBB2_13-.Ltmp1, $4  }
0x2a: {  	[hbm:s9], [sflag:s17] =	dma.local [spmem:s18], $0x2780  }
0x2b: {  	_ =	swait.ge [sflag:s19], $0x2780  }
0x2c: {  	[sflag:s19] =	ssyncset.done $0x0  }
0x2d: {  	[sflag:s19] =	ssyncadd.s32 $0xFFFFD880  }
.LBB2_1:
.Ltmp2:
0x2e: {  	(pc) =	sbr.rel @!p0 .LBB2_2-.Ltmp2, $1  }
0x2f: {  	_ =	sdelay $0x3  }
0x30: {  	s9 =	rddreg [dreg:$0x7]  }
0x31: {  	[spmem:s18], [sflag:s7] =	dma.local [hbm:s9], $0x2780  }
0x32: {  	_ =	swait.ge [sflag:s19], $0x2780  }
0x33: {  	[sflag:s19] =	ssyncset.done $0x0  }
0x34: {  	[sflag:s19] =	ssyncadd.s32 $0xFFFFD880  }
0x35: {  	[tilespmem:s3], [sflag:$0x5] =	stream.linear.gather [hbm4b:s10+s3], $0x1400, $0x38;
	[tilespmem:$0x1E100] =	vst v63  }
0x36: {  	_ =	swait.ge [sflag:s19], $0x1400  }
0x37: {  	[sflag:s19] =	ssyncset.done $0x0  }
0x38: {  	[sflag:s19] =	ssyncadd.s32 $0xFFFFEC00  }
0x39: {  	[tilespmem:s20], [sflag:$0x5] =	stream.linear.gather [hbm4b:s11+s3], $0x1400, $0x38;
	[tilespmem:$0x1E100] =	vst v63  }
0x3a: {  	_ =	swait.ge [sflag:s19], $0x1400  }
0x3b: {  	[sflag:s19] =	ssyncset.done $0x0  }
0x3c: {  	[sflag:s19] =	ssyncadd.s32 $0xFFFFEC00  }
0x3d: {  	[bflag:$0x0] =	sbarrier.arrive $0xFFFF  }
0x3e: {  	[tilespmem:s22], [sflag:$0x1] =	stream.indirect.gather [hbm4b:s4+s21], $0x80, s3, s21, $0xb8;
	[tilespmem:$0x1E100] =	vst v63  }
0x3f: {  	_ = 	snop  }
0x40: {  	[tilespmem:s23], [sflag:$0x2] =	stream.indirect.gather [hbm4b:s4+s21], $0x80, s21, s21, $0xb8;
	[tilespmem:$0x1E100] =	vst v63  }
0x41: {  	_ =	swait.ge [sflag:s24], $0x4000  }
0x42: {  	[sflag:s24] =	ssyncset.done $0x0  }
0x43: {  	[sflag:s24] =	ssyncadd.s32 $0xFFFFC000  }
0x44: {  	[spmem:s2] =	stream.indirect.scatter.add.f32 [tilespmem:s22], [sflag:$0x3], $0x80, s20, s21, $0xb8;
	[tilespmem:$0x1E100] =	vst v63  }
0x45: {  	_ =	swait.ge [sflag:s25], $0x4000  }
0x46: {  	[sflag:s25] =	ssyncset.done $0x0  }
0x47: {  	[sflag:s25] =	ssyncadd.s32 $0xFFFFC000  }
0x48: {  	[tilespmem:s22], [sflag:$0x1] =	stream.indirect.gather [hbm4b:s4+s21], $0x80, s26, s21, $0xb8;
	[tilespmem:$0x1E100] =	vst v63  }
0x49: {  	_ =	swait.ge [sflag:s28], $0x4000  }
0x4a: {  	[sflag:s28] =	ssyncset.done $0x0  }
0x4b: {  	[sflag:s28] =	ssyncadd.s32 $0xFFFFC000  }
0x4c: {  	[spmem:s2] =	stream.indirect.scatter.add.f32 [tilespmem:s23], [sflag:$0x4], $0x80, s29, s21, $0xb8;
	[tilespmem:$0x1E100] =	vst v63  }
0x4d: {  	_ =	swait.ge [sflag:s30], $0x4000  }
0x4e: {  	[sflag:s30] =	ssyncset.done $0x0  }
0x4f: {  	s14 =	simm.s32 $0x180;
	[sflag:s30] =	ssyncadd.s32 $0xFFFFC000  }
0x50: {  	[tilespmem:s23], [sflag:$0x2] =	stream.indirect.gather [hbm4b:s4+s21], $0x80, s14, s21, $0xb8;
	[tilespmem:$0x1E100] =	vst v63  }
0x51: {  	_ =	swait.ge [sflag:s24], $0x4000  }
0x52: {  	[sflag:s24] =	ssyncset.done $0x0  }
0x53: {  	s15 =	simm.s32 $0x1500;
	[sflag:s24] =	ssyncadd.s32 $0xFFFFC000  }
0x54: {  	[spmem:s2] =	stream.indirect.scatter.add.f32 [tilespmem:s22], [sflag:$0x3], $0x80, s15, s21, $0xb8;
	[tilespmem:$0x1E100] =	vst v63  }
0x55: {  	_ =	swait.ge [sflag:s25], $0x4000  }
0x56: {  	[sflag:s25] =	ssyncset.done $0x0  }
0x57: {  	s17 =	simm.s32 $0x200;
	[sflag:s25] =	ssyncadd.s32 $0xFFFFC000  }
0x58: {  	[tilespmem:s22], [sflag:$0x1] =	stream.indirect.gather [hbm4b:s4+s21], $0x80, s17, s21, $0xb8;
	[tilespmem:$0x1E100] =	vst v63  }
0x59: {  	_ =	swait.ge [sflag:s28], $0x4000  }
0x5a: {  	[sflag:s28] =	ssyncset.done $0x0  }
0x5b: {  	s9 =	simm.s32 $0xFFFFBC00;
	s14 =	simm.s32 $0x1580;
	[sflag:s28] =	ssyncadd.s32 $0xFFFFC000  }
.LBB2_8:
0x5c: {  	[spmem:s2] =	stream.indirect.scatter.add.f32 [tilespmem:s23], [sflag:$0x4], $0x80, s14, s21, $0xb8;
	[tilespmem:$0x1E100] =	vst v63  }
0x5d: {  	s14 =	smov.u32 s9  }
0x5e: {  	p1 =	sne.s32 s9, $0xFFFFFC00;
	s9 =	sadd.s32 $0x400, s9;
	_ =	swait.ge [sflag:s30], $0x4000  }
0x5f: {  	s14 =	sshra.s32 s14, $0x2;
	[sflag:s30] =	ssyncset.done $0x0  }
0x60: {  	s15 =	sadd.s32 $0x1380, s14;
	[sflag:s30] =	ssyncadd.s32 $0xFFFFC000  }
0x61: {  	[tilespmem:s23], [sflag:$0x2] =	stream.indirect.gather [hbm4b:s4+s21], $0x80, s15, s21, $0xb8;
	[tilespmem:$0x1E100] =	vst v63  }
0x62: {  	_ =	swait.ge [sflag:s24], $0x4000  }
0x63: {  	[sflag:s24] =	ssyncset.done $0x0  }
0x64: {  	s15 =	sadd.s32 $0x2700, s14;
	[sflag:s24] =	ssyncadd.s32 $0xFFFFC000  }
0x65: {  	[spmem:s2] =	stream.indirect.scatter.add.f32 [tilespmem:s22], [sflag:$0x3], $0x80, s15, s21, $0xb8;
	[tilespmem:$0x1E100] =	vst v63  }
0x66: {  	_ =	swait.ge [sflag:s25], $0x4000  }
0x67: {  	[sflag:s25] =	ssyncset.done $0x0  }
.Ltmp3:
0x68: {  	s15 =	sadd.s32 $0x1400, s14;
	[sflag:s25] =	ssyncadd.s32 $0xFFFFC000;
	(pc) =	sbr.rel @p1 .LBB2_8-.Ltmp3, $4  }
0x69: {  	[tilespmem:s22], [sflag:$0x1] =	stream.indirect.gather [hbm4b:s4+s21], $0x80, s15, s21, $0xb8;
	[tilespmem:$0x1E100] =	vst v63  }
0x6a: {  	_ =	swait.ge [sflag:s28], $0x4000  }
0x6b: {  	[sflag:s28] =	ssyncset.done $0x0  }
0x6c: {  	s14 =	sadd.s32 $0x2780, s14;
	[sflag:s28] =	ssyncadd.s32 $0xFFFFC000  }
0x6d: {  	[spmem:s2] =	stream.indirect.scatter.add.f32 [tilespmem:s23], [sflag:$0x4], $0x80, s14, s21, $0xb8;
	[tilespmem:$0x1E100] =	vst v63  }
0x6e: {  	_ =	swait.ge [sflag:s30], $0x4000  }
0x6f: {  	[sflag:s30] =	ssyncset.done $0x0  }
0x70: {  	[sflag:s30] =	ssyncadd.s32 $0xFFFFC000  }
0x71: {  	[tilespmem:s23], [sflag:$0x2] =	stream.indirect.gather [hbm4b:s4+s21], $0x80, s31, s21, $0xb8;
	[tilespmem:$0x1E100] =	vst v63  }
0x72: {  	_ =	swait.ge [sflag:s24], $0x4000  }
0x73: {  	[sflag:s24] =	ssyncset.done $0x0  }
0x74: {  	[sflag:s24] =	ssyncadd.s32 $0xFFFFC000  }
0x75: {  	[spmem:s2] =	stream.indirect.scatter.add.f32 [tilespmem:s22], [sflag:$0x3], $0x80, s0, s21, $0xb8;
	[tilespmem:$0x1E100] =	vst v63  }
0x76: {  	_ =	swait.ge [sflag:s25], $0x4000  }
0x77: {  	[sflag:s25] =	ssyncset.done $0x0  }
0x78: {  	[sflag:s25] =	ssyncadd.s32 $0xFFFFC000  }
0x79: {  	_ =	swait.ge [sflag:s28], $0x4000  }
0x7a: {  	[sflag:s28] =	ssyncset.done $0x0  }
0x7b: {  	[sflag:s28] =	ssyncadd.s32 $0xFFFFC000  }
0x7c: {  	[spmem:s2] =	stream.indirect.scatter.add.f32 [tilespmem:s23], [sflag:$0x4], $0x80, s5, s21, $0xb8;
	[tilespmem:$0x1E100] =	vst v63  }
0x7d: {  	_ =	swait.ge [sflag:s30], $0x4000  }
0x7e: {  	[sflag:s30] =	ssyncset.done $0x0  }
0x7f: {  	[sflag:s30] =	ssyncadd.s32 $0xFFFFC000  }
0x80: {  	[tilespmem:s3], [sflag:$0x5] =	stream.linear.gather [hbm4b:s12+s3], $0x1400, $0x38;
	[tilespmem:$0x1E100] =	vst v63  }
0x81: {  	_ =	swait.ge [sflag:s19], $0x1400  }
0x82: {  	[sflag:s19] =	ssyncset.done $0x0  }
0x83: {  	[sflag:s19] =	ssyncadd.s32 $0xFFFFEC00  }
0x84: {  	[tilespmem:s20], [sflag:$0x5] =	stream.linear.gather [hbm4b:s13+s3], $0x1400, $0x38;
	[tilespmem:$0x1E100] =	vst v63  }
0x85: {  	_ =	swait.ge [sflag:s19], $0x1400  }
0x86: {  	[sflag:s19] =	ssyncset.done $0x0  }
0x87: {  	[sflag:s19] =	ssyncadd.s32 $0xFFFFEC00  }
0x88: {  	[tilespmem:s22], [sflag:$0x1] =	stream.indirect.gather [hbm4b:s4+s21], $0x80, s3, s21, $0xb8;
	[tilespmem:$0x1E100] =	vst v63  }
0x89: {  	_ = 	snop  }
0x8a: {  	[tilespmem:s23], [sflag:$0x2] =	stream.indirect.gather [hbm4b:s4+s21], $0x80, s21, s21, $0xb8;
	[tilespmem:$0x1E100] =	vst v63  }
0x8b: {  	_ =	swait.ge [sflag:s24], $0x4000  }
0x8c: {  	[sflag:s24] =	ssyncset.done $0x0  }
0x8d: {  	[sflag:s24] =	ssyncadd.s32 $0xFFFFC000  }
0x8e: {  	[spmem:s2] =	stream.indirect.scatter.add.f32 [tilespmem:s22], [sflag:$0x3], $0x80, s20, s21, $0xb8;
	[tilespmem:$0x1E100] =	vst v63  }
0x8f: {  	_ =	swait.ge [sflag:s25], $0x4000  }
0x90: {  	[sflag:s25] =	ssyncset.done $0x0  }
0x91: {  	[sflag:s25] =	ssyncadd.s32 $0xFFFFC000  }
0x92: {  	[tilespmem:s22], [sflag:$0x1] =	stream.indirect.gather [hbm4b:s4+s21], $0x80, s26, s21, $0xb8;
	[tilespmem:$0x1E100] =	vst v63  }
0x93: {  	_ =	swait.ge [sflag:s28], $0x4000  }
0x94: {  	[sflag:s28] =	ssyncset.done $0x0  }
0x95: {  	[sflag:s28] =	ssyncadd.s32 $0xFFFFC000  }
0x96: {  	[spmem:s2] =	stream.indirect.scatter.add.f32 [tilespmem:s23], [sflag:$0x4], $0x80, s29, s21, $0xb8;
	[tilespmem:$0x1E100] =	vst v63  }
0x97: {  	_ =	swait.ge [sflag:s30], $0x4000  }
0x98: {  	[sflag:s30] =	ssyncset.done $0x0  }
0x99: {  	s9 =	simm.s32 $0x180;
	[sflag:s30] =	ssyncadd.s32 $0xFFFFC000  }
0x9a: {  	[tilespmem:s23], [sflag:$0x2] =	stream.indirect.gather [hbm4b:s4+s21], $0x80, s9, s21, $0xb8;
	[tilespmem:$0x1E100] =	vst v63  }
0x9b: {  	_ =	swait.ge [sflag:s24], $0x4000  }
0x9c: {  	[sflag:s24] =	ssyncset.done $0x0  }
0x9d: {  	s15 =	simm.s32 $0x1500;
	[sflag:s24] =	ssyncadd.s32 $0xFFFFC000  }
0x9e: {  	[spmem:s2] =	stream.indirect.scatter.add.f32 [tilespmem:s22], [sflag:$0x3], $0x80, s15, s21, $0xb8;
	[tilespmem:$0x1E100] =	vst v63  }
0x9f: {  	_ =	swait.ge [sflag:s25], $0x4000  }
0xa0: {  	[sflag:s25] =	ssyncset.done $0x0  }
0xa1: {  	s17 =	simm.s32 $0x200;
	[sflag:s25] =	ssyncadd.s32 $0xFFFFC000  }
0xa2: {  	[tilespmem:s22], [sflag:$0x1] =	stream.indirect.gather [hbm4b:s4+s21], $0x80, s17, s21, $0xb8;
	[tilespmem:$0x1E100] =	vst v63  }
0xa3: {  	_ =	swait.ge [sflag:s28], $0x4000  }
0xa4: {  	[sflag:s28] =	ssyncset.done $0x0  }
0xa5: {  	s14 =	simm.s32 $0x1580;
	s9 =	simm.s32 $0xFFFFBC00;
	[sflag:s28] =	ssyncadd.s32 $0xFFFFC000  }
.LBB2_10:
0xa6: {  	[spmem:s2] =	stream.indirect.scatter.add.f32 [tilespmem:s23], [sflag:$0x4], $0x80, s14, s21, $0xb8;
	[tilespmem:$0x1E100] =	vst v63  }
0xa7: {  	s14 =	smov.u32 s9  }
0xa8: {  	p1 =	sne.s32 s9, $0xFFFFFC00;
	s9 =	sadd.s32 $0x400, s9;
	_ =	swait.ge [sflag:s30], $0x4000  }
0xa9: {  	s14 =	sshra.s32 s14, $0x2;
	[sflag:s30] =	ssyncset.done $0x0  }
0xaa: {  	s15 =	sadd.s32 $0x1380, s14;
	[sflag:s30] =	ssyncadd.s32 $0xFFFFC000  }
0xab: {  	[tilespmem:s23], [sflag:$0x2] =	stream.indirect.gather [hbm4b:s4+s21], $0x80, s15, s21, $0xb8;
	[tilespmem:$0x1E100] =	vst v63  }
0xac: {  	_ =	swait.ge [sflag:s24], $0x4000  }
0xad: {  	[sflag:s24] =	ssyncset.done $0x0  }
0xae: {  	s15 =	sadd.s32 $0x2700, s14;
	[sflag:s24] =	ssyncadd.s32 $0xFFFFC000  }
0xaf: {  	[spmem:s2] =	stream.indirect.scatter.add.f32 [tilespmem:s22], [sflag:$0x3], $0x80, s15, s21, $0xb8;
	[tilespmem:$0x1E100] =	vst v63  }
0xb0: {  	_ =	swait.ge [sflag:s25], $0x4000  }
0xb1: {  	[sflag:s25] =	ssyncset.done $0x0  }
.Ltmp4:
0xb2: {  	s15 =	sadd.s32 $0x1400, s14;
	[sflag:s25] =	ssyncadd.s32 $0xFFFFC000;
	(pc) =	sbr.rel @p1 .LBB2_10-.Ltmp4, $4  }
0xb3: {  	[tilespmem:s22], [sflag:$0x1] =	stream.indirect.gather [hbm4b:s4+s21], $0x80, s15, s21, $0xb8;
	[tilespmem:$0x1E100] =	vst v63  }
0xb4: {  	_ =	swait.ge [sflag:s28], $0x4000  }
0xb5: {  	[sflag:s28] =	ssyncset.done $0x0  }
0xb6: {  	s14 =	sadd.s32 $0x2780, s14;
	[sflag:s28] =	ssyncadd.s32 $0xFFFFC000  }
.Ltmp5:
0xb7: {  	_ = 	snop;
	(pc) =	sbr.rel .LBB2_11-.Ltmp5, $1  }
0xb8: {  	_ =	sdelay $0x3  }
.LBB2_2:
0xb9: {  	s9 =	rddreg [dreg:$0x8]  }
0xba: {  	s14 =	rddreg [dreg:$0x6];
	s17 =	sor.u32 $0x1C05, s9  }
0xbb: {  	[spmem:s18], [sflag:s17] =	dma.local [hbm:s14], $0x2780  }
0xbc: {  	_ =	swait.ge [sflag:s19], $0x2780  }
0xbd: {  	[sflag:s19] =	ssyncset.done $0x0  }
0xbe: {  	[sflag:s19] =	ssyncadd.s32 $0xFFFFD880  }
0xbf: {  	[tilespmem:s3], [sflag:$0x5] =	stream.linear.gather [hbm4b:s10+s3], $0x1400, $0x38;
	[tilespmem:$0x1E100] =	vst v63  }
0xc0: {  	_ =	swait.ge [sflag:s19], $0x1400  }
0xc1: {  	[sflag:s19] =	ssyncset.done $0x0  }
0xc2: {  	[sflag:s19] =	ssyncadd.s32 $0xFFFFEC00  }
0xc3: {  	[tilespmem:s20], [sflag:$0x5] =	stream.linear.gather [hbm4b:s11+s3], $0x1400, $0x38;
	[tilespmem:$0x1E100] =	vst v63  }
0xc4: {  	_ =	swait.ge [sflag:s19], $0x1400  }
0xc5: {  	[sflag:s19] =	ssyncset.done $0x0  }
0xc6: {  	[sflag:s19] =	ssyncadd.s32 $0xFFFFEC00  }
0xc7: {  	[bflag:$0x0] =	sbarrier.arrive $0xFFFF  }
0xc8: {  	[tilespmem:s22], [sflag:$0x1] =	stream.indirect.gather [hbm4b:s1+s21], $0x80, s3, s21, $0xb8;
	[tilespmem:$0x1E100] =	vst v63  }
0xc9: {  	_ = 	snop  }
0xca: {  	[tilespmem:s23], [sflag:$0x2] =	stream.indirect.gather [hbm4b:s1+s21], $0x80, s21, s21, $0xb8;
	[tilespmem:$0x1E100] =	vst v63  }
0xcb: {  	_ =	swait.ge [sflag:s24], $0x4000  }
0xcc: {  	[sflag:s24] =	ssyncset.done $0x0  }
0xcd: {  	[sflag:s24] =	ssyncadd.s32 $0xFFFFC000  }
0xce: {  	[spmem:s2] =	stream.indirect.scatter.add.f32 [tilespmem:s22], [sflag:$0x3], $0x80, s20, s21, $0xb8;
	[tilespmem:$0x1E100] =	vst v63  }
0xcf: {  	_ =	swait.ge [sflag:s25], $0x4000  }
0xd0: {  	[sflag:s25] =	ssyncset.done $0x0  }
0xd1: {  	[sflag:s25] =	ssyncadd.s32 $0xFFFFC000  }
0xd2: {  	[tilespmem:s22], [sflag:$0x1] =	stream.indirect.gather [hbm4b:s1+s21], $0x80, s26, s21, $0xb8;
	[tilespmem:$0x1E100] =	vst v63  }
0xd3: {  	_ =	swait.ge [sflag:s28], $0x4000  }
0xd4: {  	[sflag:s28] =	ssyncset.done $0x0  }
0xd5: {  	[sflag:s28] =	ssyncadd.s32 $0xFFFFC000  }
0xd6: {  	[spmem:s2] =	stream.indirect.scatter.add.f32 [tilespmem:s23], [sflag:$0x4], $0x80, s29, s21, $0xb8;
	[tilespmem:$0x1E100] =	vst v63  }
0xd7: {  	_ =	swait.ge [sflag:s30], $0x4000  }
0xd8: {  	[sflag:s30] =	ssyncset.done $0x0  }
0xd9: {  	s15 =	simm.s32 $0x180;
	[sflag:s30] =	ssyncadd.s32 $0xFFFFC000  }
0xda: {  	[tilespmem:s23], [sflag:$0x2] =	stream.indirect.gather [hbm4b:s1+s21], $0x80, s15, s21, $0xb8;
	[tilespmem:$0x1E100] =	vst v63  }
0xdb: {  	_ =	swait.ge [sflag:s24], $0x4000  }
0xdc: {  	[sflag:s24] =	ssyncset.done $0x0  }
0xdd: {  	s14 =	simm.s32 $0x1500;
	[sflag:s24] =	ssyncadd.s32 $0xFFFFC000  }
0xde: {  	[spmem:s2] =	stream.indirect.scatter.add.f32 [tilespmem:s22], [sflag:$0x3], $0x80, s14, s21, $0xb8;
	[tilespmem:$0x1E100] =	vst v63  }
0xdf: {  	_ =	swait.ge [sflag:s25], $0x4000  }
0xe0: {  	[sflag:s25] =	ssyncset.done $0x0  }
0xe1: {  	s15 =	simm.s32 $0x200;
	[sflag:s25] =	ssyncadd.s32 $0xFFFFC000  }
0xe2: {  	[tilespmem:s22], [sflag:$0x1] =	stream.indirect.gather [hbm4b:s1+s21], $0x80, s15, s21, $0xb8;
	[tilespmem:$0x1E100] =	vst v63  }
0xe3: {  	_ =	swait.ge [sflag:s28], $0x4000  }
0xe4: {  	[sflag:s28] =	ssyncset.done $0x0  }
0xe5: {  	s9 =	simm.s32 $0xFFFFBC00;
	s14 =	simm.s32 $0x1580;
	[sflag:s28] =	ssyncadd.s32 $0xFFFFC000  }
.LBB2_3:
0xe6: {  	[spmem:s2] =	stream.indirect.scatter.add.f32 [tilespmem:s23], [sflag:$0x4], $0x80, s14, s21, $0xb8;
	[tilespmem:$0x1E100] =	vst v63  }
0xe7: {  	s14 =	smov.u32 s9  }
0xe8: {  	p1 =	sne.s32 s9, $0xFFFFFC00;
	s9 =	sadd.s32 $0x400, s9;
	_ =	swait.ge [sflag:s30], $0x4000  }
0xe9: {  	s14 =	sshra.s32 s14, $0x2;
	[sflag:s30] =	ssyncset.done $0x0  }
0xea: {  	s15 =	sadd.s32 $0x1380, s14;
	[sflag:s30] =	ssyncadd.s32 $0xFFFFC000  }
0xeb: {  	[tilespmem:s23], [sflag:$0x2] =	stream.indirect.gather [hbm4b:s1+s21], $0x80, s15, s21, $0xb8;
	[tilespmem:$0x1E100] =	vst v63  }
0xec: {  	_ =	swait.ge [sflag:s24], $0x4000  }
0xed: {  	[sflag:s24] =	ssyncset.done $0x0  }
0xee: {  	s15 =	sadd.s32 $0x2700, s14;
	[sflag:s24] =	ssyncadd.s32 $0xFFFFC000  }
0xef: {  	[spmem:s2] =	stream.indirect.scatter.add.f32 [tilespmem:s22], [sflag:$0x3], $0x80, s15, s21, $0xb8;
	[tilespmem:$0x1E100] =	vst v63  }
0xf0: {  	_ =	swait.ge [sflag:s25], $0x4000  }
0xf1: {  	[sflag:s25] =	ssyncset.done $0x0  }
.Ltmp6:
0xf2: {  	s15 =	sadd.s32 $0x1400, s14;
	[sflag:s25] =	ssyncadd.s32 $0xFFFFC000;
	(pc) =	sbr.rel @p1 .LBB2_3-.Ltmp6, $4  }
0xf3: {  	[tilespmem:s22], [sflag:$0x1] =	stream.indirect.gather [hbm4b:s1+s21], $0x80, s15, s21, $0xb8;
	[tilespmem:$0x1E100] =	vst v63  }
0xf4: {  	_ =	swait.ge [sflag:s28], $0x4000  }
0xf5: {  	[sflag:s28] =	ssyncset.done $0x0  }
0xf6: {  	s14 =	sadd.s32 $0x2780, s14;
	[sflag:s28] =	ssyncadd.s32 $0xFFFFC000  }
0xf7: {  	[spmem:s2] =	stream.indirect.scatter.add.f32 [tilespmem:s23], [sflag:$0x4], $0x80, s14, s21, $0xb8;
	[tilespmem:$0x1E100] =	vst v63  }
0xf8: {  	_ =	swait.ge [sflag:s30], $0x4000  }
0xf9: {  	[sflag:s30] =	ssyncset.done $0x0  }
0xfa: {  	[sflag:s30] =	ssyncadd.s32 $0xFFFFC000  }
0xfb: {  	[tilespmem:s23], [sflag:$0x2] =	stream.indirect.gather [hbm4b:s1+s21], $0x80, s31, s21, $0xb8;
	[tilespmem:$0x1E100] =	vst v63  }
0xfc: {  	_ =	swait.ge [sflag:s24], $0x4000  }
0xfd: {  	[sflag:s24] =	ssyncset.done $0x0  }
0xfe: {  	[sflag:s24] =	ssyncadd.s32 $0xFFFFC000  }
0xff: {  	[spmem:s2] =	stream.indirect.scatter.add.f32 [tilespmem:s22], [sflag:$0x3], $0x80, s0, s21, $0xb8;
	[tilespmem:$0x1E100] =	vst v63  }
0x100: {  	_ =	swait.ge [sflag:s25], $0x4000  }
0x101: {  	[sflag:s25] =	ssyncset.done $0x0  }
0x102: {  	[sflag:s25] =	ssyncadd.s32 $0xFFFFC000  }
0x103: {  	_ =	swait.ge [sflag:s28], $0x4000  }
0x104: {  	[sflag:s28] =	ssyncset.done $0x0  }
0x105: {  	[sflag:s28] =	ssyncadd.s32 $0xFFFFC000  }
0x106: {  	[spmem:s2] =	stream.indirect.scatter.add.f32 [tilespmem:s23], [sflag:$0x4], $0x80, s5, s21, $0xb8;
	[tilespmem:$0x1E100] =	vst v63  }
0x107: {  	_ =	swait.ge [sflag:s30], $0x4000  }
0x108: {  	[sflag:s30] =	ssyncset.done $0x0  }
0x109: {  	[sflag:s30] =	ssyncadd.s32 $0xFFFFC000  }
0x10a: {  	[tilespmem:s3], [sflag:$0x5] =	stream.linear.gather [hbm4b:s12+s3], $0x1400, $0x38;
	[tilespmem:$0x1E100] =	vst v63  }
0x10b: {  	_ =	swait.ge [sflag:s19], $0x1400  }
0x10c: {  	[sflag:s19] =	ssyncset.done $0x0  }
0x10d: {  	[sflag:s19] =	ssyncadd.s32 $0xFFFFEC00  }
0x10e: {  	[tilespmem:s20], [sflag:$0x5] =	stream.linear.gather [hbm4b:s13+s3], $0x1400, $0x38;
	[tilespmem:$0x1E100] =	vst v63  }
0x10f: {  	_ =	swait.ge [sflag:s19], $0x1400  }
0x110: {  	[sflag:s19] =	ssyncset.done $0x0  }
0x111: {  	[sflag:s19] =	ssyncadd.s32 $0xFFFFEC00  }
0x112: {  	[tilespmem:s22], [sflag:$0x1] =	stream.indirect.gather [hbm4b:s1+s21], $0x80, s3, s21, $0xb8;
	[tilespmem:$0x1E100] =	vst v63  }
0x113: {  	_ = 	snop  }
0x114: {  	[tilespmem:s23], [sflag:$0x2] =	stream.indirect.gather [hbm4b:s1+s21], $0x80, s21, s21, $0xb8;
	[tilespmem:$0x1E100] =	vst v63  }
0x115: {  	_ =	swait.ge [sflag:s24], $0x4000  }
0x116: {  	[sflag:s24] =	ssyncset.done $0x0  }
0x117: {  	[sflag:s24] =	ssyncadd.s32 $0xFFFFC000  }
0x118: {  	[spmem:s2] =	stream.indirect.scatter.add.f32 [tilespmem:s22], [sflag:$0x3], $0x80, s20, s21, $0xb8;
	[tilespmem:$0x1E100] =	vst v63  }
0x119: {  	_ =	swait.ge [sflag:s25], $0x4000  }
0x11a: {  	[sflag:s25] =	ssyncset.done $0x0  }
0x11b: {  	[sflag:s25] =	ssyncadd.s32 $0xFFFFC000  }
0x11c: {  	[tilespmem:s22], [sflag:$0x1] =	stream.indirect.gather [hbm4b:s1+s21], $0x80, s26, s21, $0xb8;
	[tilespmem:$0x1E100] =	vst v63  }
0x11d: {  	_ =	swait.ge [sflag:s28], $0x4000  }
0x11e: {  	[sflag:s28] =	ssyncset.done $0x0  }
0x11f: {  	[sflag:s28] =	ssyncadd.s32 $0xFFFFC000  }
0x120: {  	[spmem:s2] =	stream.indirect.scatter.add.f32 [tilespmem:s23], [sflag:$0x4], $0x80, s29, s21, $0xb8;
	[tilespmem:$0x1E100] =	vst v63  }
0x121: {  	_ =	swait.ge [sflag:s30], $0x4000  }
0x122: {  	[sflag:s30] =	ssyncset.done $0x0  }
0x123: {  	s9 =	simm.s32 $0x180;
	[sflag:s30] =	ssyncadd.s32 $0xFFFFC000  }
0x124: {  	[tilespmem:s23], [sflag:$0x2] =	stream.indirect.gather [hbm4b:s1+s21], $0x80, s9, s21, $0xb8;
	[tilespmem:$0x1E100] =	vst v63  }
0x125: {  	_ =	swait.ge [sflag:s24], $0x4000  }
0x126: {  	[sflag:s24] =	ssyncset.done $0x0  }
0x127: {  	s14 =	simm.s32 $0x1500;
	[sflag:s24] =	ssyncadd.s32 $0xFFFFC000  }
0x128: {  	[spmem:s2] =	stream.indirect.scatter.add.f32 [tilespmem:s22], [sflag:$0x3], $0x80, s14, s21, $0xb8;
	[tilespmem:$0x1E100] =	vst v63  }
0x129: {  	_ =	swait.ge [sflag:s25], $0x4000  }
0x12a: {  	[sflag:s25] =	ssyncset.done $0x0  }
0x12b: {  	s15 =	simm.s32 $0x200;
	[sflag:s25] =	ssyncadd.s32 $0xFFFFC000  }
0x12c: {  	[tilespmem:s22], [sflag:$0x1] =	stream.indirect.gather [hbm4b:s1+s21], $0x80, s15, s21, $0xb8;
	[tilespmem:$0x1E100] =	vst v63  }
0x12d: {  	_ =	swait.ge [sflag:s28], $0x4000  }
0x12e: {  	[sflag:s28] =	ssyncset.done $0x0  }
0x12f: {  	s9 =	simm.s32 $0xFFFFBC00;
	s14 =	simm.s32 $0x1580;
	[sflag:s28] =	ssyncadd.s32 $0xFFFFC000  }
.LBB2_5:
0x130: {  	[spmem:s2] =	stream.indirect.scatter.add.f32 [tilespmem:s23], [sflag:$0x4], $0x80, s14, s21, $0xb8;
	[tilespmem:$0x1E100] =	vst v63  }
0x131: {  	s14 =	smov.u32 s9  }
0x132: {  	p1 =	seq.s32 s9, $0xFFFFFC00;
	s9 =	sadd.s32 $0x400, s9;
	_ =	swait.ge [sflag:s30], $0x4000  }
0x133: {  	s14 =	sshra.s32 s14, $0x2;
	[sflag:s30] =	ssyncset.done $0x0  }
0x134: {  	s15 =	sadd.s32 $0x1380, s14;
	[sflag:s30] =	ssyncadd.s32 $0xFFFFC000  }
0x135: {  	[tilespmem:s23], [sflag:$0x2] =	stream.indirect.gather [hbm4b:s1+s21], $0x80, s15, s21, $0xb8;
	[tilespmem:$0x1E100] =	vst v63  }
0x136: {  	_ =	swait.ge [sflag:s24], $0x4000  }
0x137: {  	[sflag:s24] =	ssyncset.done $0x0  }
0x138: {  	s15 =	sadd.s32 $0x2700, s14;
	[sflag:s24] =	ssyncadd.s32 $0xFFFFC000  }
0x139: {  	[spmem:s2] =	stream.indirect.scatter.add.f32 [tilespmem:s22], [sflag:$0x3], $0x80, s15, s21, $0xb8;
	[tilespmem:$0x1E100] =	vst v63  }
0x13a: {  	_ =	swait.ge [sflag:s25], $0x4000  }
0x13b: {  	[sflag:s25] =	ssyncset.done $0x0  }
.Ltmp7:
0x13c: {  	s15 =	sadd.s32 $0x1400, s14;
	[sflag:s25] =	ssyncadd.s32 $0xFFFFC000;
	(pc) =	sbr.rel @!p1 .LBB2_5-.Ltmp7, $4  }
0x13d: {  	[tilespmem:s22], [sflag:$0x1] =	stream.indirect.gather [hbm4b:s1+s21], $0x80, s15, s21, $0xb8;
	[tilespmem:$0x1E100] =	vst v63  }
0x13e: {  	_ =	swait.ge [sflag:s28], $0x4000  }
0x13f: {  	[sflag:s28] =	ssyncset.done $0x0  }
0x140: {  	s14 =	sadd.s32 $0x2780, s14;
	[sflag:s28] =	ssyncadd.s32 $0xFFFFC000  }
0x141: {  	[spmem:s2] =	stream.indirect.scatter.add.f32 [tilespmem:s23], [sflag:$0x4], $0x80, s14, s21, $0xb8;
	[tilespmem:$0x1E100] =	vst v63  }
0x142: {  	_ =	swait.ge [sflag:s30], $0x4000  }
0x143: {  	[sflag:s30] =	ssyncset.done $0x0  }
0x144: {  	[sflag:s30] =	ssyncadd.s32 $0xFFFFC000  }
0x145: {  	[tilespmem:s23], [sflag:$0x2] =	stream.indirect.gather [hbm4b:s1+s21], $0x80, s31, s21, $0xb8;
	[tilespmem:$0x1E100] =	vst v63  }
0x146: {  	_ =	swait.ge [sflag:s24], $0x4000  }
0x147: {  	[sflag:s24] =	ssyncset.done $0x0  }
0x148: {  	[sflag:s24] =	ssyncadd.s32 $0xFFFFC000  }
0x149: {  	[spmem:s2] =	stream.indirect.scatter.add.f32 [tilespmem:s22], [sflag:$0x3], $0x80, s0, s21, $0xb8;
	[tilespmem:$0x1E100] =	vst v63  }
0x14a: {  	_ =	swait.ge [sflag:s25], $0x4000  }
0x14b: {  	[sflag:s25] =	ssyncset.done $0x0  }
.Ltmp8:
0x14c: {  	[sflag:s25] =	ssyncadd.s32 $0xFFFFC000;
	(pc) =	sbr.rel .LBB2_12-.Ltmp8, $4  }
0x14d: {  	_ =	swait.ge [sflag:s28], $0x4000  }
0x14e: {  	[sflag:s28] =	ssyncset.done $0x0  }
0x14f: {  	s9 =	rddreg [dreg:$0x4];
	[sflag:s28] =	ssyncadd.s32 $0xFFFFC000  }
0x150: {  	[spmem:s2] =	stream.indirect.scatter.add.f32 [tilespmem:s23], [sflag:$0x4], $0x80, s5, s21, $0xb8;
	[tilespmem:$0x1E100] =	vst v63  }
.LBB2_13:
0x151: {  	_ =	sfence.sel $0x180000  }
0x152: {  	[bflag:$0x0] =	sbarrier.arrive $0xFFFF  }
0x153: {  	_ =	strace $0x9000004A  }
0x154: {  	s0 =	stileid.u32;
	[bflag:$0x2] =	sbarrier.arrive $0xFFFF  }
0x155: {  	p0 =	sne.s32 s0, $0x0;
	s0 =	rddreg [dreg:$0x3]  }
0x156: {  	s0 =	sadd.s32 @!p0 $0x100000, s0  }
0x157: {  	[sflag:s0] =	ssyncadd.tile.s32 @!p0 $0x1;
	_ =	shalt  }
.Lfunc_end2:
_tile_overlayer_lowered:
.L_overlay_start_2:
0x158: {  	(tag) =	ssettag $0x2  }
0x159: {  	s0 =	rddreg [dreg:$0x0];
	s2 =	stileid.u32  }
0x15a: {  	s1 =	rddreg [dreg:$0x1];
	p0 =	sne.s32 s2, $0x0  }
0x15b: {  	s3 =	rddreg [dreg:$0x2];
	[bflag:$0x3] =	sbarrier.arrive $0xFFFF;
	s2 =	simm.s32 @!p0 $0x1C05  }
0x15c: {  	[timem:s3], [sflag:s2] =	dma.local @!p0 [hbm:s0], s1  }
0x15d: {  	s0 =	simm.s32 @!p0 $0x5  }
0x15e: {  	_ =	swait.ge @!p0 [sflag:s0], s1  }
0x15f: {  	s1 =	ssub.s32 @!p0 $0x0, s1;
	[sflag:s0] =	ssyncset.done @!p0 $0x0  }
0x160: {  	[sflag:s0] =	ssyncadd.s32 @!p0 s1  }
0x161: {  	[bflag:$0x3] =	sbarrier.arrive $0xFFFF  }
0x162: {  	_ =	shalt  }

// kernel: kernel.15.cloned.1.call-start
scs
__scs_entry_jumppad:
0x0: {  	(pc) =	sbr.rel $0x88, $3  }
0x1: {  	(tag) =	ssettag $0x0;
	lr =	simm.s32 $0x1  }
0x2: {  	[smem:$0x3F97] =	sst lr;
	_ =	strace $0xD0000000  }
0x3: {  	_ = 	snop  }
0x4: {  	_ = 	snop  }
0x5: {  	_ = 	snop  }
0x6: {  	_ = 	snop  }
0x7: {  	_ = 	snop  }
__scs_overlays_trampoline_lowered:
0x8: {  	[smem:$0x3FA6] =	sst s0  }
0x9: {  	[smem:$0x3FA7] =	sst s1  }
0xa: {  	[smem:$0x3FA8] =	sst s2  }
0xb: {  	[smem:$0x3FA9] =	sst s3  }
0xc: {  	[smem:$0x3FAA] =	sst s4  }
0xd: {  	[smem:$0x3FAB] =	sst s5  }
0xe: {  	[smem:$0x3FAC] =	sst s6  }
0xf: {  	[smem:$0x3FAD] =	sst s7  }
0x10: {  	[smem:$0x3FAE] =	sst s8  }
0x11: {  	[smem:$0x3FAF] =	sst s9;
	s0 =	simm.s32 @!p0 $0x0  }
0x12: {  	s1 =	sld [smem:$0x3F95];
	s0 =	simm.s32 @p0 $0x1  }
0x13: {  	[smem:$0x3FB0] =	sst s0;
	s0 =	simm.s32 @!p1 $0x0  }
0x14: {  	s2 =	sld [smem:$0x3F94];
	s0 =	simm.s32 @p1 $0x1  }
0x15: {  	[smem:$0x3FB1] =	sst s0;
	s0 =	simm.s32 @!p2 $0x0  }
0x16: {  	s3 =	sld [smem:$0x3FDB];
	s0 =	simm.s32 @p2 $0x1  }
0x17: {  	s4 =	simm.s32 $0x1BF5;
	[smem:$0x3FB3] =	sst s0  }
0x18: {  	s0 =	sld [smem:$0x3F96];
	_ =	swait.ge [sflag:s4], $0x0  }
0x19: {  	s7 =	sld [smem:$0x3F97]  }
0x1a: {  	s8 =	sadd.s32 $0xFFFFE003, lr  }
0x1b: {  	s9 =	sadd.s32 $0xFFFFFEF7, lr;
	s5 =	simm.s32 $0xFFFFFFFF;
	p2 =	slt.u32 s8, $0xFFFFF086  }
0x1c: {  	p1 =	slt.u32 s9, $0xF7A;
	s5 =	simm.s32 @!p2 $0x0  }
0x1d: {  	s5 =	simm.s32 @p1 $0x1;
	p0 =	seq.s32 s7, s2  }
0x1e: {  	s7 =	smul.u32 @!p0 $0xF7A, s2;
	p2 =	seq.s32 @!p0 s5, $0x0  }
0x1f: {  	s9 =	smul.u32 $0xF7A, s1;
	s8 =	simm.s32 @!p0 $0x1BF5;
	p2 =	por !p2, p0  }
0x20: {  	[sflag:s8] =	ssyncset.s32 @!p0 $0xFFFFF086;
	s6 =	sadd.s32 @!p0 s3, s7;
	s7 =	simm.s32 @!p0 $0x108  }
0x21: {  	s3 =	sadd.s32 s3, s9;
	s6 =	sadd.s32 @!p0 $0x88, s6;
	s7 =	simm.s32 @p2 $0x1082  }
0x22: {  	[simem:s7], [sflag:s8] =	dma.local @!p0 [hbm:s6], $0xF7A  }
0x23: {  	s9 =	sor.u32 $0xD0000000, s2;
	s6 =	simm.s32 $0x108;
	_ =	swait.ge @!p0 [sflag:s8], $0x0  }
0x24: {  	s3 =	sadd.s32 $0x88, s3;
	s6 =	simm.s32 @!p1 $0x1082;
	[sflag:s4] =	ssyncset.s32 $0xFFFFF086  }
0x25: {  	[simem:s6], [sflag:s4] =	dma.local [hbm:s3], $0xF7A  }
0x26: {  	[smem:$0x3F97] =	sst s1;
	(tag) =	ssettag s2;
	_ =	strace s9  }
0x27: {  	s1 =	sld [smem:$0x3FA7]  }
0x28: {  	s2 =	sld [smem:$0x3FA8]  }
0x29: {  	s4 =	sld [smem:$0x3FAA]  }
0x2a: {  	p0 =	seq.s32 s5, $0x0;
	s5 =	sld [smem:$0x3FAB]  }
0x2b: {  	s6 =	sld [smem:$0x3FAC]  }
0x2c: {  	s7 =	sld [smem:$0x3FAD]  }
0x2d: {  	s3 =	simm.s32 $0x108;
	s8 =	sld [smem:$0x3FAE]  }
0x2e: {  	s3 =	simm.s32 @!p0 $0x1082;
	s9 =	sld [smem:$0x3FAF]  }
0x2f: {  	lr =	sadd.s32 s0, s3;
	s0 =	sld [smem:$0x3FA6]  }
0x30: {  	s3 =	sld [smem:$0x3FA9]  }
0x31: {  	[smem:$0x3FB2] =	sst s10  }
0x32: {  	s10 =	sld [smem:$0x3FB0];
	_ =	sdelay $0x3  }
0x33: {  	p0 =	seq.s32 s10, $0x1;
	s10 =	sld [smem:$0x3FB2];
	_ =	sdelay $0x3  }
0x34: {  	[smem:$0x3FB2] =	sst s10  }
0x35: {  	s10 =	sld [smem:$0x3FB1];
	_ =	sdelay $0x3  }
0x36: {  	p1 =	seq.s32 s10, $0x1;
	s10 =	sld [smem:$0x3FB2];
	_ =	sdelay $0x3  }
0x37: {  	[smem:$0x3FB2] =	sst s10  }
0x38: {  	s10 =	sld [smem:$0x3FB3]  }
0x39: {  	_ = 	snop;
	(pc) =	sbr.ind lr, $3  }
0x3a: {  	_ = 	snop  }
0x3b: {  	_ = 	snop  }
0x3c: {  	p2 =	seq.s32 s10, $0x1;
	s10 =	sld [smem:$0x3FB2]  }
0x3d: {  	_ =	shalt  }
0x3e: {  	_ =	shalt  }
0x3f: {  	_ =	shalt  }
0x40: {  	_ =	shalt  }
0x41: {  	_ =	shalt  }
0x42: {  	_ =	shalt  }
0x43: {  	_ =	shalt  }
0x44: {  	_ =	shalt  }
0x45: {  	_ =	shalt  }
0x46: {  	_ =	shalt  }
0x47: {  	_ =	shalt  }
0x48: {  	_ =	shalt  }
0x49: {  	_ =	shalt  }
0x4a: {  	_ =	shalt  }
0x4b: {  	_ =	shalt  }
0x4c: {  	_ =	shalt  }
0x4d: {  	_ =	shalt  }
0x4e: {  	_ =	shalt  }
0x4f: {  	_ =	shalt  }
0x50: {  	_ =	shalt  }
0x51: {  	_ =	shalt  }
0x52: {  	_ =	shalt  }
0x53: {  	_ =	shalt  }
0x54: {  	_ =	shalt  }
0x55: {  	_ =	shalt  }
0x56: {  	_ =	shalt  }
0x57: {  	_ =	shalt  }
0x58: {  	_ =	shalt  }
0x59: {  	_ =	shalt  }
0x5a: {  	_ =	shalt  }
0x5b: {  	_ =	shalt  }
0x5c: {  	_ =	shalt  }
0x5d: {  	_ =	shalt  }
0x5e: {  	_ =	shalt  }
0x5f: {  	_ =	shalt  }
0x60: {  	_ =	shalt  }
0x61: {  	_ =	shalt  }
0x62: {  	_ =	shalt  }
0x63: {  	_ =	shalt  }
0x64: {  	_ =	shalt  }
0x65: {  	_ =	shalt  }
0x66: {  	_ =	shalt  }
0x67: {  	_ =	shalt  }
0x68: {  	_ =	shalt  }
0x69: {  	_ =	shalt  }
0x6a: {  	_ =	shalt  }
0x6b: {  	_ =	shalt  }
0x6c: {  	_ =	shalt  }
0x6d: {  	_ =	shalt  }
0x6e: {  	_ =	shalt  }
0x6f: {  	_ =	shalt  }
0x70: {  	_ =	shalt  }
0x71: {  	_ =	shalt  }
0x72: {  	_ =	shalt  }
0x73: {  	_ =	shalt  }
0x74: {  	_ =	shalt  }
0x75: {  	_ =	shalt  }
0x76: {  	_ =	shalt  }
0x77: {  	_ =	shalt  }
0x78: {  	_ =	shalt  }
0x79: {  	_ =	shalt  }
0x7a: {  	_ =	shalt  }
0x7b: {  	_ =	shalt  }
0x7c: {  	_ =	shalt  }
0x7d: {  	_ =	shalt  }
0x7e: {  	_ =	shalt  }
0x7f: {  	_ =	shalt  }
0x80: {  	_ =	shalt  }
0x81: {  	_ =	shalt  }
0x82: {  	_ =	shalt  }
0x83: {  	_ =	shalt  }
0x84: {  	_ =	shalt  }
0x85: {  	_ =	shalt  }
0x86: {  	_ =	shalt  }
0x87: {  	_ =	shalt  }
.Lfunc_end0:
.L_simem_size_0:
called_computation.2_lowered:
.L_overlay_start_0:
0x88: {  	s2 =	sld [smem:$0x3FD9]  }
0x89: {  	s3 =	sld [smem:$0x3FFE];
	_ =	sdelay $0x1  }
0x8a: {  	s1 =	srdreg.scid  }
0x8b: {  	s0 =	sand.u32 $0x1, s1  }
0x8c: {  	s17 =	sshll.u32 s0, $0xA;
	s2 =	sadd.s32 s3, s2  }
0x8d: {  	s2 =	sadd.s32 s2, s17  }
0x8e: {  	[smem:$0x3FBE] =	sst s2  }
0x8f: {  	_ = 	snop  }
0x90: {  	s2 =	sld [smem:$0x3FD0];
	(tm) =	ssettm $0x1  }
0x91: {  	s18 =	sld [smem:$0x3FFB];
	_ =	sdelay $0x3  }
0x92: {  	_ =	strace s18  }
0x93: {  	s3 =	sld [smem:$0x3FFC];
	_ =	sdelay $0x3  }
0x94: {  	_ =	strace s3  }
0x95: {  	s3 =	sld [smem:$0x3FFD];
	_ =	sdelay $0x3  }
0x96: {  	_ =	strace s3  }
0x97: {  	_ =	strace $0x8FFFFFFF  }
0x98: {  	s19 =	sld [smem:$0x3FDB];
	_ =	sdelay $0x1  }
0x99: {  	s4 =	simm.s32 $_scs_section_size  }
0x9a: {  	s5 =	simm.s32 $_size__tile_overlayer_lowered;
	s6 =	simm.s32 $_tile_overlayer_lowered  }
0x9b: {  	s22 =	simm.s32 $0x1BFF;
	s21 =	sshll.u32 s6, $0x1;
	s3 =	sadd.s32 s4, s19  }
0x9c: {  	s7 =	simm.s32 $0x0;
	s20 =	sshll.u32 s5, $0x1;
	s5 =	sadd.s32 s21, s3  }
0x9d: {  	[timem:s7], [sflag:s22] =	dma.local [hbm:s5], s20  }
0x9e: {  	_ =	swait.ge [sflag:s22], s20  }
0x9f: {  	s4 =	ssub.s32 $0x0, s20;
	[sflag:s22] =	ssyncset.done $0x0  }
0xa0: {  	[sflag:s22] =	ssyncadd.s32 s4;
	_ =	sdelay $0x1  }
0xa1: {  	s23 =	simm.s32 $0x1B8B  }
0xa2: {  	_ =	swait.ge [sflag:s23], $0x1  }
0xa3: {  	[sflag:s23] =	ssyncset.done $0x0  }
0xa4: {  	s25 =	simm.s32 $0x1B8E;
	s24 =	sld [smem:$0x3FFE];
	[sflag:s23] =	ssyncadd.s32 $0xFFFFFFFF  }
0xa5: {  	s26 =	simm.s32 $execute0_lowered;
	[smem:$0x3FD2] =	sst s25  }
0xa6: {  	s5 =	sshll.u32 s26, $0x1;
	_ =	strace $0x8000004C;
	[dreg:$0x1] =	wrdreg $0xFFFFFFFF  }
0xa7: {  	s28 =	simm.s32 $_size_execute0_lowered;
	s3 =	sadd.s32 s3, s5;
	[dreg:$0x0] =	wrdreg $0x0  }
0xa8: {  	s5 =	sshll.u32 s28, $0x1;
	[dreg:$0x2] =	wrdreg s3  }
0xa9: {  	[dreg:$0x3] =	wrdreg s5  }
0xaa: {  	[dreg:$0x4] =	wrdreg $0xC0  }
0xab: {  	_ =	task [dreg:s7], $0x5FFFF  }
0xac: {  	[dreg:$0x1] =	wrdreg $0xFFFFFFFF  }
0xad: {  	[dreg:$0x0] =	wrdreg $0x60  }
0xae: {  	[dreg:$0x2] =	wrdreg s2  }
0xaf: {  	[dreg:$0x3] =	wrdreg s24  }
0xb0: {  	[dreg:$0x4] =	wrdreg $0xA8000  }
0xb1: {  	[dreg:$0x5] =	wrdreg $0x9  }
0xb2: {  	_ =	task.clear_ibuf [dreg:s7], $0x6FFFF;
	_ =	strace $0x9000004C  }
0xb3: {  	s29 =	simm.s32 $0x9;
	_ =	strace $0x8000004E  }
0xb4: {  	_ =	swait.ge [sflag:s29], $0x1  }
0xb5: {  	[sflag:s29] =	ssyncadd.s32 $0xFFFFFFFF  }
0xb6: {  	_ =	strace $0x9000004E  }
0xb7: {  	_ =	sfence  }
0xb8: {  	s30 =	sld [smem:$0x0];
	_ =	sdelay $0x2  }
0xb9: {  	s31 =	sshll.u32 s1, $0xD;
	s1 =	sshrl.u32 s1, $0x2  }
0xba: {  	s3 =	sand.u32 $0x4000, s31;
	s1 =	sadd.s32 s1, s30  }
0xbb: {  	s0 =	sor.u32 s3, s0;
	s1 =	sshll.u32 s1, $0x11  }
0xbc: {  	s0 =	sor.u32 s1, s0  }
0xbd: {  	s0 =	sadd.s32 $0x8F2B, s0  }
0xbe: {  	[sflag:s0] =	ssyncadd.remote.s32 $0x1  }
0xbf: {  	_ =	sfence.sel $0xFFFF  }
0xc0: {  	[dreg:$0x0] =	wrdreg $0xFFFFFFFF;
	(pc) =	sbr.abs _section_cstart, $3  }
0xc1: {  	[dreg:$0x1] =	wrdreg $0xFFFFFFFF  }
0xc2: {  	_ =	task.clear_ibuf [dreg:s7], $0x2FFFF;
	_ =	strace $0x9FFFFFFF  }
0xc3: {  	(tm) =	ssettm $0x7FFFFFFF  }
tec
execute0_lowered:
.L_overlay_start_1:
0x0: {  	(tag) =	ssettag $0x1  }
0x1: {  	s1 =	rddreg [dreg:$0x0]  }
0x2: {  	s0 =	rddreg [dreg:$0x1]  }
0x3: {  	s2 =	rddreg [dreg:$0x2];
	s3 =	simm.s32 $0x0  }
0x4: {  	s7 =	srdreg.scid;
	s15 =	stileid.u32;
	s19 =	simm.s32 $0x5  }
0x5: {  	s28 =	simm.s32 $0x2;
	s29 =	simm.s32 $0x1480;
	s30 =	simm.s32 $0x4  }
0x6: {  	s31 =	simm.s32 $0x1380;
	[smem:$0x7FF] =	sst s3;
	s4 =	sadd.s32 $0x5CE00, s0  }
0x7: {  	s5 =	sadd.s32 $0x9A00, s0;
	s6 =	sadd.s32 $0x4A00, s0;
	s8 =	sadd.s32 $0x84000, s0  }
0x8: {  	s7 =	sand.u32 $0x1, s7;
	s0 =	sadd.s32 $0xAB200, s0;
	p1 =	seq.s32 s15, $0xF  }
0x9: {  	s10 =	smul.u32 $0x2800, s15;
	_ =	strace $0x8000004D;
	[dreg:$0x4] =	wrdreg s8  }
0xa: {  	s26 =	sshll.u32 s15, $0x6;
	[dreg:$0x5] =	wrdreg s0;
	s20 =	ssub.s32 $0x2, s7  }
0xb: {  	s8 =	smul.u32 $0x278, s15;
	p0 =	seq.s32 s7, $0x1;
	[dreg:$0x8] =	wrdreg s26  }
0xc: {  	s7 =	sor.u32 $0x1C05, s26;
	s26 =	simm.s32 $0x100;
	s9 =	sshrl.u32 s20, $0x1  }
0xd: {  	s22 =	sshrl.u32 s10, $0x3;
	s0 =	ssub.s32 s20, s9;
	s8 =	simm.s32 @p1 $0x2498  }
0xe: {  	s24 =	sadd.s32 $0x280, s22;
	s10 =	sadd.s32 s5, s22;
	s11 =	sadd.s32 s6, s22  }
0xf: {  	s20 =	simm.s32 $0x1400;
	s22 =	simm.s32 $0x2800;
	s21 =	sshll.u32 s8, $0x7  }
0x10: {  	s8 =	sshll.u32 s8, $0x4;
	s12 =	sadd.s32 s5, s24;
	s13 =	sadd.s32 s6, s24  }
.Ltmp0:
0x11: {  	s16 =	smax.u32 s0, $0x1;
	s24 =	simm.s32 $0x1;
	(pc) =	sbr.rel .LBB2_1-.Ltmp0, $4  }
0x12: {  	s0 =	simm.s32 $0x2700;
	s5 =	simm.s32 $0x2780;
	s23 =	sadd.s32 s1, s8  }
0x13: {  	s6 =	simm.s32 $0x0;
	s25 =	sadd.s32 s4, s8;
	[dreg:$0x6] =	wrdreg s23  }
0x14: {  	s14 =	sadd.s32 s21, s2;
	s21 =	simm.s32 $0x80;
	[dreg:$0x7] =	wrdreg s25  }
0x15: {  	s18 =	sshrl.u32 s14, $0x3;
	s23 =	simm.s32 $0x6800;
	s25 =	simm.s32 $0x3  }
.LBB2_11:
0x16: {  	[spmem:s2] =	stream.indirect.scatter.add.f32 [tilespmem:s23], [sflag:$0x4], $0x80, s14, s21, $0xb8;
	[tilespmem:$0x1E100] =	vst v63  }
0x17: {  	_ =	swait.ge [sflag:s30], $0x4000  }
0x18: {  	[sflag:s30] =	ssyncset.done $0x0  }
0x19: {  	[sflag:s30] =	ssyncadd.s32 $0xFFFFC000  }
0x1a: {  	[tilespmem:s23], [sflag:$0x2] =	stream.indirect.gather [hbm4b:s4+s21], $0x80, s31, s21, $0xb8;
	[tilespmem:$0x1E100] =	vst v63  }
0x1b: {  	_ =	swait.ge [sflag:s24], $0x4000  }
0x1c: {  	[sflag:s24] =	ssyncset.done $0x0  }
0x1d: {  	[sflag:s24] =	ssyncadd.s32 $0xFFFFC000  }
0x1e: {  	[spmem:s2] =	stream.indirect.scatter.add.f32 [tilespmem:s22], [sflag:$0x3], $0x80, s0, s21, $0xb8;
	[tilespmem:$0x1E100] =	vst v63  }
0x1f: {  	_ =	swait.ge [sflag:s25], $0x4000  }
0x20: {  	[sflag:s25] =	ssyncset.done $0x0  }
0x21: {  	[sflag:s25] =	ssyncadd.s32 $0xFFFFC000  }
0x22: {  	_ =	swait.ge [sflag:s28], $0x4000  }
0x23: {  	[sflag:s28] =	ssyncset.done $0x0  }
0x24: {  	s17 =	smov.u32 s7;
	s9 =	rddreg [dreg:$0x5];
	[sflag:s28] =	ssyncadd.s32 $0xFFFFC000  }
0x25: {  	[spmem:s2] =	stream.indirect.scatter.add.f32 [tilespmem:s23], [sflag:$0x4], $0x80, s5, s21, $0xb8;
	[tilespmem:$0x1E100] =	vst v63  }
.LBB2_12:
0x26: {  	_ =	swait.ge [sflag:s30], $0x4000  }
0x27: {  	s6 =	sadd.s32 $0x1, s6;
	[sflag:s30] =	ssyncset.done $0x0  }
0x28: {  	p1 =	sne.s32 s6, s16;
	[sflag:s30] =	ssyncadd.s32 $0xFFFFC000  }
.Ltmp1:
0x29: {  	s9 =	sadd.s32 s9, s8;
	[bflag:$0x0] =	sbarrier.arrive $0xFFFF;
	(pc) =	sbr.rel @!p1 .LBB2_13-.Ltmp1, $4  }
0x2a: {  	[hbm:s9], [sflag:s17] =	dma.local [spmem:s18], $0x2780  }
0x2b: {  	_ =	swait.ge [sflag:s19], $0x2780  }
0x2c: {  	[sflag:s19] =	ssyncset.done $0x0  }
0x2d: {  	[sflag:s19] =	ssyncadd.s32 $0xFFFFD880  }
.LBB2_1:
.Ltmp2:
0x2e: {  	(pc) =	sbr.rel @!p0 .LBB2_2-.Ltmp2, $1  }
0x2f: {  	_ =	sdelay $0x3  }
0x30: {  	s9 =	rddreg [dreg:$0x7]  }
0x31: {  	[spmem:s18], [sflag:s7] =	dma.local [hbm:s9], $0x2780  }
0x32: {  	_ =	swait.ge [sflag:s19], $0x2780  }
0x33: {  	[sflag:s19] =	ssyncset.done $0x0  }
0x34: {  	[sflag:s19] =	ssyncadd.s32 $0xFFFFD880  }
0x35: {  	[tilespmem:s3], [sflag:$0x5] =	stream.linear.gather [hbm4b:s10+s3], $0x1400, $0x38;
	[tilespmem:$0x1E100] =	vst v63  }
0x36: {  	_ =	swait.ge [sflag:s19], $0x1400  }
0x37: {  	[sflag:s19] =	ssyncset.done $0x0  }
0x38: {  	[sflag:s19] =	ssyncadd.s32 $0xFFFFEC00  }
0x39: {  	[tilespmem:s20], [sflag:$0x5] =	stream.linear.gather [hbm4b:s11+s3], $0x1400, $0x38;
	[tilespmem:$0x1E100] =	vst v63  }
0x3a: {  	_ =	swait.ge [sflag:s19], $0x1400  }
0x3b: {  	[sflag:s19] =	ssyncset.done $0x0  }
0x3c: {  	[sflag:s19] =	ssyncadd.s32 $0xFFFFEC00  }
0x3d: {  	[bflag:$0x0] =	sbarrier.arrive $0xFFFF  }
0x3e: {  	[tilespmem:s22], [sflag:$0x1] =	stream.indirect.gather [hbm4b:s4+s21], $0x80, s3, s21, $0xb8;
	[tilespmem:$0x1E100] =	vst v63  }
0x3f: {  	_ = 	snop  }
0x40: {  	[tilespmem:s23], [sflag:$0x2] =	stream.indirect.gather [hbm4b:s4+s21], $0x80, s21, s21, $0xb8;
	[tilespmem:$0x1E100] =	vst v63  }
0x41: {  	_ =	swait.ge [sflag:s24], $0x4000  }
0x42: {  	[sflag:s24] =	ssyncset.done $0x0  }
0x43: {  	[sflag:s24] =	ssyncadd.s32 $0xFFFFC000  }
0x44: {  	[spmem:s2] =	stream.indirect.scatter.add.f32 [tilespmem:s22], [sflag:$0x3], $0x80, s20, s21, $0xb8;
	[tilespmem:$0x1E100] =	vst v63  }
0x45: {  	_ =	swait.ge [sflag:s25], $0x4000  }
0x46: {  	[sflag:s25] =	ssyncset.done $0x0  }
0x47: {  	[sflag:s25] =	ssyncadd.s32 $0xFFFFC000  }
0x48: {  	[tilespmem:s22], [sflag:$0x1] =	stream.indirect.gather [hbm4b:s4+s21], $0x80, s26, s21, $0xb8;
	[tilespmem:$0x1E100] =	vst v63  }
0x49: {  	_ =	swait.ge [sflag:s28], $0x4000  }
0x4a: {  	[sflag:s28] =	ssyncset.done $0x0  }
0x4b: {  	[sflag:s28] =	ssyncadd.s32 $0xFFFFC000  }
0x4c: {  	[spmem:s2] =	stream.indirect.scatter.add.f32 [tilespmem:s23], [sflag:$0x4], $0x80, s29, s21, $0xb8;
	[tilespmem:$0x1E100] =	vst v63  }
0x4d: {  	_ =	swait.ge [sflag:s30], $0x4000  }
0x4e: {  	[sflag:s30] =	ssyncset.done $0x0  }
0x4f: {  	s14 =	simm.s32 $0x180;
	[sflag:s30] =	ssyncadd.s32 $0xFFFFC000  }
0x50: {  	[tilespmem:s23], [sflag:$0x2] =	stream.indirect.gather [hbm4b:s4+s21], $0x80, s14, s21, $0xb8;
	[tilespmem:$0x1E100] =	vst v63  }
0x51: {  	_ =	swait.ge [sflag:s24], $0x4000  }
0x52: {  	[sflag:s24] =	ssyncset.done $0x0  }
0x53: {  	s15 =	simm.s32 $0x1500;
	[sflag:s24] =	ssyncadd.s32 $0xFFFFC000  }
0x54: {  	[spmem:s2] =	stream.indirect.scatter.add.f32 [tilespmem:s22], [sflag:$0x3], $0x80, s15, s21, $0xb8;
	[tilespmem:$0x1E100] =	vst v63  }
0x55: {  	_ =	swait.ge [sflag:s25], $0x4000  }
0x56: {  	[sflag:s25] =	ssyncset.done $0x0  }
0x57: {  	s17 =	simm.s32 $0x200;
	[sflag:s25] =	ssyncadd.s32 $0xFFFFC000  }
0x58: {  	[tilespmem:s22], [sflag:$0x1] =	stream.indirect.gather [hbm4b:s4+s21], $0x80, s17, s21, $0xb8;
	[tilespmem:$0x1E100] =	vst v63  }
0x59: {  	_ =	swait.ge [sflag:s28], $0x4000  }
0x5a: {  	[sflag:s28] =	ssyncset.done $0x0  }
0x5b: {  	s9 =	simm.s32 $0xFFFFBC00;
	s14 =	simm.s32 $0x1580;
	[sflag:s28] =	ssyncadd.s32 $0xFFFFC000  }
.LBB2_8:
0x5c: {  	[spmem:s2] =	stream.indirect.scatter.add.f32 [tilespmem:s23], [sflag:$0x4], $0x80, s14, s21, $0xb8;
	[tilespmem:$0x1E100] =	vst v63  }
0x5d: {  	s14 =	smov.u32 s9  }
0x5e: {  	p1 =	sne.s32 s9, $0xFFFFFC00;
	s9 =	sadd.s32 $0x400, s9;
	_ =	swait.ge [sflag:s30], $0x4000  }
0x5f: {  	s14 =	sshra.s32 s14, $0x2;
	[sflag:s30] =	ssyncset.done $0x0  }
0x60: {  	s15 =	sadd.s32 $0x1380, s14;
	[sflag:s30] =	ssyncadd.s32 $0xFFFFC000  }
0x61: {  	[tilespmem:s23], [sflag:$0x2] =	stream.indirect.gather [hbm4b:s4+s21], $0x80, s15, s21, $0xb8;
	[tilespmem:$0x1E100] =	vst v63  }
0x62: {  	_ =	swait.ge [sflag:s24], $0x4000  }
0x63: {  	[sflag:s24] =	ssyncset.done $0x0  }
0x64: {  	s15 =	sadd.s32 $0x2700, s14;
	[sflag:s24] =	ssyncadd.s32 $0xFFFFC000  }
0x65: {  	[spmem:s2] =	stream.indirect.scatter.add.f32 [tilespmem:s22], [sflag:$0x3], $0x80, s15, s21, $0xb8;
	[tilespmem:$0x1E100] =	vst v63  }
0x66: {  	_ =	swait.ge [sflag:s25], $0x4000  }
0x67: {  	[sflag:s25] =	ssyncset.done $0x0  }
.Ltmp3:
0x68: {  	s15 =	sadd.s32 $0x1400, s14;
	[sflag:s25] =	ssyncadd.s32 $0xFFFFC000;
	(pc) =	sbr.rel @p1 .LBB2_8-.Ltmp3, $4  }
0x69: {  	[tilespmem:s22], [sflag:$0x1] =	stream.indirect.gather [hbm4b:s4+s21], $0x80, s15, s21, $0xb8;
	[tilespmem:$0x1E100] =	vst v63  }
0x6a: {  	_ =	swait.ge [sflag:s28], $0x4000  }
0x6b: {  	[sflag:s28] =	ssyncset.done $0x0  }
0x6c: {  	s14 =	sadd.s32 $0x2780, s14;
	[sflag:s28] =	ssyncadd.s32 $0xFFFFC000  }
0x6d: {  	[spmem:s2] =	stream.indirect.scatter.add.f32 [tilespmem:s23], [sflag:$0x4], $0x80, s14, s21, $0xb8;
	[tilespmem:$0x1E100] =	vst v63  }
0x6e: {  	_ =	swait.ge [sflag:s30], $0x4000  }
0x6f: {  	[sflag:s30] =	ssyncset.done $0x0  }
0x70: {  	[sflag:s30] =	ssyncadd.s32 $0xFFFFC000  }
0x71: {  	[tilespmem:s23], [sflag:$0x2] =	stream.indirect.gather [hbm4b:s4+s21], $0x80, s31, s21, $0xb8;
	[tilespmem:$0x1E100] =	vst v63  }
0x72: {  	_ =	swait.ge [sflag:s24], $0x4000  }
0x73: {  	[sflag:s24] =	ssyncset.done $0x0  }
0x74: {  	[sflag:s24] =	ssyncadd.s32 $0xFFFFC000  }
0x75: {  	[spmem:s2] =	stream.indirect.scatter.add.f32 [tilespmem:s22], [sflag:$0x3], $0x80, s0, s21, $0xb8;
	[tilespmem:$0x1E100] =	vst v63  }
0x76: {  	_ =	swait.ge [sflag:s25], $0x4000  }
0x77: {  	[sflag:s25] =	ssyncset.done $0x0  }
0x78: {  	[sflag:s25] =	ssyncadd.s32 $0xFFFFC000  }
0x79: {  	_ =	swait.ge [sflag:s28], $0x4000  }
0x7a: {  	[sflag:s28] =	ssyncset.done $0x0  }
0x7b: {  	[sflag:s28] =	ssyncadd.s32 $0xFFFFC000  }
0x7c: {  	[spmem:s2] =	stream.indirect.scatter.add.f32 [tilespmem:s23], [sflag:$0x4], $0x80, s5, s21, $0xb8;
	[tilespmem:$0x1E100] =	vst v63  }
0x7d: {  	_ =	swait.ge [sflag:s30], $0x4000  }
0x7e: {  	[sflag:s30] =	ssyncset.done $0x0  }
0x7f: {  	[sflag:s30] =	ssyncadd.s32 $0xFFFFC000  }
0x80: {  	[tilespmem:s3], [sflag:$0x5] =	stream.linear.gather [hbm4b:s12+s3], $0x1400, $0x38;
	[tilespmem:$0x1E100] =	vst v63  }
0x81: {  	_ =	swait.ge [sflag:s19], $0x1400  }
0x82: {  	[sflag:s19] =	ssyncset.done $0x0  }
0x83: {  	[sflag:s19] =	ssyncadd.s32 $0xFFFFEC00  }
0x84: {  	[tilespmem:s20], [sflag:$0x5] =	stream.linear.gather [hbm4b:s13+s3], $0x1400, $0x38;
	[tilespmem:$0x1E100] =	vst v63  }
0x85: {  	_ =	swait.ge [sflag:s19], $0x1400  }
0x86: {  	[sflag:s19] =	ssyncset.done $0x0  }
0x87: {  	[sflag:s19] =	ssyncadd.s32 $0xFFFFEC00  }
0x88: {  	[tilespmem:s22], [sflag:$0x1] =	stream.indirect.gather [hbm4b:s4+s21], $0x80, s3, s21, $0xb8;
	[tilespmem:$0x1E100] =	vst v63  }
0x89: {  	_ = 	snop  }
0x8a: {  	[tilespmem:s23], [sflag:$0x2] =	stream.indirect.gather [hbm4b:s4+s21], $0x80, s21, s21, $0xb8;
	[tilespmem:$0x1E100] =	vst v63  }
0x8b: {  	_ =	swait.ge [sflag:s24], $0x4000  }
0x8c: {  	[sflag:s24] =	ssyncset.done $0x0  }
0x8d: {  	[sflag:s24] =	ssyncadd.s32 $0xFFFFC000  }
0x8e: {  	[spmem:s2] =	stream.indirect.scatter.add.f32 [tilespmem:s22], [sflag:$0x3], $0x80, s20, s21, $0xb8;
	[tilespmem:$0x1E100] =	vst v63  }
0x8f: {  	_ =	swait.ge [sflag:s25], $0x4000  }
0x90: {  	[sflag:s25] =	ssyncset.done $0x0  }
0x91: {  	[sflag:s25] =	ssyncadd.s32 $0xFFFFC000  }
0x92: {  	[tilespmem:s22], [sflag:$0x1] =	stream.indirect.gather [hbm4b:s4+s21], $0x80, s26, s21, $0xb8;
	[tilespmem:$0x1E100] =	vst v63  }
0x93: {  	_ =	swait.ge [sflag:s28], $0x4000  }
0x94: {  	[sflag:s28] =	ssyncset.done $0x0  }
0x95: {  	[sflag:s28] =	ssyncadd.s32 $0xFFFFC000  }
0x96: {  	[spmem:s2] =	stream.indirect.scatter.add.f32 [tilespmem:s23], [sflag:$0x4], $0x80, s29, s21, $0xb8;
	[tilespmem:$0x1E100] =	vst v63  }
0x97: {  	_ =	swait.ge [sflag:s30], $0x4000  }
0x98: {  	[sflag:s30] =	ssyncset.done $0x0  }
0x99: {  	s9 =	simm.s32 $0x180;
	[sflag:s30] =	ssyncadd.s32 $0xFFFFC000  }
0x9a: {  	[tilespmem:s23], [sflag:$0x2] =	stream.indirect.gather [hbm4b:s4+s21], $0x80, s9, s21, $0xb8;
	[tilespmem:$0x1E100] =	vst v63  }
0x9b: {  	_ =	swait.ge [sflag:s24], $0x4000  }
0x9c: {  	[sflag:s24] =	ssyncset.done $0x0  }
0x9d: {  	s15 =	simm.s32 $0x1500;
	[sflag:s24] =	ssyncadd.s32 $0xFFFFC000  }
0x9e: {  	[spmem:s2] =	stream.indirect.scatter.add.f32 [tilespmem:s22], [sflag:$0x3], $0x80, s15, s21, $0xb8;
	[tilespmem:$0x1E100] =	vst v63  }
0x9f: {  	_ =	swait.ge [sflag:s25], $0x4000  }
0xa0: {  	[sflag:s25] =	ssyncset.done $0x0  }
0xa1: {  	s17 =	simm.s32 $0x200;
	[sflag:s25] =	ssyncadd.s32 $0xFFFFC000  }
0xa2: {  	[tilespmem:s22], [sflag:$0x1] =	stream.indirect.gather [hbm4b:s4+s21], $0x80, s17, s21, $0xb8;
	[tilespmem:$0x1E100] =	vst v63  }
0xa3: {  	_ =	swait.ge [sflag:s28], $0x4000  }
0xa4: {  	[sflag:s28] =	ssyncset.done $0x0  }
0xa5: {  	s14 =	simm.s32 $0x1580;
	s9 =	simm.s32 $0xFFFFBC00;
	[sflag:s28] =	ssyncadd.s32 $0xFFFFC000  }
.LBB2_10:
0xa6: {  	[spmem:s2] =	stream.indirect.scatter.add.f32 [tilespmem:s23], [sflag:$0x4], $0x80, s14, s21, $0xb8;
	[tilespmem:$0x1E100] =	vst v63  }
0xa7: {  	s14 =	smov.u32 s9  }
0xa8: {  	p1 =	sne.s32 s9, $0xFFFFFC00;
	s9 =	sadd.s32 $0x400, s9;
	_ =	swait.ge [sflag:s30], $0x4000  }
0xa9: {  	s14 =	sshra.s32 s14, $0x2;
	[sflag:s30] =	ssyncset.done $0x0  }
0xaa: {  	s15 =	sadd.s32 $0x1380, s14;
	[sflag:s30] =	ssyncadd.s32 $0xFFFFC000  }
0xab: {  	[tilespmem:s23], [sflag:$0x2] =	stream.indirect.gather [hbm4b:s4+s21], $0x80, s15, s21, $0xb8;
	[tilespmem:$0x1E100] =	vst v63  }
0xac: {  	_ =	swait.ge [sflag:s24], $0x4000  }
0xad: {  	[sflag:s24] =	ssyncset.done $0x0  }
0xae: {  	s15 =	sadd.s32 $0x2700, s14;
	[sflag:s24] =	ssyncadd.s32 $0xFFFFC000  }
0xaf: {  	[spmem:s2] =	stream.indirect.scatter.add.f32 [tilespmem:s22], [sflag:$0x3], $0x80, s15, s21, $0xb8;
	[tilespmem:$0x1E100] =	vst v63  }
0xb0: {  	_ =	swait.ge [sflag:s25], $0x4000  }
0xb1: {  	[sflag:s25] =	ssyncset.done $0x0  }
.Ltmp4:
0xb2: {  	s15 =	sadd.s32 $0x1400, s14;
	[sflag:s25] =	ssyncadd.s32 $0xFFFFC000;
	(pc) =	sbr.rel @p1 .LBB2_10-.Ltmp4, $4  }
0xb3: {  	[tilespmem:s22], [sflag:$0x1] =	stream.indirect.gather [hbm4b:s4+s21], $0x80, s15, s21, $0xb8;
	[tilespmem:$0x1E100] =	vst v63  }
0xb4: {  	_ =	swait.ge [sflag:s28], $0x4000  }
0xb5: {  	[sflag:s28] =	ssyncset.done $0x0  }
0xb6: {  	s14 =	sadd.s32 $0x2780, s14;
	[sflag:s28] =	ssyncadd.s32 $0xFFFFC000  }
.Ltmp5:
0xb7: {  	_ = 	snop;
	(pc) =	sbr.rel .LBB2_11-.Ltmp5, $1  }
0xb8: {  	_ =	sdelay $0x3  }
.LBB2_2:
0xb9: {  	s9 =	rddreg [dreg:$0x8]  }
0xba: {  	s14 =	rddreg [dreg:$0x6];
	s17 =	sor.u32 $0x1C05, s9  }
0xbb: {  	[spmem:s18], [sflag:s17] =	dma.local [hbm:s14], $0x2780  }
0xbc: {  	_ =	swait.ge [sflag:s19], $0x2780  }
0xbd: {  	[sflag:s19] =	ssyncset.done $0x0  }
0xbe: {  	[sflag:s19] =	ssyncadd.s32 $0xFFFFD880  }
0xbf: {  	[tilespmem:s3], [sflag:$0x5] =	stream.linear.gather [hbm4b:s10+s3], $0x1400, $0x38;
	[tilespmem:$0x1E100] =	vst v63  }
0xc0: {  	_ =	swait.ge [sflag:s19], $0x1400  }
0xc1: {  	[sflag:s19] =	ssyncset.done $0x0  }
0xc2: {  	[sflag:s19] =	ssyncadd.s32 $0xFFFFEC00  }
0xc3: {  	[tilespmem:s20], [sflag:$0x5] =	stream.linear.gather [hbm4b:s11+s3], $0x1400, $0x38;
	[tilespmem:$0x1E100] =	vst v63  }
0xc4: {  	_ =	swait.ge [sflag:s19], $0x1400  }
0xc5: {  	[sflag:s19] =	ssyncset.done $0x0  }
0xc6: {  	[sflag:s19] =	ssyncadd.s32 $0xFFFFEC00  }
0xc7: {  	[bflag:$0x0] =	sbarrier.arrive $0xFFFF  }
0xc8: {  	[tilespmem:s22], [sflag:$0x1] =	stream.indirect.gather [hbm4b:s1+s21], $0x80, s3, s21, $0xb8;
	[tilespmem:$0x1E100] =	vst v63  }
0xc9: {  	_ = 	snop  }
0xca: {  	[tilespmem:s23], [sflag:$0x2] =	stream.indirect.gather [hbm4b:s1+s21], $0x80, s21, s21, $0xb8;
	[tilespmem:$0x1E100] =	vst v63  }
0xcb: {  	_ =	swait.ge [sflag:s24], $0x4000  }
0xcc: {  	[sflag:s24] =	ssyncset.done $0x0  }
0xcd: {  	[sflag:s24] =	ssyncadd.s32 $0xFFFFC000  }
0xce: {  	[spmem:s2] =	stream.indirect.scatter.add.f32 [tilespmem:s22], [sflag:$0x3], $0x80, s20, s21, $0xb8;
	[tilespmem:$0x1E100] =	vst v63  }
0xcf: {  	_ =	swait.ge [sflag:s25], $0x4000  }
0xd0: {  	[sflag:s25] =	ssyncset.done $0x0  }
0xd1: {  	[sflag:s25] =	ssyncadd.s32 $0xFFFFC000  }
0xd2: {  	[tilespmem:s22], [sflag:$0x1] =	stream.indirect.gather [hbm4b:s1+s21], $0x80, s26, s21, $0xb8;
	[tilespmem:$0x1E100] =	vst v63  }
0xd3: {  	_ =	swait.ge [sflag:s28], $0x4000  }
0xd4: {  	[sflag:s28] =	ssyncset.done $0x0  }
0xd5: {  	[sflag:s28] =	ssyncadd.s32 $0xFFFFC000  }
0xd6: {  	[spmem:s2] =	stream.indirect.scatter.add.f32 [tilespmem:s23], [sflag:$0x4], $0x80, s29, s21, $0xb8;
	[tilespmem:$0x1E100] =	vst v63  }
0xd7: {  	_ =	swait.ge [sflag:s30], $0x4000  }
0xd8: {  	[sflag:s30] =	ssyncset.done $0x0  }
0xd9: {  	s15 =	simm.s32 $0x180;
	[sflag:s30] =	ssyncadd.s32 $0xFFFFC000  }
0xda: {  	[tilespmem:s23], [sflag:$0x2] =	stream.indirect.gather [hbm4b:s1+s21], $0x80, s15, s21, $0xb8;
	[tilespmem:$0x1E100] =	vst v63  }
0xdb: {  	_ =	swait.ge [sflag:s24], $0x4000  }
0xdc: {  	[sflag:s24] =	ssyncset.done $0x0  }
0xdd: {  	s14 =	simm.s32 $0x1500;
	[sflag:s24] =	ssyncadd.s32 $0xFFFFC000  }
0xde: {  	[spmem:s2] =	stream.indirect.scatter.add.f32 [tilespmem:s22], [sflag:$0x3], $0x80, s14, s21, $0xb8;
	[tilespmem:$0x1E100] =	vst v63  }
0xdf: {  	_ =	swait.ge [sflag:s25], $0x4000  }
0xe0: {  	[sflag:s25] =	ssyncset.done $0x0  }
0xe1: {  	s15 =	simm.s32 $0x200;
	[sflag:s25] =	ssyncadd.s32 $0xFFFFC000  }
0xe2: {  	[tilespmem:s22], [sflag:$0x1] =	stream.indirect.gather [hbm4b:s1+s21], $0x80, s15, s21, $0xb8;
	[tilespmem:$0x1E100] =	vst v63  }
0xe3: {  	_ =	swait.ge [sflag:s28], $0x4000  }
0xe4: {  	[sflag:s28] =	ssyncset.done $0x0  }
0xe5: {  	s9 =	simm.s32 $0xFFFFBC00;
	s14 =	simm.s32 $0x1580;
	[sflag:s28] =	ssyncadd.s32 $0xFFFFC000  }
.LBB2_3:
0xe6: {  	[spmem:s2] =	stream.indirect.scatter.add.f32 [tilespmem:s23], [sflag:$0x4], $0x80, s14, s21, $0xb8;
	[tilespmem:$0x1E100] =	vst v63  }
0xe7: {  	s14 =	smov.u32 s9  }
0xe8: {  	p1 =	sne.s32 s9, $0xFFFFFC00;
	s9 =	sadd.s32 $0x400, s9;
	_ =	swait.ge [sflag:s30], $0x4000  }
0xe9: {  	s14 =	sshra.s32 s14, $0x2;
	[sflag:s30] =	ssyncset.done $0x0  }
0xea: {  	s15 =	sadd.s32 $0x1380, s14;
	[sflag:s30] =	ssyncadd.s32 $0xFFFFC000  }
0xeb: {  	[tilespmem:s23], [sflag:$0x2] =	stream.indirect.gather [hbm4b:s1+s21], $0x80, s15, s21, $0xb8;
	[tilespmem:$0x1E100] =	vst v63  }
0xec: {  	_ =	swait.ge [sflag:s24], $0x4000  }
0xed: {  	[sflag:s24] =	ssyncset.done $0x0  }
0xee: {  	s15 =	sadd.s32 $0x2700, s14;
	[sflag:s24] =	ssyncadd.s32 $0xFFFFC000  }
0xef: {  	[spmem:s2] =	stream.indirect.scatter.add.f32 [tilespmem:s22], [sflag:$0x3], $0x80, s15, s21, $0xb8;
	[tilespmem:$0x1E100] =	vst v63  }
0xf0: {  	_ =	swait.ge [sflag:s25], $0x4000  }
0xf1: {  	[sflag:s25] =	ssyncset.done $0x0  }
.Ltmp6:
0xf2: {  	s15 =	sadd.s32 $0x1400, s14;
	[sflag:s25] =	ssyncadd.s32 $0xFFFFC000;
	(pc) =	sbr.rel @p1 .LBB2_3-.Ltmp6, $4  }
0xf3: {  	[tilespmem:s22], [sflag:$0x1] =	stream.indirect.gather [hbm4b:s1+s21], $0x80, s15, s21, $0xb8;
	[tilespmem:$0x1E100] =	vst v63  }
0xf4: {  	_ =	swait.ge [sflag:s28], $0x4000  }
0xf5: {  	[sflag:s28] =	ssyncset.done $0x0  }
0xf6: {  	s14 =	sadd.s32 $0x2780, s14;
	[sflag:s28] =	ssyncadd.s32 $0xFFFFC000  }
0xf7: {  	[spmem:s2] =	stream.indirect.scatter.add.f32 [tilespmem:s23], [sflag:$0x4], $0x80, s14, s21, $0xb8;
	[tilespmem:$0x1E100] =	vst v63  }
0xf8: {  	_ =	swait.ge [sflag:s30], $0x4000  }
0xf9: {  	[sflag:s30] =	ssyncset.done $0x0  }
0xfa: {  	[sflag:s30] =	ssyncadd.s32 $0xFFFFC000  }
0xfb: {  	[tilespmem:s23], [sflag:$0x2] =	stream.indirect.gather [hbm4b:s1+s21], $0x80, s31, s21, $0xb8;
	[tilespmem:$0x1E100] =	vst v63  }
0xfc: {  	_ =	swait.ge [sflag:s24], $0x4000  }
0xfd: {  	[sflag:s24] =	ssyncset.done $0x0  }
0xfe: {  	[sflag:s24] =	ssyncadd.s32 $0xFFFFC000  }
0xff: {  	[spmem:s2] =	stream.indirect.scatter.add.f32 [tilespmem:s22], [sflag:$0x3], $0x80, s0, s21, $0xb8;
	[tilespmem:$0x1E100] =	vst v63  }
0x100: {  	_ =	swait.ge [sflag:s25], $0x4000  }
0x101: {  	[sflag:s25] =	ssyncset.done $0x0  }
0x102: {  	[sflag:s25] =	ssyncadd.s32 $0xFFFFC000  }
0x103: {  	_ =	swait.ge [sflag:s28], $0x4000  }
0x104: {  	[sflag:s28] =	ssyncset.done $0x0  }
0x105: {  	[sflag:s28] =	ssyncadd.s32 $0xFFFFC000  }
0x106: {  	[spmem:s2] =	stream.indirect.scatter.add.f32 [tilespmem:s23], [sflag:$0x4], $0x80, s5, s21, $0xb8;
	[tilespmem:$0x1E100] =	vst v63  }
0x107: {  	_ =	swait.ge [sflag:s30], $0x4000  }
0x108: {  	[sflag:s30] =	ssyncset.done $0x0  }
0x109: {  	[sflag:s30] =	ssyncadd.s32 $0xFFFFC000  }
0x10a: {  	[tilespmem:s3], [sflag:$0x5] =	stream.linear.gather [hbm4b:s12+s3], $0x1400, $0x38;
	[tilespmem:$0x1E100] =	vst v63  }
0x10b: {  	_ =	swait.ge [sflag:s19], $0x1400  }
0x10c: {  	[sflag:s19] =	ssyncset.done $0x0  }
0x10d: {  	[sflag:s19] =	ssyncadd.s32 $0xFFFFEC00  }
0x10e: {  	[tilespmem:s20], [sflag:$0x5] =	stream.linear.gather [hbm4b:s13+s3], $0x1400, $0x38;
	[tilespmem:$0x1E100] =	vst v63  }
0x10f: {  	_ =	swait.ge [sflag:s19], $0x1400  }
0x110: {  	[sflag:s19] =	ssyncset.done $0x0  }
0x111: {  	[sflag:s19] =	ssyncadd.s32 $0xFFFFEC00  }
0x112: {  	[tilespmem:s22], [sflag:$0x1] =	stream.indirect.gather [hbm4b:s1+s21], $0x80, s3, s21, $0xb8;
	[tilespmem:$0x1E100] =	vst v63  }
0x113: {  	_ = 	snop  }
0x114: {  	[tilespmem:s23], [sflag:$0x2] =	stream.indirect.gather [hbm4b:s1+s21], $0x80, s21, s21, $0xb8;
	[tilespmem:$0x1E100] =	vst v63  }
0x115: {  	_ =	swait.ge [sflag:s24], $0x4000  }
0x116: {  	[sflag:s24] =	ssyncset.done $0x0  }
0x117: {  	[sflag:s24] =	ssyncadd.s32 $0xFFFFC000  }
0x118: {  	[spmem:s2] =	stream.indirect.scatter.add.f32 [tilespmem:s22], [sflag:$0x3], $0x80, s20, s21, $0xb8;
	[tilespmem:$0x1E100] =	vst v63  }
0x119: {  	_ =	swait.ge [sflag:s25], $0x4000  }
0x11a: {  	[sflag:s25] =	ssyncset.done $0x0  }
0x11b: {  	[sflag:s25] =	ssyncadd.s32 $0xFFFFC000  }
0x11c: {  	[tilespmem:s22], [sflag:$0x1] =	stream.indirect.gather [hbm4b:s1+s21], $0x80, s26, s21, $0xb8;
	[tilespmem:$0x1E100] =	vst v63  }
0x11d: {  	_ =	swait.ge [sflag:s28], $0x4000  }
0x11e: {  	[sflag:s28] =	ssyncset.done $0x0  }
0x11f: {  	[sflag:s28] =	ssyncadd.s32 $0xFFFFC000  }
0x120: {  	[spmem:s2] =	stream.indirect.scatter.add.f32 [tilespmem:s23], [sflag:$0x4], $0x80, s29, s21, $0xb8;
	[tilespmem:$0x1E100] =	vst v63  }
0x121: {  	_ =	swait.ge [sflag:s30], $0x4000  }
0x122: {  	[sflag:s30] =	ssyncset.done $0x0  }
0x123: {  	s9 =	simm.s32 $0x180;
	[sflag:s30] =	ssyncadd.s32 $0xFFFFC000  }
0x124: {  	[tilespmem:s23], [sflag:$0x2] =	stream.indirect.gather [hbm4b:s1+s21], $0x80, s9, s21, $0xb8;
	[tilespmem:$0x1E100] =	vst v63  }
0x125: {  	_ =	swait.ge [sflag:s24], $0x4000  }
0x126: {  	[sflag:s24] =	ssyncset.done $0x0  }
0x127: {  	s14 =	simm.s32 $0x1500;
	[sflag:s24] =	ssyncadd.s32 $0xFFFFC000  }
0x128: {  	[spmem:s2] =	stream.indirect.scatter.add.f32 [tilespmem:s22], [sflag:$0x3], $0x80, s14, s21, $0xb8;
	[tilespmem:$0x1E100] =	vst v63  }
0x129: {  	_ =	swait.ge [sflag:s25], $0x4000  }
0x12a: {  	[sflag:s25] =	ssyncset.done $0x0  }
0x12b: {  	s15 =	simm.s32 $0x200;
	[sflag:s25] =	ssyncadd.s32 $0xFFFFC000  }
0x12c: {  	[tilespmem:s22], [sflag:$0x1] =	stream.indirect.gather [hbm4b:s1+s21], $0x80, s15, s21, $0xb8;
	[tilespmem:$0x1E100] =	vst v63  }
0x12d: {  	_ =	swait.ge [sflag:s28], $0x4000  }
0x12e: {  	[sflag:s28] =	ssyncset.done $0x0  }
0x12f: {  	s9 =	simm.s32 $0xFFFFBC00;
	s14 =	simm.s32 $0x1580;
	[sflag:s28] =	ssyncadd.s32 $0xFFFFC000  }
.LBB2_5:
0x130: {  	[spmem:s2] =	stream.indirect.scatter.add.f32 [tilespmem:s23], [sflag:$0x4], $0x80, s14, s21, $0xb8;
	[tilespmem:$0x1E100] =	vst v63  }
0x131: {  	s14 =	smov.u32 s9  }
0x132: {  	p1 =	seq.s32 s9, $0xFFFFFC00;
	s9 =	sadd.s32 $0x400, s9;
	_ =	swait.ge [sflag:s30], $0x4000  }
0x133: {  	s14 =	sshra.s32 s14, $0x2;
	[sflag:s30] =	ssyncset.done $0x0  }
0x134: {  	s15 =	sadd.s32 $0x1380, s14;
	[sflag:s30] =	ssyncadd.s32 $0xFFFFC000  }
0x135: {  	[tilespmem:s23], [sflag:$0x2] =	stream.indirect.gather [hbm4b:s1+s21], $0x80, s15, s21, $0xb8;
	[tilespmem:$0x1E100] =	vst v63  }
0x136: {  	_ =	swait.ge [sflag:s24], $0x4000  }
0x137: {  	[sflag:s24] =	ssyncset.done $0x0  }
0x138: {  	s15 =	sadd.s32 $0x2700, s14;
	[sflag:s24] =	ssyncadd.s32 $0xFFFFC000  }
0x139: {  	[spmem:s2] =	stream.indirect.scatter.add.f32 [tilespmem:s22], [sflag:$0x3], $0x80, s15, s21, $0xb8;
	[tilespmem:$0x1E100] =	vst v63  }
0x13a: {  	_ =	swait.ge [sflag:s25], $0x4000  }
0x13b: {  	[sflag:s25] =	ssyncset.done $0x0  }
.Ltmp7:
0x13c: {  	s15 =	sadd.s32 $0x1400, s14;
	[sflag:s25] =	ssyncadd.s32 $0xFFFFC000;
	(pc) =	sbr.rel @!p1 .LBB2_5-.Ltmp7, $4  }
0x13d: {  	[tilespmem:s22], [sflag:$0x1] =	stream.indirect.gather [hbm4b:s1+s21], $0x80, s15, s21, $0xb8;
	[tilespmem:$0x1E100] =	vst v63  }
0x13e: {  	_ =	swait.ge [sflag:s28], $0x4000  }
0x13f: {  	[sflag:s28] =	ssyncset.done $0x0  }
0x140: {  	s14 =	sadd.s32 $0x2780, s14;
	[sflag:s28] =	ssyncadd.s32 $0xFFFFC000  }
0x141: {  	[spmem:s2] =	stream.indirect.scatter.add.f32 [tilespmem:s23], [sflag:$0x4], $0x80, s14, s21, $0xb8;
	[tilespmem:$0x1E100] =	vst v63  }
0x142: {  	_ =	swait.ge [sflag:s30], $0x4000  }
0x143: {  	[sflag:s30] =	ssyncset.done $0x0  }
0x144: {  	[sflag:s30] =	ssyncadd.s32 $0xFFFFC000  }
0x145: {  	[tilespmem:s23], [sflag:$0x2] =	stream.indirect.gather [hbm4b:s1+s21], $0x80, s31, s21, $0xb8;
	[tilespmem:$0x1E100] =	vst v63  }
0x146: {  	_ =	swait.ge [sflag:s24], $0x4000  }
0x147: {  	[sflag:s24] =	ssyncset.done $0x0  }
0x148: {  	[sflag:s24] =	ssyncadd.s32 $0xFFFFC000  }
0x149: {  	[spmem:s2] =	stream.indirect.scatter.add.f32 [tilespmem:s22], [sflag:$0x3], $0x80, s0, s21, $0xb8;
	[tilespmem:$0x1E100] =	vst v63  }
0x14a: {  	_ =	swait.ge [sflag:s25], $0x4000  }
0x14b: {  	[sflag:s25] =	ssyncset.done $0x0  }
.Ltmp8:
0x14c: {  	[sflag:s25] =	ssyncadd.s32 $0xFFFFC000;
	(pc) =	sbr.rel .LBB2_12-.Ltmp8, $4  }
0x14d: {  	_ =	swait.ge [sflag:s28], $0x4000  }
0x14e: {  	[sflag:s28] =	ssyncset.done $0x0  }
0x14f: {  	s9 =	rddreg [dreg:$0x4];
	[sflag:s28] =	ssyncadd.s32 $0xFFFFC000  }
0x150: {  	[spmem:s2] =	stream.indirect.scatter.add.f32 [tilespmem:s23], [sflag:$0x4], $0x80, s5, s21, $0xb8;
	[tilespmem:$0x1E100] =	vst v63  }
.LBB2_13:
0x151: {  	_ =	sfence.sel $0x180000  }
0x152: {  	[bflag:$0x0] =	sbarrier.arrive $0xFFFF  }
0x153: {  	_ =	strace $0x9000004D  }
0x154: {  	s0 =	stileid.u32;
	[bflag:$0x2] =	sbarrier.arrive $0xFFFF  }
0x155: {  	p0 =	sne.s32 s0, $0x0;
	s0 =	rddreg [dreg:$0x3]  }
0x156: {  	s0 =	sadd.s32 @!p0 $0x100000, s0  }
0x157: {  	[sflag:s0] =	ssyncadd.tile.s32 @!p0 $0x1;
	_ =	shalt  }
.Lfunc_end2:
_tile_overlayer_lowered:
.L_overlay_start_2:
0x158: {  	(tag) =	ssettag $0x2  }
0x159: {  	s0 =	rddreg [dreg:$0x0];
	s2 =	stileid.u32  }
0x15a: {  	s1 =	rddreg [dreg:$0x1];
	p0 =	sne.s32 s2, $0x0  }
0x15b: {  	s3 =	rddreg [dreg:$0x2];
	[bflag:$0x3] =	sbarrier.arrive $0xFFFF;
	s2 =	simm.s32 @!p0 $0x1C05  }
0x15c: {  	[timem:s3], [sflag:s2] =	dma.local @!p0 [hbm:s0], s1  }
0x15d: {  	s0 =	simm.s32 @!p0 $0x5  }
0x15e: {  	_ =	swait.ge @!p0 [sflag:s0], s1  }
0x15f: {  	s1 =	ssub.s32 @!p0 $0x0, s1;
	[sflag:s0] =	ssyncset.done @!p0 $0x0  }
0x160: {  	[sflag:s0] =	ssyncadd.s32 @!p0 s1  }
0x161: {  	[bflag:$0x3] =	sbarrier.arrive $0xFFFF  }
0x162: {  	_ =	shalt  }

// kernel: kernel.9.cloned.1.call-start
scs
__scs_entry_jumppad:
0x0: {  	(pc) =	sbr.rel $0x88, $3  }
0x1: {  	(tag) =	ssettag $0x0;
	lr =	simm.s32 $0x1  }
0x2: {  	[smem:$0x3F97] =	sst lr;
	_ =	strace $0xD0000000  }
0x3: {  	_ = 	snop  }
0x4: {  	_ = 	snop  }
0x5: {  	_ = 	snop  }
0x6: {  	_ = 	snop  }
0x7: {  	_ = 	snop  }
__scs_overlays_trampoline_lowered:
0x8: {  	[smem:$0x3FA6] =	sst s0  }
0x9: {  	[smem:$0x3FA7] =	sst s1  }
0xa: {  	[smem:$0x3FA8] =	sst s2  }
0xb: {  	[smem:$0x3FA9] =	sst s3  }
0xc: {  	[smem:$0x3FAA] =	sst s4  }
0xd: {  	[smem:$0x3FAB] =	sst s5  }
0xe: {  	[smem:$0x3FAC] =	sst s6  }
0xf: {  	[smem:$0x3FAD] =	sst s7  }
0x10: {  	[smem:$0x3FAE] =	sst s8  }
0x11: {  	[smem:$0x3FAF] =	sst s9;
	s0 =	simm.s32 @!p0 $0x0  }
0x12: {  	s1 =	sld [smem:$0x3F95];
	s0 =	simm.s32 @p0 $0x1  }
0x13: {  	[smem:$0x3FB0] =	sst s0;
	s0 =	simm.s32 @!p1 $0x0  }
0x14: {  	s2 =	sld [smem:$0x3F94];
	s0 =	simm.s32 @p1 $0x1  }
0x15: {  	[smem:$0x3FB1] =	sst s0;
	s0 =	simm.s32 @!p2 $0x0  }
0x16: {  	s3 =	sld [smem:$0x3FDB];
	s0 =	simm.s32 @p2 $0x1  }
0x17: {  	s4 =	simm.s32 $0x1BF5;
	[smem:$0x3FB3] =	sst s0  }
0x18: {  	s0 =	sld [smem:$0x3F96];
	_ =	swait.ge [sflag:s4], $0x0  }
0x19: {  	s7 =	sld [smem:$0x3F97]  }
0x1a: {  	s8 =	sadd.s32 $0xFFFFE003, lr  }
0x1b: {  	s9 =	sadd.s32 $0xFFFFFEF7, lr;
	s5 =	simm.s32 $0xFFFFFFFF;
	p2 =	slt.u32 s8, $0xFFFFF086  }
0x1c: {  	p1 =	slt.u32 s9, $0xF7A;
	s5 =	simm.s32 @!p2 $0x0  }
0x1d: {  	s5 =	simm.s32 @p1 $0x1;
	p0 =	seq.s32 s7, s2  }
0x1e: {  	s7 =	smul.u32 @!p0 $0xF7A, s2;
	p2 =	seq.s32 @!p0 s5, $0x0  }
0x1f: {  	s9 =	smul.u32 $0xF7A, s1;
	s8 =	simm.s32 @!p0 $0x1BF5;
	p2 =	por !p2, p0  }
0x20: {  	[sflag:s8] =	ssyncset.s32 @!p0 $0xFFFFF086;
	s6 =	sadd.s32 @!p0 s3, s7;
	s7 =	simm.s32 @!p0 $0x108  }
0x21: {  	s3 =	sadd.s32 s3, s9;
	s6 =	sadd.s32 @!p0 $0x88, s6;
	s7 =	simm.s32 @p2 $0x1082  }
0x22: {  	[simem:s7], [sflag:s8] =	dma.local @!p0 [hbm:s6], $0xF7A  }
0x23: {  	s9 =	sor.u32 $0xD0000000, s2;
	s6 =	simm.s32 $0x108;
	_ =	swait.ge @!p0 [sflag:s8], $0x0  }
0x24: {  	s3 =	sadd.s32 $0x88, s3;
	s6 =	simm.s32 @!p1 $0x1082;
	[sflag:s4] =	ssyncset.s32 $0xFFFFF086  }
0x25: {  	[simem:s6], [sflag:s4] =	dma.local [hbm:s3], $0xF7A  }
0x26: {  	[smem:$0x3F97] =	sst s1;
	(tag) =	ssettag s2;
	_ =	strace s9  }
0x27: {  	s1 =	sld [smem:$0x3FA7]  }
0x28: {  	s2 =	sld [smem:$0x3FA8]  }
0x29: {  	s4 =	sld [smem:$0x3FAA]  }
0x2a: {  	p0 =	seq.s32 s5, $0x0;
	s5 =	sld [smem:$0x3FAB]  }
0x2b: {  	s6 =	sld [smem:$0x3FAC]  }
0x2c: {  	s7 =	sld [smem:$0x3FAD]  }
0x2d: {  	s3 =	simm.s32 $0x108;
	s8 =	sld [smem:$0x3FAE]  }
0x2e: {  	s3 =	simm.s32 @!p0 $0x1082;
	s9 =	sld [smem:$0x3FAF]  }
0x2f: {  	lr =	sadd.s32 s0, s3;
	s0 =	sld [smem:$0x3FA6]  }
0x30: {  	s3 =	sld [smem:$0x3FA9]  }
0x31: {  	[smem:$0x3FB2] =	sst s10  }
0x32: {  	s10 =	sld [smem:$0x3FB0];
	_ =	sdelay $0x3  }
0x33: {  	p0 =	seq.s32 s10, $0x1;
	s10 =	sld [smem:$0x3FB2];
	_ =	sdelay $0x3  }
0x34: {  	[smem:$0x3FB2] =	sst s10  }
0x35: {  	s10 =	sld [smem:$0x3FB1];
	_ =	sdelay $0x3  }
0x36: {  	p1 =	seq.s32 s10, $0x1;
	s10 =	sld [smem:$0x3FB2];
	_ =	sdelay $0x3  }
0x37: {  	[smem:$0x3FB2] =	sst s10  }
0x38: {  	s10 =	sld [smem:$0x3FB3]  }
0x39: {  	_ = 	snop;
	(pc) =	sbr.ind lr, $3  }
0x3a: {  	_ = 	snop  }
0x3b: {  	_ = 	snop  }
0x3c: {  	p2 =	seq.s32 s10, $0x1;
	s10 =	sld [smem:$0x3FB2]  }
0x3d: {  	_ =	shalt  }
0x3e: {  	_ =	shalt  }
0x3f: {  	_ =	shalt  }
0x40: {  	_ =	shalt  }
0x41: {  	_ =	shalt  }
0x42: {  	_ =	shalt  }
0x43: {  	_ =	shalt  }
0x44: {  	_ =	shalt  }
0x45: {  	_ =	shalt  }
0x46: {  	_ =	shalt  }
0x47: {  	_ =	shalt  }
0x48: {  	_ =	shalt  }
0x49: {  	_ =	shalt  }
0x4a: {  	_ =	shalt  }
0x4b: {  	_ =	shalt  }
0x4c: {  	_ =	shalt  }
0x4d: {  	_ =	shalt  }
0x4e: {  	_ =	shalt  }
0x4f: {  	_ =	shalt  }
0x50: {  	_ =	shalt  }
0x51: {  	_ =	shalt  }
0x52: {  	_ =	shalt  }
0x53: {  	_ =	shalt  }
0x54: {  	_ =	shalt  }
0x55: {  	_ =	shalt  }
0x56: {  	_ =	shalt  }
0x57: {  	_ =	shalt  }
0x58: {  	_ =	shalt  }
0x59: {  	_ =	shalt  }
0x5a: {  	_ =	shalt  }
0x5b: {  	_ =	shalt  }
0x5c: {  	_ =	shalt  }
0x5d: {  	_ =	shalt  }
0x5e: {  	_ =	shalt  }
0x5f: {  	_ =	shalt  }
0x60: {  	_ =	shalt  }
0x61: {  	_ =	shalt  }
0x62: {  	_ =	shalt  }
0x63: {  	_ =	shalt  }
0x64: {  	_ =	shalt  }
0x65: {  	_ =	shalt  }
0x66: {  	_ =	shalt  }
0x67: {  	_ =	shalt  }
0x68: {  	_ =	shalt  }
0x69: {  	_ =	shalt  }
0x6a: {  	_ =	shalt  }
0x6b: {  	_ =	shalt  }
0x6c: {  	_ =	shalt  }
0x6d: {  	_ =	shalt  }
0x6e: {  	_ =	shalt  }
0x6f: {  	_ =	shalt  }
0x70: {  	_ =	shalt  }
0x71: {  	_ =	shalt  }
0x72: {  	_ =	shalt  }
0x73: {  	_ =	shalt  }
0x74: {  	_ =	shalt  }
0x75: {  	_ =	shalt  }
0x76: {  	_ =	shalt  }
0x77: {  	_ =	shalt  }
0x78: {  	_ =	shalt  }
0x79: {  	_ =	shalt  }
0x7a: {  	_ =	shalt  }
0x7b: {  	_ =	shalt  }
0x7c: {  	_ =	shalt  }
0x7d: {  	_ =	shalt  }
0x7e: {  	_ =	shalt  }
0x7f: {  	_ =	shalt  }
0x80: {  	_ =	shalt  }
0x81: {  	_ =	shalt  }
0x82: {  	_ =	shalt  }
0x83: {  	_ =	shalt  }
0x84: {  	_ =	shalt  }
0x85: {  	_ =	shalt  }
0x86: {  	_ =	shalt  }
0x87: {  	_ =	shalt  }
.Lfunc_end0:
.L_simem_size_0:
called_computation_lowered:
.L_overlay_start_0:
0x88: {  	s2 =	sld [smem:$0x3FD9]  }
0x89: {  	s3 =	sld [smem:$0x3FFE];
	_ =	sdelay $0x1  }
0x8a: {  	s1 =	srdreg.scid  }
0x8b: {  	s0 =	sand.u32 $0x1, s1  }
0x8c: {  	s17 =	sshll.u32 s0, $0xA;
	s2 =	sadd.s32 s3, s2  }
0x8d: {  	s2 =	sadd.s32 s2, s17  }
0x8e: {  	[smem:$0x3FBE] =	sst s2  }
0x8f: {  	_ = 	snop  }
0x90: {  	s2 =	sld [smem:$0x3FD0];
	(tm) =	ssettm $0x1  }
0x91: {  	s18 =	sld [smem:$0x3FFB];
	_ =	sdelay $0x3  }
0x92: {  	_ =	strace s18  }
0x93: {  	s3 =	sld [smem:$0x3FFC];
	_ =	sdelay $0x3  }
0x94: {  	_ =	strace s3  }
0x95: {  	s3 =	sld [smem:$0x3FFD];
	_ =	sdelay $0x3  }
0x96: {  	_ =	strace s3  }
0x97: {  	_ =	strace $0x8FFFFFFF  }
0x98: {  	s19 =	sld [smem:$0x3FDB];
	_ =	sdelay $0x1  }
0x99: {  	s4 =	simm.s32 $_scs_section_size  }
0x9a: {  	s5 =	simm.s32 $_size__tile_overlayer_lowered;
	s6 =	simm.s32 $_tile_overlayer_lowered  }
0x9b: {  	s22 =	simm.s32 $0x1BFF;
	s21 =	sshll.u32 s6, $0x1;
	s3 =	sadd.s32 s4, s19  }
0x9c: {  	s7 =	simm.s32 $0x0;
	s20 =	sshll.u32 s5, $0x1;
	s5 =	sadd.s32 s21, s3  }
0x9d: {  	[timem:s7], [sflag:s22] =	dma.local [hbm:s5], s20  }
0x9e: {  	_ =	swait.ge [sflag:s22], s20  }
0x9f: {  	s4 =	ssub.s32 $0x0, s20;
	[sflag:s22] =	ssyncset.done $0x0  }
0xa0: {  	[sflag:s22] =	ssyncadd.s32 s4;
	_ =	sdelay $0x1  }
0xa1: {  	s23 =	simm.s32 $0x1B8B  }
0xa2: {  	_ =	swait.ge [sflag:s23], $0x1  }
0xa3: {  	[sflag:s23] =	ssyncset.done $0x0  }
0xa4: {  	s25 =	simm.s32 $0x1B8E;
	s24 =	sld [smem:$0x3FFE];
	[sflag:s23] =	ssyncadd.s32 $0xFFFFFFFF  }
0xa5: {  	s26 =	simm.s32 $execute0_lowered;
	[smem:$0x3FD2] =	sst s25  }
0xa6: {  	s5 =	sshll.u32 s26, $0x1;
	_ =	strace $0x80000046;
	[dreg:$0x1] =	wrdreg $0xFFFFFFFF  }
0xa7: {  	s28 =	simm.s32 $_size_execute0_lowered;
	s3 =	sadd.s32 s3, s5;
	[dreg:$0x0] =	wrdreg $0x0  }
0xa8: {  	s5 =	sshll.u32 s28, $0x1;
	[dreg:$0x2] =	wrdreg s3  }
0xa9: {  	[dreg:$0x3] =	wrdreg s5  }
0xaa: {  	[dreg:$0x4] =	wrdreg $0xC0  }
0xab: {  	_ =	task [dreg:s7], $0x5FFFF  }
0xac: {  	[dreg:$0x1] =	wrdreg $0xFFFFFFFF  }
0xad: {  	[dreg:$0x0] =	wrdreg $0x60  }
0xae: {  	[dreg:$0x2] =	wrdreg s24  }
0xaf: {  	[dreg:$0x3] =	wrdreg s2  }
0xb0: {  	[dreg:$0x4] =	wrdreg $0x54000  }
0xb1: {  	[dreg:$0x5] =	wrdreg $0x9  }
0xb2: {  	_ =	task.clear_ibuf [dreg:s7], $0x6FFFF;
	_ =	strace $0x90000046  }
0xb3: {  	s29 =	simm.s32 $0x9;
	_ =	strace $0x80000048  }
0xb4: {  	_ =	swait.ge [sflag:s29], $0x1  }
0xb5: {  	[sflag:s29] =	ssyncadd.s32 $0xFFFFFFFF  }
0xb6: {  	_ =	strace $0x90000048  }
0xb7: {  	_ =	sfence  }
0xb8: {  	s30 =	sld [smem:$0x0];
	_ =	sdelay $0x2  }
0xb9: {  	s31 =	sshll.u32 s1, $0xD;
	s1 =	sshrl.u32 s1, $0x2  }
0xba: {  	s3 =	sand.u32 $0x4000, s31;
	s1 =	sadd.s32 s1, s30  }
0xbb: {  	s0 =	sor.u32 s3, s0;
	s1 =	sshll.u32 s1, $0x11  }
0xbc: {  	s0 =	sor.u32 s1, s0  }
0xbd: {  	s0 =	sadd.s32 $0x8F2B, s0  }
0xbe: {  	[sflag:s0] =	ssyncadd.remote.s32 $0x1  }
0xbf: {  	_ =	sfence.sel $0xFFFF  }
0xc0: {  	[dreg:$0x0] =	wrdreg $0xFFFFFFFF;
	(pc) =	sbr.abs _section_cstart, $3  }
0xc1: {  	[dreg:$0x1] =	wrdreg $0xFFFFFFFF  }
0xc2: {  	_ =	task.clear_ibuf [dreg:s7], $0x2FFFF;
	_ =	strace $0x9FFFFFFF  }
0xc3: {  	(tm) =	ssettm $0x7FFFFFFF  }
tec
execute0_lowered:
.L_overlay_start_1:
0x0: {  	(tag) =	ssettag $0x1  }
0x1: {  	s5 =	rddreg [dreg:$0x0]  }
0x2: {  	s2 =	rddreg [dreg:$0x1]  }
0x3: {  	s3 =	rddreg [dreg:$0x2];
	s4 =	simm.s32 $0x0  }
0x4: {  	s26 =	simm.s32 $0x100;
	[smem:$0x7FF] =	sst s4  }
0x5: {  	s10 =	simm.s32 $0x300;
	_ =	strace $0x80000047;
	[dreg:$0x6] =	wrdreg s26  }
0x6: {  	s11 =	simm.s32 $0x380;
	[dreg:$0xa] =	wrdreg s10  }
0x7: {  	s12 =	simm.s32 $0x400;
	[dreg:$0xb] =	wrdreg s11  }
0x8: {  	s13 =	simm.s32 $0x480;
	[dreg:$0xc] =	wrdreg s12  }
0x9: {  	s1 =	srdreg.scid;
	s14 =	simm.s32 $0x500;
	[dreg:$0xd] =	wrdreg s13  }
0xa: {  	s0 =	stileid.u32;
	s15 =	simm.s32 $0x580;
	[dreg:$0xe] =	wrdreg s14  }
0xb: {  	s8 =	simm.s32 $0x35C00;
	s16 =	simm.s32 $0x600;
	[dreg:$0xf] =	wrdreg s15  }
0xc: {  	s17 =	simm.s32 $0x680;
	s18 =	simm.s32 $0x700;
	[dreg:$0x10] =	wrdreg s16  }
0xd: {  	s19 =	simm.s32 $0x780;
	s21 =	simm.s32 $0x800;
	[dreg:$0x11] =	wrdreg s17  }
0xe: {  	s1 =	sand.u32 $0x1, s1;
	s6 =	smul.u32 $0x2800, s0;
	[dreg:$0x12] =	wrdreg s18  }
0xf: {  	s22 =	simm.s32 $0x880;
	s7 =	smul.u32 $0x1400, s1;
	[dreg:$0x13] =	wrdreg s19  }
0x10: {  	s24 =	simm.s32 $0x900;
	s25 =	simm.s32 $0x980;
	[dreg:$0x14] =	wrdreg s21  }
0x11: {  	[dreg:$0x15] =	wrdreg s22;
	s6 =	sadd.s32 s7, s6;
	s7 =	smul.u32 $0x278, s0  }
0x12: {  	p0 =	seq.s32 s0, $0xF;
	[dreg:$0x16] =	wrdreg s24;
	s6 =	sshrl.u32 s6, $0x3  }
0x13: {  	s7 =	simm.s32 @p0 $0x2498;
	p0 =	seq.s32 s1, $0x1;
	s6 =	sadd.s32 s6, s5  }
0x14: {  	[dreg:$0x17] =	wrdreg s25;
	s8 =	simm.s32 @!p0 $0xEA00;
	s6 =	sadd.s32 $0x4A00, s6  }
0x15: {  	s9 =	sshll.u32 s7, $0x4;
	[dreg:$0x4] =	wrdreg s6;
	s6 =	simm.s32 $0x180  }
0x16: {  	s5 =	sadd.s32 s8, s5;
	s8 =	simm.s32 $0x200;
	[dreg:$0x7] =	wrdreg s6  }
0x17: {  	s5 =	sadd.s32 s5, s9;
	[dreg:$0x8] =	wrdreg s8  }
0x18: {  	s20 =	sshll.u32 s7, $0x7;
	s9 =	simm.s32 $0x280;
	[dreg:$0x5] =	wrdreg s5  }
0x19: {  	s23 =	sshll.u32 s0, $0x6;
	s6 =	sadd.s32 s20, s3;
	[dreg:$0x9] =	wrdreg s9  }
0x1a: {  	s5 =	sor.u32 $0x1C02, s23;
	s7 =	sshrl.u32 s6, $0x3;
	s6 =	simm.s32 $0x2  }
0x1b: {  	[spmem:s7], [sflag:s5] =	dma.local [hbm:s2], $0x2780  }
0x1c: {  	_ =	swait.ge [sflag:s6], $0x2780  }
0x1d: {  	[sflag:s6] =	ssyncset.done $0x0  }
0x1e: {  	s8 =	simm.s32 $0x1400;
	[sflag:s6] =	ssyncadd.s32 $0xFFFFD880  }
0x1f: {  	[tilespmem:s8], [sflag:$0x2] =	stream.linear.gather [hbm4b:s2+s4], $0x4000, $0x38;
	[tilespmem:$0x18D00] =	vst v63  }
0x20: {  	_ =	swait.ge [sflag:s6], $0x4000  }
0x21: {  	[sflag:s6] =	ssyncset.done $0x0  }
0x22: {  	s26 =	rddreg [dreg:$0x4];
	[sflag:s6] =	ssyncadd.s32 $0xFFFFC000  }
0x23: {  	[tilespmem:s4], [sflag:$0x2] =	stream.linear.gather [hbm4b:s26+s4], $0x1400, $0x38;
	[tilespmem:$0x18D00] =	vst v63  }
0x24: {  	_ =	swait.ge [sflag:s6], $0x1400  }
0x25: {  	[sflag:s6] =	ssyncset.done $0x0  }
0x26: {  	[sflag:s6] =	ssyncadd.s32 $0xFFFFEC00  }
0x27: {  	s9 =	simm.s32 $0x80;
	[bflag:$0x0] =	sbarrier.arrive $0xFFFF  }
0x28: {  	[spmem:s3] =	stream.indirect.scatter.add.f32 [tilespmem:s8], [sflag:$0x1], $0x80, s4, s9, $0xb8;
	[tilespmem:$0x18D00] =	vst v63  }
0x29: {  	_ = 	snop  }
0x2a: {  	[spmem:s3] =	stream.indirect.scatter.add.f32 [tilespmem:s8], [sflag:$0x1], $0x80, s9, s9, $0xb8;
	[tilespmem:$0x18D00] =	vst v63  }
0x2b: {  	s10 =	rddreg [dreg:$0x6]  }
0x2c: {  	[spmem:s3] =	stream.indirect.scatter.add.f32 [tilespmem:s8], [sflag:$0x1], $0x80, s10, s9, $0xb8;
	[tilespmem:$0x18D00] =	vst v63  }
0x2d: {  	s11 =	rddreg [dreg:$0x7]  }
0x2e: {  	[spmem:s3] =	stream.indirect.scatter.add.f32 [tilespmem:s8], [sflag:$0x1], $0x80, s11, s9, $0xb8;
	[tilespmem:$0x18D00] =	vst v63  }
0x2f: {  	s0 =	rddreg [dreg:$0x8]  }
0x30: {  	[spmem:s3] =	stream.indirect.scatter.add.f32 [tilespmem:s8], [sflag:$0x1], $0x80, s0, s9, $0xb8;
	[tilespmem:$0x18D00] =	vst v63  }
0x31: {  	s12 =	rddreg [dreg:$0x9]  }
0x32: {  	[spmem:s3] =	stream.indirect.scatter.add.f32 [tilespmem:s8], [sflag:$0x1], $0x80, s12, s9, $0xb8;
	[tilespmem:$0x18D00] =	vst v63  }
0x33: {  	s13 =	rddreg [dreg:$0xa]  }
0x34: {  	[spmem:s3] =	stream.indirect.scatter.add.f32 [tilespmem:s8], [sflag:$0x1], $0x80, s13, s9, $0xb8;
	[tilespmem:$0x18D00] =	vst v63  }
0x35: {  	s14 =	rddreg [dreg:$0xb];
	s10 =	simm.s32 $0x1  }
0x36: {  	[spmem:s3] =	stream.indirect.scatter.add.f32 [tilespmem:s8], [sflag:$0x1], $0x80, s14, s9, $0xb8;
	[tilespmem:$0x18D00] =	vst v63  }
0x37: {  	_ =	swait.ge [sflag:s10], $0x4000  }
0x38: {  	[sflag:s10] =	ssyncset.done $0x0  }
0x39: {  	[sflag:s10] =	ssyncadd.s32 $0xFFFFC000  }
0x3a: {  	_ =	swait.ge [sflag:s10], $0x4000  }
0x3b: {  	[sflag:s10] =	ssyncset.done $0x0  }
0x3c: {  	[sflag:s10] =	ssyncadd.s32 $0xFFFFC000  }
0x3d: {  	_ =	swait.ge [sflag:s10], $0x4000  }
0x3e: {  	[sflag:s10] =	ssyncset.done $0x0  }
0x3f: {  	[sflag:s10] =	ssyncadd.s32 $0xFFFFC000  }
0x40: {  	_ =	swait.ge [sflag:s10], $0x4000  }
0x41: {  	[sflag:s10] =	ssyncset.done $0x0  }
0x42: {  	[sflag:s10] =	ssyncadd.s32 $0xFFFFC000  }
0x43: {  	_ =	swait.ge [sflag:s10], $0x4000  }
0x44: {  	[sflag:s10] =	ssyncset.done $0x0  }
0x45: {  	[sflag:s10] =	ssyncadd.s32 $0xFFFFC000  }
0x46: {  	_ =	swait.ge [sflag:s10], $0x4000  }
0x47: {  	[sflag:s10] =	ssyncset.done $0x0  }
0x48: {  	[sflag:s10] =	ssyncadd.s32 $0xFFFFC000  }
0x49: {  	_ =	swait.ge [sflag:s10], $0x4000  }
0x4a: {  	[sflag:s10] =	ssyncset.done $0x0  }
0x4b: {  	[sflag:s10] =	ssyncadd.s32 $0xFFFFC000  }
0x4c: {  	_ =	swait.ge [sflag:s10], $0x4000  }
0x4d: {  	[sflag:s10] =	ssyncset.done $0x0  }
0x4e: {  	s15 =	rddreg [dreg:$0xc];
	[sflag:s10] =	ssyncadd.s32 $0xFFFFC000  }
0x4f: {  	[spmem:s3] =	stream.indirect.scatter.add.f32 [tilespmem:s8], [sflag:$0x1], $0x80, s15, s9, $0xb8;
	[tilespmem:$0x18D00] =	vst v63  }
0x50: {  	s12 =	rddreg [dreg:$0xd]  }
0x51: {  	[spmem:s3] =	stream.indirect.scatter.add.f32 [tilespmem:s8], [sflag:$0x1], $0x80, s12, s9, $0xb8;
	[tilespmem:$0x18D00] =	vst v63  }
0x52: {  	s16 =	rddreg [dreg:$0xe]  }
0x53: {  	[spmem:s3] =	stream.indirect.scatter.add.f32 [tilespmem:s8], [sflag:$0x1], $0x80, s16, s9, $0xb8;
	[tilespmem:$0x18D00] =	vst v63  }
0x54: {  	s17 =	rddreg [dreg:$0xf]  }
0x55: {  	[spmem:s3] =	stream.indirect.scatter.add.f32 [tilespmem:s8], [sflag:$0x1], $0x80, s17, s9, $0xb8;
	[tilespmem:$0x18D00] =	vst v63  }
0x56: {  	s18 =	rddreg [dreg:$0x10]  }
0x57: {  	[spmem:s3] =	stream.indirect.scatter.add.f32 [tilespmem:s8], [sflag:$0x1], $0x80, s18, s9, $0xb8;
	[tilespmem:$0x18D00] =	vst v63  }
0x58: {  	s19 =	rddreg [dreg:$0x11]  }
0x59: {  	[spmem:s3] =	stream.indirect.scatter.add.f32 [tilespmem:s8], [sflag:$0x1], $0x80, s19, s9, $0xb8;
	[tilespmem:$0x18D00] =	vst v63  }
0x5a: {  	s20 =	rddreg [dreg:$0x12]  }
0x5b: {  	[spmem:s3] =	stream.indirect.scatter.add.f32 [tilespmem:s8], [sflag:$0x1], $0x80, s20, s9, $0xb8;
	[tilespmem:$0x18D00] =	vst v63  }
0x5c: {  	s21 =	rddreg [dreg:$0x13]  }
0x5d: {  	[spmem:s3] =	stream.indirect.scatter.add.f32 [tilespmem:s8], [sflag:$0x1], $0x80, s21, s9, $0xb8;
	[tilespmem:$0x18D00] =	vst v63  }
0x5e: {  	_ =	swait.ge [sflag:s10], $0x4000  }
0x5f: {  	[sflag:s10] =	ssyncset.done $0x0  }
0x60: {  	[sflag:s10] =	ssyncadd.s32 $0xFFFFC000  }
0x61: {  	_ =	swait.ge [sflag:s10], $0x4000  }
0x62: {  	[sflag:s10] =	ssyncset.done $0x0  }
0x63: {  	[sflag:s10] =	ssyncadd.s32 $0xFFFFC000  }
0x64: {  	_ =	swait.ge [sflag:s10], $0x4000  }
0x65: {  	[sflag:s10] =	ssyncset.done $0x0  }
0x66: {  	[sflag:s10] =	ssyncadd.s32 $0xFFFFC000  }
0x67: {  	_ =	swait.ge [sflag:s10], $0x4000  }
0x68: {  	[sflag:s10] =	ssyncset.done $0x0  }
0x69: {  	[sflag:s10] =	ssyncadd.s32 $0xFFFFC000  }
0x6a: {  	_ =	swait.ge [sflag:s10], $0x4000  }
0x6b: {  	[sflag:s10] =	ssyncset.done $0x0  }
0x6c: {  	[sflag:s10] =	ssyncadd.s32 $0xFFFFC000  }
0x6d: {  	_ =	swait.ge [sflag:s10], $0x4000  }
0x6e: {  	[sflag:s10] =	ssyncset.done $0x0  }
0x6f: {  	[sflag:s10] =	ssyncadd.s32 $0xFFFFC000  }
0x70: {  	_ =	swait.ge [sflag:s10], $0x4000  }
0x71: {  	[sflag:s10] =	ssyncset.done $0x0  }
0x72: {  	[sflag:s10] =	ssyncadd.s32 $0xFFFFC000  }
0x73: {  	_ =	swait.ge [sflag:s10], $0x4000  }
0x74: {  	[sflag:s10] =	ssyncset.done $0x0  }
0x75: {  	s22 =	rddreg [dreg:$0x14];
	[sflag:s10] =	ssyncadd.s32 $0xFFFFC000  }
0x76: {  	[spmem:s3] =	stream.indirect.scatter.add.f32 [tilespmem:s8], [sflag:$0x1], $0x80, s22, s9, $0xb8;
	[tilespmem:$0x18D00] =	vst v63  }
0x77: {  	s23 =	rddreg [dreg:$0x15]  }
0x78: {  	[spmem:s3] =	stream.indirect.scatter.add.f32 [tilespmem:s8], [sflag:$0x1], $0x80, s23, s9, $0xb8;
	[tilespmem:$0x18D00] =	vst v63  }
0x79: {  	s24 =	rddreg [dreg:$0x16]  }
0x7a: {  	[spmem:s3] =	stream.indirect.scatter.add.f32 [tilespmem:s8], [sflag:$0x1], $0x80, s24, s9, $0xb8;
	[tilespmem:$0x18D00] =	vst v63  }
0x7b: {  	s25 =	rddreg [dreg:$0x17]  }
0x7c: {  	[spmem:s3] =	stream.indirect.scatter.add.f32 [tilespmem:s8], [sflag:$0x1], $0x80, s25, s9, $0xb8;
	[tilespmem:$0x18D00] =	vst v63  }
0x7d: {  	s26 =	simm.s32 $0xA00  }
0x7e: {  	[spmem:s3] =	stream.indirect.scatter.add.f32 [tilespmem:s8], [sflag:$0x1], $0x80, s26, s9, $0xb8;
	[tilespmem:$0x18D00] =	vst v63  }
0x7f: {  	s12 =	simm.s32 $0xA80  }
0x80: {  	[spmem:s3] =	stream.indirect.scatter.add.f32 [tilespmem:s8], [sflag:$0x1], $0x80, s12, s9, $0xb8;
	[tilespmem:$0x18D00] =	vst v63  }
0x81: {  	s13 =	simm.s32 $0xB00  }
0x82: {  	[spmem:s3] =	stream.indirect.scatter.add.f32 [tilespmem:s8], [sflag:$0x1], $0x80, s13, s9, $0xb8;
	[tilespmem:$0x18D00] =	vst v63  }
0x83: {  	s14 =	simm.s32 $0xB80  }
0x84: {  	[spmem:s3] =	stream.indirect.scatter.add.f32 [tilespmem:s8], [sflag:$0x1], $0x80, s14, s9, $0xb8;
	[tilespmem:$0x18D00] =	vst v63  }
0x85: {  	_ =	swait.ge [sflag:s10], $0x4000  }
0x86: {  	[sflag:s10] =	ssyncset.done $0x0  }
0x87: {  	[sflag:s10] =	ssyncadd.s32 $0xFFFFC000  }
0x88: {  	_ =	swait.ge [sflag:s10], $0x4000  }
0x89: {  	[sflag:s10] =	ssyncset.done $0x0  }
0x8a: {  	[sflag:s10] =	ssyncadd.s32 $0xFFFFC000  }
0x8b: {  	_ =	swait.ge [sflag:s10], $0x4000  }
0x8c: {  	[sflag:s10] =	ssyncset.done $0x0  }
0x8d: {  	[sflag:s10] =	ssyncadd.s32 $0xFFFFC000  }
0x8e: {  	_ =	swait.ge [sflag:s10], $0x4000  }
0x8f: {  	[sflag:s10] =	ssyncset.done $0x0  }
0x90: {  	[sflag:s10] =	ssyncadd.s32 $0xFFFFC000  }
0x91: {  	_ =	swait.ge [sflag:s10], $0x4000  }
0x92: {  	[sflag:s10] =	ssyncset.done $0x0  }
0x93: {  	[sflag:s10] =	ssyncadd.s32 $0xFFFFC000  }
0x94: {  	_ =	swait.ge [sflag:s10], $0x4000  }
0x95: {  	[sflag:s10] =	ssyncset.done $0x0  }
0x96: {  	[sflag:s10] =	ssyncadd.s32 $0xFFFFC000  }
0x97: {  	_ =	swait.ge [sflag:s10], $0x4000  }
0x98: {  	[sflag:s10] =	ssyncset.done $0x0  }
0x99: {  	[sflag:s10] =	ssyncadd.s32 $0xFFFFC000  }
0x9a: {  	_ =	swait.ge [sflag:s10], $0x4000  }
0x9b: {  	[sflag:s10] =	ssyncset.done $0x0  }
0x9c: {  	s15 =	simm.s32 $0xC00;
	[sflag:s10] =	ssyncadd.s32 $0xFFFFC000  }
0x9d: {  	[spmem:s3] =	stream.indirect.scatter.add.f32 [tilespmem:s8], [sflag:$0x1], $0x80, s15, s9, $0xb8;
	[tilespmem:$0x18D00] =	vst v63  }
0x9e: {  	s16 =	simm.s32 $0xC80  }
0x9f: {  	[spmem:s3] =	stream.indirect.scatter.add.f32 [tilespmem:s8], [sflag:$0x1], $0x80, s16, s9, $0xb8;
	[tilespmem:$0x18D00] =	vst v63  }
0xa0: {  	s17 =	simm.s32 $0xD00  }
0xa1: {  	[spmem:s3] =	stream.indirect.scatter.add.f32 [tilespmem:s8], [sflag:$0x1], $0x80, s17, s9, $0xb8;
	[tilespmem:$0x18D00] =	vst v63  }
0xa2: {  	s18 =	simm.s32 $0xD80  }
0xa3: {  	[spmem:s3] =	stream.indirect.scatter.add.f32 [tilespmem:s8], [sflag:$0x1], $0x80, s18, s9, $0xb8;
	[tilespmem:$0x18D00] =	vst v63  }
0xa4: {  	s19 =	simm.s32 $0xE00  }
0xa5: {  	[spmem:s3] =	stream.indirect.scatter.add.f32 [tilespmem:s8], [sflag:$0x1], $0x80, s19, s9, $0xb8;
	[tilespmem:$0x18D00] =	vst v63  }
0xa6: {  	s20 =	simm.s32 $0xE80  }
0xa7: {  	[spmem:s3] =	stream.indirect.scatter.add.f32 [tilespmem:s8], [sflag:$0x1], $0x80, s20, s9, $0xb8;
	[tilespmem:$0x18D00] =	vst v63  }
0xa8: {  	s21 =	simm.s32 $0xF00  }
0xa9: {  	[spmem:s3] =	stream.indirect.scatter.add.f32 [tilespmem:s8], [sflag:$0x1], $0x80, s21, s9, $0xb8;
	[tilespmem:$0x18D00] =	vst v63  }
0xaa: {  	s22 =	simm.s32 $0xF80  }
0xab: {  	[spmem:s3] =	stream.indirect.scatter.add.f32 [tilespmem:s8], [sflag:$0x1], $0x80, s22, s9, $0xb8;
	[tilespmem:$0x18D00] =	vst v63  }
0xac: {  	_ =	swait.ge [sflag:s10], $0x4000  }
0xad: {  	[sflag:s10] =	ssyncset.done $0x0  }
0xae: {  	[sflag:s10] =	ssyncadd.s32 $0xFFFFC000  }
0xaf: {  	_ =	swait.ge [sflag:s10], $0x4000  }
0xb0: {  	[sflag:s10] =	ssyncset.done $0x0  }
0xb1: {  	[sflag:s10] =	ssyncadd.s32 $0xFFFFC000  }
0xb2: {  	_ =	swait.ge [sflag:s10], $0x4000  }
0xb3: {  	[sflag:s10] =	ssyncset.done $0x0  }
0xb4: {  	[sflag:s10] =	ssyncadd.s32 $0xFFFFC000  }
0xb5: {  	_ =	swait.ge [sflag:s10], $0x4000  }
0xb6: {  	[sflag:s10] =	ssyncset.done $0x0  }
0xb7: {  	[sflag:s10] =	ssyncadd.s32 $0xFFFFC000  }
0xb8: {  	_ =	swait.ge [sflag:s10], $0x4000  }
0xb9: {  	[sflag:s10] =	ssyncset.done $0x0  }
0xba: {  	[sflag:s10] =	ssyncadd.s32 $0xFFFFC000  }
0xbb: {  	_ =	swait.ge [sflag:s10], $0x4000  }
0xbc: {  	[sflag:s10] =	ssyncset.done $0x0  }
0xbd: {  	[sflag:s10] =	ssyncadd.s32 $0xFFFFC000  }
0xbe: {  	_ =	swait.ge [sflag:s10], $0x4000  }
0xbf: {  	[sflag:s10] =	ssyncset.done $0x0  }
0xc0: {  	[sflag:s10] =	ssyncadd.s32 $0xFFFFC000  }
0xc1: {  	_ =	swait.ge [sflag:s10], $0x4000  }
0xc2: {  	[sflag:s10] =	ssyncset.done $0x0  }
0xc3: {  	s23 =	simm.s32 $0x1000;
	[sflag:s10] =	ssyncadd.s32 $0xFFFFC000  }
0xc4: {  	[spmem:s3] =	stream.indirect.scatter.add.f32 [tilespmem:s8], [sflag:$0x1], $0x80, s23, s9, $0xb8;
	[tilespmem:$0x18D00] =	vst v63  }
0xc5: {  	s24 =	simm.s32 $0x1080  }
0xc6: {  	[spmem:s3] =	stream.indirect.scatter.add.f32 [tilespmem:s8], [sflag:$0x1], $0x80, s24, s9, $0xb8;
	[tilespmem:$0x18D00] =	vst v63  }
0xc7: {  	s25 =	simm.s32 $0x1100  }
0xc8: {  	[spmem:s3] =	stream.indirect.scatter.add.f32 [tilespmem:s8], [sflag:$0x1], $0x80, s25, s9, $0xb8;
	[tilespmem:$0x18D00] =	vst v63  }
0xc9: {  	s26 =	simm.s32 $0x1180  }
0xca: {  	[spmem:s3] =	stream.indirect.scatter.add.f32 [tilespmem:s8], [sflag:$0x1], $0x80, s26, s9, $0xb8;
	[tilespmem:$0x18D00] =	vst v63  }
0xcb: {  	s28 =	simm.s32 $0x1200  }
0xcc: {  	[spmem:s3] =	stream.indirect.scatter.add.f32 [tilespmem:s8], [sflag:$0x1], $0x80, s28, s9, $0xb8;
	[tilespmem:$0x18D00] =	vst v63  }
0xcd: {  	s29 =	simm.s32 $0x1280  }
0xce: {  	[spmem:s3] =	stream.indirect.scatter.add.f32 [tilespmem:s8], [sflag:$0x1], $0x80, s29, s9, $0xb8;
	[tilespmem:$0x18D00] =	vst v63  }
0xcf: {  	s30 =	simm.s32 $0x1300  }
0xd0: {  	[spmem:s3] =	stream.indirect.scatter.add.f32 [tilespmem:s8], [sflag:$0x1], $0x80, s30, s9, $0xb8;
	[tilespmem:$0x18D00] =	vst v63  }
0xd1: {  	s31 =	simm.s32 $0x1380  }
0xd2: {  	[spmem:s3] =	stream.indirect.scatter.add.f32 [tilespmem:s8], [sflag:$0x1], $0x80, s31, s9, $0xb8;
	[tilespmem:$0x18D00] =	vst v63  }
0xd3: {  	_ =	swait.ge [sflag:s10], $0x4000  }
0xd4: {  	[sflag:s10] =	ssyncset.done $0x0  }
0xd5: {  	[sflag:s10] =	ssyncadd.s32 $0xFFFFC000  }
0xd6: {  	_ =	swait.ge [sflag:s10], $0x4000  }
0xd7: {  	[sflag:s10] =	ssyncset.done $0x0  }
0xd8: {  	[sflag:s10] =	ssyncadd.s32 $0xFFFFC000  }
0xd9: {  	_ =	swait.ge [sflag:s10], $0x4000  }
0xda: {  	[sflag:s10] =	ssyncset.done $0x0  }
0xdb: {  	[sflag:s10] =	ssyncadd.s32 $0xFFFFC000  }
0xdc: {  	_ =	swait.ge [sflag:s10], $0x4000  }
0xdd: {  	[sflag:s10] =	ssyncset.done $0x0  }
0xde: {  	[sflag:s10] =	ssyncadd.s32 $0xFFFFC000  }
0xdf: {  	_ =	swait.ge [sflag:s10], $0x4000  }
0xe0: {  	[sflag:s10] =	ssyncset.done $0x0  }
0xe1: {  	[sflag:s10] =	ssyncadd.s32 $0xFFFFC000  }
0xe2: {  	_ =	swait.ge [sflag:s10], $0x4000  }
0xe3: {  	[sflag:s10] =	ssyncset.done $0x0  }
0xe4: {  	[sflag:s10] =	ssyncadd.s32 $0xFFFFC000  }
0xe5: {  	_ =	swait.ge [sflag:s10], $0x4000  }
0xe6: {  	s1 =	ssub.s32 $0x2, s1;
	[sflag:s10] =	ssyncset.done $0x0  }
0xe7: {  	s0 =	sshrl.u32 s1, $0x1;
	[sflag:s10] =	ssyncadd.s32 $0xFFFFC000  }
0xe8: {  	s0 =	ssub.s32 s1, s0;
	_ =	swait.ge [sflag:s10], $0x4000  }
0xe9: {  	s0 =	smax.u32 s0, $0x1;
	[sflag:s10] =	ssyncset.done $0x0  }
0xea: {  	p0 =	sne.s32 s0, $0x1;
	[sflag:s10] =	ssyncadd.s32 $0xFFFFC000  }
.Ltmp0:
0xeb: {  	[bflag:$0x0] =	sbarrier.arrive $0xFFFF;
	(pc) =	sbr.rel @!p0 .LBB2_2-.Ltmp0, $4  }
0xec: {  	s11 =	rddreg [dreg:$0x5]  }
0xed: {  	[hbm:s11], [sflag:s5] =	dma.local [spmem:s7], $0x2780  }
0xee: {  	_ =	swait.ge [sflag:s6], $0x2780  }
0xef: {  	s1 =	sadd.s32 $0xFFFFFFFF, s0;
	[sflag:s6] =	ssyncset.done $0x0  }
.LBB2_1:
0xf0: {  	[sflag:s6] =	ssyncadd.s32 $0xFFFFD880  }
0xf1: {  	[spmem:s7], [sflag:s5] =	dma.local [hbm:s2], $0x2780  }
0xf2: {  	_ =	swait.ge [sflag:s6], $0x2780  }
0xf3: {  	[sflag:s6] =	ssyncset.done $0x0  }
0xf4: {  	[sflag:s6] =	ssyncadd.s32 $0xFFFFD880  }
0xf5: {  	[tilespmem:s8], [sflag:$0x2] =	stream.linear.gather [hbm4b:s2+s4], $0x4000, $0x38;
	[tilespmem:$0x18D00] =	vst v63  }
0xf6: {  	_ =	swait.ge [sflag:s6], $0x4000  }
0xf7: {  	[sflag:s6] =	ssyncset.done $0x0  }
0xf8: {  	s0 =	rddreg [dreg:$0x4];
	[sflag:s6] =	ssyncadd.s32 $0xFFFFC000  }
0xf9: {  	[tilespmem:s4], [sflag:$0x2] =	stream.linear.gather [hbm4b:s0+s4], $0x1400, $0x38;
	[tilespmem:$0x18D00] =	vst v63  }
0xfa: {  	_ =	swait.ge [sflag:s6], $0x1400  }
0xfb: {  	[sflag:s6] =	ssyncset.done $0x0  }
0xfc: {  	[sflag:s6] =	ssyncadd.s32 $0xFFFFEC00  }
0xfd: {  	[bflag:$0x0] =	sbarrier.arrive $0xFFFF  }
0xfe: {  	[spmem:s3] =	stream.indirect.scatter.add.f32 [tilespmem:s8], [sflag:$0x1], $0x80, s4, s9, $0xb8;
	[tilespmem:$0x18D00] =	vst v63  }
0xff: {  	_ = 	snop  }
0x100: {  	[spmem:s3] =	stream.indirect.scatter.add.f32 [tilespmem:s8], [sflag:$0x1], $0x80, s9, s9, $0xb8;
	[tilespmem:$0x18D00] =	vst v63  }
0x101: {  	s0 =	rddreg [dreg:$0x6]  }
0x102: {  	[spmem:s3] =	stream.indirect.scatter.add.f32 [tilespmem:s8], [sflag:$0x1], $0x80, s0, s9, $0xb8;
	[tilespmem:$0x18D00] =	vst v63  }
0x103: {  	s11 =	rddreg [dreg:$0x7]  }
0x104: {  	[spmem:s3] =	stream.indirect.scatter.add.f32 [tilespmem:s8], [sflag:$0x1], $0x80, s11, s9, $0xb8;
	[tilespmem:$0x18D00] =	vst v63  }
0x105: {  	s0 =	rddreg [dreg:$0x8]  }
0x106: {  	[spmem:s3] =	stream.indirect.scatter.add.f32 [tilespmem:s8], [sflag:$0x1], $0x80, s0, s9, $0xb8;
	[tilespmem:$0x18D00] =	vst v63  }
0x107: {  	s11 =	rddreg [dreg:$0x9]  }
0x108: {  	[spmem:s3] =	stream.indirect.scatter.add.f32 [tilespmem:s8], [sflag:$0x1], $0x80, s11, s9, $0xb8;
	[tilespmem:$0x18D00] =	vst v63  }
0x109: {  	s0 =	rddreg [dreg:$0xa]  }
0x10a: {  	[spmem:s3] =	stream.indirect.scatter.add.f32 [tilespmem:s8], [sflag:$0x1], $0x80, s0, s9, $0xb8;
	[tilespmem:$0x18D00] =	vst v63  }
0x10b: {  	s11 =	rddreg [dreg:$0xb]  }
0x10c: {  	[spmem:s3] =	stream.indirect.scatter.add.f32 [tilespmem:s8], [sflag:$0x1], $0x80, s11, s9, $0xb8;
	[tilespmem:$0x18D00] =	vst v63  }
0x10d: {  	_ =	swait.ge [sflag:s10], $0x4000  }
0x10e: {  	[sflag:s10] =	ssyncset.done $0x0  }
0x10f: {  	[sflag:s10] =	ssyncadd.s32 $0xFFFFC000  }
0x110: {  	_ =	swait.ge [sflag:s10], $0x4000  }
0x111: {  	[sflag:s10] =	ssyncset.done $0x0  }
0x112: {  	[sflag:s10] =	ssyncadd.s32 $0xFFFFC000  }
0x113: {  	_ =	swait.ge [sflag:s10], $0x4000  }
0x114: {  	[sflag:s10] =	ssyncset.done $0x0  }
0x115: {  	[sflag:s10] =	ssyncadd.s32 $0xFFFFC000  }
0x116: {  	_ =	swait.ge [sflag:s10], $0x4000  }
0x117: {  	[sflag:s10] =	ssyncset.done $0x0  }
0x118: {  	[sflag:s10] =	ssyncadd.s32 $0xFFFFC000  }
0x119: {  	_ =	swait.ge [sflag:s10], $0x4000  }
0x11a: {  	[sflag:s10] =	ssyncset.done $0x0  }
0x11b: {  	[sflag:s10] =	ssyncadd.s32 $0xFFFFC000  }
0x11c: {  	_ =	swait.ge [sflag:s10], $0x4000  }
0x11d: {  	[sflag:s10] =	ssyncset.done $0x0  }
0x11e: {  	[sflag:s10] =	ssyncadd.s32 $0xFFFFC000  }
0x11f: {  	_ =	swait.ge [sflag:s10], $0x4000  }
0x120: {  	[sflag:s10] =	ssyncset.done $0x0  }
0x121: {  	[sflag:s10] =	ssyncadd.s32 $0xFFFFC000  }
0x122: {  	_ =	swait.ge [sflag:s10], $0x4000  }
0x123: {  	[sflag:s10] =	ssyncset.done $0x0  }
0x124: {  	s0 =	rddreg [dreg:$0xc];
	[sflag:s10] =	ssyncadd.s32 $0xFFFFC000  }
0x125: {  	[spmem:s3] =	stream.indirect.scatter.add.f32 [tilespmem:s8], [sflag:$0x1], $0x80, s0, s9, $0xb8;
	[tilespmem:$0x18D00] =	vst v63  }
0x126: {  	s11 =	rddreg [dreg:$0xd]  }
0x127: {  	[spmem:s3] =	stream.indirect.scatter.add.f32 [tilespmem:s8], [sflag:$0x1], $0x80, s11, s9, $0xb8;
	[tilespmem:$0x18D00] =	vst v63  }
0x128: {  	s0 =	rddreg [dreg:$0xe]  }
0x129: {  	[spmem:s3] =	stream.indirect.scatter.add.f32 [tilespmem:s8], [sflag:$0x1], $0x80, s0, s9, $0xb8;
	[tilespmem:$0x18D00] =	vst v63  }
0x12a: {  	s11 =	rddreg [dreg:$0xf]  }
0x12b: {  	[spmem:s3] =	stream.indirect.scatter.add.f32 [tilespmem:s8], [sflag:$0x1], $0x80, s11, s9, $0xb8;
	[tilespmem:$0x18D00] =	vst v63  }
0x12c: {  	s0 =	rddreg [dreg:$0x10]  }
0x12d: {  	[spmem:s3] =	stream.indirect.scatter.add.f32 [tilespmem:s8], [sflag:$0x1], $0x80, s0, s9, $0xb8;
	[tilespmem:$0x18D00] =	vst v63  }
0x12e: {  	s11 =	rddreg [dreg:$0x11]  }
0x12f: {  	[spmem:s3] =	stream.indirect.scatter.add.f32 [tilespmem:s8], [sflag:$0x1], $0x80, s11, s9, $0xb8;
	[tilespmem:$0x18D00] =	vst v63  }
0x130: {  	s0 =	rddreg [dreg:$0x12]  }
0x131: {  	[spmem:s3] =	stream.indirect.scatter.add.f32 [tilespmem:s8], [sflag:$0x1], $0x80, s0, s9, $0xb8;
	[tilespmem:$0x18D00] =	vst v63  }
0x132: {  	s11 =	rddreg [dreg:$0x13]  }
0x133: {  	[spmem:s3] =	stream.indirect.scatter.add.f32 [tilespmem:s8], [sflag:$0x1], $0x80, s11, s9, $0xb8;
	[tilespmem:$0x18D00] =	vst v63  }
0x134: {  	_ =	swait.ge [sflag:s10], $0x4000  }
0x135: {  	[sflag:s10] =	ssyncset.done $0x0  }
0x136: {  	[sflag:s10] =	ssyncadd.s32 $0xFFFFC000  }
0x137: {  	_ =	swait.ge [sflag:s10], $0x4000  }
0x138: {  	[sflag:s10] =	ssyncset.done $0x0  }
0x139: {  	[sflag:s10] =	ssyncadd.s32 $0xFFFFC000  }
0x13a: {  	_ =	swait.ge [sflag:s10], $0x4000  }
0x13b: {  	[sflag:s10] =	ssyncset.done $0x0  }
0x13c: {  	[sflag:s10] =	ssyncadd.s32 $0xFFFFC000  }
0x13d: {  	_ =	swait.ge [sflag:s10], $0x4000  }
0x13e: {  	[sflag:s10] =	ssyncset.done $0x0  }
0x13f: {  	[sflag:s10] =	ssyncadd.s32 $0xFFFFC000  }
0x140: {  	_ =	swait.ge [sflag:s10], $0x4000  }
0x141: {  	[sflag:s10] =	ssyncset.done $0x0  }
0x142: {  	[sflag:s10] =	ssyncadd.s32 $0xFFFFC000  }
0x143: {  	_ =	swait.ge [sflag:s10], $0x4000  }
0x144: {  	[sflag:s10] =	ssyncset.done $0x0  }
0x145: {  	[sflag:s10] =	ssyncadd.s32 $0xFFFFC000  }
0x146: {  	_ =	swait.ge [sflag:s10], $0x4000  }
0x147: {  	[sflag:s10] =	ssyncset.done $0x0  }
0x148: {  	[sflag:s10] =	ssyncadd.s32 $0xFFFFC000  }
0x149: {  	_ =	swait.ge [sflag:s10], $0x4000  }
0x14a: {  	[sflag:s10] =	ssyncset.done $0x0  }
0x14b: {  	s0 =	rddreg [dreg:$0x14];
	[sflag:s10] =	ssyncadd.s32 $0xFFFFC000  }
0x14c: {  	[spmem:s3] =	stream.indirect.scatter.add.f32 [tilespmem:s8], [sflag:$0x1], $0x80, s0, s9, $0xb8;
	[tilespmem:$0x18D00] =	vst v63  }
0x14d: {  	s11 =	rddreg [dreg:$0x15]  }
0x14e: {  	[spmem:s3] =	stream.indirect.scatter.add.f32 [tilespmem:s8], [sflag:$0x1], $0x80, s11, s9, $0xb8;
	[tilespmem:$0x18D00] =	vst v63  }
0x14f: {  	s0 =	rddreg [dreg:$0x16]  }
0x150: {  	[spmem:s3] =	stream.indirect.scatter.add.f32 [tilespmem:s8], [sflag:$0x1], $0x80, s0, s9, $0xb8;
	[tilespmem:$0x18D00] =	vst v63  }
0x151: {  	s11 =	rddreg [dreg:$0x17]  }
0x152: {  	[spmem:s3] =	stream.indirect.scatter.add.f32 [tilespmem:s8], [sflag:$0x1], $0x80, s11, s9, $0xb8;
	[tilespmem:$0x18D00] =	vst v63  }
0x153: {  	s11 =	simm.s32 $0xA00  }
0x154: {  	[spmem:s3] =	stream.indirect.scatter.add.f32 [tilespmem:s8], [sflag:$0x1], $0x80, s11, s9, $0xb8;
	[tilespmem:$0x18D00] =	vst v63  }
0x155: {  	_ = 	snop  }
0x156: {  	[spmem:s3] =	stream.indirect.scatter.add.f32 [tilespmem:s8], [sflag:$0x1], $0x80, s12, s9, $0xb8;
	[tilespmem:$0x18D00] =	vst v63  }
0x157: {  	_ = 	snop  }
0x158: {  	[spmem:s3] =	stream.indirect.scatter.add.f32 [tilespmem:s8], [sflag:$0x1], $0x80, s13, s9, $0xb8;
	[tilespmem:$0x18D00] =	vst v63  }
0x159: {  	_ = 	snop  }
0x15a: {  	[spmem:s3] =	stream.indirect.scatter.add.f32 [tilespmem:s8], [sflag:$0x1], $0x80, s14, s9, $0xb8;
	[tilespmem:$0x18D00] =	vst v63  }
0x15b: {  	_ =	swait.ge [sflag:s10], $0x4000  }
0x15c: {  	[sflag:s10] =	ssyncset.done $0x0  }
0x15d: {  	[sflag:s10] =	ssyncadd.s32 $0xFFFFC000  }
0x15e: {  	_ =	swait.ge [sflag:s10], $0x4000  }
0x15f: {  	[sflag:s10] =	ssyncset.done $0x0  }
0x160: {  	[sflag:s10] =	ssyncadd.s32 $0xFFFFC000  }
0x161: {  	_ =	swait.ge [sflag:s10], $0x4000  }
0x162: {  	[sflag:s10] =	ssyncset.done $0x0  }
0x163: {  	[sflag:s10] =	ssyncadd.s32 $0xFFFFC000  }
0x164: {  	_ =	swait.ge [sflag:s10], $0x4000  }
0x165: {  	[sflag:s10] =	ssyncset.done $0x0  }
0x166: {  	[sflag:s10] =	ssyncadd.s32 $0xFFFFC000  }
0x167: {  	_ =	swait.ge [sflag:s10], $0x4000  }
0x168: {  	[sflag:s10] =	ssyncset.done $0x0  }
0x169: {  	[sflag:s10] =	ssyncadd.s32 $0xFFFFC000  }
0x16a: {  	_ =	swait.ge [sflag:s10], $0x4000  }
0x16b: {  	[sflag:s10] =	ssyncset.done $0x0  }
0x16c: {  	[sflag:s10] =	ssyncadd.s32 $0xFFFFC000  }
0x16d: {  	_ =	swait.ge [sflag:s10], $0x4000  }
0x16e: {  	[sflag:s10] =	ssyncset.done $0x0  }
0x16f: {  	[sflag:s10] =	ssyncadd.s32 $0xFFFFC000  }
0x170: {  	_ =	swait.ge [sflag:s10], $0x4000  }
0x171: {  	[sflag:s10] =	ssyncset.done $0x0  }
0x172: {  	[sflag:s10] =	ssyncadd.s32 $0xFFFFC000  }
0x173: {  	[spmem:s3] =	stream.indirect.scatter.add.f32 [tilespmem:s8], [sflag:$0x1], $0x80, s15, s9, $0xb8;
	[tilespmem:$0x18D00] =	vst v63  }
0x174: {  	_ = 	snop  }
0x175: {  	[spmem:s3] =	stream.indirect.scatter.add.f32 [tilespmem:s8], [sflag:$0x1], $0x80, s16, s9, $0xb8;
	[tilespmem:$0x18D00] =	vst v63  }
0x176: {  	_ = 	snop  }
0x177: {  	[spmem:s3] =	stream.indirect.scatter.add.f32 [tilespmem:s8], [sflag:$0x1], $0x80, s17, s9, $0xb8;
	[tilespmem:$0x18D00] =	vst v63  }
0x178: {  	_ = 	snop  }
0x179: {  	[spmem:s3] =	stream.indirect.scatter.add.f32 [tilespmem:s8], [sflag:$0x1], $0x80, s18, s9, $0xb8;
	[tilespmem:$0x18D00] =	vst v63  }
0x17a: {  	_ = 	snop  }
0x17b: {  	[spmem:s3] =	stream.indirect.scatter.add.f32 [tilespmem:s8], [sflag:$0x1], $0x80, s19, s9, $0xb8;
	[tilespmem:$0x18D00] =	vst v63  }
0x17c: {  	_ = 	snop  }
0x17d: {  	[spmem:s3] =	stream.indirect.scatter.add.f32 [tilespmem:s8], [sflag:$0x1], $0x80, s20, s9, $0xb8;
	[tilespmem:$0x18D00] =	vst v63  }
0x17e: {  	_ = 	snop  }
0x17f: {  	[spmem:s3] =	stream.indirect.scatter.add.f32 [tilespmem:s8], [sflag:$0x1], $0x80, s21, s9, $0xb8;
	[tilespmem:$0x18D00] =	vst v63  }
0x180: {  	_ = 	snop  }
0x181: {  	[spmem:s3] =	stream.indirect.scatter.add.f32 [tilespmem:s8], [sflag:$0x1], $0x80, s22, s9, $0xb8;
	[tilespmem:$0x18D00] =	vst v63  }
0x182: {  	_ =	swait.ge [sflag:s10], $0x4000  }
0x183: {  	[sflag:s10] =	ssyncset.done $0x0  }
0x184: {  	[sflag:s10] =	ssyncadd.s32 $0xFFFFC000  }
0x185: {  	_ =	swait.ge [sflag:s10], $0x4000  }
0x186: {  	[sflag:s10] =	ssyncset.done $0x0  }
0x187: {  	[sflag:s10] =	ssyncadd.s32 $0xFFFFC000  }
0x188: {  	_ =	swait.ge [sflag:s10], $0x4000  }
0x189: {  	[sflag:s10] =	ssyncset.done $0x0  }
0x18a: {  	[sflag:s10] =	ssyncadd.s32 $0xFFFFC000  }
0x18b: {  	_ =	swait.ge [sflag:s10], $0x4000  }
0x18c: {  	[sflag:s10] =	ssyncset.done $0x0  }
0x18d: {  	[sflag:s10] =	ssyncadd.s32 $0xFFFFC000  }
0x18e: {  	_ =	swait.ge [sflag:s10], $0x4000  }
0x18f: {  	[sflag:s10] =	ssyncset.done $0x0  }
0x190: {  	[sflag:s10] =	ssyncadd.s32 $0xFFFFC000  }
0x191: {  	_ =	swait.ge [sflag:s10], $0x4000  }
0x192: {  	[sflag:s10] =	ssyncset.done $0x0  }
0x193: {  	[sflag:s10] =	ssyncadd.s32 $0xFFFFC000  }
0x194: {  	_ =	swait.ge [sflag:s10], $0x4000  }
0x195: {  	[sflag:s10] =	ssyncset.done $0x0  }
0x196: {  	[sflag:s10] =	ssyncadd.s32 $0xFFFFC000  }
0x197: {  	_ =	swait.ge [sflag:s10], $0x4000  }
0x198: {  	[sflag:s10] =	ssyncset.done $0x0  }
0x199: {  	[sflag:s10] =	ssyncadd.s32 $0xFFFFC000  }
0x19a: {  	[spmem:s3] =	stream.indirect.scatter.add.f32 [tilespmem:s8], [sflag:$0x1], $0x80, s23, s9, $0xb8;
	[tilespmem:$0x18D00] =	vst v63  }
0x19b: {  	_ = 	snop  }
0x19c: {  	[spmem:s3] =	stream.indirect.scatter.add.f32 [tilespmem:s8], [sflag:$0x1], $0x80, s24, s9, $0xb8;
	[tilespmem:$0x18D00] =	vst v63  }
0x19d: {  	_ = 	snop  }
0x19e: {  	[spmem:s3] =	stream.indirect.scatter.add.f32 [tilespmem:s8], [sflag:$0x1], $0x80, s25, s9, $0xb8;
	[tilespmem:$0x18D00] =	vst v63  }
0x19f: {  	_ = 	snop  }
0x1a0: {  	[spmem:s3] =	stream.indirect.scatter.add.f32 [tilespmem:s8], [sflag:$0x1], $0x80, s26, s9, $0xb8;
	[tilespmem:$0x18D00] =	vst v63  }
0x1a1: {  	_ = 	snop  }
0x1a2: {  	[spmem:s3] =	stream.indirect.scatter.add.f32 [tilespmem:s8], [sflag:$0x1], $0x80, s28, s9, $0xb8;
	[tilespmem:$0x18D00] =	vst v63  }
0x1a3: {  	_ = 	snop  }
0x1a4: {  	[spmem:s3] =	stream.indirect.scatter.add.f32 [tilespmem:s8], [sflag:$0x1], $0x80, s29, s9, $0xb8;
	[tilespmem:$0x18D00] =	vst v63  }
0x1a5: {  	_ = 	snop  }
0x1a6: {  	[spmem:s3] =	stream.indirect.scatter.add.f32 [tilespmem:s8], [sflag:$0x1], $0x80, s30, s9, $0xb8;
	[tilespmem:$0x18D00] =	vst v63  }
0x1a7: {  	_ = 	snop  }
0x1a8: {  	[spmem:s3] =	stream.indirect.scatter.add.f32 [tilespmem:s8], [sflag:$0x1], $0x80, s31, s9, $0xb8;
	[tilespmem:$0x18D00] =	vst v63  }
0x1a9: {  	_ =	swait.ge [sflag:s10], $0x4000  }
0x1aa: {  	[sflag:s10] =	ssyncset.done $0x0  }
0x1ab: {  	[sflag:s10] =	ssyncadd.s32 $0xFFFFC000  }
0x1ac: {  	_ =	swait.ge [sflag:s10], $0x4000  }
0x1ad: {  	[sflag:s10] =	ssyncset.done $0x0  }
0x1ae: {  	[sflag:s10] =	ssyncadd.s32 $0xFFFFC000  }
0x1af: {  	_ =	swait.ge [sflag:s10], $0x4000  }
0x1b0: {  	[sflag:s10] =	ssyncset.done $0x0  }
0x1b1: {  	[sflag:s10] =	ssyncadd.s32 $0xFFFFC000  }
0x1b2: {  	_ =	swait.ge [sflag:s10], $0x4000  }
0x1b3: {  	[sflag:s10] =	ssyncset.done $0x0  }
0x1b4: {  	[sflag:s10] =	ssyncadd.s32 $0xFFFFC000  }
0x1b5: {  	_ =	swait.ge [sflag:s10], $0x4000  }
0x1b6: {  	[sflag:s10] =	ssyncset.done $0x0  }
0x1b7: {  	[sflag:s10] =	ssyncadd.s32 $0xFFFFC000  }
0x1b8: {  	_ =	swait.ge [sflag:s10], $0x4000  }
0x1b9: {  	[sflag:s10] =	ssyncset.done $0x0  }
0x1ba: {  	[sflag:s10] =	ssyncadd.s32 $0xFFFFC000  }
0x1bb: {  	_ =	swait.ge [sflag:s10], $0x4000  }
0x1bc: {  	[sflag:s10] =	ssyncset.done $0x0  }
0x1bd: {  	[sflag:s10] =	ssyncadd.s32 $0xFFFFC000  }
0x1be: {  	_ =	swait.ge [sflag:s10], $0x4000  }
0x1bf: {  	[sflag:s10] =	ssyncset.done $0x0  }
0x1c0: {  	p0 =	sne.s32 s1, $0x1;
	[sflag:s10] =	ssyncadd.s32 $0xFFFFC000  }
.Ltmp1:
0x1c1: {  	[bflag:$0x0] =	sbarrier.arrive $0xFFFF;
	(pc) =	sbr.rel @p0 .LBB2_1-.Ltmp1, $4  }
0x1c2: {  	s11 =	rddreg [dreg:$0x5]  }
0x1c3: {  	[hbm:s11], [sflag:s5] =	dma.local [spmem:s7], $0x2780  }
0x1c4: {  	_ =	swait.ge [sflag:s6], $0x2780  }
0x1c5: {  	s1 =	sadd.s32 $0xFFFFFFFF, s1;
	[sflag:s6] =	ssyncset.done $0x0  }
.LBB2_2:
0x1c6: {  	[sflag:s6] =	ssyncadd.s32 $0xFFFFD880  }
0x1c7: {  	_ =	sfence.sel $0x180000  }
0x1c8: {  	[bflag:$0x0] =	sbarrier.arrive $0xFFFF  }
0x1c9: {  	_ =	strace $0x90000047  }
0x1ca: {  	s0 =	stileid.u32;
	[bflag:$0x2] =	sbarrier.arrive $0xFFFF  }
0x1cb: {  	p0 =	sne.s32 s0, $0x0;
	s0 =	rddreg [dreg:$0x3]  }
0x1cc: {  	s0 =	sadd.s32 @!p0 $0x100000, s0  }
0x1cd: {  	[sflag:s0] =	ssyncadd.tile.s32 @!p0 $0x1;
	_ =	shalt  }
.Lfunc_end2:
_tile_overlayer_lowered:
.L_overlay_start_2:
0x1ce: {  	(tag) =	ssettag $0x2  }
0x1cf: {  	s0 =	rddreg [dreg:$0x0];
	s2 =	stileid.u32  }
0x1d0: {  	s1 =	rddreg [dreg:$0x1];
	p0 =	sne.s32 s2, $0x0  }
0x1d1: {  	s3 =	rddreg [dreg:$0x2];
	[bflag:$0x3] =	sbarrier.arrive $0xFFFF;
	s2 =	simm.s32 @!p0 $0x1C02  }
0x1d2: {  	[timem:s3], [sflag:s2] =	dma.local @!p0 [hbm:s0], s1  }
0x1d3: {  	s0 =	simm.s32 @!p0 $0x2  }
0x1d4: {  	_ =	swait.ge @!p0 [sflag:s0], s1  }
0x1d5: {  	s1 =	ssub.s32 @!p0 $0x0, s1;
	[sflag:s0] =	ssyncset.done @!p0 $0x0  }
0x1d6: {  	[sflag:s0] =	ssyncadd.s32 @!p0 s1  }
0x1d7: {  	[bflag:$0x3] =	sbarrier.arrive $0xFFFF  }
0x1d8: {  	_ =	shalt  }

</sc_bundles>
